<compile_context>
chip_gen: v7x
topology: tpu7x:2x2x1
jax: 0.10.2.dev20260603
libtpu: 0.0.44.dev20260713+nightly
codegen_flags: <defaults>
</compile_context>

<pallas_src>
import functools

import jax
import jax.numpy as jnp
from jax import lax
from jax.experimental import pallas as pl
from jax.experimental.pallas import tpu as pltpu
from jax.experimental.pallas import tpu_sc as plsc

L = 16
NEG = float("-inf")


def _mm_body(x1_ref, x2_ref, o_ref):
    o_ref[...] = lax.dot_general(
        x1_ref[...], x2_ref[...],
        dimension_numbers=(((1,), (1,)), ((), ())),
        preferred_element_type=jnp.float32,
    )


def _similarity(x1, x2):
    n1 = x1.shape[0]
    n2 = x2.shape[0]
    return pl.pallas_call(
        _mm_body,
        out_shape=jax.ShapeDtypeStruct((n1, n2), jnp.float32),
    )(x1, x2)


def _splat_f32(x):
    return jnp.broadcast_to(jnp.asarray(x, jnp.float32), (L,))


def _greedy_sc(S_flat, N, C):
    nchunk = C // L
    rchunk = N // L
    assert C <= 512, "packed column pairs assume 9-bit column indices"
    info = plsc.get_sparse_core_info()
    rows_per_tile = N // info.num_subcores
    G = min(N, 208)
    mesh = plsc.VectorSubcoreMesh(core_axis_name="c", subcore_axis_name="s")

    @functools.partial(
        pl.kernel,
        mesh=mesh,
        out_type=jax.ShapeDtypeStruct((L,), jnp.float32),
        compiler_params=pltpu.CompilerParams(needs_layout_passes=False),
        scratch_types=[
            pltpu.VMEM_SHARED((N * C,), jnp.float32),
            pltpu.VMEM_SHARED((N,), jnp.float32),
            pltpu.VMEM_SHARED((N,), jnp.int32),
            pltpu.VMEM_SHARED((N,), jnp.float32),
            pltpu.VMEM_SHARED((N,), jnp.float32),
            pltpu.VMEM((G * C,), jnp.float32),
            pltpu.VMEM((N,), jnp.float32),
            pltpu.VMEM((N,), jnp.int32),
            pltpu.VMEM((N,), jnp.float32),
            pltpu.VMEM((N,), jnp.float32),
            pltpu.VMEM((C,), jnp.float32),
            pltpu.VMEM((C,), jnp.float32),
            pltpu.VMEM((rows_per_tile,), jnp.float32),
            pltpu.VMEM((rows_per_tile,), jnp.int32),
            pltpu.VMEM((rows_per_tile,), jnp.float32),
            pltpu.VMEM((rows_per_tile,), jnp.float32),
            pltpu.VMEM((L,), jnp.float32),
            pltpu.SMEM((N,), jnp.int32),
            pltpu.SMEM((N,), jnp.float32),
            pltpu.SMEM((C,), jnp.int32),
            pltpu.SemaphoreType.DMA,
            pltpu.SemaphoreType.DMA,
            pltpu.SemaphoreType.DMA,
        ],
    )
    def k(S_hbm, out_hbm, S_sh, rep_max, rep_arg, rep_v2, rep_v3, slice_v,
          rowmax_v, argb_v, v2b_v, v3_v, colmask_v, rowbuf_v, rm_v, ra_v,
          v2r_v, v3r_v, out_v, rowarg_s, v2_s, colalive_s, sem1, sem2,
          sem3):
        iota = lax.iota(jnp.int32, L)
        cid = lax.axis_index("c")
        sid = lax.axis_index("s")
        base = sid * rows_per_tile

        def write_elem(ref, idx, val):
            off = (idx // L) * L
            vec = ref[pl.ds(off, L)]
            ref[pl.ds(off, L)] = jnp.where(iota == idx - off, val, vec)

        def top3_combine(vb1, vc1, vb2, vc2, vb3, vc3):
            v1 = jnp.max(vb1)
            c1 = jnp.min(jnp.where(vb1 == v1, vc1 * L + iota, jnp.int32(C)))
            m = iota == (c1 & (L - 1))
            w1 = jnp.where(m, vb2, vb1)
            wc1 = jnp.where(m, vc2, vc1)
            w2 = jnp.where(m, vb3, vb2)
            wc2 = jnp.where(m, vc3, vc2)
            v2 = jnp.max(w1)
            c2 = jnp.min(jnp.where(w1 == v2, wc1 * L + iota, jnp.int32(C)))
            m = iota == (c2 & (L - 1))
            w1 = jnp.where(m, w2, w1)
            wc1 = jnp.where(m, wc2, wc1)
            v3 = jnp.max(w1)
            c3 = jnp.min(jnp.where(w1 == v3, wc1 * L + iota, jnp.int32(C)))
            return v1, c1, v2, c2, v3, c3

        cp_vmem = pltpu.async_copy(
            S_hbm.at[pl.ds(base * C, rows_per_tile * C)],
            slice_v.at[pl.ds(0, rows_per_tile * C)], sem1)
        cp_spmem = pltpu.async_copy(
            S_hbm.at[pl.ds(base * C, rows_per_tile * C)],
            S_sh.at[pl.ds(base * C, rows_per_tile * C)], sem2)

        @pl.when(sid == 0)
        def _prefetch_cache():
            pltpu.async_copy(
                S_hbm.at[pl.ds(rows_per_tile * C, (G - rows_per_tile) * C)],
                slice_v.at[pl.ds(rows_per_tile * C,
                                 (G - rows_per_tile) * C)], sem3)

        cp_vmem.wait()

        def scan_top3(load_chunk, extra_chunk):
            vb1 = jnp.full((L,), NEG, jnp.float32)
            vc1 = jnp.zeros((L,), jnp.int32)
            vb2 = jnp.full((L,), NEG, jnp.float32)
            vc2 = jnp.zeros((L,), jnp.int32)
            vb3 = jnp.full((L,), NEG, jnp.float32)
            vc3 = jnp.zeros((L,), jnp.int32)
            for j in range(nchunk):
                vals = load_chunk(j)
                if extra_chunk is not None:
                    vals = vals + extra_chunk(j)
                u1 = vals > vb1
                u2 = vals > vb2
                u3 = vals > vb3
                nb3 = jnp.where(u2, vb2, jnp.where(u3, vals, vb3))
                nc3 = jnp.where(u2, vc2, jnp.where(u3, jnp.int32(j), vc3))
                nb2 = jnp.where(u1, vb1, jnp.where(u2, vals, vb2))
                nc2 = jnp.where(u1, vc1, jnp.where(u2, jnp.int32(j), vc2))
                vb1 = jnp.where(u1, vals, vb1)
                vc1 = jnp.where(u1, jnp.int32(j), vc1)
                vb2, vc2, vb3, vc3 = nb2, nc2, nb3, nc3
            return top3_combine(vb1, vc1, vb2, vc2, vb3, vc3)

        def row_init(l, carry):
            rowoff = l * C
            v1, c1, v2, c2, v3, c3 = scan_top3(
                lambda j: slice_v[pl.ds(rowoff + j * L, L)], None)
            write_elem(rm_v, l, v1)
            write_elem(ra_v, l, c1 | (c2 << 9) | (c3 << 18))
            write_elem(v2r_v, l, v2)
            write_elem(v3r_v, l, v3)
            return carry

        lax.fori_loop(0, rows_per_tile, row_init, jnp.int32(0))
        pltpu.sync_copy(rm_v, rep_max.at[pl.ds(base, rows_per_tile)])
        pltpu.sync_copy(ra_v, rep_arg.at[pl.ds(base, rows_per_tile)])
        pltpu.sync_copy(v2r_v, rep_v2.at[pl.ds(base, rows_per_tile)])
        pltpu.sync_copy(v3r_v, rep_v3.at[pl.ds(base, rows_per_tile)])
        cp_spmem.wait()
        plsc.subcore_barrier()

        @pl.when(sid == 0)
        def _leader():
            pltpu.make_async_copy(
                S_hbm.at[pl.ds(rows_per_tile * C, (G - rows_per_tile) * C)],
                slice_v.at[pl.ds(rows_per_tile * C,
                                 (G - rows_per_tile) * C)], sem3).wait()
            pltpu.sync_copy(rep_max, rowmax_v)
            pltpu.sync_copy(rep_arg, argb_v)
            pltpu.sync_copy(rep_v2, v2b_v)
            pltpu.sync_copy(rep_v3, v3_v)

            def smem_fill(h, carry):
                veca = argb_v[pl.ds(h * L, L)]
                vecv = v2b_v[pl.ds(h * L, L)]
                for kk in range(L):
                    rowarg_s[h * L + kk] = veca[kk]
                    v2_s[h * L + kk] = vecv[kk]
                    colalive_s[h * L + kk] = jnp.int32(1)
                return carry

            lax.fori_loop(0, rchunk, smem_fill, jnp.int32(0))
            for j in range(nchunk):
                colmask_v[j * L:(j + 1) * L] = jnp.zeros((L,), jnp.float32)

            def init_cm(h):
                cm = jnp.full((L,), NEG, jnp.float32)
                for j in range(L):
                    m = jnp.max(rowmax_v[(h * L + j) * L:(h * L + j + 1) * L])
                    cm = jnp.where(iota == j, m, cm)
                return cm

            cm0_init = init_cm(0)
            cm1_init = init_cm(1)
            mb_init = jnp.max(jnp.maximum(cm0_init, cm1_init))

            def loop_cond(carry):
                return carry[0] < N

            def loop_body(carry):
                step, tot, mbest, cm0, cm1 = carry
                cand = jnp.where(
                    cm0 == mbest, iota,
                    jnp.where(cm1 == mbest, iota + L, jnp.int32(2 * L)))
                chunk = jnp.min(cand)
                chunkb = jnp.broadcast_to(chunk, (L,))
                updm = iota == (chunkb & (L - 1))
                m0 = (chunkb < L) & updm
                m1 = (chunkb >= L) & updm
                negv = jnp.full((L,), NEG, jnp.float32)
                m2 = jnp.max(jnp.maximum(jnp.where(m0, negv, cm0),
                                         jnp.where(m1, negv, cm1)))
                rowvec = rowmax_v[pl.ds(chunk * L, L)]
                lanei = jnp.min(
                    jnp.where(rowvec == mbest, iota, jnp.int32(L)))
                r = chunk * L + lanei
                packed = rowarg_s[r]
                c = packed & jnp.int32(C - 1)
                alive = colalive_s[c] == 1

                @pl.when(alive)
                def _accept():
                    rowmax_v[pl.ds(chunk * L, L)] = jnp.where(
                        iota == lanei, jnp.float32(NEG), rowvec)
                    colalive_s[c] = jnp.int32(0)
                    coff = (c // L) * L
                    cvec = colmask_v[pl.ds(coff, L)]
                    colmask_v[pl.ds(coff, L)] = jnp.where(
                        iota == c - coff, jnp.float32(NEG), cvec)

                @pl.when(jnp.logical_not(alive))
                def _stale():
                    c2 = (packed >> 9) & jnp.int32(C - 1)
                    c3 = packed >> 18
                    alive2 = colalive_s[c2] == 1
                    v3vec = v3_v[pl.ds(chunk * L, L)]
                    v3val = jnp.max(jnp.where(iota == lanei, v3vec,
                                              jnp.float32(NEG)))

                    @pl.when(alive2)
                    def _promote():
                        v2 = v2_s[r]
                        rowmax_v[pl.ds(chunk * L, L)] = jnp.where(
                            iota == lanei, v2, rowvec)
                        rowarg_s[r] = c2 | (c3 << 9) | (c << 18)
                        v2_s[r] = v3val

                    alive3 = colalive_s[c3] == 1
                    stale2 = jnp.logical_not(alive2)

                    @pl.when(stale2 & alive3)
                    def _promote2():
                        rowmax_v[pl.ds(chunk * L, L)] = jnp.where(
                            iota == lanei, v3val, rowvec)
                        rowarg_s[r] = c3 | (c << 9) | (c << 18)

                    def rescan_with(load_chunk):
                        v1n, c1n, v2n, c2n, v3n, c3n = scan_top3(
                            load_chunk,
                            lambda j: colmask_v[j * L:(j + 1) * L])
                        rowmax_v[pl.ds(chunk * L, L)] = jnp.where(
                            iota == lanei, v1n, rowvec)
                        rowarg_s[r] = c1n | (c2n << 9) | (c3n << 18)
                        v2_s[r] = v2n
                        write_elem(v3_v, r, v3n)

                    rescan = stale2 & jnp.logical_not(alive3)

                    @pl.when(rescan & (r < G))
                    def _rescan_local():
                        rescan_with(
                            lambda j: slice_v[pl.ds(r * C + j * L, L)])

                    @pl.when(rescan & (r >= G))
                    def _rescan_remote():
                        pltpu.sync_copy(S_sh.at[pl.ds(r * C, C)], rowbuf_v)
                        rescan_with(
                            lambda j: rowbuf_v[j * L:(j + 1) * L])

                chunkvec = rowmax_v[pl.ds(chunk * L, L)]
                newmax = jnp.max(chunkvec)
                cm0n = jnp.where(m0, newmax, cm0)
                cm1n = jnp.where(m1, newmax, cm1)
                mbn = jnp.maximum(m2, newmax)
                stepn = step + alive.astype(jnp.int32)
                totn = tot + jnp.where(alive, mbest, jnp.float32(0.0))
                return (stepn, totn, mbn, cm0n, cm1n)

            _, tot, _, _, _ = lax.while_loop(
                loop_cond, loop_body,
                (jnp.int32(0), jnp.float32(0.0), mb_init, cm0_init,
                 cm1_init))

            out_v[...] = _splat_f32(tot * jnp.float32(1.0 / max(N, C)))

            @pl.when(cid == 0)
            def _write():
                pltpu.sync_copy(out_v, out_hbm)

    return k(S_flat)


def kernel(x1, x2):
    S = _similarity(x1, x2)
    out = _greedy_sc(S.reshape(-1), S.shape[0], S.shape[1])
    return out[0]

# --- scband reference (transcript-rebuilt; emitter-appended) ---
"""Pipeline reference for scband-mnematch-44822278701595 (READ-ONLY COPY).

The authoritative reference and input builder live on the scoring server;
editing this copy changes nothing except your own understanding.
"""

import jax, jax.numpy as jnp
import numpy as np


def setup_inputs(seed: int = 0) -> dict:
    key = jax.random.key(seed)
    k1, k2 = jax.random.split(key)
    x1 = jax.random.normal(k1, (512, 256), dtype=jnp.float32)
    x2 = jax.random.normal(k2, (512, 256), dtype=jnp.float32)
    return {"x1": x1, "x2": x2}


def reference(x1, x2):
    # MNEMatch greedy matching: build similarity matrix x1 @ x2^T, then
    # repeatedly (match_num = min(n1, n2) times) select the global maximum
    # entry, accumulate its value, and remove its row and column (implemented
    # here by masking instead of physically shrinking the matrix, which is
    # the same greedy selection sequence). Final score = sum / max(n1, n2).
    n1 = x1.shape[0]
    n2 = x2.shape[0]
    match_num = min(n1, n2)
    total_num = max(n1, n2)
    submat = jnp.matmul(x1, x2.T)  # [n1, n2]

    def body(carry, _):
        row_mask, col_mask, total = carry
        valid = row_mask[:, None] & col_mask[None, :]
        masked = jnp.where(valid, submat, -jnp.inf)
        idx = jnp.argmax(masked)
        r = idx // n2
        c = idx % n2
        total = total + submat[r, c]
        row_mask = row_mask.at[r].set(False)
        col_mask = col_mask.at[c].set(False)
        return (row_mask, col_mask, total), None

    init = (jnp.ones((n1,), dtype=bool), jnp.ones((n2,), dtype=bool), jnp.float32(0.0))
    (row_mask, col_mask, total), _ = jax.lax.scan(body, init, xs=None, length=match_num)
    return total / total_num

if __name__ == "__main__":
    import jax
    _d = setup_inputs()
    print(jax.jit(kernel)(*tuple(_d.values())))

</pallas_src>

<mosaic_0001>
#map = affine_map<(d0, d1) -> (0)>
module attributes {stable_mosaic.version = 14 : i64} {
  func.func @k(%arg0: i32, %arg1: i32, %arg2: memref<262144xf32, #tpu.memory_space<hbm>>, %arg3: memref<16xf32, #tpu.memory_space<hbm>>, %arg4: memref<262144xf32, #tpu.memory_space<vmem_shared>>, %arg5: memref<512xf32, #tpu.memory_space<vmem_shared>>, %arg6: memref<512xi32, #tpu.memory_space<vmem_shared>>, %arg7: memref<512xf32, #tpu.memory_space<vmem_shared>>, %arg8: memref<512xf32, #tpu.memory_space<vmem_shared>>, %arg9: memref<106496xf32, #tpu.memory_space<vmem>>, %arg10: memref<512xf32, #tpu.memory_space<vmem>>, %arg11: memref<512xi32, #tpu.memory_space<vmem>>, %arg12: memref<512xf32, #tpu.memory_space<vmem>>, %arg13: memref<512xf32, #tpu.memory_space<vmem>>, %arg14: memref<512xf32, #tpu.memory_space<vmem>>, %arg15: memref<512xf32, #tpu.memory_space<vmem>>, %arg16: memref<32xf32, #tpu.memory_space<vmem>>, %arg17: memref<32xi32, #tpu.memory_space<vmem>>, %arg18: memref<32xf32, #tpu.memory_space<vmem>>, %arg19: memref<32xf32, #tpu.memory_space<vmem>>, %arg20: memref<16xf32, #tpu.memory_space<vmem>>, %arg21: memref<512xi32, #tpu.memory_space<smem>>, %arg22: memref<512xf32, #tpu.memory_space<smem>>, %arg23: memref<512xi32, #tpu.memory_space<smem>>, %arg24: memref<!tpu.dma_semaphore, #tpu.memory_space<semaphore_mem>>, %arg25: memref<!tpu.dma_semaphore, #tpu.memory_space<semaphore_mem>>, %arg26: memref<!tpu.dma_semaphore, #tpu.memory_space<semaphore_mem>>) attributes {dimension_semantics = [#tpu.dimension_semantics<core_parallel>, #tpu.dimension_semantics<subcore_parallel>], iteration_bounds = array<i64: 2, 16>, scalar_prefetch = 0 : i64, scratch_operands = 23 : i64, tpu.core_type = #tpu.core_type<sc_vector_subcore>, window_params = [{transform_indices = #map}, {transform_indices = #map}]} {
    %iota3A = tpu.iota {dimensions = array<i32: 0>} : vector<16xi32>
    %mul3A = arith.constant 32 : i32
    %mul3A_0 = arith.muli %arg1, %mul3A : i32
    %mul3A_1 = arith.constant 512 : i32
    %mul3A_2 = arith.muli %mul3A_0, %mul3A_1 : i32
    %dma_start3A = arith.constant 0 : i32
    %dma_start3A_3 = tpu.memref_slice %arg9[%dma_start3A] : memref<106496xf32, #tpu.memory_space<vmem>> -> memref<16384xf32, #tpu.memory_space<vmem>>
    %dma_start3A_4 = tpu.memref_slice %arg2[%mul3A_2] : memref<262144xf32, #tpu.memory_space<hbm>> -> memref<16384xf32, #tpu.memory_space<hbm>>
    %dma_start3A_5 = arith.constant 0 : i32
    %dma_start3A_6 = tpu.memref_slice %arg9[%dma_start3A_5] : memref<106496xf32, #tpu.memory_space<vmem>> -> memref<16384xf32, #tpu.memory_space<vmem>>
    %dma_start3A_7 = tpu.memref_slice %arg2[%mul3A_2] : memref<262144xf32, #tpu.memory_space<hbm>> -> memref<16384xf32, #tpu.memory_space<hbm>>
    tpu.enqueue_dma source(%dma_start3A_7 : memref<16384xf32, #tpu.memory_space<hbm>>) target(%dma_start3A_6 : memref<16384xf32, #tpu.memory_space<vmem>>) target_semaphore(%arg24 : memref<!tpu.dma_semaphore, #tpu.memory_space<semaphore_mem>>)
    %mul3A_8 = arith.constant 512 : i32
    %mul3A_9 = arith.muli %mul3A_0, %mul3A_8 : i32
    %mul3A_10 = arith.constant 512 : i32
    %mul3A_11 = arith.muli %mul3A_0, %mul3A_10 : i32
    %dma_start3A_12 = tpu.memref_slice %arg4[%mul3A_11] : memref<262144xf32, #tpu.memory_space<vmem_shared>> -> memref<16384xf32, #tpu.memory_space<vmem_shared>>
    %dma_start3A_13 = tpu.memref_slice %arg2[%mul3A_9] : memref<262144xf32, #tpu.memory_space<hbm>> -> memref<16384xf32, #tpu.memory_space<hbm>>
    tpu.enqueue_dma source(%dma_start3A_13 : memref<16384xf32, #tpu.memory_space<hbm>>) target(%dma_start3A_12 : memref<16384xf32, #tpu.memory_space<vmem_shared>>) target_semaphore(%arg25 : memref<!tpu.dma_semaphore, #tpu.memory_space<semaphore_mem>>)
    %eq3A = arith.constant 0 : i32
    %eq3A_14 = arith.cmpi eq, %arg1, %eq3A : i32
    %convert_element_type3A = arith.extui %eq3A_14 : i1 to i32
    %cond3A = arith.constant 0 : i32
    %cond3A_15 = arith.cmpi ne, %convert_element_type3A, %cond3A : i32
    scf.if %cond3A_15 {
      %dma_start3A_33 = arith.constant 16384 : i32
      %dma_start3A_34 = tpu.memref_slice %arg9[%dma_start3A_33] : memref<106496xf32, #tpu.memory_space<vmem>> -> memref<90112xf32, #tpu.memory_space<vmem>>
      %dma_start3A_35 = arith.constant 16384 : i32
      %dma_start3A_36 = tpu.memref_slice %arg2[%dma_start3A_35] : memref<262144xf32, #tpu.memory_space<hbm>> -> memref<90112xf32, #tpu.memory_space<hbm>>
      %dma_start3A_37 = arith.constant 16384 : i32
      %dma_start3A_38 = tpu.memref_slice %arg9[%dma_start3A_37] : memref<106496xf32, #tpu.memory_space<vmem>> -> memref<90112xf32, #tpu.memory_space<vmem>>
      %dma_start3A_39 = arith.constant 16384 : i32
      %dma_start3A_40 = tpu.memref_slice %arg2[%dma_start3A_39] : memref<262144xf32, #tpu.memory_space<hbm>> -> memref<90112xf32, #tpu.memory_space<hbm>>
      tpu.enqueue_dma source(%dma_start3A_40 : memref<90112xf32, #tpu.memory_space<hbm>>) target(%dma_start3A_38 : memref<90112xf32, #tpu.memory_space<vmem>>) target_semaphore(%arg26 : memref<!tpu.dma_semaphore, #tpu.memory_space<semaphore_mem>>)
    } else {
    }
    %dma_wait3A = arith.constant 0 : i32
    %dma_wait3A_16 = tpu.memref_slice %arg9[%dma_wait3A] : memref<106496xf32, #tpu.memory_space<vmem>> -> memref<16384xf32, #tpu.memory_space<vmem>>
    %dma_wait3A_17 = tpu.memref_slice %arg2[%mul3A_2] : memref<262144xf32, #tpu.memory_space<hbm>> -> memref<16384xf32, #tpu.memory_space<hbm>>
    %dma_wait3A_18 = arith.constant 0 : i32
    %dma_wait3A_19 = tpu.memref_slice %arg9[%dma_wait3A_18] : memref<106496xf32, #tpu.memory_space<vmem>> -> memref<16384xf32, #tpu.memory_space<vmem>>
    %dma_wait3A_20 = tpu.memref_slice %arg2[%mul3A_2] : memref<262144xf32, #tpu.memory_space<hbm>> -> memref<16384xf32, #tpu.memory_space<hbm>>
    tpu.wait_dma2 semaphore(%arg24 : memref<!tpu.dma_semaphore, #tpu.memory_space<semaphore_mem>>) src(%dma_wait3A_20 : memref<16384xf32, #tpu.memory_space<hbm>>) dst(%dma_wait3A_19 : memref<16384xf32, #tpu.memory_space<vmem>>)
    %scan3A = arith.constant 0 : i32
    %scan3A_21 = arith.constant 0 : i32
    %scan3A_22 = arith.constant 32 : i32
    %scan3A_23 = arith.addi %scan3A_21, %scan3A_22 : i32
    %scan3A_24 = arith.constant 1 : i32
    scf.for %scan3A_33 = %scan3A_21 to %scan3A_23 step %scan3A_24  : i32 {
      %mul3A_34 = arith.constant 512 : i32
      %mul3A_35 = arith.muli %scan3A_33, %mul3A_34 : i32
      %broadcast_in_dim3A = arith.constant 0xFF800000 : f32
      %broadcast_in_dim3A_36 = vector.broadcast %broadcast_in_dim3A : f32 to vector<16xf32>
      %broadcast_in_dim3A_37 = arith.constant 0 : i32
      %broadcast_in_dim3A_38 = vector.broadcast %broadcast_in_dim3A_37 : i32 to vector<16xi32>
      %broadcast_in_dim3A_39 = arith.constant 0xFF800000 : f32
      %broadcast_in_dim3A_40 = vector.broadcast %broadcast_in_dim3A_39 : f32 to vector<16xf32>
      %broadcast_in_dim3A_41 = arith.constant 0 : i32
      %broadcast_in_dim3A_42 = vector.broadcast %broadcast_in_dim3A_41 : i32 to vector<16xi32>
      %broadcast_in_dim3A_43 = arith.constant 0xFF800000 : f32
      %broadcast_in_dim3A_44 = vector.broadcast %broadcast_in_dim3A_43 : f32 to vector<16xf32>
      %broadcast_in_dim3A_45 = arith.constant 0 : i32
      %broadcast_in_dim3A_46 = vector.broadcast %broadcast_in_dim3A_45 : i32 to vector<16xi32>
      %add3A = arith.constant 0 : i32
      %add3A_47 = arith.addi %mul3A_35, %add3A : i32
      %get3A = arith.index_cast %add3A_47 : i32 to index
      %get3A_48 = tpu.vector_load %arg9[%get3A] {strides = array<i32>} : memref<106496xf32, #tpu.memory_space<vmem>>, vector<16xf32>,
      %gt3A = arith.cmpf ogt, %get3A_48, %broadcast_in_dim3A_36 : vector<16xf32>
      %gt3A_49 = arith.cmpf ogt, %get3A_48, %broadcast_in_dim3A_40 : vector<16xf32>
      %gt3A_50 = arith.cmpf ogt, %get3A_48, %broadcast_in_dim3A_44 : vector<16xf32>
      %select_n3A = arith.select %gt3A_50, %get3A_48, %broadcast_in_dim3A_44 : vector<16xi1>, vector<16xf32>
      %select_n3A_51 = arith.select %gt3A_49, %broadcast_in_dim3A_40, %select_n3A : vector<16xi1>, vector<16xf32>
      %jit3A = arith.constant 0 : i32
      %broadcast_in_dim3A_52 = vector.broadcast %jit3A : i32 to vector<16xi32>
      %select_n3A_53 = arith.select %gt3A_50, %broadcast_in_dim3A_52, %broadcast_in_dim3A_46 : vector<16xi1>, vector<16xi32>
      %select_n3A_54 = arith.select %gt3A_49, %broadcast_in_dim3A_42, %select_n3A_53 : vector<16xi1>, vector<16xi32>
      %select_n3A_55 = arith.select %gt3A_49, %get3A_48, %broadcast_in_dim3A_40 : vector<16xi1>, vector<16xf32>
      %select_n3A_56 = arith.select %gt3A, %broadcast_in_dim3A_36, %select_n3A_55 : vector<16xi1>, vector<16xf32>
      %jit3A_57 = arith.constant 0 : i32
      %broadcast_in_dim3A_58 = vector.broadcast %jit3A_57 : i32 to vector<16xi32>
      %select_n3A_59 = arith.select %gt3A_49, %broadcast_in_dim3A_58, %broadcast_in_dim3A_42 : vector<16xi1>, vector<16xi32>
      %select_n3A_60 = arith.select %gt3A, %broadcast_in_dim3A_38, %select_n3A_59 : vector<16xi1>, vector<16xi32>
      %select_n3A_61 = arith.select %gt3A, %get3A_48, %broadcast_in_dim3A_36 : vector<16xi1>, vector<16xf32>
      %jit3A_62 = arith.constant 0 : i32
      %broadcast_in_dim3A_63 = vector.broadcast %jit3A_62 : i32 to vector<16xi32>
      %select_n3A_64 = arith.select %gt3A, %broadcast_in_dim3A_63, %broadcast_in_dim3A_38 : vector<16xi1>, vector<16xi32>
      %add3A_65 = arith.constant 16 : i32
      %add3A_66 = arith.addi %mul3A_35, %add3A_65 : i32
      %get3A_67 = arith.index_cast %add3A_66 : i32 to index
      %get3A_68 = tpu.vector_load %arg9[%get3A_67] {strides = array<i32>} : memref<106496xf32, #tpu.memory_space<vmem>>, vector<16xf32>,
      %gt3A_69 = arith.cmpf ogt, %get3A_68, %select_n3A_61 : vector<16xf32>
      %gt3A_70 = arith.cmpf ogt, %get3A_68, %select_n3A_56 : vector<16xf32>
      %gt3A_71 = arith.cmpf ogt, %get3A_68, %select_n3A_51 : vector<16xf32>
      %select_n3A_72 = arith.select %gt3A_71, %get3A_68, %select_n3A_51 : vector<16xi1>, vector<16xf32>
      %select_n3A_73 = arith.select %gt3A_70, %select_n3A_56, %select_n3A_72 : vector<16xi1>, vector<16xf32>
      %jit3A_74 = arith.constant 1 : i32
      %broadcast_in_dim3A_75 = vector.broadcast %jit3A_74 : i32 to vector<16xi32>
      %select_n3A_76 = arith.select %gt3A_71, %broadcast_in_dim3A_75, %select_n3A_54 : vector<16xi1>, vector<16xi32>
      %select_n3A_77 = arith.select %gt3A_70, %select_n3A_60, %select_n3A_76 : vector<16xi1>, vector<16xi32>
      %select_n3A_78 = arith.select %gt3A_70, %get3A_68, %select_n3A_56 : vector<16xi1>, vector<16xf32>
      %select_n3A_79 = arith.select %gt3A_69, %select_n3A_61, %select_n3A_78 : vector<16xi1>, vector<16xf32>
      %jit3A_80 = arith.constant 1 : i32
      %broadcast_in_dim3A_81 = vector.broadcast %jit3A_80 : i32 to vector<16xi32>
      %select_n3A_82 = arith.select %gt3A_70, %broadcast_in_dim3A_81, %select_n3A_60 : vector<16xi1>, vector<16xi32>
      %select_n3A_83 = arith.select %gt3A_69, %select_n3A_64, %select_n3A_82 : vector<16xi1>, vector<16xi32>
      %select_n3A_84 = arith.select %gt3A_69, %get3A_68, %select_n3A_61 : vector<16xi1>, vector<16xf32>
      %jit3A_85 = arith.constant 1 : i32
      %broadcast_in_dim3A_86 = vector.broadcast %jit3A_85 : i32 to vector<16xi32>
      %select_n3A_87 = arith.select %gt3A_69, %broadcast_in_dim3A_86, %select_n3A_64 : vector<16xi1>, vector<16xi32>
      %add3A_88 = arith.constant 32 : i32
      %add3A_89 = arith.addi %mul3A_35, %add3A_88 : i32
      %get3A_90 = arith.index_cast %add3A_89 : i32 to index
      %get3A_91 = tpu.vector_load %arg9[%get3A_90] {strides = array<i32>} : memref<106496xf32, #tpu.memory_space<vmem>>, vector<16xf32>,
      %gt3A_92 = arith.cmpf ogt, %get3A_91, %select_n3A_84 : vector<16xf32>
      %gt3A_93 = arith.cmpf ogt, %get3A_91, %select_n3A_79 : vector<16xf32>
      %gt3A_94 = arith.cmpf ogt, %get3A_91, %select_n3A_73 : vector<16xf32>
      %select_n3A_95 = arith.select %gt3A_94, %get3A_91, %select_n3A_73 : vector<16xi1>, vector<16xf32>
      %select_n3A_96 = arith.select %gt3A_93, %select_n3A_79, %select_n3A_95 : vector<16xi1>, vector<16xf32>
      %jit3A_97 = arith.constant 2 : i32
      %broadcast_in_dim3A_98 = vector.broadcast %jit3A_97 : i32 to vector<16xi32>
      %select_n3A_99 = arith.select %gt3A_94, %broadcast_in_dim3A_98, %select_n3A_77 : vector<16xi1>, vector<16xi32>
      %select_n3A_100 = arith.select %gt3A_93, %select_n3A_83, %select_n3A_99 : vector<16xi1>, vector<16xi32>
      %select_n3A_101 = arith.select %gt3A_93, %get3A_91, %select_n3A_79 : vector<16xi1>, vector<16xf32>
      %select_n3A_102 = arith.select %gt3A_92, %select_n3A_84, %select_n3A_101 : vector<16xi1>, vector<16xf32>
      %jit3A_103 = arith.constant 2 : i32
      %broadcast_in_dim3A_104 = vector.broadcast %jit3A_103 : i32 to vector<16xi32>
      %select_n3A_105 = arith.select %gt3A_93, %broadcast_in_dim3A_104, %select_n3A_83 : vector<16xi1>, vector<16xi32>
      %select_n3A_106 = arith.select %gt3A_92, %select_n3A_87, %select_n3A_105 : vector<16xi1>, vector<16xi32>
      %select_n3A_107 = arith.select %gt3A_92, %get3A_91, %select_n3A_84 : vector<16xi1>, vector<16xf32>
      %jit3A_108 = arith.constant 2 : i32
      %broadcast_in_dim3A_109 = vector.broadcast %jit3A_108 : i32 to vector<16xi32>
      %select_n3A_110 = arith.select %gt3A_92, %broadcast_in_dim3A_109, %select_n3A_87 : vector<16xi1>, vector<16xi32>
      %add3A_111 = arith.constant 48 : i32
      %add3A_112 = arith.addi %mul3A_35, %add3A_111 : i32
      %get3A_113 = arith.index_cast %add3A_112 : i32 to index
      %get3A_114 = tpu.vector_load %arg9[%get3A_113] {strides = array<i32>} : memref<106496xf32, #tpu.memory_space<vmem>>, vector<16xf32>,
      %gt3A_115 = arith.cmpf ogt, %get3A_114, %select_n3A_107 : vector<16xf32>
      %gt3A_116 = arith.cmpf ogt, %get3A_114, %select_n3A_102 : vector<16xf32>
      %gt3A_117 = arith.cmpf ogt, %get3A_114, %select_n3A_96 : vector<16xf32>
      %select_n3A_118 = arith.select %gt3A_117, %get3A_114, %select_n3A_96 : vector<16xi1>, vector<16xf32>
      %select_n3A_119 = arith.select %gt3A_116, %select_n3A_102, %select_n3A_118 : vector<16xi1>, vector<16xf32>
      %jit3A_120 = arith.constant 3 : i32
      %broadcast_in_dim3A_121 = vector.broadcast %jit3A_120 : i32 to vector<16xi32>
      %select_n3A_122 = arith.select %gt3A_117, %broadcast_in_dim3A_121, %select_n3A_100 : vector<16xi1>, vector<16xi32>
      %select_n3A_123 = arith.select %gt3A_116, %select_n3A_106, %select_n3A_122 : vector<16xi1>, vector<16xi32>
      %select_n3A_124 = arith.select %gt3A_116, %get3A_114, %select_n3A_102 : vector<16xi1>, vector<16xf32>
      %select_n3A_125 = arith.select %gt3A_115, %select_n3A_107, %select_n3A_124 : vector<16xi1>, vector<16xf32>
      %jit3A_126 = arith.constant 3 : i32
      %broadcast_in_dim3A_127 = vector.broadcast %jit3A_126 : i32 to vector<16xi32>
      %select_n3A_128 = arith.select %gt3A_116, %broadcast_in_dim3A_127, %select_n3A_106 : vector<16xi1>, vector<16xi32>
      %select_n3A_129 = arith.select %gt3A_115, %select_n3A_110, %select_n3A_128 : vector<16xi1>, vector<16xi32>
      %select_n3A_130 = arith.select %gt3A_115, %get3A_114, %select_n3A_107 : vector<16xi1>, vector<16xf32>
      %jit3A_131 = arith.constant 3 : i32
      %broadcast_in_dim3A_132 = vector.broadcast %jit3A_131 : i32 to vector<16xi32>
      %select_n3A_133 = arith.select %gt3A_115, %broadcast_in_dim3A_132, %select_n3A_110 : vector<16xi1>, vector<16xi32>
      %add3A_134 = arith.constant 64 : i32
      %add3A_135 = arith.addi %mul3A_35, %add3A_134 : i32
      %get3A_136 = arith.index_cast %add3A_135 : i32 to index
      %get3A_137 = tpu.vector_load %arg9[%get3A_136] {strides = array<i32>} : memref<106496xf32, #tpu.memory_space<vmem>>, vector<16xf32>,
      %gt3A_138 = arith.cmpf ogt, %get3A_137, %select_n3A_130 : vector<16xf32>
      %gt3A_139 = arith.cmpf ogt, %get3A_137, %select_n3A_125 : vector<16xf32>
      %gt3A_140 = arith.cmpf ogt, %get3A_137, %select_n3A_119 : vector<16xf32>
      %select_n3A_141 = arith.select %gt3A_140, %get3A_137, %select_n3A_119 : vector<16xi1>, vector<16xf32>
      %select_n3A_142 = arith.select %gt3A_139, %select_n3A_125, %select_n3A_141 : vector<16xi1>, vector<16xf32>
      %jit3A_143 = arith.constant 4 : i32
      %broadcast_in_dim3A_144 = vector.broadcast %jit3A_143 : i32 to vector<16xi32>
      %select_n3A_145 = arith.select %gt3A_140, %broadcast_in_dim3A_144, %select_n3A_123 : vector<16xi1>, vector<16xi32>
      %select_n3A_146 = arith.select %gt3A_139, %select_n3A_129, %select_n3A_145 : vector<16xi1>, vector<16xi32>
      %select_n3A_147 = arith.select %gt3A_139, %get3A_137, %select_n3A_125 : vector<16xi1>, vector<16xf32>
      %select_n3A_148 = arith.select %gt3A_138, %select_n3A_130, %select_n3A_147 : vector<16xi1>, vector<16xf32>
      %jit3A_149 = arith.constant 4 : i32
      %broadcast_in_dim3A_150 = vector.broadcast %jit3A_149 : i32 to vector<16xi32>
      %select_n3A_151 = arith.select %gt3A_139, %broadcast_in_dim3A_150, %select_n3A_129 : vector<16xi1>, vector<16xi32>
      %select_n3A_152 = arith.select %gt3A_138, %select_n3A_133, %select_n3A_151 : vector<16xi1>, vector<16xi32>
      %select_n3A_153 = arith.select %gt3A_138, %get3A_137, %select_n3A_130 : vector<16xi1>, vector<16xf32>
      %jit3A_154 = arith.constant 4 : i32
      %broadcast_in_dim3A_155 = vector.broadcast %jit3A_154 : i32 to vector<16xi32>
      %select_n3A_156 = arith.select %gt3A_138, %broadcast_in_dim3A_155, %select_n3A_133 : vector<16xi1>, vector<16xi32>
      %add3A_157 = arith.constant 80 : i32
      %add3A_158 = arith.addi %mul3A_35, %add3A_157 : i32
      %get3A_159 = arith.index_cast %add3A_158 : i32 to index
      %get3A_160 = tpu.vector_load %arg9[%get3A_159] {strides = array<i32>} : memref<106496xf32, #tpu.memory_space<vmem>>, vector<16xf32>,
      %gt3A_161 = arith.cmpf ogt, %get3A_160, %select_n3A_153 : vector<16xf32>
      %gt3A_162 = arith.cmpf ogt, %get3A_160, %select_n3A_148 : vector<16xf32>
      %gt3A_163 = arith.cmpf ogt, %get3A_160, %select_n3A_142 : vector<16xf32>
      %select_n3A_164 = arith.select %gt3A_163, %get3A_160, %select_n3A_142 : vector<16xi1>, vector<16xf32>
      %select_n3A_165 = arith.select %gt3A_162, %select_n3A_148, %select_n3A_164 : vector<16xi1>, vector<16xf32>
      %jit3A_166 = arith.constant 5 : i32
      %broadcast_in_dim3A_167 = vector.broadcast %jit3A_166 : i32 to vector<16xi32>
      %select_n3A_168 = arith.select %gt3A_163, %broadcast_in_dim3A_167, %select_n3A_146 : vector<16xi1>, vector<16xi32>
      %select_n3A_169 = arith.select %gt3A_162, %select_n3A_152, %select_n3A_168 : vector<16xi1>, vector<16xi32>
      %select_n3A_170 = arith.select %gt3A_162, %get3A_160, %select_n3A_148 : vector<16xi1>, vector<16xf32>
      %select_n3A_171 = arith.select %gt3A_161, %select_n3A_153, %select_n3A_170 : vector<16xi1>, vector<16xf32>
      %jit3A_172 = arith.constant 5 : i32
      %broadcast_in_dim3A_173 = vector.broadcast %jit3A_172 : i32 to vector<16xi32>
      %select_n3A_174 = arith.select %gt3A_162, %broadcast_in_dim3A_173, %select_n3A_152 : vector<16xi1>, vector<16xi32>
      %select_n3A_175 = arith.select %gt3A_161, %select_n3A_156, %select_n3A_174 : vector<16xi1>, vector<16xi32>
      %select_n3A_176 = arith.select %gt3A_161, %get3A_160, %select_n3A_153 : vector<16xi1>, vector<16xf32>
      %jit3A_177 = arith.constant 5 : i32
      %broadcast_in_dim3A_178 = vector.broadcast %jit3A_177 : i32 to vector<16xi32>
      %select_n3A_179 = arith.select %gt3A_161, %broadcast_in_dim3A_178, %select_n3A_156 : vector<16xi1>, vector<16xi32>
      %add3A_180 = arith.constant 96 : i32
      %add3A_181 = arith.addi %mul3A_35, %add3A_180 : i32
      %get3A_182 = arith.index_cast %add3A_181 : i32 to index
      %get3A_183 = tpu.vector_load %arg9[%get3A_182] {strides = array<i32>} : memref<106496xf32, #tpu.memory_space<vmem>>, vector<16xf32>,
      %gt3A_184 = arith.cmpf ogt, %get3A_183, %select_n3A_176 : vector<16xf32>
      %gt3A_185 = arith.cmpf ogt, %get3A_183, %select_n3A_171 : vector<16xf32>
      %gt3A_186 = arith.cmpf ogt, %get3A_183, %select_n3A_165 : vector<16xf32>
      %select_n3A_187 = arith.select %gt3A_186, %get3A_183, %select_n3A_165 : vector<16xi1>, vector<16xf32>
      %select_n3A_188 = arith.select %gt3A_185, %select_n3A_171, %select_n3A_187 : vector<16xi1>, vector<16xf32>
      %jit3A_189 = arith.constant 6 : i32
      %broadcast_in_dim3A_190 = vector.broadcast %jit3A_189 : i32 to vector<16xi32>
      %select_n3A_191 = arith.select %gt3A_186, %broadcast_in_dim3A_190, %select_n3A_169 : vector<16xi1>, vector<16xi32>
      %select_n3A_192 = arith.select %gt3A_185, %select_n3A_175, %select_n3A_191 : vector<16xi1>, vector<16xi32>
      %select_n3A_193 = arith.select %gt3A_185, %get3A_183, %select_n3A_171 : vector<16xi1>, vector<16xf32>
      %select_n3A_194 = arith.select %gt3A_184, %select_n3A_176, %select_n3A_193 : vector<16xi1>, vector<16xf32>
      %jit3A_195 = arith.constant 6 : i32
      %broadcast_in_dim3A_196 = vector.broadcast %jit3A_195 : i32 to vector<16xi32>
      %select_n3A_197 = arith.select %gt3A_185, %broadcast_in_dim3A_196, %select_n3A_175 : vector<16xi1>, vector<16xi32>
      %select_n3A_198 = arith.select %gt3A_184, %select_n3A_179, %select_n3A_197 : vector<16xi1>, vector<16xi32>
      %select_n3A_199 = arith.select %gt3A_184, %get3A_183, %select_n3A_176 : vector<16xi1>, vector<16xf32>
      %jit3A_200 = arith.constant 6 : i32
      %broadcast_in_dim3A_201 = vector.broadcast %jit3A_200 : i32 to vector<16xi32>
      %select_n3A_202 = arith.select %gt3A_184, %broadcast_in_dim3A_201, %select_n3A_179 : vector<16xi1>, vector<16xi32>
      %add3A_203 = arith.constant 112 : i32
      %add3A_204 = arith.addi %mul3A_35, %add3A_203 : i32
      %get3A_205 = arith.index_cast %add3A_204 : i32 to index
      %get3A_206 = tpu.vector_load %arg9[%get3A_205] {strides = array<i32>} : memref<106496xf32, #tpu.memory_space<vmem>>, vector<16xf32>,
      %gt3A_207 = arith.cmpf ogt, %get3A_206, %select_n3A_199 : vector<16xf32>
      %gt3A_208 = arith.cmpf ogt, %get3A_206, %select_n3A_194 : vector<16xf32>
      %gt3A_209 = arith.cmpf ogt, %get3A_206, %select_n3A_188 : vector<16xf32>
      %select_n3A_210 = arith.select %gt3A_209, %get3A_206, %select_n3A_188 : vector<16xi1>, vector<16xf32>
      %select_n3A_211 = arith.select %gt3A_208, %select_n3A_194, %select_n3A_210 : vector<16xi1>, vector<16xf32>
      %jit3A_212 = arith.constant 7 : i32
      %broadcast_in_dim3A_213 = vector.broadcast %jit3A_212 : i32 to vector<16xi32>
      %select_n3A_214 = arith.select %gt3A_209, %broadcast_in_dim3A_213, %select_n3A_192 : vector<16xi1>, vector<16xi32>
      %select_n3A_215 = arith.select %gt3A_208, %select_n3A_198, %select_n3A_214 : vector<16xi1>, vector<16xi32>
      %select_n3A_216 = arith.select %gt3A_208, %get3A_206, %select_n3A_194 : vector<16xi1>, vector<16xf32>
      %select_n3A_217 = arith.select %gt3A_207, %select_n3A_199, %select_n3A_216 : vector<16xi1>, vector<16xf32>
      %jit3A_218 = arith.constant 7 : i32
      %broadcast_in_dim3A_219 = vector.broadcast %jit3A_218 : i32 to vector<16xi32>
      %select_n3A_220 = arith.select %gt3A_208, %broadcast_in_dim3A_219, %select_n3A_198 : vector<16xi1>, vector<16xi32>
      %select_n3A_221 = arith.select %gt3A_207, %select_n3A_202, %select_n3A_220 : vector<16xi1>, vector<16xi32>
      %select_n3A_222 = arith.select %gt3A_207, %get3A_206, %select_n3A_199 : vector<16xi1>, vector<16xf32>
      %jit3A_223 = arith.constant 7 : i32
      %broadcast_in_dim3A_224 = vector.broadcast %jit3A_223 : i32 to vector<16xi32>
      %select_n3A_225 = arith.select %gt3A_207, %broadcast_in_dim3A_224, %select_n3A_202 : vector<16xi1>, vector<16xi32>
      %add3A_226 = arith.constant 128 : i32
      %add3A_227 = arith.addi %mul3A_35, %add3A_226 : i32
      %get3A_228 = arith.index_cast %add3A_227 : i32 to index
      %get3A_229 = tpu.vector_load %arg9[%get3A_228] {strides = array<i32>} : memref<106496xf32, #tpu.memory_space<vmem>>, vector<16xf32>,
      %gt3A_230 = arith.cmpf ogt, %get3A_229, %select_n3A_222 : vector<16xf32>
      %gt3A_231 = arith.cmpf ogt, %get3A_229, %select_n3A_217 : vector<16xf32>
      %gt3A_232 = arith.cmpf ogt, %get3A_229, %select_n3A_211 : vector<16xf32>
      %select_n3A_233 = arith.select %gt3A_232, %get3A_229, %select_n3A_211 : vector<16xi1>, vector<16xf32>
      %select_n3A_234 = arith.select %gt3A_231, %select_n3A_217, %select_n3A_233 : vector<16xi1>, vector<16xf32>
      %jit3A_235 = arith.constant 8 : i32
      %broadcast_in_dim3A_236 = vector.broadcast %jit3A_235 : i32 to vector<16xi32>
      %select_n3A_237 = arith.select %gt3A_232, %broadcast_in_dim3A_236, %select_n3A_215 : vector<16xi1>, vector<16xi32>
      %select_n3A_238 = arith.select %gt3A_231, %select_n3A_221, %select_n3A_237 : vector<16xi1>, vector<16xi32>
      %select_n3A_239 = arith.select %gt3A_231, %get3A_229, %select_n3A_217 : vector<16xi1>, vector<16xf32>
      %select_n3A_240 = arith.select %gt3A_230, %select_n3A_222, %select_n3A_239 : vector<16xi1>, vector<16xf32>
      %jit3A_241 = arith.constant 8 : i32
      %broadcast_in_dim3A_242 = vector.broadcast %jit3A_241 : i32 to vector<16xi32>
      %select_n3A_243 = arith.select %gt3A_231, %broadcast_in_dim3A_242, %select_n3A_221 : vector<16xi1>, vector<16xi32>
      %select_n3A_244 = arith.select %gt3A_230, %select_n3A_225, %select_n3A_243 : vector<16xi1>, vector<16xi32>
      %select_n3A_245 = arith.select %gt3A_230, %get3A_229, %select_n3A_222 : vector<16xi1>, vector<16xf32>
      %jit3A_246 = arith.constant 8 : i32
      %broadcast_in_dim3A_247 = vector.broadcast %jit3A_246 : i32 to vector<16xi32>
      %select_n3A_248 = arith.select %gt3A_230, %broadcast_in_dim3A_247, %select_n3A_225 : vector<16xi1>, vector<16xi32>
      %add3A_249 = arith.constant 144 : i32
      %add3A_250 = arith.addi %mul3A_35, %add3A_249 : i32
      %get3A_251 = arith.index_cast %add3A_250 : i32 to index
      %get3A_252 = tpu.vector_load %arg9[%get3A_251] {strides = array<i32>} : memref<106496xf32, #tpu.memory_space<vmem>>, vector<16xf32>,
      %gt3A_253 = arith.cmpf ogt, %get3A_252, %select_n3A_245 : vector<16xf32>
      %gt3A_254 = arith.cmpf ogt, %get3A_252, %select_n3A_240 : vector<16xf32>
      %gt3A_255 = arith.cmpf ogt, %get3A_252, %select_n3A_234 : vector<16xf32>
      %select_n3A_256 = arith.select %gt3A_255, %get3A_252, %select_n3A_234 : vector<16xi1>, vector<16xf32>
      %select_n3A_257 = arith.select %gt3A_254, %select_n3A_240, %select_n3A_256 : vector<16xi1>, vector<16xf32>
      %jit3A_258 = arith.constant 9 : i32
      %broadcast_in_dim3A_259 = vector.broadcast %jit3A_258 : i32 to vector<16xi32>
      %select_n3A_260 = arith.select %gt3A_255, %broadcast_in_dim3A_259, %select_n3A_238 : vector<16xi1>, vector<16xi32>
      %select_n3A_261 = arith.select %gt3A_254, %select_n3A_244, %select_n3A_260 : vector<16xi1>, vector<16xi32>
      %select_n3A_262 = arith.select %gt3A_254, %get3A_252, %select_n3A_240 : vector<16xi1>, vector<16xf32>
      %select_n3A_263 = arith.select %gt3A_253, %select_n3A_245, %select_n3A_262 : vector<16xi1>, vector<16xf32>
      %jit3A_264 = arith.constant 9 : i32
      %broadcast_in_dim3A_265 = vector.broadcast %jit3A_264 : i32 to vector<16xi32>
      %select_n3A_266 = arith.select %gt3A_254, %broadcast_in_dim3A_265, %select_n3A_244 : vector<16xi1>, vector<16xi32>
      %select_n3A_267 = arith.select %gt3A_253, %select_n3A_248, %select_n3A_266 : vector<16xi1>, vector<16xi32>
      %select_n3A_268 = arith.select %gt3A_253, %get3A_252, %select_n3A_245 : vector<16xi1>, vector<16xf32>
      %jit3A_269 = arith.constant 9 : i32
      %broadcast_in_dim3A_270 = vector.broadcast %jit3A_269 : i32 to vector<16xi32>
      %select_n3A_271 = arith.select %gt3A_253, %broadcast_in_dim3A_270, %select_n3A_248 : vector<16xi1>, vector<16xi32>
      %add3A_272 = arith.constant 160 : i32
      %add3A_273 = arith.addi %mul3A_35, %add3A_272 : i32
      %get3A_274 = arith.index_cast %add3A_273 : i32 to index
      %get3A_275 = tpu.vector_load %arg9[%get3A_274] {strides = array<i32>} : memref<106496xf32, #tpu.memory_space<vmem>>, vector<16xf32>,
      %gt3A_276 = arith.cmpf ogt, %get3A_275, %select_n3A_268 : vector<16xf32>
      %gt3A_277 = arith.cmpf ogt, %get3A_275, %select_n3A_263 : vector<16xf32>
      %gt3A_278 = arith.cmpf ogt, %get3A_275, %select_n3A_257 : vector<16xf32>
      %select_n3A_279 = arith.select %gt3A_278, %get3A_275, %select_n3A_257 : vector<16xi1>, vector<16xf32>
      %select_n3A_280 = arith.select %gt3A_277, %select_n3A_263, %select_n3A_279 : vector<16xi1>, vector<16xf32>
      %jit3A_281 = arith.constant 10 : i32
      %broadcast_in_dim3A_282 = vector.broadcast %jit3A_281 : i32 to vector<16xi32>
      %select_n3A_283 = arith.select %gt3A_278, %broadcast_in_dim3A_282, %select_n3A_261 : vector<16xi1>, vector<16xi32>
      %select_n3A_284 = arith.select %gt3A_277, %select_n3A_267, %select_n3A_283 : vector<16xi1>, vector<16xi32>
      %select_n3A_285 = arith.select %gt3A_277, %get3A_275, %select_n3A_263 : vector<16xi1>, vector<16xf32>
      %select_n3A_286 = arith.select %gt3A_276, %select_n3A_268, %select_n3A_285 : vector<16xi1>, vector<16xf32>
      %jit3A_287 = arith.constant 10 : i32
      %broadcast_in_dim3A_288 = vector.broadcast %jit3A_287 : i32 to vector<16xi32>
      %select_n3A_289 = arith.select %gt3A_277, %broadcast_in_dim3A_288, %select_n3A_267 : vector<16xi1>, vector<16xi32>
      %select_n3A_290 = arith.select %gt3A_276, %select_n3A_271, %select_n3A_289 : vector<16xi1>, vector<16xi32>
      %select_n3A_291 = arith.select %gt3A_276, %get3A_275, %select_n3A_268 : vector<16xi1>, vector<16xf32>
      %jit3A_292 = arith.constant 10 : i32
      %broadcast_in_dim3A_293 = vector.broadcast %jit3A_292 : i32 to vector<16xi32>
      %select_n3A_294 = arith.select %gt3A_276, %broadcast_in_dim3A_293, %select_n3A_271 : vector<16xi1>, vector<16xi32>
      %add3A_295 = arith.constant 176 : i32
      %add3A_296 = arith.addi %mul3A_35, %add3A_295 : i32
      %get3A_297 = arith.index_cast %add3A_296 : i32 to index
      %get3A_298 = tpu.vector_load %arg9[%get3A_297] {strides = array<i32>} : memref<106496xf32, #tpu.memory_space<vmem>>, vector<16xf32>,
      %gt3A_299 = arith.cmpf ogt, %get3A_298, %select_n3A_291 : vector<16xf32>
      %gt3A_300 = arith.cmpf ogt, %get3A_298, %select_n3A_286 : vector<16xf32>
      %gt3A_301 = arith.cmpf ogt, %get3A_298, %select_n3A_280 : vector<16xf32>
      %select_n3A_302 = arith.select %gt3A_301, %get3A_298, %select_n3A_280 : vector<16xi1>, vector<16xf32>
      %select_n3A_303 = arith.select %gt3A_300, %select_n3A_286, %select_n3A_302 : vector<16xi1>, vector<16xf32>
      %jit3A_304 = arith.constant 11 : i32
      %broadcast_in_dim3A_305 = vector.broadcast %jit3A_304 : i32 to vector<16xi32>
      %select_n3A_306 = arith.select %gt3A_301, %broadcast_in_dim3A_305, %select_n3A_284 : vector<16xi1>, vector<16xi32>
      %select_n3A_307 = arith.select %gt3A_300, %select_n3A_290, %select_n3A_306 : vector<16xi1>, vector<16xi32>
      %select_n3A_308 = arith.select %gt3A_300, %get3A_298, %select_n3A_286 : vector<16xi1>, vector<16xf32>
      %select_n3A_309 = arith.select %gt3A_299, %select_n3A_291, %select_n3A_308 : vector<16xi1>, vector<16xf32>
      %jit3A_310 = arith.constant 11 : i32
      %broadcast_in_dim3A_311 = vector.broadcast %jit3A_310 : i32 to vector<16xi32>
      %select_n3A_312 = arith.select %gt3A_300, %broadcast_in_dim3A_311, %select_n3A_290 : vector<16xi1>, vector<16xi32>
      %select_n3A_313 = arith.select %gt3A_299, %select_n3A_294, %select_n3A_312 : vector<16xi1>, vector<16xi32>
      %select_n3A_314 = arith.select %gt3A_299, %get3A_298, %select_n3A_291 : vector<16xi1>, vector<16xf32>
      %jit3A_315 = arith.constant 11 : i32
      %broadcast_in_dim3A_316 = vector.broadcast %jit3A_315 : i32 to vector<16xi32>
      %select_n3A_317 = arith.select %gt3A_299, %broadcast_in_dim3A_316, %select_n3A_294 : vector<16xi1>, vector<16xi32>
      %add3A_318 = arith.constant 192 : i32
      %add3A_319 = arith.addi %mul3A_35, %add3A_318 : i32
      %get3A_320 = arith.index_cast %add3A_319 : i32 to index
      %get3A_321 = tpu.vector_load %arg9[%get3A_320] {strides = array<i32>} : memref<106496xf32, #tpu.memory_space<vmem>>, vector<16xf32>,
      %gt3A_322 = arith.cmpf ogt, %get3A_321, %select_n3A_314 : vector<16xf32>
      %gt3A_323 = arith.cmpf ogt, %get3A_321, %select_n3A_309 : vector<16xf32>
      %gt3A_324 = arith.cmpf ogt, %get3A_321, %select_n3A_303 : vector<16xf32>
      %select_n3A_325 = arith.select %gt3A_324, %get3A_321, %select_n3A_303 : vector<16xi1>, vector<16xf32>
      %select_n3A_326 = arith.select %gt3A_323, %select_n3A_309, %select_n3A_325 : vector<16xi1>, vector<16xf32>
      %jit3A_327 = arith.constant 12 : i32
      %broadcast_in_dim3A_328 = vector.broadcast %jit3A_327 : i32 to vector<16xi32>
      %select_n3A_329 = arith.select %gt3A_324, %broadcast_in_dim3A_328, %select_n3A_307 : vector<16xi1>, vector<16xi32>
      %select_n3A_330 = arith.select %gt3A_323, %select_n3A_313, %select_n3A_329 : vector<16xi1>, vector<16xi32>
      %select_n3A_331 = arith.select %gt3A_323, %get3A_321, %select_n3A_309 : vector<16xi1>, vector<16xf32>
      %select_n3A_332 = arith.select %gt3A_322, %select_n3A_314, %select_n3A_331 : vector<16xi1>, vector<16xf32>
      %jit3A_333 = arith.constant 12 : i32
      %broadcast_in_dim3A_334 = vector.broadcast %jit3A_333 : i32 to vector<16xi32>
      %select_n3A_335 = arith.select %gt3A_323, %broadcast_in_dim3A_334, %select_n3A_313 : vector<16xi1>, vector<16xi32>
      %select_n3A_336 = arith.select %gt3A_322, %select_n3A_317, %select_n3A_335 : vector<16xi1>, vector<16xi32>
      %select_n3A_337 = arith.select %gt3A_322, %get3A_321, %select_n3A_314 : vector<16xi1>, vector<16xf32>
      %jit3A_338 = arith.constant 12 : i32
      %broadcast_in_dim3A_339 = vector.broadcast %jit3A_338 : i32 to vector<16xi32>
      %select_n3A_340 = arith.select %gt3A_322, %broadcast_in_dim3A_339, %select_n3A_317 : vector<16xi1>, vector<16xi32>
      %add3A_341 = arith.constant 208 : i32
      %add3A_342 = arith.addi %mul3A_35, %add3A_341 : i32
      %get3A_343 = arith.index_cast %add3A_342 : i32 to index
      %get3A_344 = tpu.vector_load %arg9[%get3A_343] {strides = array<i32>} : memref<106496xf32, #tpu.memory_space<vmem>>, vector<16xf32>,
      %gt3A_345 = arith.cmpf ogt, %get3A_344, %select_n3A_337 : vector<16xf32>
      %gt3A_346 = arith.cmpf ogt, %get3A_344, %select_n3A_332 : vector<16xf32>
      %gt3A_347 = arith.cmpf ogt, %get3A_344, %select_n3A_326 : vector<16xf32>
      %select_n3A_348 = arith.select %gt3A_347, %get3A_344, %select_n3A_326 : vector<16xi1>, vector<16xf32>
      %select_n3A_349 = arith.select %gt3A_346, %select_n3A_332, %select_n3A_348 : vector<16xi1>, vector<16xf32>
      %jit3A_350 = arith.constant 13 : i32
      %broadcast_in_dim3A_351 = vector.broadcast %jit3A_350 : i32 to vector<16xi32>
      %select_n3A_352 = arith.select %gt3A_347, %broadcast_in_dim3A_351, %select_n3A_330 : vector<16xi1>, vector<16xi32>
      %select_n3A_353 = arith.select %gt3A_346, %select_n3A_336, %select_n3A_352 : vector<16xi1>, vector<16xi32>
      %select_n3A_354 = arith.select %gt3A_346, %get3A_344, %select_n3A_332 : vector<16xi1>, vector<16xf32>
      %select_n3A_355 = arith.select %gt3A_345, %select_n3A_337, %select_n3A_354 : vector<16xi1>, vector<16xf32>
      %jit3A_356 = arith.constant 13 : i32
      %broadcast_in_dim3A_357 = vector.broadcast %jit3A_356 : i32 to vector<16xi32>
      %select_n3A_358 = arith.select %gt3A_346, %broadcast_in_dim3A_357, %select_n3A_336 : vector<16xi1>, vector<16xi32>
      %select_n3A_359 = arith.select %gt3A_345, %select_n3A_340, %select_n3A_358 : vector<16xi1>, vector<16xi32>
      %select_n3A_360 = arith.select %gt3A_345, %get3A_344, %select_n3A_337 : vector<16xi1>, vector<16xf32>
      %jit3A_361 = arith.constant 13 : i32
      %broadcast_in_dim3A_362 = vector.broadcast %jit3A_361 : i32 to vector<16xi32>
      %select_n3A_363 = arith.select %gt3A_345, %broadcast_in_dim3A_362, %select_n3A_340 : vector<16xi1>, vector<16xi32>
      %add3A_364 = arith.constant 224 : i32
      %add3A_365 = arith.addi %mul3A_35, %add3A_364 : i32
      %get3A_366 = arith.index_cast %add3A_365 : i32 to index
      %get3A_367 = tpu.vector_load %arg9[%get3A_366] {strides = array<i32>} : memref<106496xf32, #tpu.memory_space<vmem>>, vector<16xf32>,
      %gt3A_368 = arith.cmpf ogt, %get3A_367, %select_n3A_360 : vector<16xf32>
      %gt3A_369 = arith.cmpf ogt, %get3A_367, %select_n3A_355 : vector<16xf32>
      %gt3A_370 = arith.cmpf ogt, %get3A_367, %select_n3A_349 : vector<16xf32>
      %select_n3A_371 = arith.select %gt3A_370, %get3A_367, %select_n3A_349 : vector<16xi1>, vector<16xf32>
      %select_n3A_372 = arith.select %gt3A_369, %select_n3A_355, %select_n3A_371 : vector<16xi1>, vector<16xf32>
      %jit3A_373 = arith.constant 14 : i32
      %broadcast_in_dim3A_374 = vector.broadcast %jit3A_373 : i32 to vector<16xi32>
      %select_n3A_375 = arith.select %gt3A_370, %broadcast_in_dim3A_374, %select_n3A_353 : vector<16xi1>, vector<16xi32>
      %select_n3A_376 = arith.select %gt3A_369, %select_n3A_359, %select_n3A_375 : vector<16xi1>, vector<16xi32>
      %select_n3A_377 = arith.select %gt3A_369, %get3A_367, %select_n3A_355 : vector<16xi1>, vector<16xf32>
      %select_n3A_378 = arith.select %gt3A_368, %select_n3A_360, %select_n3A_377 : vector<16xi1>, vector<16xf32>
      %jit3A_379 = arith.constant 14 : i32
      %broadcast_in_dim3A_380 = vector.broadcast %jit3A_379 : i32 to vector<16xi32>
      %select_n3A_381 = arith.select %gt3A_369, %broadcast_in_dim3A_380, %select_n3A_359 : vector<16xi1>, vector<16xi32>
      %select_n3A_382 = arith.select %gt3A_368, %select_n3A_363, %select_n3A_381 : vector<16xi1>, vector<16xi32>
      %select_n3A_383 = arith.select %gt3A_368, %get3A_367, %select_n3A_360 : vector<16xi1>, vector<16xf32>
      %jit3A_384 = arith.constant 14 : i32
      %broadcast_in_dim3A_385 = vector.broadcast %jit3A_384 : i32 to vector<16xi32>
      %select_n3A_386 = arith.select %gt3A_368, %broadcast_in_dim3A_385, %select_n3A_363 : vector<16xi1>, vector<16xi32>
      %add3A_387 = arith.constant 240 : i32
      %add3A_388 = arith.addi %mul3A_35, %add3A_387 : i32
      %get3A_389 = arith.index_cast %add3A_388 : i32 to index
      %get3A_390 = tpu.vector_load %arg9[%get3A_389] {strides = array<i32>} : memref<106496xf32, #tpu.memory_space<vmem>>, vector<16xf32>,
      %gt3A_391 = arith.cmpf ogt, %get3A_390, %select_n3A_383 : vector<16xf32>
      %gt3A_392 = arith.cmpf ogt, %get3A_390, %select_n3A_378 : vector<16xf32>
      %gt3A_393 = arith.cmpf ogt, %get3A_390, %select_n3A_372 : vector<16xf32>
      %select_n3A_394 = arith.select %gt3A_393, %get3A_390, %select_n3A_372 : vector<16xi1>, vector<16xf32>
      %select_n3A_395 = arith.select %gt3A_392, %select_n3A_378, %select_n3A_394 : vector<16xi1>, vector<16xf32>
      %jit3A_396 = arith.constant 15 : i32
      %broadcast_in_dim3A_397 = vector.broadcast %jit3A_396 : i32 to vector<16xi32>
      %select_n3A_398 = arith.select %gt3A_393, %broadcast_in_dim3A_397, %select_n3A_376 : vector<16xi1>, vector<16xi32>
      %select_n3A_399 = arith.select %gt3A_392, %select_n3A_382, %select_n3A_398 : vector<16xi1>, vector<16xi32>
      %select_n3A_400 = arith.select %gt3A_392, %get3A_390, %select_n3A_378 : vector<16xi1>, vector<16xf32>
      %select_n3A_401 = arith.select %gt3A_391, %select_n3A_383, %select_n3A_400 : vector<16xi1>, vector<16xf32>
      %jit3A_402 = arith.constant 15 : i32
      %broadcast_in_dim3A_403 = vector.broadcast %jit3A_402 : i32 to vector<16xi32>
      %select_n3A_404 = arith.select %gt3A_392, %broadcast_in_dim3A_403, %select_n3A_382 : vector<16xi1>, vector<16xi32>
      %select_n3A_405 = arith.select %gt3A_391, %select_n3A_386, %select_n3A_404 : vector<16xi1>, vector<16xi32>
      %select_n3A_406 = arith.select %gt3A_391, %get3A_390, %select_n3A_383 : vector<16xi1>, vector<16xf32>
      %jit3A_407 = arith.constant 15 : i32
      %broadcast_in_dim3A_408 = vector.broadcast %jit3A_407 : i32 to vector<16xi32>
      %select_n3A_409 = arith.select %gt3A_391, %broadcast_in_dim3A_408, %select_n3A_386 : vector<16xi1>, vector<16xi32>
      %add3A_410 = arith.constant 256 : i32
      %add3A_411 = arith.addi %mul3A_35, %add3A_410 : i32
      %get3A_412 = arith.index_cast %add3A_411 : i32 to index
      %get3A_413 = tpu.vector_load %arg9[%get3A_412] {strides = array<i32>} : memref<106496xf32, #tpu.memory_space<vmem>>, vector<16xf32>,
      %gt3A_414 = arith.cmpf ogt, %get3A_413, %select_n3A_406 : vector<16xf32>
      %gt3A_415 = arith.cmpf ogt, %get3A_413, %select_n3A_401 : vector<16xf32>
      %gt3A_416 = arith.cmpf ogt, %get3A_413, %select_n3A_395 : vector<16xf32>
      %select_n3A_417 = arith.select %gt3A_416, %get3A_413, %select_n3A_395 : vector<16xi1>, vector<16xf32>
      %select_n3A_418 = arith.select %gt3A_415, %select_n3A_401, %select_n3A_417 : vector<16xi1>, vector<16xf32>
      %jit3A_419 = arith.constant 16 : i32
      %broadcast_in_dim3A_420 = vector.broadcast %jit3A_419 : i32 to vector<16xi32>
      %select_n3A_421 = arith.select %gt3A_416, %broadcast_in_dim3A_420, %select_n3A_399 : vector<16xi1>, vector<16xi32>
      %select_n3A_422 = arith.select %gt3A_415, %select_n3A_405, %select_n3A_421 : vector<16xi1>, vector<16xi32>
      %select_n3A_423 = arith.select %gt3A_415, %get3A_413, %select_n3A_401 : vector<16xi1>, vector<16xf32>
      %select_n3A_424 = arith.select %gt3A_414, %select_n3A_406, %select_n3A_423 : vector<16xi1>, vector<16xf32>
      %jit3A_425 = arith.constant 16 : i32
      %broadcast_in_dim3A_426 = vector.broadcast %jit3A_425 : i32 to vector<16xi32>
      %select_n3A_427 = arith.select %gt3A_415, %broadcast_in_dim3A_426, %select_n3A_405 : vector<16xi1>, vector<16xi32>
      %select_n3A_428 = arith.select %gt3A_414, %select_n3A_409, %select_n3A_427 : vector<16xi1>, vector<16xi32>
      %select_n3A_429 = arith.select %gt3A_414, %get3A_413, %select_n3A_406 : vector<16xi1>, vector<16xf32>
      %jit3A_430 = arith.constant 16 : i32
      %broadcast_in_dim3A_431 = vector.broadcast %jit3A_430 : i32 to vector<16xi32>
      %select_n3A_432 = arith.select %gt3A_414, %broadcast_in_dim3A_431, %select_n3A_409 : vector<16xi1>, vector<16xi32>
      %add3A_433 = arith.constant 272 : i32
      %add3A_434 = arith.addi %mul3A_35, %add3A_433 : i32
      %get3A_435 = arith.index_cast %add3A_434 : i32 to index
      %get3A_436 = tpu.vector_load %arg9[%get3A_435] {strides = array<i32>} : memref<106496xf32, #tpu.memory_space<vmem>>, vector<16xf32>,
      %gt3A_437 = arith.cmpf ogt, %get3A_436, %select_n3A_429 : vector<16xf32>
      %gt3A_438 = arith.cmpf ogt, %get3A_436, %select_n3A_424 : vector<16xf32>
      %gt3A_439 = arith.cmpf ogt, %get3A_436, %select_n3A_418 : vector<16xf32>
      %select_n3A_440 = arith.select %gt3A_439, %get3A_436, %select_n3A_418 : vector<16xi1>, vector<16xf32>
      %select_n3A_441 = arith.select %gt3A_438, %select_n3A_424, %select_n3A_440 : vector<16xi1>, vector<16xf32>
      %jit3A_442 = arith.constant 17 : i32
      %broadcast_in_dim3A_443 = vector.broadcast %jit3A_442 : i32 to vector<16xi32>
      %select_n3A_444 = arith.select %gt3A_439, %broadcast_in_dim3A_443, %select_n3A_422 : vector<16xi1>, vector<16xi32>
      %select_n3A_445 = arith.select %gt3A_438, %select_n3A_428, %select_n3A_444 : vector<16xi1>, vector<16xi32>
      %select_n3A_446 = arith.select %gt3A_438, %get3A_436, %select_n3A_424 : vector<16xi1>, vector<16xf32>
      %select_n3A_447 = arith.select %gt3A_437, %select_n3A_429, %select_n3A_446 : vector<16xi1>, vector<16xf32>
      %jit3A_448 = arith.constant 17 : i32
      %broadcast_in_dim3A_449 = vector.broadcast %jit3A_448 : i32 to vector<16xi32>
      %select_n3A_450 = arith.select %gt3A_438, %broadcast_in_dim3A_449, %select_n3A_428 : vector<16xi1>, vector<16xi32>
      %select_n3A_451 = arith.select %gt3A_437, %select_n3A_432, %select_n3A_450 : vector<16xi1>, vector<16xi32>
      %select_n3A_452 = arith.select %gt3A_437, %get3A_436, %select_n3A_429 : vector<16xi1>, vector<16xf32>
      %jit3A_453 = arith.constant 17 : i32
      %broadcast_in_dim3A_454 = vector.broadcast %jit3A_453 : i32 to vector<16xi32>
      %select_n3A_455 = arith.select %gt3A_437, %broadcast_in_dim3A_454, %select_n3A_432 : vector<16xi1>, vector<16xi32>
      %add3A_456 = arith.constant 288 : i32
      %add3A_457 = arith.addi %mul3A_35, %add3A_456 : i32
      %get3A_458 = arith.index_cast %add3A_457 : i32 to index
      %get3A_459 = tpu.vector_load %arg9[%get3A_458] {strides = array<i32>} : memref<106496xf32, #tpu.memory_space<vmem>>, vector<16xf32>,
      %gt3A_460 = arith.cmpf ogt, %get3A_459, %select_n3A_452 : vector<16xf32>
      %gt3A_461 = arith.cmpf ogt, %get3A_459, %select_n3A_447 : vector<16xf32>
      %gt3A_462 = arith.cmpf ogt, %get3A_459, %select_n3A_441 : vector<16xf32>
      %select_n3A_463 = arith.select %gt3A_462, %get3A_459, %select_n3A_441 : vector<16xi1>, vector<16xf32>
      %select_n3A_464 = arith.select %gt3A_461, %select_n3A_447, %select_n3A_463 : vector<16xi1>, vector<16xf32>
      %jit3A_465 = arith.constant 18 : i32
      %broadcast_in_dim3A_466 = vector.broadcast %jit3A_465 : i32 to vector<16xi32>
      %select_n3A_467 = arith.select %gt3A_462, %broadcast_in_dim3A_466, %select_n3A_445 : vector<16xi1>, vector<16xi32>
      %select_n3A_468 = arith.select %gt3A_461, %select_n3A_451, %select_n3A_467 : vector<16xi1>, vector<16xi32>
      %select_n3A_469 = arith.select %gt3A_461, %get3A_459, %select_n3A_447 : vector<16xi1>, vector<16xf32>
      %select_n3A_470 = arith.select %gt3A_460, %select_n3A_452, %select_n3A_469 : vector<16xi1>, vector<16xf32>
      %jit3A_471 = arith.constant 18 : i32
      %broadcast_in_dim3A_472 = vector.broadcast %jit3A_471 : i32 to vector<16xi32>
      %select_n3A_473 = arith.select %gt3A_461, %broadcast_in_dim3A_472, %select_n3A_451 : vector<16xi1>, vector<16xi32>
      %select_n3A_474 = arith.select %gt3A_460, %select_n3A_455, %select_n3A_473 : vector<16xi1>, vector<16xi32>
      %select_n3A_475 = arith.select %gt3A_460, %get3A_459, %select_n3A_452 : vector<16xi1>, vector<16xf32>
      %jit3A_476 = arith.constant 18 : i32
      %broadcast_in_dim3A_477 = vector.broadcast %jit3A_476 : i32 to vector<16xi32>
      %select_n3A_478 = arith.select %gt3A_460, %broadcast_in_dim3A_477, %select_n3A_455 : vector<16xi1>, vector<16xi32>
      %add3A_479 = arith.constant 304 : i32
      %add3A_480 = arith.addi %mul3A_35, %add3A_479 : i32
      %get3A_481 = arith.index_cast %add3A_480 : i32 to index
      %get3A_482 = tpu.vector_load %arg9[%get3A_481] {strides = array<i32>} : memref<106496xf32, #tpu.memory_space<vmem>>, vector<16xf32>,
      %gt3A_483 = arith.cmpf ogt, %get3A_482, %select_n3A_475 : vector<16xf32>
      %gt3A_484 = arith.cmpf ogt, %get3A_482, %select_n3A_470 : vector<16xf32>
      %gt3A_485 = arith.cmpf ogt, %get3A_482, %select_n3A_464 : vector<16xf32>
      %select_n3A_486 = arith.select %gt3A_485, %get3A_482, %select_n3A_464 : vector<16xi1>, vector<16xf32>
      %select_n3A_487 = arith.select %gt3A_484, %select_n3A_470, %select_n3A_486 : vector<16xi1>, vector<16xf32>
      %jit3A_488 = arith.constant 19 : i32
      %broadcast_in_dim3A_489 = vector.broadcast %jit3A_488 : i32 to vector<16xi32>
      %select_n3A_490 = arith.select %gt3A_485, %broadcast_in_dim3A_489, %select_n3A_468 : vector<16xi1>, vector<16xi32>
      %select_n3A_491 = arith.select %gt3A_484, %select_n3A_474, %select_n3A_490 : vector<16xi1>, vector<16xi32>
      %select_n3A_492 = arith.select %gt3A_484, %get3A_482, %select_n3A_470 : vector<16xi1>, vector<16xf32>
      %select_n3A_493 = arith.select %gt3A_483, %select_n3A_475, %select_n3A_492 : vector<16xi1>, vector<16xf32>
      %jit3A_494 = arith.constant 19 : i32
      %broadcast_in_dim3A_495 = vector.broadcast %jit3A_494 : i32 to vector<16xi32>
      %select_n3A_496 = arith.select %gt3A_484, %broadcast_in_dim3A_495, %select_n3A_474 : vector<16xi1>, vector<16xi32>
      %select_n3A_497 = arith.select %gt3A_483, %select_n3A_478, %select_n3A_496 : vector<16xi1>, vector<16xi32>
      %select_n3A_498 = arith.select %gt3A_483, %get3A_482, %select_n3A_475 : vector<16xi1>, vector<16xf32>
      %jit3A_499 = arith.constant 19 : i32
      %broadcast_in_dim3A_500 = vector.broadcast %jit3A_499 : i32 to vector<16xi32>
      %select_n3A_501 = arith.select %gt3A_483, %broadcast_in_dim3A_500, %select_n3A_478 : vector<16xi1>, vector<16xi32>
      %add3A_502 = arith.constant 320 : i32
      %add3A_503 = arith.addi %mul3A_35, %add3A_502 : i32
      %get3A_504 = arith.index_cast %add3A_503 : i32 to index
      %get3A_505 = tpu.vector_load %arg9[%get3A_504] {strides = array<i32>} : memref<106496xf32, #tpu.memory_space<vmem>>, vector<16xf32>,
      %gt3A_506 = arith.cmpf ogt, %get3A_505, %select_n3A_498 : vector<16xf32>
      %gt3A_507 = arith.cmpf ogt, %get3A_505, %select_n3A_493 : vector<16xf32>
      %gt3A_508 = arith.cmpf ogt, %get3A_505, %select_n3A_487 : vector<16xf32>
      %select_n3A_509 = arith.select %gt3A_508, %get3A_505, %select_n3A_487 : vector<16xi1>, vector<16xf32>
      %select_n3A_510 = arith.select %gt3A_507, %select_n3A_493, %select_n3A_509 : vector<16xi1>, vector<16xf32>
      %jit3A_511 = arith.constant 20 : i32
      %broadcast_in_dim3A_512 = vector.broadcast %jit3A_511 : i32 to vector<16xi32>
      %select_n3A_513 = arith.select %gt3A_508, %broadcast_in_dim3A_512, %select_n3A_491 : vector<16xi1>, vector<16xi32>
      %select_n3A_514 = arith.select %gt3A_507, %select_n3A_497, %select_n3A_513 : vector<16xi1>, vector<16xi32>
      %select_n3A_515 = arith.select %gt3A_507, %get3A_505, %select_n3A_493 : vector<16xi1>, vector<16xf32>
      %select_n3A_516 = arith.select %gt3A_506, %select_n3A_498, %select_n3A_515 : vector<16xi1>, vector<16xf32>
      %jit3A_517 = arith.constant 20 : i32
      %broadcast_in_dim3A_518 = vector.broadcast %jit3A_517 : i32 to vector<16xi32>
      %select_n3A_519 = arith.select %gt3A_507, %broadcast_in_dim3A_518, %select_n3A_497 : vector<16xi1>, vector<16xi32>
      %select_n3A_520 = arith.select %gt3A_506, %select_n3A_501, %select_n3A_519 : vector<16xi1>, vector<16xi32>
      %select_n3A_521 = arith.select %gt3A_506, %get3A_505, %select_n3A_498 : vector<16xi1>, vector<16xf32>
      %jit3A_522 = arith.constant 20 : i32
      %broadcast_in_dim3A_523 = vector.broadcast %jit3A_522 : i32 to vector<16xi32>
      %select_n3A_524 = arith.select %gt3A_506, %broadcast_in_dim3A_523, %select_n3A_501 : vector<16xi1>, vector<16xi32>
      %add3A_525 = arith.constant 336 : i32
      %add3A_526 = arith.addi %mul3A_35, %add3A_525 : i32
      %get3A_527 = arith.index_cast %add3A_526 : i32 to index
      %get3A_528 = tpu.vector_load %arg9[%get3A_527] {strides = array<i32>} : memref<106496xf32, #tpu.memory_space<vmem>>, vector<16xf32>,
      %gt3A_529 = arith.cmpf ogt, %get3A_528, %select_n3A_521 : vector<16xf32>
      %gt3A_530 = arith.cmpf ogt, %get3A_528, %select_n3A_516 : vector<16xf32>
      %gt3A_531 = arith.cmpf ogt, %get3A_528, %select_n3A_510 : vector<16xf32>
      %select_n3A_532 = arith.select %gt3A_531, %get3A_528, %select_n3A_510 : vector<16xi1>, vector<16xf32>
      %select_n3A_533 = arith.select %gt3A_530, %select_n3A_516, %select_n3A_532 : vector<16xi1>, vector<16xf32>
      %jit3A_534 = arith.constant 21 : i32
      %broadcast_in_dim3A_535 = vector.broadcast %jit3A_534 : i32 to vector<16xi32>
      %select_n3A_536 = arith.select %gt3A_531, %broadcast_in_dim3A_535, %select_n3A_514 : vector<16xi1>, vector<16xi32>
      %select_n3A_537 = arith.select %gt3A_530, %select_n3A_520, %select_n3A_536 : vector<16xi1>, vector<16xi32>
      %select_n3A_538 = arith.select %gt3A_530, %get3A_528, %select_n3A_516 : vector<16xi1>, vector<16xf32>
      %select_n3A_539 = arith.select %gt3A_529, %select_n3A_521, %select_n3A_538 : vector<16xi1>, vector<16xf32>
      %jit3A_540 = arith.constant 21 : i32
      %broadcast_in_dim3A_541 = vector.broadcast %jit3A_540 : i32 to vector<16xi32>
      %select_n3A_542 = arith.select %gt3A_530, %broadcast_in_dim3A_541, %select_n3A_520 : vector<16xi1>, vector<16xi32>
      %select_n3A_543 = arith.select %gt3A_529, %select_n3A_524, %select_n3A_542 : vector<16xi1>, vector<16xi32>
      %select_n3A_544 = arith.select %gt3A_529, %get3A_528, %select_n3A_521 : vector<16xi1>, vector<16xf32>
      %jit3A_545 = arith.constant 21 : i32
      %broadcast_in_dim3A_546 = vector.broadcast %jit3A_545 : i32 to vector<16xi32>
      %select_n3A_547 = arith.select %gt3A_529, %broadcast_in_dim3A_546, %select_n3A_524 : vector<16xi1>, vector<16xi32>
      %add3A_548 = arith.constant 352 : i32
      %add3A_549 = arith.addi %mul3A_35, %add3A_548 : i32
      %get3A_550 = arith.index_cast %add3A_549 : i32 to index
      %get3A_551 = tpu.vector_load %arg9[%get3A_550] {strides = array<i32>} : memref<106496xf32, #tpu.memory_space<vmem>>, vector<16xf32>,
      %gt3A_552 = arith.cmpf ogt, %get3A_551, %select_n3A_544 : vector<16xf32>
      %gt3A_553 = arith.cmpf ogt, %get3A_551, %select_n3A_539 : vector<16xf32>
      %gt3A_554 = arith.cmpf ogt, %get3A_551, %select_n3A_533 : vector<16xf32>
      %select_n3A_555 = arith.select %gt3A_554, %get3A_551, %select_n3A_533 : vector<16xi1>, vector<16xf32>
      %select_n3A_556 = arith.select %gt3A_553, %select_n3A_539, %select_n3A_555 : vector<16xi1>, vector<16xf32>
      %jit3A_557 = arith.constant 22 : i32
      %broadcast_in_dim3A_558 = vector.broadcast %jit3A_557 : i32 to vector<16xi32>
      %select_n3A_559 = arith.select %gt3A_554, %broadcast_in_dim3A_558, %select_n3A_537 : vector<16xi1>, vector<16xi32>
      %select_n3A_560 = arith.select %gt3A_553, %select_n3A_543, %select_n3A_559 : vector<16xi1>, vector<16xi32>
      %select_n3A_561 = arith.select %gt3A_553, %get3A_551, %select_n3A_539 : vector<16xi1>, vector<16xf32>
      %select_n3A_562 = arith.select %gt3A_552, %select_n3A_544, %select_n3A_561 : vector<16xi1>, vector<16xf32>
      %jit3A_563 = arith.constant 22 : i32
      %broadcast_in_dim3A_564 = vector.broadcast %jit3A_563 : i32 to vector<16xi32>
      %select_n3A_565 = arith.select %gt3A_553, %broadcast_in_dim3A_564, %select_n3A_543 : vector<16xi1>, vector<16xi32>
      %select_n3A_566 = arith.select %gt3A_552, %select_n3A_547, %select_n3A_565 : vector<16xi1>, vector<16xi32>
      %select_n3A_567 = arith.select %gt3A_552, %get3A_551, %select_n3A_544 : vector<16xi1>, vector<16xf32>
      %jit3A_568 = arith.constant 22 : i32
      %broadcast_in_dim3A_569 = vector.broadcast %jit3A_568 : i32 to vector<16xi32>
      %select_n3A_570 = arith.select %gt3A_552, %broadcast_in_dim3A_569, %select_n3A_547 : vector<16xi1>, vector<16xi32>
      %add3A_571 = arith.constant 368 : i32
      %add3A_572 = arith.addi %mul3A_35, %add3A_571 : i32
      %get3A_573 = arith.index_cast %add3A_572 : i32 to index
      %get3A_574 = tpu.vector_load %arg9[%get3A_573] {strides = array<i32>} : memref<106496xf32, #tpu.memory_space<vmem>>, vector<16xf32>,
      %gt3A_575 = arith.cmpf ogt, %get3A_574, %select_n3A_567 : vector<16xf32>
      %gt3A_576 = arith.cmpf ogt, %get3A_574, %select_n3A_562 : vector<16xf32>
      %gt3A_577 = arith.cmpf ogt, %get3A_574, %select_n3A_556 : vector<16xf32>
      %select_n3A_578 = arith.select %gt3A_577, %get3A_574, %select_n3A_556 : vector<16xi1>, vector<16xf32>
      %select_n3A_579 = arith.select %gt3A_576, %select_n3A_562, %select_n3A_578 : vector<16xi1>, vector<16xf32>
      %jit3A_580 = arith.constant 23 : i32
      %broadcast_in_dim3A_581 = vector.broadcast %jit3A_580 : i32 to vector<16xi32>
      %select_n3A_582 = arith.select %gt3A_577, %broadcast_in_dim3A_581, %select_n3A_560 : vector<16xi1>, vector<16xi32>
      %select_n3A_583 = arith.select %gt3A_576, %select_n3A_566, %select_n3A_582 : vector<16xi1>, vector<16xi32>
      %select_n3A_584 = arith.select %gt3A_576, %get3A_574, %select_n3A_562 : vector<16xi1>, vector<16xf32>
      %select_n3A_585 = arith.select %gt3A_575, %select_n3A_567, %select_n3A_584 : vector<16xi1>, vector<16xf32>
      %jit3A_586 = arith.constant 23 : i32
      %broadcast_in_dim3A_587 = vector.broadcast %jit3A_586 : i32 to vector<16xi32>
      %select_n3A_588 = arith.select %gt3A_576, %broadcast_in_dim3A_587, %select_n3A_566 : vector<16xi1>, vector<16xi32>
      %select_n3A_589 = arith.select %gt3A_575, %select_n3A_570, %select_n3A_588 : vector<16xi1>, vector<16xi32>
      %select_n3A_590 = arith.select %gt3A_575, %get3A_574, %select_n3A_567 : vector<16xi1>, vector<16xf32>
      %jit3A_591 = arith.constant 23 : i32
      %broadcast_in_dim3A_592 = vector.broadcast %jit3A_591 : i32 to vector<16xi32>
      %select_n3A_593 = arith.select %gt3A_575, %broadcast_in_dim3A_592, %select_n3A_570 : vector<16xi1>, vector<16xi32>
      %add3A_594 = arith.constant 384 : i32
      %add3A_595 = arith.addi %mul3A_35, %add3A_594 : i32
      %get3A_596 = arith.index_cast %add3A_595 : i32 to index
      %get3A_597 = tpu.vector_load %arg9[%get3A_596] {strides = array<i32>} : memref<106496xf32, #tpu.memory_space<vmem>>, vector<16xf32>,
      %gt3A_598 = arith.cmpf ogt, %get3A_597, %select_n3A_590 : vector<16xf32>
      %gt3A_599 = arith.cmpf ogt, %get3A_597, %select_n3A_585 : vector<16xf32>
      %gt3A_600 = arith.cmpf ogt, %get3A_597, %select_n3A_579 : vector<16xf32>
      %select_n3A_601 = arith.select %gt3A_600, %get3A_597, %select_n3A_579 : vector<16xi1>, vector<16xf32>
      %select_n3A_602 = arith.select %gt3A_599, %select_n3A_585, %select_n3A_601 : vector<16xi1>, vector<16xf32>
      %jit3A_603 = arith.constant 24 : i32
      %broadcast_in_dim3A_604 = vector.broadcast %jit3A_603 : i32 to vector<16xi32>
      %select_n3A_605 = arith.select %gt3A_600, %broadcast_in_dim3A_604, %select_n3A_583 : vector<16xi1>, vector<16xi32>
      %select_n3A_606 = arith.select %gt3A_599, %select_n3A_589, %select_n3A_605 : vector<16xi1>, vector<16xi32>
      %select_n3A_607 = arith.select %gt3A_599, %get3A_597, %select_n3A_585 : vector<16xi1>, vector<16xf32>
      %select_n3A_608 = arith.select %gt3A_598, %select_n3A_590, %select_n3A_607 : vector<16xi1>, vector<16xf32>
      %jit3A_609 = arith.constant 24 : i32
      %broadcast_in_dim3A_610 = vector.broadcast %jit3A_609 : i32 to vector<16xi32>
      %select_n3A_611 = arith.select %gt3A_599, %broadcast_in_dim3A_610, %select_n3A_589 : vector<16xi1>, vector<16xi32>
      %select_n3A_612 = arith.select %gt3A_598, %select_n3A_593, %select_n3A_611 : vector<16xi1>, vector<16xi32>
      %select_n3A_613 = arith.select %gt3A_598, %get3A_597, %select_n3A_590 : vector<16xi1>, vector<16xf32>
      %jit3A_614 = arith.constant 24 : i32
      %broadcast_in_dim3A_615 = vector.broadcast %jit3A_614 : i32 to vector<16xi32>
      %select_n3A_616 = arith.select %gt3A_598, %broadcast_in_dim3A_615, %select_n3A_593 : vector<16xi1>, vector<16xi32>
      %add3A_617 = arith.constant 400 : i32
      %add3A_618 = arith.addi %mul3A_35, %add3A_617 : i32
      %get3A_619 = arith.index_cast %add3A_618 : i32 to index
      %get3A_620 = tpu.vector_load %arg9[%get3A_619] {strides = array<i32>} : memref<106496xf32, #tpu.memory_space<vmem>>, vector<16xf32>,
      %gt3A_621 = arith.cmpf ogt, %get3A_620, %select_n3A_613 : vector<16xf32>
      %gt3A_622 = arith.cmpf ogt, %get3A_620, %select_n3A_608 : vector<16xf32>
      %gt3A_623 = arith.cmpf ogt, %get3A_620, %select_n3A_602 : vector<16xf32>
      %select_n3A_624 = arith.select %gt3A_623, %get3A_620, %select_n3A_602 : vector<16xi1>, vector<16xf32>
      %select_n3A_625 = arith.select %gt3A_622, %select_n3A_608, %select_n3A_624 : vector<16xi1>, vector<16xf32>
      %jit3A_626 = arith.constant 25 : i32
      %broadcast_in_dim3A_627 = vector.broadcast %jit3A_626 : i32 to vector<16xi32>
      %select_n3A_628 = arith.select %gt3A_623, %broadcast_in_dim3A_627, %select_n3A_606 : vector<16xi1>, vector<16xi32>
      %select_n3A_629 = arith.select %gt3A_622, %select_n3A_612, %select_n3A_628 : vector<16xi1>, vector<16xi32>
      %select_n3A_630 = arith.select %gt3A_622, %get3A_620, %select_n3A_608 : vector<16xi1>, vector<16xf32>
      %select_n3A_631 = arith.select %gt3A_621, %select_n3A_613, %select_n3A_630 : vector<16xi1>, vector<16xf32>
      %jit3A_632 = arith.constant 25 : i32
      %broadcast_in_dim3A_633 = vector.broadcast %jit3A_632 : i32 to vector<16xi32>
      %select_n3A_634 = arith.select %gt3A_622, %broadcast_in_dim3A_633, %select_n3A_612 : vector<16xi1>, vector<16xi32>
      %select_n3A_635 = arith.select %gt3A_621, %select_n3A_616, %select_n3A_634 : vector<16xi1>, vector<16xi32>
      %select_n3A_636 = arith.select %gt3A_621, %get3A_620, %select_n3A_613 : vector<16xi1>, vector<16xf32>
      %jit3A_637 = arith.constant 25 : i32
      %broadcast_in_dim3A_638 = vector.broadcast %jit3A_637 : i32 to vector<16xi32>
      %select_n3A_639 = arith.select %gt3A_621, %broadcast_in_dim3A_638, %select_n3A_616 : vector<16xi1>, vector<16xi32>
      %add3A_640 = arith.constant 416 : i32
      %add3A_641 = arith.addi %mul3A_35, %add3A_640 : i32
      %get3A_642 = arith.index_cast %add3A_641 : i32 to index
      %get3A_643 = tpu.vector_load %arg9[%get3A_642] {strides = array<i32>} : memref<106496xf32, #tpu.memory_space<vmem>>, vector<16xf32>,
      %gt3A_644 = arith.cmpf ogt, %get3A_643, %select_n3A_636 : vector<16xf32>
      %gt3A_645 = arith.cmpf ogt, %get3A_643, %select_n3A_631 : vector<16xf32>
      %gt3A_646 = arith.cmpf ogt, %get3A_643, %select_n3A_625 : vector<16xf32>
      %select_n3A_647 = arith.select %gt3A_646, %get3A_643, %select_n3A_625 : vector<16xi1>, vector<16xf32>
      %select_n3A_648 = arith.select %gt3A_645, %select_n3A_631, %select_n3A_647 : vector<16xi1>, vector<16xf32>
      %jit3A_649 = arith.constant 26 : i32
      %broadcast_in_dim3A_650 = vector.broadcast %jit3A_649 : i32 to vector<16xi32>
      %select_n3A_651 = arith.select %gt3A_646, %broadcast_in_dim3A_650, %select_n3A_629 : vector<16xi1>, vector<16xi32>
      %select_n3A_652 = arith.select %gt3A_645, %select_n3A_635, %select_n3A_651 : vector<16xi1>, vector<16xi32>
      %select_n3A_653 = arith.select %gt3A_645, %get3A_643, %select_n3A_631 : vector<16xi1>, vector<16xf32>
      %select_n3A_654 = arith.select %gt3A_644, %select_n3A_636, %select_n3A_653 : vector<16xi1>, vector<16xf32>
      %jit3A_655 = arith.constant 26 : i32
      %broadcast_in_dim3A_656 = vector.broadcast %jit3A_655 : i32 to vector<16xi32>
      %select_n3A_657 = arith.select %gt3A_645, %broadcast_in_dim3A_656, %select_n3A_635 : vector<16xi1>, vector<16xi32>
      %select_n3A_658 = arith.select %gt3A_644, %select_n3A_639, %select_n3A_657 : vector<16xi1>, vector<16xi32>
      %select_n3A_659 = arith.select %gt3A_644, %get3A_643, %select_n3A_636 : vector<16xi1>, vector<16xf32>
      %jit3A_660 = arith.constant 26 : i32
      %broadcast_in_dim3A_661 = vector.broadcast %jit3A_660 : i32 to vector<16xi32>
      %select_n3A_662 = arith.select %gt3A_644, %broadcast_in_dim3A_661, %select_n3A_639 : vector<16xi1>, vector<16xi32>
      %add3A_663 = arith.constant 432 : i32
      %add3A_664 = arith.addi %mul3A_35, %add3A_663 : i32
      %get3A_665 = arith.index_cast %add3A_664 : i32 to index
      %get3A_666 = tpu.vector_load %arg9[%get3A_665] {strides = array<i32>} : memref<106496xf32, #tpu.memory_space<vmem>>, vector<16xf32>,
      %gt3A_667 = arith.cmpf ogt, %get3A_666, %select_n3A_659 : vector<16xf32>
      %gt3A_668 = arith.cmpf ogt, %get3A_666, %select_n3A_654 : vector<16xf32>
      %gt3A_669 = arith.cmpf ogt, %get3A_666, %select_n3A_648 : vector<16xf32>
      %select_n3A_670 = arith.select %gt3A_669, %get3A_666, %select_n3A_648 : vector<16xi1>, vector<16xf32>
      %select_n3A_671 = arith.select %gt3A_668, %select_n3A_654, %select_n3A_670 : vector<16xi1>, vector<16xf32>
      %jit3A_672 = arith.constant 27 : i32
      %broadcast_in_dim3A_673 = vector.broadcast %jit3A_672 : i32 to vector<16xi32>
      %select_n3A_674 = arith.select %gt3A_669, %broadcast_in_dim3A_673, %select_n3A_652 : vector<16xi1>, vector<16xi32>
      %select_n3A_675 = arith.select %gt3A_668, %select_n3A_658, %select_n3A_674 : vector<16xi1>, vector<16xi32>
      %select_n3A_676 = arith.select %gt3A_668, %get3A_666, %select_n3A_654 : vector<16xi1>, vector<16xf32>
      %select_n3A_677 = arith.select %gt3A_667, %select_n3A_659, %select_n3A_676 : vector<16xi1>, vector<16xf32>
      %jit3A_678 = arith.constant 27 : i32
      %broadcast_in_dim3A_679 = vector.broadcast %jit3A_678 : i32 to vector<16xi32>
      %select_n3A_680 = arith.select %gt3A_668, %broadcast_in_dim3A_679, %select_n3A_658 : vector<16xi1>, vector<16xi32>
      %select_n3A_681 = arith.select %gt3A_667, %select_n3A_662, %select_n3A_680 : vector<16xi1>, vector<16xi32>
      %select_n3A_682 = arith.select %gt3A_667, %get3A_666, %select_n3A_659 : vector<16xi1>, vector<16xf32>
      %jit3A_683 = arith.constant 27 : i32
      %broadcast_in_dim3A_684 = vector.broadcast %jit3A_683 : i32 to vector<16xi32>
      %select_n3A_685 = arith.select %gt3A_667, %broadcast_in_dim3A_684, %select_n3A_662 : vector<16xi1>, vector<16xi32>
      %add3A_686 = arith.constant 448 : i32
      %add3A_687 = arith.addi %mul3A_35, %add3A_686 : i32
      %get3A_688 = arith.index_cast %add3A_687 : i32 to index
      %get3A_689 = tpu.vector_load %arg9[%get3A_688] {strides = array<i32>} : memref<106496xf32, #tpu.memory_space<vmem>>, vector<16xf32>,
      %gt3A_690 = arith.cmpf ogt, %get3A_689, %select_n3A_682 : vector<16xf32>
      %gt3A_691 = arith.cmpf ogt, %get3A_689, %select_n3A_677 : vector<16xf32>
      %gt3A_692 = arith.cmpf ogt, %get3A_689, %select_n3A_671 : vector<16xf32>
      %select_n3A_693 = arith.select %gt3A_692, %get3A_689, %select_n3A_671 : vector<16xi1>, vector<16xf32>
      %select_n3A_694 = arith.select %gt3A_691, %select_n3A_677, %select_n3A_693 : vector<16xi1>, vector<16xf32>
      %jit3A_695 = arith.constant 28 : i32
      %broadcast_in_dim3A_696 = vector.broadcast %jit3A_695 : i32 to vector<16xi32>
      %select_n3A_697 = arith.select %gt3A_692, %broadcast_in_dim3A_696, %select_n3A_675 : vector<16xi1>, vector<16xi32>
      %select_n3A_698 = arith.select %gt3A_691, %select_n3A_681, %select_n3A_697 : vector<16xi1>, vector<16xi32>
      %select_n3A_699 = arith.select %gt3A_691, %get3A_689, %select_n3A_677 : vector<16xi1>, vector<16xf32>
      %select_n3A_700 = arith.select %gt3A_690, %select_n3A_682, %select_n3A_699 : vector<16xi1>, vector<16xf32>
      %jit3A_701 = arith.constant 28 : i32
      %broadcast_in_dim3A_702 = vector.broadcast %jit3A_701 : i32 to vector<16xi32>
      %select_n3A_703 = arith.select %gt3A_691, %broadcast_in_dim3A_702, %select_n3A_681 : vector<16xi1>, vector<16xi32>
      %select_n3A_704 = arith.select %gt3A_690, %select_n3A_685, %select_n3A_703 : vector<16xi1>, vector<16xi32>
      %select_n3A_705 = arith.select %gt3A_690, %get3A_689, %select_n3A_682 : vector<16xi1>, vector<16xf32>
      %jit3A_706 = arith.constant 28 : i32
      %broadcast_in_dim3A_707 = vector.broadcast %jit3A_706 : i32 to vector<16xi32>
      %select_n3A_708 = arith.select %gt3A_690, %broadcast_in_dim3A_707, %select_n3A_685 : vector<16xi1>, vector<16xi32>
      %add3A_709 = arith.constant 464 : i32
      %add3A_710 = arith.addi %mul3A_35, %add3A_709 : i32
      %get3A_711 = arith.index_cast %add3A_710 : i32 to index
      %get3A_712 = tpu.vector_load %arg9[%get3A_711] {strides = array<i32>} : memref<106496xf32, #tpu.memory_space<vmem>>, vector<16xf32>,
      %gt3A_713 = arith.cmpf ogt, %get3A_712, %select_n3A_705 : vector<16xf32>
      %gt3A_714 = arith.cmpf ogt, %get3A_712, %select_n3A_700 : vector<16xf32>
      %gt3A_715 = arith.cmpf ogt, %get3A_712, %select_n3A_694 : vector<16xf32>
      %select_n3A_716 = arith.select %gt3A_715, %get3A_712, %select_n3A_694 : vector<16xi1>, vector<16xf32>
      %select_n3A_717 = arith.select %gt3A_714, %select_n3A_700, %select_n3A_716 : vector<16xi1>, vector<16xf32>
      %jit3A_718 = arith.constant 29 : i32
      %broadcast_in_dim3A_719 = vector.broadcast %jit3A_718 : i32 to vector<16xi32>
      %select_n3A_720 = arith.select %gt3A_715, %broadcast_in_dim3A_719, %select_n3A_698 : vector<16xi1>, vector<16xi32>
      %select_n3A_721 = arith.select %gt3A_714, %select_n3A_704, %select_n3A_720 : vector<16xi1>, vector<16xi32>
      %select_n3A_722 = arith.select %gt3A_714, %get3A_712, %select_n3A_700 : vector<16xi1>, vector<16xf32>
      %select_n3A_723 = arith.select %gt3A_713, %select_n3A_705, %select_n3A_722 : vector<16xi1>, vector<16xf32>
      %jit3A_724 = arith.constant 29 : i32
      %broadcast_in_dim3A_725 = vector.broadcast %jit3A_724 : i32 to vector<16xi32>
      %select_n3A_726 = arith.select %gt3A_714, %broadcast_in_dim3A_725, %select_n3A_704 : vector<16xi1>, vector<16xi32>
      %select_n3A_727 = arith.select %gt3A_713, %select_n3A_708, %select_n3A_726 : vector<16xi1>, vector<16xi32>
      %select_n3A_728 = arith.select %gt3A_713, %get3A_712, %select_n3A_705 : vector<16xi1>, vector<16xf32>
      %jit3A_729 = arith.constant 29 : i32
      %broadcast_in_dim3A_730 = vector.broadcast %jit3A_729 : i32 to vector<16xi32>
      %select_n3A_731 = arith.select %gt3A_713, %broadcast_in_dim3A_730, %select_n3A_708 : vector<16xi1>, vector<16xi32>
      %add3A_732 = arith.constant 480 : i32
      %add3A_733 = arith.addi %mul3A_35, %add3A_732 : i32
      %get3A_734 = arith.index_cast %add3A_733 : i32 to index
      %get3A_735 = tpu.vector_load %arg9[%get3A_734] {strides = array<i32>} : memref<106496xf32, #tpu.memory_space<vmem>>, vector<16xf32>,
      %gt3A_736 = arith.cmpf ogt, %get3A_735, %select_n3A_728 : vector<16xf32>
      %gt3A_737 = arith.cmpf ogt, %get3A_735, %select_n3A_723 : vector<16xf32>
      %gt3A_738 = arith.cmpf ogt, %get3A_735, %select_n3A_717 : vector<16xf32>
      %select_n3A_739 = arith.select %gt3A_738, %get3A_735, %select_n3A_717 : vector<16xi1>, vector<16xf32>
      %select_n3A_740 = arith.select %gt3A_737, %select_n3A_723, %select_n3A_739 : vector<16xi1>, vector<16xf32>
      %jit3A_741 = arith.constant 30 : i32
      %broadcast_in_dim3A_742 = vector.broadcast %jit3A_741 : i32 to vector<16xi32>
      %select_n3A_743 = arith.select %gt3A_738, %broadcast_in_dim3A_742, %select_n3A_721 : vector<16xi1>, vector<16xi32>
      %select_n3A_744 = arith.select %gt3A_737, %select_n3A_727, %select_n3A_743 : vector<16xi1>, vector<16xi32>
      %select_n3A_745 = arith.select %gt3A_737, %get3A_735, %select_n3A_723 : vector<16xi1>, vector<16xf32>
      %select_n3A_746 = arith.select %gt3A_736, %select_n3A_728, %select_n3A_745 : vector<16xi1>, vector<16xf32>
      %jit3A_747 = arith.constant 30 : i32
      %broadcast_in_dim3A_748 = vector.broadcast %jit3A_747 : i32 to vector<16xi32>
      %select_n3A_749 = arith.select %gt3A_737, %broadcast_in_dim3A_748, %select_n3A_727 : vector<16xi1>, vector<16xi32>
      %select_n3A_750 = arith.select %gt3A_736, %select_n3A_731, %select_n3A_749 : vector<16xi1>, vector<16xi32>
      %select_n3A_751 = arith.select %gt3A_736, %get3A_735, %select_n3A_728 : vector<16xi1>, vector<16xf32>
      %jit3A_752 = arith.constant 30 : i32
      %broadcast_in_dim3A_753 = vector.broadcast %jit3A_752 : i32 to vector<16xi32>
      %select_n3A_754 = arith.select %gt3A_736, %broadcast_in_dim3A_753, %select_n3A_731 : vector<16xi1>, vector<16xi32>
      %add3A_755 = arith.constant 496 : i32
      %add3A_756 = arith.addi %mul3A_35, %add3A_755 : i32
      %get3A_757 = arith.index_cast %add3A_756 : i32 to index
      %get3A_758 = tpu.vector_load %arg9[%get3A_757] {strides = array<i32>} : memref<106496xf32, #tpu.memory_space<vmem>>, vector<16xf32>,
      %gt3A_759 = arith.cmpf ogt, %get3A_758, %select_n3A_751 : vector<16xf32>
      %gt3A_760 = arith.cmpf ogt, %get3A_758, %select_n3A_746 : vector<16xf32>
      %gt3A_761 = arith.cmpf ogt, %get3A_758, %select_n3A_740 : vector<16xf32>
      %select_n3A_762 = arith.select %gt3A_761, %get3A_758, %select_n3A_740 : vector<16xi1>, vector<16xf32>
      %select_n3A_763 = arith.select %gt3A_760, %select_n3A_746, %select_n3A_762 : vector<16xi1>, vector<16xf32>
      %jit3A_764 = arith.constant 31 : i32
      %broadcast_in_dim3A_765 = vector.broadcast %jit3A_764 : i32 to vector<16xi32>
      %select_n3A_766 = arith.select %gt3A_761, %broadcast_in_dim3A_765, %select_n3A_744 : vector<16xi1>, vector<16xi32>
      %select_n3A_767 = arith.select %gt3A_760, %select_n3A_750, %select_n3A_766 : vector<16xi1>, vector<16xi32>
      %select_n3A_768 = arith.select %gt3A_760, %get3A_758, %select_n3A_746 : vector<16xi1>, vector<16xf32>
      %select_n3A_769 = arith.select %gt3A_759, %select_n3A_751, %select_n3A_768 : vector<16xi1>, vector<16xf32>
      %jit3A_770 = arith.constant 31 : i32
      %broadcast_in_dim3A_771 = vector.broadcast %jit3A_770 : i32 to vector<16xi32>
      %select_n3A_772 = arith.select %gt3A_760, %broadcast_in_dim3A_771, %select_n3A_750 : vector<16xi1>, vector<16xi32>
      %select_n3A_773 = arith.select %gt3A_759, %select_n3A_754, %select_n3A_772 : vector<16xi1>, vector<16xi32>
      %select_n3A_774 = arith.select %gt3A_759, %get3A_758, %select_n3A_751 : vector<16xi1>, vector<16xf32>
      %jit3A_775 = arith.constant 31 : i32
      %broadcast_in_dim3A_776 = vector.broadcast %jit3A_775 : i32 to vector<16xi32>
      %select_n3A_777 = arith.select %gt3A_759, %broadcast_in_dim3A_776, %select_n3A_754 : vector<16xi1>, vector<16xi32>
      %reduce_max3A = arith.constant true
      %reduce_max3A_778 = vector.broadcast %reduce_max3A : i1 to vector<16xi1>
      %reduce_max3A_779 = tpu.scan <max>, %select_n3A_774 masked %reduce_max3A_778 : vector<16xf32>, vector<16xi1> -> vector<16xf32>
      %reduce_max3A_780 = vector.extract %reduce_max3A_779[15] : f32 from vector<16xf32>
      %eq3A_781 = vector.broadcast %reduce_max3A_780 : f32 to vector<16xf32>
      %eq3A_782 = arith.cmpf oeq, %select_n3A_774, %eq3A_781 : vector<16xf32>
      %mul3A_783 = arith.constant 16 : i32
      %mul3A_784 = vector.broadcast %mul3A_783 : i32 to vector<16xi32>
      %mul3A_785 = arith.muli %select_n3A_777, %mul3A_784 : vector<16xi32>
      %add3A_786 = arith.addi %mul3A_785, %iota3A : vector<16xi32>
      %jit3A_787 = arith.constant 512 : i32
      %broadcast_in_dim3A_788 = vector.broadcast %jit3A_787 : i32 to vector<16xi32>
      %select_n3A_789 = arith.select %eq3A_782, %add3A_786, %broadcast_in_dim3A_788 : vector<16xi1>, vector<16xi32>
      %reduce_min3A = arith.constant true
      %reduce_min3A_790 = vector.broadcast %reduce_min3A : i1 to vector<16xi1>
      %reduce_min3A_791 = arith.constant -2147483648 : i32
      %reduce_min3A_792 = vector.broadcast %reduce_min3A_791 : i32 to vector<16xi32>
      %reduce_min3A_793 = arith.xori %select_n3A_789, %reduce_min3A_792 : vector<16xi32>
      %reduce_min3A_794 = tpu.scan <min>, %reduce_min3A_793 masked %reduce_min3A_790 : vector<16xi32>, vector<16xi1> -> vector<16xi32>
      %reduce_min3A_795 = arith.xori %reduce_min3A_794, %reduce_min3A_792 : vector<16xi32>
      %reduce_min3A_796 = vector.extract %reduce_min3A_795[15] : i32 from vector<16xi32>
      %and3A = arith.constant 15 : i32
      %and3A_797 = arith.andi %reduce_min3A_796, %and3A : i32
      %eq3A_798 = vector.broadcast %and3A_797 : i32 to vector<16xi32>
      %eq3A_799 = arith.cmpi eq, %iota3A, %eq3A_798 : vector<16xi32>
      %select_n3A_800 = arith.select %eq3A_799, %select_n3A_769, %select_n3A_774 : vector<16xi1>, vector<16xf32>
      %select_n3A_801 = arith.select %eq3A_799, %select_n3A_773, %select_n3A_777 : vector<16xi1>, vector<16xi32>
      %select_n3A_802 = arith.select %eq3A_799, %select_n3A_763, %select_n3A_769 : vector<16xi1>, vector<16xf32>
      %select_n3A_803 = arith.select %eq3A_799, %select_n3A_767, %select_n3A_773 : vector<16xi1>, vector<16xi32>
      %reduce_max3A_804 = arith.constant true
      %reduce_max3A_805 = vector.broadcast %reduce_max3A_804 : i1 to vector<16xi1>
      %reduce_max3A_806 = tpu.scan <max>, %select_n3A_800 masked %reduce_max3A_805 : vector<16xf32>, vector<16xi1> -> vector<16xf32>
      %reduce_max3A_807 = vector.extract %reduce_max3A_806[15] : f32 from vector<16xf32>
      %eq3A_808 = vector.broadcast %reduce_max3A_807 : f32 to vector<16xf32>
      %eq3A_809 = arith.cmpf oeq, %select_n3A_800, %eq3A_808 : vector<16xf32>
      %mul3A_810 = arith.constant 16 : i32
      %mul3A_811 = vector.broadcast %mul3A_810 : i32 to vector<16xi32>
      %mul3A_812 = arith.muli %select_n3A_801, %mul3A_811 : vector<16xi32>
      %add3A_813 = arith.addi %mul3A_812, %iota3A : vector<16xi32>
      %jit3A_814 = arith.constant 512 : i32
      %broadcast_in_dim3A_815 = vector.broadcast %jit3A_814 : i32 to vector<16xi32>
      %select_n3A_816 = arith.select %eq3A_809, %add3A_813, %broadcast_in_dim3A_815 : vector<16xi1>, vector<16xi32>
      %reduce_min3A_817 = arith.constant true
      %reduce_min3A_818 = vector.broadcast %reduce_min3A_817 : i1 to vector<16xi1>
      %reduce_min3A_819 = arith.constant -2147483648 : i32
      %reduce_min3A_820 = vector.broadcast %reduce_min3A_819 : i32 to vector<16xi32>
      %reduce_min3A_821 = arith.xori %select_n3A_816, %reduce_min3A_820 : vector<16xi32>
      %reduce_min3A_822 = tpu.scan <min>, %reduce_min3A_821 masked %reduce_min3A_818 : vector<16xi32>, vector<16xi1> -> vector<16xi32>
      %reduce_min3A_823 = arith.xori %reduce_min3A_822, %reduce_min3A_820 : vector<16xi32>
      %reduce_min3A_824 = vector.extract %reduce_min3A_823[15] : i32 from vector<16xi32>
      %and3A_825 = arith.constant 15 : i32
      %and3A_826 = arith.andi %reduce_min3A_824, %and3A_825 : i32
      %eq3A_827 = vector.broadcast %and3A_826 : i32 to vector<16xi32>
      %eq3A_828 = arith.cmpi eq, %iota3A, %eq3A_827 : vector<16xi32>
      %select_n3A_829 = arith.select %eq3A_828, %select_n3A_802, %select_n3A_800 : vector<16xi1>, vector<16xf32>
      %select_n3A_830 = arith.select %eq3A_828, %select_n3A_803, %select_n3A_801 : vector<16xi1>, vector<16xi32>
      %reduce_max3A_831 = arith.constant true
      %reduce_max3A_832 = vector.broadcast %reduce_max3A_831 : i1 to vector<16xi1>
      %reduce_max3A_833 = tpu.scan <max>, %select_n3A_829 masked %reduce_max3A_832 : vector<16xf32>, vector<16xi1> -> vector<16xf32>
      %reduce_max3A_834 = vector.extract %reduce_max3A_833[15] : f32 from vector<16xf32>
      %eq3A_835 = vector.broadcast %reduce_max3A_834 : f32 to vector<16xf32>
      %eq3A_836 = arith.cmpf oeq, %select_n3A_829, %eq3A_835 : vector<16xf32>
      %mul3A_837 = arith.constant 16 : i32
      %mul3A_838 = vector.broadcast %mul3A_837 : i32 to vector<16xi32>
      %mul3A_839 = arith.muli %select_n3A_830, %mul3A_838 : vector<16xi32>
      %add3A_840 = arith.addi %mul3A_839, %iota3A : vector<16xi32>
      %jit3A_841 = arith.constant 512 : i32
      %broadcast_in_dim3A_842 = vector.broadcast %jit3A_841 : i32 to vector<16xi32>
      %select_n3A_843 = arith.select %eq3A_836, %add3A_840, %broadcast_in_dim3A_842 : vector<16xi1>, vector<16xi32>
      %reduce_min3A_844 = arith.constant true
      %reduce_min3A_845 = vector.broadcast %reduce_min3A_844 : i1 to vector<16xi1>
      %reduce_min3A_846 = arith.constant -2147483648 : i32
      %reduce_min3A_847 = vector.broadcast %reduce_min3A_846 : i32 to vector<16xi32>
      %reduce_min3A_848 = arith.xori %select_n3A_843, %reduce_min3A_847 : vector<16xi32>
      %reduce_min3A_849 = tpu.scan <min>, %reduce_min3A_848 masked %reduce_min3A_845 : vector<16xi32>, vector<16xi1> -> vector<16xi32>
      %reduce_min3A_850 = arith.xori %reduce_min3A_849, %reduce_min3A_847 : vector<16xi32>
      %reduce_min3A_851 = vector.extract %reduce_min3A_850[15] : i32 from vector<16xi32>
      %jit3A_852 = arith.constant 16 : i32
      %div3A = arith.divsi %scan3A_33, %jit3A_852 : i32
      %sign3A = arith.constant 0 : i32
      %sign3A_853 = arith.cmpi sgt, %scan3A_33, %sign3A : i32
      %sign3A_854 = arith.extui %sign3A_853 : i1 to i32
      %sign3A_855 = arith.constant 0 : i32
      %sign3A_856 = arith.cmpi slt, %scan3A_33, %sign3A_855 : i32
      %sign3A_857 = arith.extui %sign3A_856 : i1 to i32
      %sign3A_858 = arith.subi %sign3A_854, %sign3A_857 : i32
      %sign3A_859 = arith.constant 0 : i32
      %sign3A_860 = arith.cmpi sgt, %jit3A_852, %sign3A_859 : i32
      %sign3A_861 = arith.extui %sign3A_860 : i1 to i32
      %sign3A_862 = arith.constant 0 : i32
      %sign3A_863 = arith.cmpi slt, %jit3A_852, %sign3A_862 : i32
      %sign3A_864 = arith.extui %sign3A_863 : i1 to i32
      %sign3A_865 = arith.subi %sign3A_861, %sign3A_864 : i32
      %ne3A = arith.cmpi ne, %sign3A_858, %sign3A_865 : i32
      %rem3A = arith.remsi %scan3A_33, %jit3A_852 : i32
      %ne3A_866 = arith.constant 0 : i32
      %ne3A_867 = arith.cmpi ne, %rem3A, %ne3A_866 : i32
      %and3A_868 = arith.andi %ne3A, %ne3A_867 : i1
      %sub3A = arith.constant 1 : i32
      %sub3A_869 = arith.subi %div3A, %sub3A : i32
      %select_n3A_870 = arith.select %and3A_868, %sub3A_869, %div3A : i32
      %mul3A_871 = arith.constant 16 : i32
      %mul3A_872 = arith.muli %select_n3A_870, %mul3A_871 : i32
      %get3A_873 = arith.index_cast %mul3A_872 : i32 to index
      %get3A_874 = tpu.vector_load %arg16[%get3A_873] {strides = array<i32>} : memref<32xf32, #tpu.memory_space<vmem>>, vector<16xf32>,
      %sub3A_875 = arith.subi %scan3A_33, %mul3A_872 : i32
      %eq3A_876 = vector.broadcast %sub3A_875 : i32 to vector<16xi32>
      %eq3A_877 = arith.cmpi eq, %iota3A, %eq3A_876 : vector<16xi32>
      %broadcast_in_dim3A_878 = vector.broadcast %reduce_max3A_780 : f32 to vector<16xf32>
      %select_n3A_879 = arith.select %eq3A_877, %broadcast_in_dim3A_878, %get3A_874 : vector<16xi1>, vector<16xf32>
      %swap3A = arith.index_cast %mul3A_872 : i32 to index
      %swap3A_880 = tpu.vector_load %arg16[%swap3A] {strides = array<i32>} : memref<32xf32, #tpu.memory_space<vmem>>, vector<16xf32>,
      tpu.vector_store %arg16[%swap3A], %select_n3A_879 {strides = array<i32>} : memref<32xf32, #tpu.memory_space<vmem>>, vector<16xf32>,
      %shift_left3A = arith.constant 9 : i32
      %shift_left3A_881 = arith.shli %reduce_min3A_824, %shift_left3A : i32
      %or3A = arith.ori %reduce_min3A_796, %shift_left3A_881 : i32
      %shift_left3A_882 = arith.constant 18 : i32
      %shift_left3A_883 = arith.shli %reduce_min3A_851, %shift_left3A_882 : i32
      %or3A_884 = arith.ori %or3A, %shift_left3A_883 : i32
      %jit3A_885 = arith.constant 16 : i32
      %div3A_886 = arith.divsi %scan3A_33, %jit3A_885 : i32
      %sign3A_887 = arith.constant 0 : i32
      %sign3A_888 = arith.cmpi sgt, %scan3A_33, %sign3A_887 : i32
      %sign3A_889 = arith.extui %sign3A_888 : i1 to i32
      %sign3A_890 = arith.constant 0 : i32
      %sign3A_891 = arith.cmpi slt, %scan3A_33, %sign3A_890 : i32
      %sign3A_892 = arith.extui %sign3A_891 : i1 to i32
      %sign3A_893 = arith.subi %sign3A_889, %sign3A_892 : i32
      %sign3A_894 = arith.constant 0 : i32
      %sign3A_895 = arith.cmpi sgt, %jit3A_885, %sign3A_894 : i32
      %sign3A_896 = arith.extui %sign3A_895 : i1 to i32
      %sign3A_897 = arith.constant 0 : i32
      %sign3A_898 = arith.cmpi slt, %jit3A_885, %sign3A_897 : i32
      %sign3A_899 = arith.extui %sign3A_898 : i1 to i32
      %sign3A_900 = arith.subi %sign3A_896, %sign3A_899 : i32
      %ne3A_901 = arith.cmpi ne, %sign3A_893, %sign3A_900 : i32
      %rem3A_902 = arith.remsi %scan3A_33, %jit3A_885 : i32
      %ne3A_903 = arith.constant 0 : i32
      %ne3A_904 = arith.cmpi ne, %rem3A_902, %ne3A_903 : i32
      %and3A_905 = arith.andi %ne3A_901, %ne3A_904 : i1
      %sub3A_906 = arith.constant 1 : i32
      %sub3A_907 = arith.subi %div3A_886, %sub3A_906 : i32
      %select_n3A_908 = arith.select %and3A_905, %sub3A_907, %div3A_886 : i32
      %mul3A_909 = arith.constant 16 : i32
      %mul3A_910 = arith.muli %select_n3A_908, %mul3A_909 : i32
      %get3A_911 = arith.index_cast %mul3A_910 : i32 to index
      %get3A_912 = tpu.vector_load %arg17[%get3A_911] {strides = array<i32>} : memref<32xi32, #tpu.memory_space<vmem>>, vector<16xi32>,
      %sub3A_913 = arith.subi %scan3A_33, %mul3A_910 : i32
      %eq3A_914 = vector.broadcast %sub3A_913 : i32 to vector<16xi32>
      %eq3A_915 = arith.cmpi eq, %iota3A, %eq3A_914 : vector<16xi32>
      %broadcast_in_dim3A_916 = vector.broadcast %or3A_884 : i32 to vector<16xi32>
      %select_n3A_917 = arith.select %eq3A_915, %broadcast_in_dim3A_916, %get3A_912 : vector<16xi1>, vector<16xi32>
      %swap3A_918 = arith.index_cast %mul3A_910 : i32 to index
      %swap3A_919 = tpu.vector_load %arg17[%swap3A_918] {strides = array<i32>} : memref<32xi32, #tpu.memory_space<vmem>>, vector<16xi32>,
      tpu.vector_store %arg17[%swap3A_918], %select_n3A_917 {strides = array<i32>} : memref<32xi32, #tpu.memory_space<vmem>>, vector<16xi32>,
      %jit3A_920 = arith.constant 16 : i32
      %div3A_921 = arith.divsi %scan3A_33, %jit3A_920 : i32
      %sign3A_922 = arith.constant 0 : i32
      %sign3A_923 = arith.cmpi sgt, %scan3A_33, %sign3A_922 : i32
      %sign3A_924 = arith.extui %sign3A_923 : i1 to i32
      %sign3A_925 = arith.constant 0 : i32
      %sign3A_926 = arith.cmpi slt, %scan3A_33, %sign3A_925 : i32
      %sign3A_927 = arith.extui %sign3A_926 : i1 to i32
      %sign3A_928 = arith.subi %sign3A_924, %sign3A_927 : i32
      %sign3A_929 = arith.constant 0 : i32
      %sign3A_930 = arith.cmpi sgt, %jit3A_920, %sign3A_929 : i32
      %sign3A_931 = arith.extui %sign3A_930 : i1 to i32
      %sign3A_932 = arith.constant 0 : i32
      %sign3A_933 = arith.cmpi slt, %jit3A_920, %sign3A_932 : i32
      %sign3A_934 = arith.extui %sign3A_933 : i1 to i32
      %sign3A_935 = arith.subi %sign3A_931, %sign3A_934 : i32
      %ne3A_936 = arith.cmpi ne, %sign3A_928, %sign3A_935 : i32
      %rem3A_937 = arith.remsi %scan3A_33, %jit3A_920 : i32
      %ne3A_938 = arith.constant 0 : i32
      %ne3A_939 = arith.cmpi ne, %rem3A_937, %ne3A_938 : i32
      %and3A_940 = arith.andi %ne3A_936, %ne3A_939 : i1
      %sub3A_941 = arith.constant 1 : i32
      %sub3A_942 = arith.subi %div3A_921, %sub3A_941 : i32
      %select_n3A_943 = arith.select %and3A_940, %sub3A_942, %div3A_921 : i32
      %mul3A_944 = arith.constant 16 : i32
      %mul3A_945 = arith.muli %select_n3A_943, %mul3A_944 : i32
      %get3A_946 = arith.index_cast %mul3A_945 : i32 to index
      %get3A_947 = tpu.vector_load %arg18[%get3A_946] {strides = array<i32>} : memref<32xf32, #tpu.memory_space<vmem>>, vector<16xf32>,
      %sub3A_948 = arith.subi %scan3A_33, %mul3A_945 : i32
      %eq3A_949 = vector.broadcast %sub3A_948 : i32 to vector<16xi32>
      %eq3A_950 = arith.cmpi eq, %iota3A, %eq3A_949 : vector<16xi32>
      %broadcast_in_dim3A_951 = vector.broadcast %reduce_max3A_807 : f32 to vector<16xf32>
      %select_n3A_952 = arith.select %eq3A_950, %broadcast_in_dim3A_951, %get3A_947 : vector<16xi1>, vector<16xf32>
      %swap3A_953 = arith.index_cast %mul3A_945 : i32 to index
      %swap3A_954 = tpu.vector_load %arg18[%swap3A_953] {strides = array<i32>} : memref<32xf32, #tpu.memory_space<vmem>>, vector<16xf32>,
      tpu.vector_store %arg18[%swap3A_953], %select_n3A_952 {strides = array<i32>} : memref<32xf32, #tpu.memory_space<vmem>>, vector<16xf32>,
      %jit3A_955 = arith.constant 16 : i32
      %div3A_956 = arith.divsi %scan3A_33, %jit3A_955 : i32
      %sign3A_957 = arith.constant 0 : i32
      %sign3A_958 = arith.cmpi sgt, %scan3A_33, %sign3A_957 : i32
      %sign3A_959 = arith.extui %sign3A_958 : i1 to i32
      %sign3A_960 = arith.constant 0 : i32
      %sign3A_961 = arith.cmpi slt, %scan3A_33, %sign3A_960 : i32
      %sign3A_962 = arith.extui %sign3A_961 : i1 to i32
      %sign3A_963 = arith.subi %sign3A_959, %sign3A_962 : i32
      %sign3A_964 = arith.constant 0 : i32
      %sign3A_965 = arith.cmpi sgt, %jit3A_955, %sign3A_964 : i32
      %sign3A_966 = arith.extui %sign3A_965 : i1 to i32
      %sign3A_967 = arith.constant 0 : i32
      %sign3A_968 = arith.cmpi slt, %jit3A_955, %sign3A_967 : i32
      %sign3A_969 = arith.extui %sign3A_968 : i1 to i32
      %sign3A_970 = arith.subi %sign3A_966, %sign3A_969 : i32
      %ne3A_971 = arith.cmpi ne, %sign3A_963, %sign3A_970 : i32
      %rem3A_972 = arith.remsi %scan3A_33, %jit3A_955 : i32
      %ne3A_973 = arith.constant 0 : i32
      %ne3A_974 = arith.cmpi ne, %rem3A_972, %ne3A_973 : i32
      %and3A_975 = arith.andi %ne3A_971, %ne3A_974 : i1
      %sub3A_976 = arith.constant 1 : i32
      %sub3A_977 = arith.subi %div3A_956, %sub3A_976 : i32
      %select_n3A_978 = arith.select %and3A_975, %sub3A_977, %div3A_956 : i32
      %mul3A_979 = arith.constant 16 : i32
      %mul3A_980 = arith.muli %select_n3A_978, %mul3A_979 : i32
      %get3A_981 = arith.index_cast %mul3A_980 : i32 to index
      %get3A_982 = tpu.vector_load %arg19[%get3A_981] {strides = array<i32>} : memref<32xf32, #tpu.memory_space<vmem>>, vector<16xf32>,
      %sub3A_983 = arith.subi %scan3A_33, %mul3A_980 : i32
      %eq3A_984 = vector.broadcast %sub3A_983 : i32 to vector<16xi32>
      %eq3A_985 = arith.cmpi eq, %iota3A, %eq3A_984 : vector<16xi32>
      %broadcast_in_dim3A_986 = vector.broadcast %reduce_max3A_834 : f32 to vector<16xf32>
      %select_n3A_987 = arith.select %eq3A_985, %broadcast_in_dim3A_986, %get3A_982 : vector<16xi1>, vector<16xf32>
      %swap3A_988 = arith.index_cast %mul3A_980 : i32 to index
      %swap3A_989 = tpu.vector_load %arg19[%swap3A_988] {strides = array<i32>} : memref<32xf32, #tpu.memory_space<vmem>>, vector<16xf32>,
      tpu.vector_store %arg19[%swap3A_988], %select_n3A_987 {strides = array<i32>} : memref<32xf32, #tpu.memory_space<vmem>>, vector<16xf32>,
    }
    %scan3A_25 = arith.constant 32 : i32
    "tpu.region"() ({
      %run_scoped3A = tpu.sem_alloc : memref<!tpu.dma_semaphore, #tpu.memory_space<semaphore_mem>>
      %dma_start3A_33 = tpu.memref_slice %arg5[%mul3A_0] : memref<512xf32, #tpu.memory_space<vmem_shared>> -> memref<32xf32, #tpu.memory_space<vmem_shared>>
      %dma_start3A_34 = tpu.memref_slice %arg5[%mul3A_0] : memref<512xf32, #tpu.memory_space<vmem_shared>> -> memref<32xf32, #tpu.memory_space<vmem_shared>>
      tpu.enqueue_dma source(%arg16 : memref<32xf32, #tpu.memory_space<vmem>>) target(%dma_start3A_34 : memref<32xf32, #tpu.memory_space<vmem_shared>>) target_semaphore(%run_scoped3A : memref<!tpu.dma_semaphore, #tpu.memory_space<semaphore_mem>>)
      %dma_wait3A_35 = tpu.memref_slice %arg5[%mul3A_0] : memref<512xf32, #tpu.memory_space<vmem_shared>> -> memref<32xf32, #tpu.memory_space<vmem_shared>>
      %dma_wait3A_36 = tpu.memref_slice %arg5[%mul3A_0] : memref<512xf32, #tpu.memory_space<vmem_shared>> -> memref<32xf32, #tpu.memory_space<vmem_shared>>
      tpu.wait_dma2 semaphore(%run_scoped3A : memref<!tpu.dma_semaphore, #tpu.memory_space<semaphore_mem>>) src(%arg16 : memref<32xf32, #tpu.memory_space<vmem>>) dst(%dma_wait3A_36 : memref<32xf32, #tpu.memory_space<vmem_shared>>)
      tpu.yield
    }) : () -> ()
    "tpu.region"() ({
      %run_scoped3A = tpu.sem_alloc : memref<!tpu.dma_semaphore, #tpu.memory_space<semaphore_mem>>
      %dma_start3A_33 = tpu.memref_slice %arg6[%mul3A_0] : memref<512xi32, #tpu.memory_space<vmem_shared>> -> memref<32xi32, #tpu.memory_space<vmem_shared>>
      %dma_start3A_34 = tpu.memref_slice %arg6[%mul3A_0] : memref<512xi32, #tpu.memory_space<vmem_shared>> -> memref<32xi32, #tpu.memory_space<vmem_shared>>
      tpu.enqueue_dma source(%arg17 : memref<32xi32, #tpu.memory_space<vmem>>) target(%dma_start3A_34 : memref<32xi32, #tpu.memory_space<vmem_shared>>) target_semaphore(%run_scoped3A : memref<!tpu.dma_semaphore, #tpu.memory_space<semaphore_mem>>)
      %dma_wait3A_35 = tpu.memref_slice %arg6[%mul3A_0] : memref<512xi32, #tpu.memory_space<vmem_shared>> -> memref<32xi32, #tpu.memory_space<vmem_shared>>
      %dma_wait3A_36 = tpu.memref_slice %arg6[%mul3A_0] : memref<512xi32, #tpu.memory_space<vmem_shared>> -> memref<32xi32, #tpu.memory_space<vmem_shared>>
      tpu.wait_dma2 semaphore(%run_scoped3A : memref<!tpu.dma_semaphore, #tpu.memory_space<semaphore_mem>>) src(%arg17 : memref<32xi32, #tpu.memory_space<vmem>>) dst(%dma_wait3A_36 : memref<32xi32, #tpu.memory_space<vmem_shared>>)
      tpu.yield
    }) : () -> ()
    "tpu.region"() ({
      %run_scoped3A = tpu.sem_alloc : memref<!tpu.dma_semaphore, #tpu.memory_space<semaphore_mem>>
      %dma_start3A_33 = tpu.memref_slice %arg7[%mul3A_0] : memref<512xf32, #tpu.memory_space<vmem_shared>> -> memref<32xf32, #tpu.memory_space<vmem_shared>>
      %dma_start3A_34 = tpu.memref_slice %arg7[%mul3A_0] : memref<512xf32, #tpu.memory_space<vmem_shared>> -> memref<32xf32, #tpu.memory_space<vmem_shared>>
      tpu.enqueue_dma source(%arg18 : memref<32xf32, #tpu.memory_space<vmem>>) target(%dma_start3A_34 : memref<32xf32, #tpu.memory_space<vmem_shared>>) target_semaphore(%run_scoped3A : memref<!tpu.dma_semaphore, #tpu.memory_space<semaphore_mem>>)
      %dma_wait3A_35 = tpu.memref_slice %arg7[%mul3A_0] : memref<512xf32, #tpu.memory_space<vmem_shared>> -> memref<32xf32, #tpu.memory_space<vmem_shared>>
      %dma_wait3A_36 = tpu.memref_slice %arg7[%mul3A_0] : memref<512xf32, #tpu.memory_space<vmem_shared>> -> memref<32xf32, #tpu.memory_space<vmem_shared>>
      tpu.wait_dma2 semaphore(%run_scoped3A : memref<!tpu.dma_semaphore, #tpu.memory_space<semaphore_mem>>) src(%arg18 : memref<32xf32, #tpu.memory_space<vmem>>) dst(%dma_wait3A_36 : memref<32xf32, #tpu.memory_space<vmem_shared>>)
      tpu.yield
    }) : () -> ()
    "tpu.region"() ({
      %run_scoped3A = tpu.sem_alloc : memref<!tpu.dma_semaphore, #tpu.memory_space<semaphore_mem>>
      %dma_start3A_33 = tpu.memref_slice %arg8[%mul3A_0] : memref<512xf32, #tpu.memory_space<vmem_shared>> -> memref<32xf32, #tpu.memory_space<vmem_shared>>
      %dma_start3A_34 = tpu.memref_slice %arg8[%mul3A_0] : memref<512xf32, #tpu.memory_space<vmem_shared>> -> memref<32xf32, #tpu.memory_space<vmem_shared>>
      tpu.enqueue_dma source(%arg19 : memref<32xf32, #tpu.memory_space<vmem>>) target(%dma_start3A_34 : memref<32xf32, #tpu.memory_space<vmem_shared>>) target_semaphore(%run_scoped3A : memref<!tpu.dma_semaphore, #tpu.memory_space<semaphore_mem>>)
      %dma_wait3A_35 = tpu.memref_slice %arg8[%mul3A_0] : memref<512xf32, #tpu.memory_space<vmem_shared>> -> memref<32xf32, #tpu.memory_space<vmem_shared>>
      %dma_wait3A_36 = tpu.memref_slice %arg8[%mul3A_0] : memref<512xf32, #tpu.memory_space<vmem_shared>> -> memref<32xf32, #tpu.memory_space<vmem_shared>>
      tpu.wait_dma2 semaphore(%run_scoped3A : memref<!tpu.dma_semaphore, #tpu.memory_space<semaphore_mem>>) src(%arg19 : memref<32xf32, #tpu.memory_space<vmem>>) dst(%dma_wait3A_36 : memref<32xf32, #tpu.memory_space<vmem_shared>>)
      tpu.yield
    }) : () -> ()
    %dma_wait3A_26 = tpu.memref_slice %arg4[%mul3A_11] : memref<262144xf32, #tpu.memory_space<vmem_shared>> -> memref<16384xf32, #tpu.memory_space<vmem_shared>>
    %dma_wait3A_27 = tpu.memref_slice %arg2[%mul3A_9] : memref<262144xf32, #tpu.memory_space<hbm>> -> memref<16384xf32, #tpu.memory_space<hbm>>
    tpu.wait_dma2 semaphore(%arg25 : memref<!tpu.dma_semaphore, #tpu.memory_space<semaphore_mem>>) src(%dma_wait3A_27 : memref<16384xf32, #tpu.memory_space<hbm>>) dst(%dma_wait3A_26 : memref<16384xf32, #tpu.memory_space<vmem_shared>>)
    %barrier3A = arith.constant 0 : index
    tpu.barrier barrier_id(%barrier3A)
    %eq3A_28 = arith.constant 0 : i32
    %eq3A_29 = arith.cmpi eq, %arg1, %eq3A_28 : i32
    %convert_element_type3A_30 = arith.extui %eq3A_29 : i1 to i32
    %cond3A_31 = arith.constant 0 : i32
    %cond3A_32 = arith.cmpi ne, %convert_element_type3A_30, %cond3A_31 : i32
    scf.if %cond3A_32 {
      %dma_wait3A_33 = arith.constant 16384 : i32
      %dma_wait3A_34 = tpu.memref_slice %arg9[%dma_wait3A_33] : memref<106496xf32, #tpu.memory_space<vmem>> -> memref<90112xf32, #tpu.memory_space<vmem>>
      %dma_wait3A_35 = arith.constant 16384 : i32
      %dma_wait3A_36 = tpu.memref_slice %arg2[%dma_wait3A_35] : memref<262144xf32, #tpu.memory_space<hbm>> -> memref<90112xf32, #tpu.memory_space<hbm>>
      %dma_wait3A_37 = arith.constant 16384 : i32
      %dma_wait3A_38 = tpu.memref_slice %arg9[%dma_wait3A_37] : memref<106496xf32, #tpu.memory_space<vmem>> -> memref<90112xf32, #tpu.memory_space<vmem>>
      %dma_wait3A_39 = arith.constant 16384 : i32
      %dma_wait3A_40 = tpu.memref_slice %arg2[%dma_wait3A_39] : memref<262144xf32, #tpu.memory_space<hbm>> -> memref<90112xf32, #tpu.memory_space<hbm>>
      tpu.wait_dma2 semaphore(%arg26 : memref<!tpu.dma_semaphore, #tpu.memory_space<semaphore_mem>>) src(%dma_wait3A_40 : memref<90112xf32, #tpu.memory_space<hbm>>) dst(%dma_wait3A_38 : memref<90112xf32, #tpu.memory_space<vmem>>)
      "tpu.region"() ({
        %run_scoped3A = tpu.sem_alloc : memref<!tpu.dma_semaphore, #tpu.memory_space<semaphore_mem>>
        tpu.enqueue_dma source(%arg5 : memref<512xf32, #tpu.memory_space<vmem_shared>>) target(%arg10 : memref<512xf32, #tpu.memory_space<vmem>>) target_semaphore(%run_scoped3A : memref<!tpu.dma_semaphore, #tpu.memory_space<semaphore_mem>>)
        tpu.wait_dma2 semaphore(%run_scoped3A : memref<!tpu.dma_semaphore, #tpu.memory_space<semaphore_mem>>) src(%arg5 : memref<512xf32, #tpu.memory_space<vmem_shared>>) dst(%arg10 : memref<512xf32, #tpu.memory_space<vmem>>)
        tpu.yield
      }) : () -> ()
      "tpu.region"() ({
        %run_scoped3A = tpu.sem_alloc : memref<!tpu.dma_semaphore, #tpu.memory_space<semaphore_mem>>
        tpu.enqueue_dma source(%arg6 : memref<512xi32, #tpu.memory_space<vmem_shared>>) target(%arg11 : memref<512xi32, #tpu.memory_space<vmem>>) target_semaphore(%run_scoped3A : memref<!tpu.dma_semaphore, #tpu.memory_space<semaphore_mem>>)
        tpu.wait_dma2 semaphore(%run_scoped3A : memref<!tpu.dma_semaphore, #tpu.memory_space<semaphore_mem>>) src(%arg6 : memref<512xi32, #tpu.memory_space<vmem_shared>>) dst(%arg11 : memref<512xi32, #tpu.memory_space<vmem>>)
        tpu.yield
      }) : () -> ()
      "tpu.region"() ({
        %run_scoped3A = tpu.sem_alloc : memref<!tpu.dma_semaphore, #tpu.memory_space<semaphore_mem>>
        tpu.enqueue_dma source(%arg7 : memref<512xf32, #tpu.memory_space<vmem_shared>>) target(%arg12 : memref<512xf32, #tpu.memory_space<vmem>>) target_semaphore(%run_scoped3A : memref<!tpu.dma_semaphore, #tpu.memory_space<semaphore_mem>>)
        tpu.wait_dma2 semaphore(%run_scoped3A : memref<!tpu.dma_semaphore, #tpu.memory_space<semaphore_mem>>) src(%arg7 : memref<512xf32, #tpu.memory_space<vmem_shared>>) dst(%arg12 : memref<512xf32, #tpu.memory_space<vmem>>)
        tpu.yield
      }) : () -> ()
      "tpu.region"() ({
        %run_scoped3A = tpu.sem_alloc : memref<!tpu.dma_semaphore, #tpu.memory_space<semaphore_mem>>
        tpu.enqueue_dma source(%arg8 : memref<512xf32, #tpu.memory_space<vmem_shared>>) target(%arg13 : memref<512xf32, #tpu.memory_space<vmem>>) target_semaphore(%run_scoped3A : memref<!tpu.dma_semaphore, #tpu.memory_space<semaphore_mem>>)
        tpu.wait_dma2 semaphore(%run_scoped3A : memref<!tpu.dma_semaphore, #tpu.memory_space<semaphore_mem>>) src(%arg8 : memref<512xf32, #tpu.memory_space<vmem_shared>>) dst(%arg13 : memref<512xf32, #tpu.memory_space<vmem>>)
        tpu.yield
      }) : () -> ()
      %scan3A_41 = arith.constant 0 : i32
      %scan3A_42 = arith.constant 0 : i32
      %scan3A_43 = arith.constant 32 : i32
      %scan3A_44 = arith.addi %scan3A_42, %scan3A_43 : i32
      %scan3A_45 = arith.constant 1 : i32
      scf.for %scan3A_542 = %scan3A_42 to %scan3A_44 step %scan3A_45  : i32 {
        %mul3A_543 = arith.constant 16 : i32
        %mul3A_544 = arith.muli %scan3A_542, %mul3A_543 : i32
        %get3A_545 = arith.index_cast %mul3A_544 : i32 to index
        %get3A_546 = tpu.vector_load %arg11[%get3A_545] {strides = array<i32>} : memref<512xi32, #tpu.memory_space<vmem>>, vector<16xi32>,
        %mul3A_547 = arith.constant 16 : i32
        %mul3A_548 = arith.muli %scan3A_542, %mul3A_547 : i32
        %get3A_549 = arith.index_cast %mul3A_548 : i32 to index
        %get3A_550 = tpu.vector_load %arg12[%get3A_549] {strides = array<i32>} : memref<512xf32, #tpu.memory_space<vmem>>, vector<16xf32>,
        %slice3A = vector.extract_strided_slice %get3A_546 {offsets = [0], sizes = [1], strides = [1]} : vector<16xi32> to vector<1xi32>
        %squeeze3A = vector.extract %slice3A[0] : i32 from vector<1xi32>
        %mul3A_551 = arith.constant 16 : i32
        %mul3A_552 = arith.muli %scan3A_542, %mul3A_551 : i32
        %add3A = arith.constant 0 : i32
        %add3A_553 = arith.addi %mul3A_552, %add3A : i32
        %swap3A_554 = arith.index_cast %add3A_553 : i32 to index
        %swap3A_555 = memref.load %arg21[%swap3A_554] : memref<512xi32, #tpu.memory_space<smem>>
        memref.store %squeeze3A, %arg21[%swap3A_554] : memref<512xi32, #tpu.memory_space<smem>>
        %slice3A_556 = vector.extract_strided_slice %get3A_550 {offsets = [0], sizes = [1], strides = [1]} : vector<16xf32> to vector<1xf32>
        %squeeze3A_557 = vector.extract %slice3A_556[0] : f32 from vector<1xf32>
        %mul3A_558 = arith.constant 16 : i32
        %mul3A_559 = arith.muli %scan3A_542, %mul3A_558 : i32
        %add3A_560 = arith.constant 0 : i32
        %add3A_561 = arith.addi %mul3A_559, %add3A_560 : i32
        %swap3A_562 = arith.index_cast %add3A_561 : i32 to index
        %swap3A_563 = memref.load %arg22[%swap3A_562] : memref<512xf32, #tpu.memory_space<smem>>
        memref.store %squeeze3A_557, %arg22[%swap3A_562] : memref<512xf32, #tpu.memory_space<smem>>
        %mul3A_564 = arith.constant 16 : i32
        %mul3A_565 = arith.muli %scan3A_542, %mul3A_564 : i32
        %add3A_566 = arith.constant 0 : i32
        %add3A_567 = arith.addi %mul3A_565, %add3A_566 : i32
        %swap3A_568 = arith.constant 1 : i32
        %swap3A_569 = arith.index_cast %add3A_567 : i32 to index
        %swap3A_570 = memref.load %arg23[%swap3A_569] : memref<512xi32, #tpu.memory_space<smem>>
        memref.store %swap3A_568, %arg23[%swap3A_569] : memref<512xi32, #tpu.memory_space<smem>>
        %slice3A_571 = vector.extract_strided_slice %get3A_546 {offsets = [1], sizes = [1], strides = [1]} : vector<16xi32> to vector<1xi32>
        %squeeze3A_572 = vector.extract %slice3A_571[0] : i32 from vector<1xi32>
        %mul3A_573 = arith.constant 16 : i32
        %mul3A_574 = arith.muli %scan3A_542, %mul3A_573 : i32
        %add3A_575 = arith.constant 1 : i32
        %add3A_576 = arith.addi %mul3A_574, %add3A_575 : i32
        %swap3A_577 = arith.index_cast %add3A_576 : i32 to index
        %swap3A_578 = memref.load %arg21[%swap3A_577] : memref<512xi32, #tpu.memory_space<smem>>
        memref.store %squeeze3A_572, %arg21[%swap3A_577] : memref<512xi32, #tpu.memory_space<smem>>
        %slice3A_579 = vector.extract_strided_slice %get3A_550 {offsets = [1], sizes = [1], strides = [1]} : vector<16xf32> to vector<1xf32>
        %squeeze3A_580 = vector.extract %slice3A_579[0] : f32 from vector<1xf32>
        %mul3A_581 = arith.constant 16 : i32
        %mul3A_582 = arith.muli %scan3A_542, %mul3A_581 : i32
        %add3A_583 = arith.constant 1 : i32
        %add3A_584 = arith.addi %mul3A_582, %add3A_583 : i32
        %swap3A_585 = arith.index_cast %add3A_584 : i32 to index
        %swap3A_586 = memref.load %arg22[%swap3A_585] : memref<512xf32, #tpu.memory_space<smem>>
        memref.store %squeeze3A_580, %arg22[%swap3A_585] : memref<512xf32, #tpu.memory_space<smem>>
        %mul3A_587 = arith.constant 16 : i32
        %mul3A_588 = arith.muli %scan3A_542, %mul3A_587 : i32
        %add3A_589 = arith.constant 1 : i32
        %add3A_590 = arith.addi %mul3A_588, %add3A_589 : i32
        %swap3A_591 = arith.constant 1 : i32
        %swap3A_592 = arith.index_cast %add3A_590 : i32 to index
        %swap3A_593 = memref.load %arg23[%swap3A_592] : memref<512xi32, #tpu.memory_space<smem>>
        memref.store %swap3A_591, %arg23[%swap3A_592] : memref<512xi32, #tpu.memory_space<smem>>
        %slice3A_594 = vector.extract_strided_slice %get3A_546 {offsets = [2], sizes = [1], strides = [1]} : vector<16xi32> to vector<1xi32>
        %squeeze3A_595 = vector.extract %slice3A_594[0] : i32 from vector<1xi32>
        %mul3A_596 = arith.constant 16 : i32
        %mul3A_597 = arith.muli %scan3A_542, %mul3A_596 : i32
        %add3A_598 = arith.constant 2 : i32
        %add3A_599 = arith.addi %mul3A_597, %add3A_598 : i32
        %swap3A_600 = arith.index_cast %add3A_599 : i32 to index
        %swap3A_601 = memref.load %arg21[%swap3A_600] : memref<512xi32, #tpu.memory_space<smem>>
        memref.store %squeeze3A_595, %arg21[%swap3A_600] : memref<512xi32, #tpu.memory_space<smem>>
        %slice3A_602 = vector.extract_strided_slice %get3A_550 {offsets = [2], sizes = [1], strides = [1]} : vector<16xf32> to vector<1xf32>
        %squeeze3A_603 = vector.extract %slice3A_602[0] : f32 from vector<1xf32>
        %mul3A_604 = arith.constant 16 : i32
        %mul3A_605 = arith.muli %scan3A_542, %mul3A_604 : i32
        %add3A_606 = arith.constant 2 : i32
        %add3A_607 = arith.addi %mul3A_605, %add3A_606 : i32
        %swap3A_608 = arith.index_cast %add3A_607 : i32 to index
        %swap3A_609 = memref.load %arg22[%swap3A_608] : memref<512xf32, #tpu.memory_space<smem>>
        memref.store %squeeze3A_603, %arg22[%swap3A_608] : memref<512xf32, #tpu.memory_space<smem>>
        %mul3A_610 = arith.constant 16 : i32
        %mul3A_611 = arith.muli %scan3A_542, %mul3A_610 : i32
        %add3A_612 = arith.constant 2 : i32
        %add3A_613 = arith.addi %mul3A_611, %add3A_612 : i32
        %swap3A_614 = arith.constant 1 : i32
        %swap3A_615 = arith.index_cast %add3A_613 : i32 to index
        %swap3A_616 = memref.load %arg23[%swap3A_615] : memref<512xi32, #tpu.memory_space<smem>>
        memref.store %swap3A_614, %arg23[%swap3A_615] : memref<512xi32, #tpu.memory_space<smem>>
        %slice3A_617 = vector.extract_strided_slice %get3A_546 {offsets = [3], sizes = [1], strides = [1]} : vector<16xi32> to vector<1xi32>
        %squeeze3A_618 = vector.extract %slice3A_617[0] : i32 from vector<1xi32>
        %mul3A_619 = arith.constant 16 : i32
        %mul3A_620 = arith.muli %scan3A_542, %mul3A_619 : i32
        %add3A_621 = arith.constant 3 : i32
        %add3A_622 = arith.addi %mul3A_620, %add3A_621 : i32
        %swap3A_623 = arith.index_cast %add3A_622 : i32 to index
        %swap3A_624 = memref.load %arg21[%swap3A_623] : memref<512xi32, #tpu.memory_space<smem>>
        memref.store %squeeze3A_618, %arg21[%swap3A_623] : memref<512xi32, #tpu.memory_space<smem>>
        %slice3A_625 = vector.extract_strided_slice %get3A_550 {offsets = [3], sizes = [1], strides = [1]} : vector<16xf32> to vector<1xf32>
        %squeeze3A_626 = vector.extract %slice3A_625[0] : f32 from vector<1xf32>
        %mul3A_627 = arith.constant 16 : i32
        %mul3A_628 = arith.muli %scan3A_542, %mul3A_627 : i32
        %add3A_629 = arith.constant 3 : i32
        %add3A_630 = arith.addi %mul3A_628, %add3A_629 : i32
        %swap3A_631 = arith.index_cast %add3A_630 : i32 to index
        %swap3A_632 = memref.load %arg22[%swap3A_631] : memref<512xf32, #tpu.memory_space<smem>>
        memref.store %squeeze3A_626, %arg22[%swap3A_631] : memref<512xf32, #tpu.memory_space<smem>>
        %mul3A_633 = arith.constant 16 : i32
        %mul3A_634 = arith.muli %scan3A_542, %mul3A_633 : i32
        %add3A_635 = arith.constant 3 : i32
        %add3A_636 = arith.addi %mul3A_634, %add3A_635 : i32
        %swap3A_637 = arith.constant 1 : i32
        %swap3A_638 = arith.index_cast %add3A_636 : i32 to index
        %swap3A_639 = memref.load %arg23[%swap3A_638] : memref<512xi32, #tpu.memory_space<smem>>
        memref.store %swap3A_637, %arg23[%swap3A_638] : memref<512xi32, #tpu.memory_space<smem>>
        %slice3A_640 = vector.extract_strided_slice %get3A_546 {offsets = [4], sizes = [1], strides = [1]} : vector<16xi32> to vector<1xi32>
        %squeeze3A_641 = vector.extract %slice3A_640[0] : i32 from vector<1xi32>
        %mul3A_642 = arith.constant 16 : i32
        %mul3A_643 = arith.muli %scan3A_542, %mul3A_642 : i32
        %add3A_644 = arith.constant 4 : i32
        %add3A_645 = arith.addi %mul3A_643, %add3A_644 : i32
        %swap3A_646 = arith.index_cast %add3A_645 : i32 to index
        %swap3A_647 = memref.load %arg21[%swap3A_646] : memref<512xi32, #tpu.memory_space<smem>>
        memref.store %squeeze3A_641, %arg21[%swap3A_646] : memref<512xi32, #tpu.memory_space<smem>>
        %slice3A_648 = vector.extract_strided_slice %get3A_550 {offsets = [4], sizes = [1], strides = [1]} : vector<16xf32> to vector<1xf32>
        %squeeze3A_649 = vector.extract %slice3A_648[0] : f32 from vector<1xf32>
        %mul3A_650 = arith.constant 16 : i32
        %mul3A_651 = arith.muli %scan3A_542, %mul3A_650 : i32
        %add3A_652 = arith.constant 4 : i32
        %add3A_653 = arith.addi %mul3A_651, %add3A_652 : i32
        %swap3A_654 = arith.index_cast %add3A_653 : i32 to index
        %swap3A_655 = memref.load %arg22[%swap3A_654] : memref<512xf32, #tpu.memory_space<smem>>
        memref.store %squeeze3A_649, %arg22[%swap3A_654] : memref<512xf32, #tpu.memory_space<smem>>
        %mul3A_656 = arith.constant 16 : i32
        %mul3A_657 = arith.muli %scan3A_542, %mul3A_656 : i32
        %add3A_658 = arith.constant 4 : i32
        %add3A_659 = arith.addi %mul3A_657, %add3A_658 : i32
        %swap3A_660 = arith.constant 1 : i32
        %swap3A_661 = arith.index_cast %add3A_659 : i32 to index
        %swap3A_662 = memref.load %arg23[%swap3A_661] : memref<512xi32, #tpu.memory_space<smem>>
        memref.store %swap3A_660, %arg23[%swap3A_661] : memref<512xi32, #tpu.memory_space<smem>>
        %slice3A_663 = vector.extract_strided_slice %get3A_546 {offsets = [5], sizes = [1], strides = [1]} : vector<16xi32> to vector<1xi32>
        %squeeze3A_664 = vector.extract %slice3A_663[0] : i32 from vector<1xi32>
        %mul3A_665 = arith.constant 16 : i32
        %mul3A_666 = arith.muli %scan3A_542, %mul3A_665 : i32
        %add3A_667 = arith.constant 5 : i32
        %add3A_668 = arith.addi %mul3A_666, %add3A_667 : i32
        %swap3A_669 = arith.index_cast %add3A_668 : i32 to index
        %swap3A_670 = memref.load %arg21[%swap3A_669] : memref<512xi32, #tpu.memory_space<smem>>
        memref.store %squeeze3A_664, %arg21[%swap3A_669] : memref<512xi32, #tpu.memory_space<smem>>
        %slice3A_671 = vector.extract_strided_slice %get3A_550 {offsets = [5], sizes = [1], strides = [1]} : vector<16xf32> to vector<1xf32>
        %squeeze3A_672 = vector.extract %slice3A_671[0] : f32 from vector<1xf32>
        %mul3A_673 = arith.constant 16 : i32
        %mul3A_674 = arith.muli %scan3A_542, %mul3A_673 : i32
        %add3A_675 = arith.constant 5 : i32
        %add3A_676 = arith.addi %mul3A_674, %add3A_675 : i32
        %swap3A_677 = arith.index_cast %add3A_676 : i32 to index
        %swap3A_678 = memref.load %arg22[%swap3A_677] : memref<512xf32, #tpu.memory_space<smem>>
        memref.store %squeeze3A_672, %arg22[%swap3A_677] : memref<512xf32, #tpu.memory_space<smem>>
        %mul3A_679 = arith.constant 16 : i32
        %mul3A_680 = arith.muli %scan3A_542, %mul3A_679 : i32
        %add3A_681 = arith.constant 5 : i32
        %add3A_682 = arith.addi %mul3A_680, %add3A_681 : i32
        %swap3A_683 = arith.constant 1 : i32
        %swap3A_684 = arith.index_cast %add3A_682 : i32 to index
        %swap3A_685 = memref.load %arg23[%swap3A_684] : memref<512xi32, #tpu.memory_space<smem>>
        memref.store %swap3A_683, %arg23[%swap3A_684] : memref<512xi32, #tpu.memory_space<smem>>
        %slice3A_686 = vector.extract_strided_slice %get3A_546 {offsets = [6], sizes = [1], strides = [1]} : vector<16xi32> to vector<1xi32>
        %squeeze3A_687 = vector.extract %slice3A_686[0] : i32 from vector<1xi32>
        %mul3A_688 = arith.constant 16 : i32
        %mul3A_689 = arith.muli %scan3A_542, %mul3A_688 : i32
        %add3A_690 = arith.constant 6 : i32
        %add3A_691 = arith.addi %mul3A_689, %add3A_690 : i32
        %swap3A_692 = arith.index_cast %add3A_691 : i32 to index
        %swap3A_693 = memref.load %arg21[%swap3A_692] : memref<512xi32, #tpu.memory_space<smem>>
        memref.store %squeeze3A_687, %arg21[%swap3A_692] : memref<512xi32, #tpu.memory_space<smem>>
        %slice3A_694 = vector.extract_strided_slice %get3A_550 {offsets = [6], sizes = [1], strides = [1]} : vector<16xf32> to vector<1xf32>
        %squeeze3A_695 = vector.extract %slice3A_694[0] : f32 from vector<1xf32>
        %mul3A_696 = arith.constant 16 : i32
        %mul3A_697 = arith.muli %scan3A_542, %mul3A_696 : i32
        %add3A_698 = arith.constant 6 : i32
        %add3A_699 = arith.addi %mul3A_697, %add3A_698 : i32
        %swap3A_700 = arith.index_cast %add3A_699 : i32 to index
        %swap3A_701 = memref.load %arg22[%swap3A_700] : memref<512xf32, #tpu.memory_space<smem>>
        memref.store %squeeze3A_695, %arg22[%swap3A_700] : memref<512xf32, #tpu.memory_space<smem>>
        %mul3A_702 = arith.constant 16 : i32
        %mul3A_703 = arith.muli %scan3A_542, %mul3A_702 : i32
        %add3A_704 = arith.constant 6 : i32
        %add3A_705 = arith.addi %mul3A_703, %add3A_704 : i32
        %swap3A_706 = arith.constant 1 : i32
        %swap3A_707 = arith.index_cast %add3A_705 : i32 to index
        %swap3A_708 = memref.load %arg23[%swap3A_707] : memref<512xi32, #tpu.memory_space<smem>>
        memref.store %swap3A_706, %arg23[%swap3A_707] : memref<512xi32, #tpu.memory_space<smem>>
        %slice3A_709 = vector.extract_strided_slice %get3A_546 {offsets = [7], sizes = [1], strides = [1]} : vector<16xi32> to vector<1xi32>
        %squeeze3A_710 = vector.extract %slice3A_709[0] : i32 from vector<1xi32>
        %mul3A_711 = arith.constant 16 : i32
        %mul3A_712 = arith.muli %scan3A_542, %mul3A_711 : i32
        %add3A_713 = arith.constant 7 : i32
        %add3A_714 = arith.addi %mul3A_712, %add3A_713 : i32
        %swap3A_715 = arith.index_cast %add3A_714 : i32 to index
        %swap3A_716 = memref.load %arg21[%swap3A_715] : memref<512xi32, #tpu.memory_space<smem>>
        memref.store %squeeze3A_710, %arg21[%swap3A_715] : memref<512xi32, #tpu.memory_space<smem>>
        %slice3A_717 = vector.extract_strided_slice %get3A_550 {offsets = [7], sizes = [1], strides = [1]} : vector<16xf32> to vector<1xf32>
        %squeeze3A_718 = vector.extract %slice3A_717[0] : f32 from vector<1xf32>
        %mul3A_719 = arith.constant 16 : i32
        %mul3A_720 = arith.muli %scan3A_542, %mul3A_719 : i32
        %add3A_721 = arith.constant 7 : i32
        %add3A_722 = arith.addi %mul3A_720, %add3A_721 : i32
        %swap3A_723 = arith.index_cast %add3A_722 : i32 to index
        %swap3A_724 = memref.load %arg22[%swap3A_723] : memref<512xf32, #tpu.memory_space<smem>>
        memref.store %squeeze3A_718, %arg22[%swap3A_723] : memref<512xf32, #tpu.memory_space<smem>>
        %mul3A_725 = arith.constant 16 : i32
        %mul3A_726 = arith.muli %scan3A_542, %mul3A_725 : i32
        %add3A_727 = arith.constant 7 : i32
        %add3A_728 = arith.addi %mul3A_726, %add3A_727 : i32
        %swap3A_729 = arith.constant 1 : i32
        %swap3A_730 = arith.index_cast %add3A_728 : i32 to index
        %swap3A_731 = memref.load %arg23[%swap3A_730] : memref<512xi32, #tpu.memory_space<smem>>
        memref.store %swap3A_729, %arg23[%swap3A_730] : memref<512xi32, #tpu.memory_space<smem>>
        %slice3A_732 = vector.extract_strided_slice %get3A_546 {offsets = [8], sizes = [1], strides = [1]} : vector<16xi32> to vector<1xi32>
        %squeeze3A_733 = vector.extract %slice3A_732[0] : i32 from vector<1xi32>
        %mul3A_734 = arith.constant 16 : i32
        %mul3A_735 = arith.muli %scan3A_542, %mul3A_734 : i32
        %add3A_736 = arith.constant 8 : i32
        %add3A_737 = arith.addi %mul3A_735, %add3A_736 : i32
        %swap3A_738 = arith.index_cast %add3A_737 : i32 to index
        %swap3A_739 = memref.load %arg21[%swap3A_738] : memref<512xi32, #tpu.memory_space<smem>>
        memref.store %squeeze3A_733, %arg21[%swap3A_738] : memref<512xi32, #tpu.memory_space<smem>>
        %slice3A_740 = vector.extract_strided_slice %get3A_550 {offsets = [8], sizes = [1], strides = [1]} : vector<16xf32> to vector<1xf32>
        %squeeze3A_741 = vector.extract %slice3A_740[0] : f32 from vector<1xf32>
        %mul3A_742 = arith.constant 16 : i32
        %mul3A_743 = arith.muli %scan3A_542, %mul3A_742 : i32
        %add3A_744 = arith.constant 8 : i32
        %add3A_745 = arith.addi %mul3A_743, %add3A_744 : i32
        %swap3A_746 = arith.index_cast %add3A_745 : i32 to index
        %swap3A_747 = memref.load %arg22[%swap3A_746] : memref<512xf32, #tpu.memory_space<smem>>
        memref.store %squeeze3A_741, %arg22[%swap3A_746] : memref<512xf32, #tpu.memory_space<smem>>
        %mul3A_748 = arith.constant 16 : i32
        %mul3A_749 = arith.muli %scan3A_542, %mul3A_748 : i32
        %add3A_750 = arith.constant 8 : i32
        %add3A_751 = arith.addi %mul3A_749, %add3A_750 : i32
        %swap3A_752 = arith.constant 1 : i32
        %swap3A_753 = arith.index_cast %add3A_751 : i32 to index
        %swap3A_754 = memref.load %arg23[%swap3A_753] : memref<512xi32, #tpu.memory_space<smem>>
        memref.store %swap3A_752, %arg23[%swap3A_753] : memref<512xi32, #tpu.memory_space<smem>>
        %slice3A_755 = vector.extract_strided_slice %get3A_546 {offsets = [9], sizes = [1], strides = [1]} : vector<16xi32> to vector<1xi32>
        %squeeze3A_756 = vector.extract %slice3A_755[0] : i32 from vector<1xi32>
        %mul3A_757 = arith.constant 16 : i32
        %mul3A_758 = arith.muli %scan3A_542, %mul3A_757 : i32
        %add3A_759 = arith.constant 9 : i32
        %add3A_760 = arith.addi %mul3A_758, %add3A_759 : i32
        %swap3A_761 = arith.index_cast %add3A_760 : i32 to index
        %swap3A_762 = memref.load %arg21[%swap3A_761] : memref<512xi32, #tpu.memory_space<smem>>
        memref.store %squeeze3A_756, %arg21[%swap3A_761] : memref<512xi32, #tpu.memory_space<smem>>
        %slice3A_763 = vector.extract_strided_slice %get3A_550 {offsets = [9], sizes = [1], strides = [1]} : vector<16xf32> to vector<1xf32>
        %squeeze3A_764 = vector.extract %slice3A_763[0] : f32 from vector<1xf32>
        %mul3A_765 = arith.constant 16 : i32
        %mul3A_766 = arith.muli %scan3A_542, %mul3A_765 : i32
        %add3A_767 = arith.constant 9 : i32
        %add3A_768 = arith.addi %mul3A_766, %add3A_767 : i32
        %swap3A_769 = arith.index_cast %add3A_768 : i32 to index
        %swap3A_770 = memref.load %arg22[%swap3A_769] : memref<512xf32, #tpu.memory_space<smem>>
        memref.store %squeeze3A_764, %arg22[%swap3A_769] : memref<512xf32, #tpu.memory_space<smem>>
        %mul3A_771 = arith.constant 16 : i32
        %mul3A_772 = arith.muli %scan3A_542, %mul3A_771 : i32
        %add3A_773 = arith.constant 9 : i32
        %add3A_774 = arith.addi %mul3A_772, %add3A_773 : i32
        %swap3A_775 = arith.constant 1 : i32
        %swap3A_776 = arith.index_cast %add3A_774 : i32 to index
        %swap3A_777 = memref.load %arg23[%swap3A_776] : memref<512xi32, #tpu.memory_space<smem>>
        memref.store %swap3A_775, %arg23[%swap3A_776] : memref<512xi32, #tpu.memory_space<smem>>
        %slice3A_778 = vector.extract_strided_slice %get3A_546 {offsets = [10], sizes = [1], strides = [1]} : vector<16xi32> to vector<1xi32>
        %squeeze3A_779 = vector.extract %slice3A_778[0] : i32 from vector<1xi32>
        %mul3A_780 = arith.constant 16 : i32
        %mul3A_781 = arith.muli %scan3A_542, %mul3A_780 : i32
        %add3A_782 = arith.constant 10 : i32
        %add3A_783 = arith.addi %mul3A_781, %add3A_782 : i32
        %swap3A_784 = arith.index_cast %add3A_783 : i32 to index
        %swap3A_785 = memref.load %arg21[%swap3A_784] : memref<512xi32, #tpu.memory_space<smem>>
        memref.store %squeeze3A_779, %arg21[%swap3A_784] : memref<512xi32, #tpu.memory_space<smem>>
        %slice3A_786 = vector.extract_strided_slice %get3A_550 {offsets = [10], sizes = [1], strides = [1]} : vector<16xf32> to vector<1xf32>
        %squeeze3A_787 = vector.extract %slice3A_786[0] : f32 from vector<1xf32>
        %mul3A_788 = arith.constant 16 : i32
        %mul3A_789 = arith.muli %scan3A_542, %mul3A_788 : i32
        %add3A_790 = arith.constant 10 : i32
        %add3A_791 = arith.addi %mul3A_789, %add3A_790 : i32
        %swap3A_792 = arith.index_cast %add3A_791 : i32 to index
        %swap3A_793 = memref.load %arg22[%swap3A_792] : memref<512xf32, #tpu.memory_space<smem>>
        memref.store %squeeze3A_787, %arg22[%swap3A_792] : memref<512xf32, #tpu.memory_space<smem>>
        %mul3A_794 = arith.constant 16 : i32
        %mul3A_795 = arith.muli %scan3A_542, %mul3A_794 : i32
        %add3A_796 = arith.constant 10 : i32
        %add3A_797 = arith.addi %mul3A_795, %add3A_796 : i32
        %swap3A_798 = arith.constant 1 : i32
        %swap3A_799 = arith.index_cast %add3A_797 : i32 to index
        %swap3A_800 = memref.load %arg23[%swap3A_799] : memref<512xi32, #tpu.memory_space<smem>>
        memref.store %swap3A_798, %arg23[%swap3A_799] : memref<512xi32, #tpu.memory_space<smem>>
        %slice3A_801 = vector.extract_strided_slice %get3A_546 {offsets = [11], sizes = [1], strides = [1]} : vector<16xi32> to vector<1xi32>
        %squeeze3A_802 = vector.extract %slice3A_801[0] : i32 from vector<1xi32>
        %mul3A_803 = arith.constant 16 : i32
        %mul3A_804 = arith.muli %scan3A_542, %mul3A_803 : i32
        %add3A_805 = arith.constant 11 : i32
        %add3A_806 = arith.addi %mul3A_804, %add3A_805 : i32
        %swap3A_807 = arith.index_cast %add3A_806 : i32 to index
        %swap3A_808 = memref.load %arg21[%swap3A_807] : memref<512xi32, #tpu.memory_space<smem>>
        memref.store %squeeze3A_802, %arg21[%swap3A_807] : memref<512xi32, #tpu.memory_space<smem>>
        %slice3A_809 = vector.extract_strided_slice %get3A_550 {offsets = [11], sizes = [1], strides = [1]} : vector<16xf32> to vector<1xf32>
        %squeeze3A_810 = vector.extract %slice3A_809[0] : f32 from vector<1xf32>
        %mul3A_811 = arith.constant 16 : i32
        %mul3A_812 = arith.muli %scan3A_542, %mul3A_811 : i32
        %add3A_813 = arith.constant 11 : i32
        %add3A_814 = arith.addi %mul3A_812, %add3A_813 : i32
        %swap3A_815 = arith.index_cast %add3A_814 : i32 to index
        %swap3A_816 = memref.load %arg22[%swap3A_815] : memref<512xf32, #tpu.memory_space<smem>>
        memref.store %squeeze3A_810, %arg22[%swap3A_815] : memref<512xf32, #tpu.memory_space<smem>>
        %mul3A_817 = arith.constant 16 : i32
        %mul3A_818 = arith.muli %scan3A_542, %mul3A_817 : i32
        %add3A_819 = arith.constant 11 : i32
        %add3A_820 = arith.addi %mul3A_818, %add3A_819 : i32
        %swap3A_821 = arith.constant 1 : i32
        %swap3A_822 = arith.index_cast %add3A_820 : i32 to index
        %swap3A_823 = memref.load %arg23[%swap3A_822] : memref<512xi32, #tpu.memory_space<smem>>
        memref.store %swap3A_821, %arg23[%swap3A_822] : memref<512xi32, #tpu.memory_space<smem>>
        %slice3A_824 = vector.extract_strided_slice %get3A_546 {offsets = [12], sizes = [1], strides = [1]} : vector<16xi32> to vector<1xi32>
        %squeeze3A_825 = vector.extract %slice3A_824[0] : i32 from vector<1xi32>
        %mul3A_826 = arith.constant 16 : i32
        %mul3A_827 = arith.muli %scan3A_542, %mul3A_826 : i32
        %add3A_828 = arith.constant 12 : i32
        %add3A_829 = arith.addi %mul3A_827, %add3A_828 : i32
        %swap3A_830 = arith.index_cast %add3A_829 : i32 to index
        %swap3A_831 = memref.load %arg21[%swap3A_830] : memref<512xi32, #tpu.memory_space<smem>>
        memref.store %squeeze3A_825, %arg21[%swap3A_830] : memref<512xi32, #tpu.memory_space<smem>>
        %slice3A_832 = vector.extract_strided_slice %get3A_550 {offsets = [12], sizes = [1], strides = [1]} : vector<16xf32> to vector<1xf32>
        %squeeze3A_833 = vector.extract %slice3A_832[0] : f32 from vector<1xf32>
        %mul3A_834 = arith.constant 16 : i32
        %mul3A_835 = arith.muli %scan3A_542, %mul3A_834 : i32
        %add3A_836 = arith.constant 12 : i32
        %add3A_837 = arith.addi %mul3A_835, %add3A_836 : i32
        %swap3A_838 = arith.index_cast %add3A_837 : i32 to index
        %swap3A_839 = memref.load %arg22[%swap3A_838] : memref<512xf32, #tpu.memory_space<smem>>
        memref.store %squeeze3A_833, %arg22[%swap3A_838] : memref<512xf32, #tpu.memory_space<smem>>
        %mul3A_840 = arith.constant 16 : i32
        %mul3A_841 = arith.muli %scan3A_542, %mul3A_840 : i32
        %add3A_842 = arith.constant 12 : i32
        %add3A_843 = arith.addi %mul3A_841, %add3A_842 : i32
        %swap3A_844 = arith.constant 1 : i32
        %swap3A_845 = arith.index_cast %add3A_843 : i32 to index
        %swap3A_846 = memref.load %arg23[%swap3A_845] : memref<512xi32, #tpu.memory_space<smem>>
        memref.store %swap3A_844, %arg23[%swap3A_845] : memref<512xi32, #tpu.memory_space<smem>>
        %slice3A_847 = vector.extract_strided_slice %get3A_546 {offsets = [13], sizes = [1], strides = [1]} : vector<16xi32> to vector<1xi32>
        %squeeze3A_848 = vector.extract %slice3A_847[0] : i32 from vector<1xi32>
        %mul3A_849 = arith.constant 16 : i32
        %mul3A_850 = arith.muli %scan3A_542, %mul3A_849 : i32
        %add3A_851 = arith.constant 13 : i32
        %add3A_852 = arith.addi %mul3A_850, %add3A_851 : i32
        %swap3A_853 = arith.index_cast %add3A_852 : i32 to index
        %swap3A_854 = memref.load %arg21[%swap3A_853] : memref<512xi32, #tpu.memory_space<smem>>
        memref.store %squeeze3A_848, %arg21[%swap3A_853] : memref<512xi32, #tpu.memory_space<smem>>
        %slice3A_855 = vector.extract_strided_slice %get3A_550 {offsets = [13], sizes = [1], strides = [1]} : vector<16xf32> to vector<1xf32>
        %squeeze3A_856 = vector.extract %slice3A_855[0] : f32 from vector<1xf32>
        %mul3A_857 = arith.constant 16 : i32
        %mul3A_858 = arith.muli %scan3A_542, %mul3A_857 : i32
        %add3A_859 = arith.constant 13 : i32
        %add3A_860 = arith.addi %mul3A_858, %add3A_859 : i32
        %swap3A_861 = arith.index_cast %add3A_860 : i32 to index
        %swap3A_862 = memref.load %arg22[%swap3A_861] : memref<512xf32, #tpu.memory_space<smem>>
        memref.store %squeeze3A_856, %arg22[%swap3A_861] : memref<512xf32, #tpu.memory_space<smem>>
        %mul3A_863 = arith.constant 16 : i32
        %mul3A_864 = arith.muli %scan3A_542, %mul3A_863 : i32
        %add3A_865 = arith.constant 13 : i32
        %add3A_866 = arith.addi %mul3A_864, %add3A_865 : i32
        %swap3A_867 = arith.constant 1 : i32
        %swap3A_868 = arith.index_cast %add3A_866 : i32 to index
        %swap3A_869 = memref.load %arg23[%swap3A_868] : memref<512xi32, #tpu.memory_space<smem>>
        memref.store %swap3A_867, %arg23[%swap3A_868] : memref<512xi32, #tpu.memory_space<smem>>
        %slice3A_870 = vector.extract_strided_slice %get3A_546 {offsets = [14], sizes = [1], strides = [1]} : vector<16xi32> to vector<1xi32>
        %squeeze3A_871 = vector.extract %slice3A_870[0] : i32 from vector<1xi32>
        %mul3A_872 = arith.constant 16 : i32
        %mul3A_873 = arith.muli %scan3A_542, %mul3A_872 : i32
        %add3A_874 = arith.constant 14 : i32
        %add3A_875 = arith.addi %mul3A_873, %add3A_874 : i32
        %swap3A_876 = arith.index_cast %add3A_875 : i32 to index
        %swap3A_877 = memref.load %arg21[%swap3A_876] : memref<512xi32, #tpu.memory_space<smem>>
        memref.store %squeeze3A_871, %arg21[%swap3A_876] : memref<512xi32, #tpu.memory_space<smem>>
        %slice3A_878 = vector.extract_strided_slice %get3A_550 {offsets = [14], sizes = [1], strides = [1]} : vector<16xf32> to vector<1xf32>
        %squeeze3A_879 = vector.extract %slice3A_878[0] : f32 from vector<1xf32>
        %mul3A_880 = arith.constant 16 : i32
        %mul3A_881 = arith.muli %scan3A_542, %mul3A_880 : i32
        %add3A_882 = arith.constant 14 : i32
        %add3A_883 = arith.addi %mul3A_881, %add3A_882 : i32
        %swap3A_884 = arith.index_cast %add3A_883 : i32 to index
        %swap3A_885 = memref.load %arg22[%swap3A_884] : memref<512xf32, #tpu.memory_space<smem>>
        memref.store %squeeze3A_879, %arg22[%swap3A_884] : memref<512xf32, #tpu.memory_space<smem>>
        %mul3A_886 = arith.constant 16 : i32
        %mul3A_887 = arith.muli %scan3A_542, %mul3A_886 : i32
        %add3A_888 = arith.constant 14 : i32
        %add3A_889 = arith.addi %mul3A_887, %add3A_888 : i32
        %swap3A_890 = arith.constant 1 : i32
        %swap3A_891 = arith.index_cast %add3A_889 : i32 to index
        %swap3A_892 = memref.load %arg23[%swap3A_891] : memref<512xi32, #tpu.memory_space<smem>>
        memref.store %swap3A_890, %arg23[%swap3A_891] : memref<512xi32, #tpu.memory_space<smem>>
        %slice3A_893 = vector.extract_strided_slice %get3A_546 {offsets = [15], sizes = [1], strides = [1]} : vector<16xi32> to vector<1xi32>
        %squeeze3A_894 = vector.extract %slice3A_893[0] : i32 from vector<1xi32>
        %mul3A_895 = arith.constant 16 : i32
        %mul3A_896 = arith.muli %scan3A_542, %mul3A_895 : i32
        %add3A_897 = arith.constant 15 : i32
        %add3A_898 = arith.addi %mul3A_896, %add3A_897 : i32
        %swap3A_899 = arith.index_cast %add3A_898 : i32 to index
        %swap3A_900 = memref.load %arg21[%swap3A_899] : memref<512xi32, #tpu.memory_space<smem>>
        memref.store %squeeze3A_894, %arg21[%swap3A_899] : memref<512xi32, #tpu.memory_space<smem>>
        %slice3A_901 = vector.extract_strided_slice %get3A_550 {offsets = [15], sizes = [1], strides = [1]} : vector<16xf32> to vector<1xf32>
        %squeeze3A_902 = vector.extract %slice3A_901[0] : f32 from vector<1xf32>
        %mul3A_903 = arith.constant 16 : i32
        %mul3A_904 = arith.muli %scan3A_542, %mul3A_903 : i32
        %add3A_905 = arith.constant 15 : i32
        %add3A_906 = arith.addi %mul3A_904, %add3A_905 : i32
        %swap3A_907 = arith.index_cast %add3A_906 : i32 to index
        %swap3A_908 = memref.load %arg22[%swap3A_907] : memref<512xf32, #tpu.memory_space<smem>>
        memref.store %squeeze3A_902, %arg22[%swap3A_907] : memref<512xf32, #tpu.memory_space<smem>>
        %mul3A_909 = arith.constant 16 : i32
        %mul3A_910 = arith.muli %scan3A_542, %mul3A_909 : i32
        %add3A_911 = arith.constant 15 : i32
        %add3A_912 = arith.addi %mul3A_910, %add3A_911 : i32
        %swap3A_913 = arith.constant 1 : i32
        %swap3A_914 = arith.index_cast %add3A_912 : i32 to index
        %swap3A_915 = memref.load %arg23[%swap3A_914] : memref<512xi32, #tpu.memory_space<smem>>
        memref.store %swap3A_913, %arg23[%swap3A_914] : memref<512xi32, #tpu.memory_space<smem>>
      }
      %scan3A_46 = arith.constant 32 : i32
      %broadcast_in_dim3A = arith.constant 0.000000e+00 : f32
      %broadcast_in_dim3A_47 = vector.broadcast %broadcast_in_dim3A : f32 to vector<16xf32>
      %swap3A = arith.constant 0 : index
      %swap3A_48 = tpu.vector_load %arg14[%swap3A] {strides = array<i32>} : memref<512xf32, #tpu.memory_space<vmem>>, vector<16xf32>,
      tpu.vector_store %arg14[%swap3A], %broadcast_in_dim3A_47 {strides = array<i32>} : memref<512xf32, #tpu.memory_space<vmem>>, vector<16xf32>,
      %broadcast_in_dim3A_49 = arith.constant 0.000000e+00 : f32
      %broadcast_in_dim3A_50 = vector.broadcast %broadcast_in_dim3A_49 : f32 to vector<16xf32>
      %swap3A_51 = arith.constant 16 : index
      %swap3A_52 = tpu.vector_load %arg14[%swap3A_51] {strides = array<i32>} : memref<512xf32, #tpu.memory_space<vmem>>, vector<16xf32>,
      tpu.vector_store %arg14[%swap3A_51], %broadcast_in_dim3A_50 {strides = array<i32>} : memref<512xf32, #tpu.memory_space<vmem>>, vector<16xf32>,
      %broadcast_in_dim3A_53 = arith.constant 0.000000e+00 : f32
      %broadcast_in_dim3A_54 = vector.broadcast %broadcast_in_dim3A_53 : f32 to vector<16xf32>
      %swap3A_55 = arith.constant 32 : index
      %swap3A_56 = tpu.vector_load %arg14[%swap3A_55] {strides = array<i32>} : memref<512xf32, #tpu.memory_space<vmem>>, vector<16xf32>,
      tpu.vector_store %arg14[%swap3A_55], %broadcast_in_dim3A_54 {strides = array<i32>} : memref<512xf32, #tpu.memory_space<vmem>>, vector<16xf32>,
      %broadcast_in_dim3A_57 = arith.constant 0.000000e+00 : f32
      %broadcast_in_dim3A_58 = vector.broadcast %broadcast_in_dim3A_57 : f32 to vector<16xf32>
      %swap3A_59 = arith.constant 48 : index
      %swap3A_60 = tpu.vector_load %arg14[%swap3A_59] {strides = array<i32>} : memref<512xf32, #tpu.memory_space<vmem>>, vector<16xf32>,
      tpu.vector_store %arg14[%swap3A_59], %broadcast_in_dim3A_58 {strides = array<i32>} : memref<512xf32, #tpu.memory_space<vmem>>, vector<16xf32>,
      %broadcast_in_dim3A_61 = arith.constant 0.000000e+00 : f32
      %broadcast_in_dim3A_62 = vector.broadcast %broadcast_in_dim3A_61 : f32 to vector<16xf32>
      %swap3A_63 = arith.constant 64 : index
      %swap3A_64 = tpu.vector_load %arg14[%swap3A_63] {strides = array<i32>} : memref<512xf32, #tpu.memory_space<vmem>>, vector<16xf32>,
      tpu.vector_store %arg14[%swap3A_63], %broadcast_in_dim3A_62 {strides = array<i32>} : memref<512xf32, #tpu.memory_space<vmem>>, vector<16xf32>,
      %broadcast_in_dim3A_65 = arith.constant 0.000000e+00 : f32
      %broadcast_in_dim3A_66 = vector.broadcast %broadcast_in_dim3A_65 : f32 to vector<16xf32>
      %swap3A_67 = arith.constant 80 : index
      %swap3A_68 = tpu.vector_load %arg14[%swap3A_67] {strides = array<i32>} : memref<512xf32, #tpu.memory_space<vmem>>, vector<16xf32>,
      tpu.vector_store %arg14[%swap3A_67], %broadcast_in_dim3A_66 {strides = array<i32>} : memref<512xf32, #tpu.memory_space<vmem>>, vector<16xf32>,
      %broadcast_in_dim3A_69 = arith.constant 0.000000e+00 : f32
      %broadcast_in_dim3A_70 = vector.broadcast %broadcast_in_dim3A_69 : f32 to vector<16xf32>
      %swap3A_71 = arith.constant 96 : index
      %swap3A_72 = tpu.vector_load %arg14[%swap3A_71] {strides = array<i32>} : memref<512xf32, #tpu.memory_space<vmem>>, vector<16xf32>,
      tpu.vector_store %arg14[%swap3A_71], %broadcast_in_dim3A_70 {strides = array<i32>} : memref<512xf32, #tpu.memory_space<vmem>>, vector<16xf32>,
      %broadcast_in_dim3A_73 = arith.constant 0.000000e+00 : f32
      %broadcast_in_dim3A_74 = vector.broadcast %broadcast_in_dim3A_73 : f32 to vector<16xf32>
      %swap3A_75 = arith.constant 112 : index
      %swap3A_76 = tpu.vector_load %arg14[%swap3A_75] {strides = array<i32>} : memref<512xf32, #tpu.memory_space<vmem>>, vector<16xf32>,
      tpu.vector_store %arg14[%swap3A_75], %broadcast_in_dim3A_74 {strides = array<i32>} : memref<512xf32, #tpu.memory_space<vmem>>, vector<16xf32>,
      %broadcast_in_dim3A_77 = arith.constant 0.000000e+00 : f32
      %broadcast_in_dim3A_78 = vector.broadcast %broadcast_in_dim3A_77 : f32 to vector<16xf32>
      %swap3A_79 = arith.constant 128 : index
      %swap3A_80 = tpu.vector_load %arg14[%swap3A_79] {strides = array<i32>} : memref<512xf32, #tpu.memory_space<vmem>>, vector<16xf32>,
      tpu.vector_store %arg14[%swap3A_79], %broadcast_in_dim3A_78 {strides = array<i32>} : memref<512xf32, #tpu.memory_space<vmem>>, vector<16xf32>,
      %broadcast_in_dim3A_81 = arith.constant 0.000000e+00 : f32
      %broadcast_in_dim3A_82 = vector.broadcast %broadcast_in_dim3A_81 : f32 to vector<16xf32>
      %swap3A_83 = arith.constant 144 : index
      %swap3A_84 = tpu.vector_load %arg14[%swap3A_83] {strides = array<i32>} : memref<512xf32, #tpu.memory_space<vmem>>, vector<16xf32>,
      tpu.vector_store %arg14[%swap3A_83], %broadcast_in_dim3A_82 {strides = array<i32>} : memref<512xf32, #tpu.memory_space<vmem>>, vector<16xf32>,
      %broadcast_in_dim3A_85 = arith.constant 0.000000e+00 : f32
      %broadcast_in_dim3A_86 = vector.broadcast %broadcast_in_dim3A_85 : f32 to vector<16xf32>
      %swap3A_87 = arith.constant 160 : index
      %swap3A_88 = tpu.vector_load %arg14[%swap3A_87] {strides = array<i32>} : memref<512xf32, #tpu.memory_space<vmem>>, vector<16xf32>,
      tpu.vector_store %arg14[%swap3A_87], %broadcast_in_dim3A_86 {strides = array<i32>} : memref<512xf32, #tpu.memory_space<vmem>>, vector<16xf32>,
      %broadcast_in_dim3A_89 = arith.constant 0.000000e+00 : f32
      %broadcast_in_dim3A_90 = vector.broadcast %broadcast_in_dim3A_89 : f32 to vector<16xf32>
      %swap3A_91 = arith.constant 176 : index
      %swap3A_92 = tpu.vector_load %arg14[%swap3A_91] {strides = array<i32>} : memref<512xf32, #tpu.memory_space<vmem>>, vector<16xf32>,
      tpu.vector_store %arg14[%swap3A_91], %broadcast_in_dim3A_90 {strides = array<i32>} : memref<512xf32, #tpu.memory_space<vmem>>, vector<16xf32>,
      %broadcast_in_dim3A_93 = arith.constant 0.000000e+00 : f32
      %broadcast_in_dim3A_94 = vector.broadcast %broadcast_in_dim3A_93 : f32 to vector<16xf32>
      %swap3A_95 = arith.constant 192 : index
      %swap3A_96 = tpu.vector_load %arg14[%swap3A_95] {strides = array<i32>} : memref<512xf32, #tpu.memory_space<vmem>>, vector<16xf32>,
      tpu.vector_store %arg14[%swap3A_95], %broadcast_in_dim3A_94 {strides = array<i32>} : memref<512xf32, #tpu.memory_space<vmem>>, vector<16xf32>,
      %broadcast_in_dim3A_97 = arith.constant 0.000000e+00 : f32
      %broadcast_in_dim3A_98 = vector.broadcast %broadcast_in_dim3A_97 : f32 to vector<16xf32>
      %swap3A_99 = arith.constant 208 : index
      %swap3A_100 = tpu.vector_load %arg14[%swap3A_99] {strides = array<i32>} : memref<512xf32, #tpu.memory_space<vmem>>, vector<16xf32>,
      tpu.vector_store %arg14[%swap3A_99], %broadcast_in_dim3A_98 {strides = array<i32>} : memref<512xf32, #tpu.memory_space<vmem>>, vector<16xf32>,
      %broadcast_in_dim3A_101 = arith.constant 0.000000e+00 : f32
      %broadcast_in_dim3A_102 = vector.broadcast %broadcast_in_dim3A_101 : f32 to vector<16xf32>
      %swap3A_103 = arith.constant 224 : index
      %swap3A_104 = tpu.vector_load %arg14[%swap3A_103] {strides = array<i32>} : memref<512xf32, #tpu.memory_space<vmem>>, vector<16xf32>,
      tpu.vector_store %arg14[%swap3A_103], %broadcast_in_dim3A_102 {strides = array<i32>} : memref<512xf32, #tpu.memory_space<vmem>>, vector<16xf32>,
      %broadcast_in_dim3A_105 = arith.constant 0.000000e+00 : f32
      %broadcast_in_dim3A_106 = vector.broadcast %broadcast_in_dim3A_105 : f32 to vector<16xf32>
      %swap3A_107 = arith.constant 240 : index
      %swap3A_108 = tpu.vector_load %arg14[%swap3A_107] {strides = array<i32>} : memref<512xf32, #tpu.memory_space<vmem>>, vector<16xf32>,
      tpu.vector_store %arg14[%swap3A_107], %broadcast_in_dim3A_106 {strides = array<i32>} : memref<512xf32, #tpu.memory_space<vmem>>, vector<16xf32>,
      %broadcast_in_dim3A_109 = arith.constant 0.000000e+00 : f32
      %broadcast_in_dim3A_110 = vector.broadcast %broadcast_in_dim3A_109 : f32 to vector<16xf32>
      %swap3A_111 = arith.constant 256 : index
      %swap3A_112 = tpu.vector_load %arg14[%swap3A_111] {strides = array<i32>} : memref<512xf32, #tpu.memory_space<vmem>>, vector<16xf32>,
      tpu.vector_store %arg14[%swap3A_111], %broadcast_in_dim3A_110 {strides = array<i32>} : memref<512xf32, #tpu.memory_space<vmem>>, vector<16xf32>,
      %broadcast_in_dim3A_113 = arith.constant 0.000000e+00 : f32
      %broadcast_in_dim3A_114 = vector.broadcast %broadcast_in_dim3A_113 : f32 to vector<16xf32>
      %swap3A_115 = arith.constant 272 : index
      %swap3A_116 = tpu.vector_load %arg14[%swap3A_115] {strides = array<i32>} : memref<512xf32, #tpu.memory_space<vmem>>, vector<16xf32>,
      tpu.vector_store %arg14[%swap3A_115], %broadcast_in_dim3A_114 {strides = array<i32>} : memref<512xf32, #tpu.memory_space<vmem>>, vector<16xf32>,
      %broadcast_in_dim3A_117 = arith.constant 0.000000e+00 : f32
      %broadcast_in_dim3A_118 = vector.broadcast %broadcast_in_dim3A_117 : f32 to vector<16xf32>
      %swap3A_119 = arith.constant 288 : index
      %swap3A_120 = tpu.vector_load %arg14[%swap3A_119] {strides = array<i32>} : memref<512xf32, #tpu.memory_space<vmem>>, vector<16xf32>,
      tpu.vector_store %arg14[%swap3A_119], %broadcast_in_dim3A_118 {strides = array<i32>} : memref<512xf32, #tpu.memory_space<vmem>>, vector<16xf32>,
      %broadcast_in_dim3A_121 = arith.constant 0.000000e+00 : f32
      %broadcast_in_dim3A_122 = vector.broadcast %broadcast_in_dim3A_121 : f32 to vector<16xf32>
      %swap3A_123 = arith.constant 304 : index
      %swap3A_124 = tpu.vector_load %arg14[%swap3A_123] {strides = array<i32>} : memref<512xf32, #tpu.memory_space<vmem>>, vector<16xf32>,
      tpu.vector_store %arg14[%swap3A_123], %broadcast_in_dim3A_122 {strides = array<i32>} : memref<512xf32, #tpu.memory_space<vmem>>, vector<16xf32>,
      %broadcast_in_dim3A_125 = arith.constant 0.000000e+00 : f32
      %broadcast_in_dim3A_126 = vector.broadcast %broadcast_in_dim3A_125 : f32 to vector<16xf32>
      %swap3A_127 = arith.constant 320 : index
      %swap3A_128 = tpu.vector_load %arg14[%swap3A_127] {strides = array<i32>} : memref<512xf32, #tpu.memory_space<vmem>>, vector<16xf32>,
      tpu.vector_store %arg14[%swap3A_127], %broadcast_in_dim3A_126 {strides = array<i32>} : memref<512xf32, #tpu.memory_space<vmem>>, vector<16xf32>,
      %broadcast_in_dim3A_129 = arith.constant 0.000000e+00 : f32
      %broadcast_in_dim3A_130 = vector.broadcast %broadcast_in_dim3A_129 : f32 to vector<16xf32>
      %swap3A_131 = arith.constant 336 : index
      %swap3A_132 = tpu.vector_load %arg14[%swap3A_131] {strides = array<i32>} : memref<512xf32, #tpu.memory_space<vmem>>, vector<16xf32>,
      tpu.vector_store %arg14[%swap3A_131], %broadcast_in_dim3A_130 {strides = array<i32>} : memref<512xf32, #tpu.memory_space<vmem>>, vector<16xf32>,
      %broadcast_in_dim3A_133 = arith.constant 0.000000e+00 : f32
      %broadcast_in_dim3A_134 = vector.broadcast %broadcast_in_dim3A_133 : f32 to vector<16xf32>
      %swap3A_135 = arith.constant 352 : index
      %swap3A_136 = tpu.vector_load %arg14[%swap3A_135] {strides = array<i32>} : memref<512xf32, #tpu.memory_space<vmem>>, vector<16xf32>,
      tpu.vector_store %arg14[%swap3A_135], %broadcast_in_dim3A_134 {strides = array<i32>} : memref<512xf32, #tpu.memory_space<vmem>>, vector<16xf32>,
      %broadcast_in_dim3A_137 = arith.constant 0.000000e+00 : f32
      %broadcast_in_dim3A_138 = vector.broadcast %broadcast_in_dim3A_137 : f32 to vector<16xf32>
      %swap3A_139 = arith.constant 368 : index
      %swap3A_140 = tpu.vector_load %arg14[%swap3A_139] {strides = array<i32>} : memref<512xf32, #tpu.memory_space<vmem>>, vector<16xf32>,
      tpu.vector_store %arg14[%swap3A_139], %broadcast_in_dim3A_138 {strides = array<i32>} : memref<512xf32, #tpu.memory_space<vmem>>, vector<16xf32>,
      %broadcast_in_dim3A_141 = arith.constant 0.000000e+00 : f32
      %broadcast_in_dim3A_142 = vector.broadcast %broadcast_in_dim3A_141 : f32 to vector<16xf32>
      %swap3A_143 = arith.constant 384 : index
      %swap3A_144 = tpu.vector_load %arg14[%swap3A_143] {strides = array<i32>} : memref<512xf32, #tpu.memory_space<vmem>>, vector<16xf32>,
      tpu.vector_store %arg14[%swap3A_143], %broadcast_in_dim3A_142 {strides = array<i32>} : memref<512xf32, #tpu.memory_space<vmem>>, vector<16xf32>,
      %broadcast_in_dim3A_145 = arith.constant 0.000000e+00 : f32
      %broadcast_in_dim3A_146 = vector.broadcast %broadcast_in_dim3A_145 : f32 to vector<16xf32>
      %swap3A_147 = arith.constant 400 : index
      %swap3A_148 = tpu.vector_load %arg14[%swap3A_147] {strides = array<i32>} : memref<512xf32, #tpu.memory_space<vmem>>, vector<16xf32>,
      tpu.vector_store %arg14[%swap3A_147], %broadcast_in_dim3A_146 {strides = array<i32>} : memref<512xf32, #tpu.memory_space<vmem>>, vector<16xf32>,
      %broadcast_in_dim3A_149 = arith.constant 0.000000e+00 : f32
      %broadcast_in_dim3A_150 = vector.broadcast %broadcast_in_dim3A_149 : f32 to vector<16xf32>
      %swap3A_151 = arith.constant 416 : index
      %swap3A_152 = tpu.vector_load %arg14[%swap3A_151] {strides = array<i32>} : memref<512xf32, #tpu.memory_space<vmem>>, vector<16xf32>,
      tpu.vector_store %arg14[%swap3A_151], %broadcast_in_dim3A_150 {strides = array<i32>} : memref<512xf32, #tpu.memory_space<vmem>>, vector<16xf32>,
      %broadcast_in_dim3A_153 = arith.constant 0.000000e+00 : f32
      %broadcast_in_dim3A_154 = vector.broadcast %broadcast_in_dim3A_153 : f32 to vector<16xf32>
      %swap3A_155 = arith.constant 432 : index
      %swap3A_156 = tpu.vector_load %arg14[%swap3A_155] {strides = array<i32>} : memref<512xf32, #tpu.memory_space<vmem>>, vector<16xf32>,
      tpu.vector_store %arg14[%swap3A_155], %broadcast_in_dim3A_154 {strides = array<i32>} : memref<512xf32, #tpu.memory_space<vmem>>, vector<16xf32>,
      %broadcast_in_dim3A_157 = arith.constant 0.000000e+00 : f32
      %broadcast_in_dim3A_158 = vector.broadcast %broadcast_in_dim3A_157 : f32 to vector<16xf32>
      %swap3A_159 = arith.constant 448 : index
      %swap3A_160 = tpu.vector_load %arg14[%swap3A_159] {strides = array<i32>} : memref<512xf32, #tpu.memory_space<vmem>>, vector<16xf32>,
      tpu.vector_store %arg14[%swap3A_159], %broadcast_in_dim3A_158 {strides = array<i32>} : memref<512xf32, #tpu.memory_space<vmem>>, vector<16xf32>,
      %broadcast_in_dim3A_161 = arith.constant 0.000000e+00 : f32
      %broadcast_in_dim3A_162 = vector.broadcast %broadcast_in_dim3A_161 : f32 to vector<16xf32>
      %swap3A_163 = arith.constant 464 : index
      %swap3A_164 = tpu.vector_load %arg14[%swap3A_163] {strides = array<i32>} : memref<512xf32, #tpu.memory_space<vmem>>, vector<16xf32>,
      tpu.vector_store %arg14[%swap3A_163], %broadcast_in_dim3A_162 {strides = array<i32>} : memref<512xf32, #tpu.memory_space<vmem>>, vector<16xf32>,
      %broadcast_in_dim3A_165 = arith.constant 0.000000e+00 : f32
      %broadcast_in_dim3A_166 = vector.broadcast %broadcast_in_dim3A_165 : f32 to vector<16xf32>
      %swap3A_167 = arith.constant 480 : index
      %swap3A_168 = tpu.vector_load %arg14[%swap3A_167] {strides = array<i32>} : memref<512xf32, #tpu.memory_space<vmem>>, vector<16xf32>,
      tpu.vector_store %arg14[%swap3A_167], %broadcast_in_dim3A_166 {strides = array<i32>} : memref<512xf32, #tpu.memory_space<vmem>>, vector<16xf32>,
      %broadcast_in_dim3A_169 = arith.constant 0.000000e+00 : f32
      %broadcast_in_dim3A_170 = vector.broadcast %broadcast_in_dim3A_169 : f32 to vector<16xf32>
      %swap3A_171 = arith.constant 496 : index
      %swap3A_172 = tpu.vector_load %arg14[%swap3A_171] {strides = array<i32>} : memref<512xf32, #tpu.memory_space<vmem>>, vector<16xf32>,
      tpu.vector_store %arg14[%swap3A_171], %broadcast_in_dim3A_170 {strides = array<i32>} : memref<512xf32, #tpu.memory_space<vmem>>, vector<16xf32>,
      %broadcast_in_dim3A_173 = arith.constant 0xFF800000 : f32
      %broadcast_in_dim3A_174 = vector.broadcast %broadcast_in_dim3A_173 : f32 to vector<16xf32>
      %get3A = arith.constant 0 : index
      %get3A_175 = tpu.vector_load %arg10[%get3A] {strides = array<i32>} : memref<512xf32, #tpu.memory_space<vmem>>, vector<16xf32>,
      %reduce_max3A = arith.constant true
      %reduce_max3A_176 = vector.broadcast %reduce_max3A : i1 to vector<16xi1>
      %reduce_max3A_177 = tpu.scan <max>, %get3A_175 masked %reduce_max3A_176 : vector<16xf32>, vector<16xi1> -> vector<16xf32>
      %reduce_max3A_178 = vector.extract %reduce_max3A_177[15] : f32 from vector<16xf32>
      %eq3A_179 = arith.constant 0 : i32
      %eq3A_180 = vector.broadcast %eq3A_179 : i32 to vector<16xi32>
      %eq3A_181 = arith.cmpi eq, %iota3A, %eq3A_180 : vector<16xi32>
      %broadcast_in_dim3A_182 = vector.broadcast %reduce_max3A_178 : f32 to vector<16xf32>
      %select_n3A = arith.select %eq3A_181, %broadcast_in_dim3A_182, %broadcast_in_dim3A_174 : vector<16xi1>, vector<16xf32>
      %get3A_183 = arith.constant 16 : index
      %get3A_184 = tpu.vector_load %arg10[%get3A_183] {strides = array<i32>} : memref<512xf32, #tpu.memory_space<vmem>>, vector<16xf32>,
      %reduce_max3A_185 = arith.constant true
      %reduce_max3A_186 = vector.broadcast %reduce_max3A_185 : i1 to vector<16xi1>
      %reduce_max3A_187 = tpu.scan <max>, %get3A_184 masked %reduce_max3A_186 : vector<16xf32>, vector<16xi1> -> vector<16xf32>
      %reduce_max3A_188 = vector.extract %reduce_max3A_187[15] : f32 from vector<16xf32>
      %eq3A_189 = arith.constant 1 : i32
      %eq3A_190 = vector.broadcast %eq3A_189 : i32 to vector<16xi32>
      %eq3A_191 = arith.cmpi eq, %iota3A, %eq3A_190 : vector<16xi32>
      %broadcast_in_dim3A_192 = vector.broadcast %reduce_max3A_188 : f32 to vector<16xf32>
      %select_n3A_193 = arith.select %eq3A_191, %broadcast_in_dim3A_192, %select_n3A : vector<16xi1>, vector<16xf32>
      %get3A_194 = arith.constant 32 : index
      %get3A_195 = tpu.vector_load %arg10[%get3A_194] {strides = array<i32>} : memref<512xf32, #tpu.memory_space<vmem>>, vector<16xf32>,
      %reduce_max3A_196 = arith.constant true
      %reduce_max3A_197 = vector.broadcast %reduce_max3A_196 : i1 to vector<16xi1>
      %reduce_max3A_198 = tpu.scan <max>, %get3A_195 masked %reduce_max3A_197 : vector<16xf32>, vector<16xi1> -> vector<16xf32>
      %reduce_max3A_199 = vector.extract %reduce_max3A_198[15] : f32 from vector<16xf32>
      %eq3A_200 = arith.constant 2 : i32
      %eq3A_201 = vector.broadcast %eq3A_200 : i32 to vector<16xi32>
      %eq3A_202 = arith.cmpi eq, %iota3A, %eq3A_201 : vector<16xi32>
      %broadcast_in_dim3A_203 = vector.broadcast %reduce_max3A_199 : f32 to vector<16xf32>
      %select_n3A_204 = arith.select %eq3A_202, %broadcast_in_dim3A_203, %select_n3A_193 : vector<16xi1>, vector<16xf32>
      %get3A_205 = arith.constant 48 : index
      %get3A_206 = tpu.vector_load %arg10[%get3A_205] {strides = array<i32>} : memref<512xf32, #tpu.memory_space<vmem>>, vector<16xf32>,
      %reduce_max3A_207 = arith.constant true
      %reduce_max3A_208 = vector.broadcast %reduce_max3A_207 : i1 to vector<16xi1>
      %reduce_max3A_209 = tpu.scan <max>, %get3A_206 masked %reduce_max3A_208 : vector<16xf32>, vector<16xi1> -> vector<16xf32>
      %reduce_max3A_210 = vector.extract %reduce_max3A_209[15] : f32 from vector<16xf32>
      %eq3A_211 = arith.constant 3 : i32
      %eq3A_212 = vector.broadcast %eq3A_211 : i32 to vector<16xi32>
      %eq3A_213 = arith.cmpi eq, %iota3A, %eq3A_212 : vector<16xi32>
      %broadcast_in_dim3A_214 = vector.broadcast %reduce_max3A_210 : f32 to vector<16xf32>
      %select_n3A_215 = arith.select %eq3A_213, %broadcast_in_dim3A_214, %select_n3A_204 : vector<16xi1>, vector<16xf32>
      %get3A_216 = arith.constant 64 : index
      %get3A_217 = tpu.vector_load %arg10[%get3A_216] {strides = array<i32>} : memref<512xf32, #tpu.memory_space<vmem>>, vector<16xf32>,
      %reduce_max3A_218 = arith.constant true
      %reduce_max3A_219 = vector.broadcast %reduce_max3A_218 : i1 to vector<16xi1>
      %reduce_max3A_220 = tpu.scan <max>, %get3A_217 masked %reduce_max3A_219 : vector<16xf32>, vector<16xi1> -> vector<16xf32>
      %reduce_max3A_221 = vector.extract %reduce_max3A_220[15] : f32 from vector<16xf32>
      %eq3A_222 = arith.constant 4 : i32
      %eq3A_223 = vector.broadcast %eq3A_222 : i32 to vector<16xi32>
      %eq3A_224 = arith.cmpi eq, %iota3A, %eq3A_223 : vector<16xi32>
      %broadcast_in_dim3A_225 = vector.broadcast %reduce_max3A_221 : f32 to vector<16xf32>
      %select_n3A_226 = arith.select %eq3A_224, %broadcast_in_dim3A_225, %select_n3A_215 : vector<16xi1>, vector<16xf32>
      %get3A_227 = arith.constant 80 : index
      %get3A_228 = tpu.vector_load %arg10[%get3A_227] {strides = array<i32>} : memref<512xf32, #tpu.memory_space<vmem>>, vector<16xf32>,
      %reduce_max3A_229 = arith.constant true
      %reduce_max3A_230 = vector.broadcast %reduce_max3A_229 : i1 to vector<16xi1>
      %reduce_max3A_231 = tpu.scan <max>, %get3A_228 masked %reduce_max3A_230 : vector<16xf32>, vector<16xi1> -> vector<16xf32>
      %reduce_max3A_232 = vector.extract %reduce_max3A_231[15] : f32 from vector<16xf32>
      %eq3A_233 = arith.constant 5 : i32
      %eq3A_234 = vector.broadcast %eq3A_233 : i32 to vector<16xi32>
      %eq3A_235 = arith.cmpi eq, %iota3A, %eq3A_234 : vector<16xi32>
      %broadcast_in_dim3A_236 = vector.broadcast %reduce_max3A_232 : f32 to vector<16xf32>
      %select_n3A_237 = arith.select %eq3A_235, %broadcast_in_dim3A_236, %select_n3A_226 : vector<16xi1>, vector<16xf32>
      %get3A_238 = arith.constant 96 : index
      %get3A_239 = tpu.vector_load %arg10[%get3A_238] {strides = array<i32>} : memref<512xf32, #tpu.memory_space<vmem>>, vector<16xf32>,
      %reduce_max3A_240 = arith.constant true
      %reduce_max3A_241 = vector.broadcast %reduce_max3A_240 : i1 to vector<16xi1>
      %reduce_max3A_242 = tpu.scan <max>, %get3A_239 masked %reduce_max3A_241 : vector<16xf32>, vector<16xi1> -> vector<16xf32>
      %reduce_max3A_243 = vector.extract %reduce_max3A_242[15] : f32 from vector<16xf32>
      %eq3A_244 = arith.constant 6 : i32
      %eq3A_245 = vector.broadcast %eq3A_244 : i32 to vector<16xi32>
      %eq3A_246 = arith.cmpi eq, %iota3A, %eq3A_245 : vector<16xi32>
      %broadcast_in_dim3A_247 = vector.broadcast %reduce_max3A_243 : f32 to vector<16xf32>
      %select_n3A_248 = arith.select %eq3A_246, %broadcast_in_dim3A_247, %select_n3A_237 : vector<16xi1>, vector<16xf32>
      %get3A_249 = arith.constant 112 : index
      %get3A_250 = tpu.vector_load %arg10[%get3A_249] {strides = array<i32>} : memref<512xf32, #tpu.memory_space<vmem>>, vector<16xf32>,
      %reduce_max3A_251 = arith.constant true
      %reduce_max3A_252 = vector.broadcast %reduce_max3A_251 : i1 to vector<16xi1>
      %reduce_max3A_253 = tpu.scan <max>, %get3A_250 masked %reduce_max3A_252 : vector<16xf32>, vector<16xi1> -> vector<16xf32>
      %reduce_max3A_254 = vector.extract %reduce_max3A_253[15] : f32 from vector<16xf32>
      %eq3A_255 = arith.constant 7 : i32
      %eq3A_256 = vector.broadcast %eq3A_255 : i32 to vector<16xi32>
      %eq3A_257 = arith.cmpi eq, %iota3A, %eq3A_256 : vector<16xi32>
      %broadcast_in_dim3A_258 = vector.broadcast %reduce_max3A_254 : f32 to vector<16xf32>
      %select_n3A_259 = arith.select %eq3A_257, %broadcast_in_dim3A_258, %select_n3A_248 : vector<16xi1>, vector<16xf32>
      %get3A_260 = arith.constant 128 : index
      %get3A_261 = tpu.vector_load %arg10[%get3A_260] {strides = array<i32>} : memref<512xf32, #tpu.memory_space<vmem>>, vector<16xf32>,
      %reduce_max3A_262 = arith.constant true
      %reduce_max3A_263 = vector.broadcast %reduce_max3A_262 : i1 to vector<16xi1>
      %reduce_max3A_264 = tpu.scan <max>, %get3A_261 masked %reduce_max3A_263 : vector<16xf32>, vector<16xi1> -> vector<16xf32>
      %reduce_max3A_265 = vector.extract %reduce_max3A_264[15] : f32 from vector<16xf32>
      %eq3A_266 = arith.constant 8 : i32
      %eq3A_267 = vector.broadcast %eq3A_266 : i32 to vector<16xi32>
      %eq3A_268 = arith.cmpi eq, %iota3A, %eq3A_267 : vector<16xi32>
      %broadcast_in_dim3A_269 = vector.broadcast %reduce_max3A_265 : f32 to vector<16xf32>
      %select_n3A_270 = arith.select %eq3A_268, %broadcast_in_dim3A_269, %select_n3A_259 : vector<16xi1>, vector<16xf32>
      %get3A_271 = arith.constant 144 : index
      %get3A_272 = tpu.vector_load %arg10[%get3A_271] {strides = array<i32>} : memref<512xf32, #tpu.memory_space<vmem>>, vector<16xf32>,
      %reduce_max3A_273 = arith.constant true
      %reduce_max3A_274 = vector.broadcast %reduce_max3A_273 : i1 to vector<16xi1>
      %reduce_max3A_275 = tpu.scan <max>, %get3A_272 masked %reduce_max3A_274 : vector<16xf32>, vector<16xi1> -> vector<16xf32>
      %reduce_max3A_276 = vector.extract %reduce_max3A_275[15] : f32 from vector<16xf32>
      %eq3A_277 = arith.constant 9 : i32
      %eq3A_278 = vector.broadcast %eq3A_277 : i32 to vector<16xi32>
      %eq3A_279 = arith.cmpi eq, %iota3A, %eq3A_278 : vector<16xi32>
      %broadcast_in_dim3A_280 = vector.broadcast %reduce_max3A_276 : f32 to vector<16xf32>
      %select_n3A_281 = arith.select %eq3A_279, %broadcast_in_dim3A_280, %select_n3A_270 : vector<16xi1>, vector<16xf32>
      %get3A_282 = arith.constant 160 : index
      %get3A_283 = tpu.vector_load %arg10[%get3A_282] {strides = array<i32>} : memref<512xf32, #tpu.memory_space<vmem>>, vector<16xf32>,
      %reduce_max3A_284 = arith.constant true
      %reduce_max3A_285 = vector.broadcast %reduce_max3A_284 : i1 to vector<16xi1>
      %reduce_max3A_286 = tpu.scan <max>, %get3A_283 masked %reduce_max3A_285 : vector<16xf32>, vector<16xi1> -> vector<16xf32>
      %reduce_max3A_287 = vector.extract %reduce_max3A_286[15] : f32 from vector<16xf32>
      %eq3A_288 = arith.constant 10 : i32
      %eq3A_289 = vector.broadcast %eq3A_288 : i32 to vector<16xi32>
      %eq3A_290 = arith.cmpi eq, %iota3A, %eq3A_289 : vector<16xi32>
      %broadcast_in_dim3A_291 = vector.broadcast %reduce_max3A_287 : f32 to vector<16xf32>
      %select_n3A_292 = arith.select %eq3A_290, %broadcast_in_dim3A_291, %select_n3A_281 : vector<16xi1>, vector<16xf32>
      %get3A_293 = arith.constant 176 : index
      %get3A_294 = tpu.vector_load %arg10[%get3A_293] {strides = array<i32>} : memref<512xf32, #tpu.memory_space<vmem>>, vector<16xf32>,
      %reduce_max3A_295 = arith.constant true
      %reduce_max3A_296 = vector.broadcast %reduce_max3A_295 : i1 to vector<16xi1>
      %reduce_max3A_297 = tpu.scan <max>, %get3A_294 masked %reduce_max3A_296 : vector<16xf32>, vector<16xi1> -> vector<16xf32>
      %reduce_max3A_298 = vector.extract %reduce_max3A_297[15] : f32 from vector<16xf32>
      %eq3A_299 = arith.constant 11 : i32
      %eq3A_300 = vector.broadcast %eq3A_299 : i32 to vector<16xi32>
      %eq3A_301 = arith.cmpi eq, %iota3A, %eq3A_300 : vector<16xi32>
      %broadcast_in_dim3A_302 = vector.broadcast %reduce_max3A_298 : f32 to vector<16xf32>
      %select_n3A_303 = arith.select %eq3A_301, %broadcast_in_dim3A_302, %select_n3A_292 : vector<16xi1>, vector<16xf32>
      %get3A_304 = arith.constant 192 : index
      %get3A_305 = tpu.vector_load %arg10[%get3A_304] {strides = array<i32>} : memref<512xf32, #tpu.memory_space<vmem>>, vector<16xf32>,
      %reduce_max3A_306 = arith.constant true
      %reduce_max3A_307 = vector.broadcast %reduce_max3A_306 : i1 to vector<16xi1>
      %reduce_max3A_308 = tpu.scan <max>, %get3A_305 masked %reduce_max3A_307 : vector<16xf32>, vector<16xi1> -> vector<16xf32>
      %reduce_max3A_309 = vector.extract %reduce_max3A_308[15] : f32 from vector<16xf32>
      %eq3A_310 = arith.constant 12 : i32
      %eq3A_311 = vector.broadcast %eq3A_310 : i32 to vector<16xi32>
      %eq3A_312 = arith.cmpi eq, %iota3A, %eq3A_311 : vector<16xi32>
      %broadcast_in_dim3A_313 = vector.broadcast %reduce_max3A_309 : f32 to vector<16xf32>
      %select_n3A_314 = arith.select %eq3A_312, %broadcast_in_dim3A_313, %select_n3A_303 : vector<16xi1>, vector<16xf32>
      %get3A_315 = arith.constant 208 : index
      %get3A_316 = tpu.vector_load %arg10[%get3A_315] {strides = array<i32>} : memref<512xf32, #tpu.memory_space<vmem>>, vector<16xf32>,
      %reduce_max3A_317 = arith.constant true
      %reduce_max3A_318 = vector.broadcast %reduce_max3A_317 : i1 to vector<16xi1>
      %reduce_max3A_319 = tpu.scan <max>, %get3A_316 masked %reduce_max3A_318 : vector<16xf32>, vector<16xi1> -> vector<16xf32>
      %reduce_max3A_320 = vector.extract %reduce_max3A_319[15] : f32 from vector<16xf32>
      %eq3A_321 = arith.constant 13 : i32
      %eq3A_322 = vector.broadcast %eq3A_321 : i32 to vector<16xi32>
      %eq3A_323 = arith.cmpi eq, %iota3A, %eq3A_322 : vector<16xi32>
      %broadcast_in_dim3A_324 = vector.broadcast %reduce_max3A_320 : f32 to vector<16xf32>
      %select_n3A_325 = arith.select %eq3A_323, %broadcast_in_dim3A_324, %select_n3A_314 : vector<16xi1>, vector<16xf32>
      %get3A_326 = arith.constant 224 : index
      %get3A_327 = tpu.vector_load %arg10[%get3A_326] {strides = array<i32>} : memref<512xf32, #tpu.memory_space<vmem>>, vector<16xf32>,
      %reduce_max3A_328 = arith.constant true
      %reduce_max3A_329 = vector.broadcast %reduce_max3A_328 : i1 to vector<16xi1>
      %reduce_max3A_330 = tpu.scan <max>, %get3A_327 masked %reduce_max3A_329 : vector<16xf32>, vector<16xi1> -> vector<16xf32>
      %reduce_max3A_331 = vector.extract %reduce_max3A_330[15] : f32 from vector<16xf32>
      %eq3A_332 = arith.constant 14 : i32
      %eq3A_333 = vector.broadcast %eq3A_332 : i32 to vector<16xi32>
      %eq3A_334 = arith.cmpi eq, %iota3A, %eq3A_333 : vector<16xi32>
      %broadcast_in_dim3A_335 = vector.broadcast %reduce_max3A_331 : f32 to vector<16xf32>
      %select_n3A_336 = arith.select %eq3A_334, %broadcast_in_dim3A_335, %select_n3A_325 : vector<16xi1>, vector<16xf32>
      %get3A_337 = arith.constant 240 : index
      %get3A_338 = tpu.vector_load %arg10[%get3A_337] {strides = array<i32>} : memref<512xf32, #tpu.memory_space<vmem>>, vector<16xf32>,
      %reduce_max3A_339 = arith.constant true
      %reduce_max3A_340 = vector.broadcast %reduce_max3A_339 : i1 to vector<16xi1>
      %reduce_max3A_341 = tpu.scan <max>, %get3A_338 masked %reduce_max3A_340 : vector<16xf32>, vector<16xi1> -> vector<16xf32>
      %reduce_max3A_342 = vector.extract %reduce_max3A_341[15] : f32 from vector<16xf32>
      %eq3A_343 = arith.constant 15 : i32
      %eq3A_344 = vector.broadcast %eq3A_343 : i32 to vector<16xi32>
      %eq3A_345 = arith.cmpi eq, %iota3A, %eq3A_344 : vector<16xi32>
      %broadcast_in_dim3A_346 = vector.broadcast %reduce_max3A_342 : f32 to vector<16xf32>
      %select_n3A_347 = arith.select %eq3A_345, %broadcast_in_dim3A_346, %select_n3A_336 : vector<16xi1>, vector<16xf32>
      %broadcast_in_dim3A_348 = arith.constant 0xFF800000 : f32
      %broadcast_in_dim3A_349 = vector.broadcast %broadcast_in_dim3A_348 : f32 to vector<16xf32>
      %get3A_350 = arith.constant 256 : index
      %get3A_351 = tpu.vector_load %arg10[%get3A_350] {strides = array<i32>} : memref<512xf32, #tpu.memory_space<vmem>>, vector<16xf32>,
      %reduce_max3A_352 = arith.constant true
      %reduce_max3A_353 = vector.broadcast %reduce_max3A_352 : i1 to vector<16xi1>
      %reduce_max3A_354 = tpu.scan <max>, %get3A_351 masked %reduce_max3A_353 : vector<16xf32>, vector<16xi1> -> vector<16xf32>
      %reduce_max3A_355 = vector.extract %reduce_max3A_354[15] : f32 from vector<16xf32>
      %eq3A_356 = arith.constant 0 : i32
      %eq3A_357 = vector.broadcast %eq3A_356 : i32 to vector<16xi32>
      %eq3A_358 = arith.cmpi eq, %iota3A, %eq3A_357 : vector<16xi32>
      %broadcast_in_dim3A_359 = vector.broadcast %reduce_max3A_355 : f32 to vector<16xf32>
      %select_n3A_360 = arith.select %eq3A_358, %broadcast_in_dim3A_359, %broadcast_in_dim3A_349 : vector<16xi1>, vector<16xf32>
      %get3A_361 = arith.constant 272 : index
      %get3A_362 = tpu.vector_load %arg10[%get3A_361] {strides = array<i32>} : memref<512xf32, #tpu.memory_space<vmem>>, vector<16xf32>,
      %reduce_max3A_363 = arith.constant true
      %reduce_max3A_364 = vector.broadcast %reduce_max3A_363 : i1 to vector<16xi1>
      %reduce_max3A_365 = tpu.scan <max>, %get3A_362 masked %reduce_max3A_364 : vector<16xf32>, vector<16xi1> -> vector<16xf32>
      %reduce_max3A_366 = vector.extract %reduce_max3A_365[15] : f32 from vector<16xf32>
      %eq3A_367 = arith.constant 1 : i32
      %eq3A_368 = vector.broadcast %eq3A_367 : i32 to vector<16xi32>
      %eq3A_369 = arith.cmpi eq, %iota3A, %eq3A_368 : vector<16xi32>
      %broadcast_in_dim3A_370 = vector.broadcast %reduce_max3A_366 : f32 to vector<16xf32>
      %select_n3A_371 = arith.select %eq3A_369, %broadcast_in_dim3A_370, %select_n3A_360 : vector<16xi1>, vector<16xf32>
      %get3A_372 = arith.constant 288 : index
      %get3A_373 = tpu.vector_load %arg10[%get3A_372] {strides = array<i32>} : memref<512xf32, #tpu.memory_space<vmem>>, vector<16xf32>,
      %reduce_max3A_374 = arith.constant true
      %reduce_max3A_375 = vector.broadcast %reduce_max3A_374 : i1 to vector<16xi1>
      %reduce_max3A_376 = tpu.scan <max>, %get3A_373 masked %reduce_max3A_375 : vector<16xf32>, vector<16xi1> -> vector<16xf32>
      %reduce_max3A_377 = vector.extract %reduce_max3A_376[15] : f32 from vector<16xf32>
      %eq3A_378 = arith.constant 2 : i32
      %eq3A_379 = vector.broadcast %eq3A_378 : i32 to vector<16xi32>
      %eq3A_380 = arith.cmpi eq, %iota3A, %eq3A_379 : vector<16xi32>
      %broadcast_in_dim3A_381 = vector.broadcast %reduce_max3A_377 : f32 to vector<16xf32>
      %select_n3A_382 = arith.select %eq3A_380, %broadcast_in_dim3A_381, %select_n3A_371 : vector<16xi1>, vector<16xf32>
      %get3A_383 = arith.constant 304 : index
      %get3A_384 = tpu.vector_load %arg10[%get3A_383] {strides = array<i32>} : memref<512xf32, #tpu.memory_space<vmem>>, vector<16xf32>,
      %reduce_max3A_385 = arith.constant true
      %reduce_max3A_386 = vector.broadcast %reduce_max3A_385 : i1 to vector<16xi1>
      %reduce_max3A_387 = tpu.scan <max>, %get3A_384 masked %reduce_max3A_386 : vector<16xf32>, vector<16xi1> -> vector<16xf32>
      %reduce_max3A_388 = vector.extract %reduce_max3A_387[15] : f32 from vector<16xf32>
      %eq3A_389 = arith.constant 3 : i32
      %eq3A_390 = vector.broadcast %eq3A_389 : i32 to vector<16xi32>
      %eq3A_391 = arith.cmpi eq, %iota3A, %eq3A_390 : vector<16xi32>
      %broadcast_in_dim3A_392 = vector.broadcast %reduce_max3A_388 : f32 to vector<16xf32>
      %select_n3A_393 = arith.select %eq3A_391, %broadcast_in_dim3A_392, %select_n3A_382 : vector<16xi1>, vector<16xf32>
      %get3A_394 = arith.constant 320 : index
      %get3A_395 = tpu.vector_load %arg10[%get3A_394] {strides = array<i32>} : memref<512xf32, #tpu.memory_space<vmem>>, vector<16xf32>,
      %reduce_max3A_396 = arith.constant true
      %reduce_max3A_397 = vector.broadcast %reduce_max3A_396 : i1 to vector<16xi1>
      %reduce_max3A_398 = tpu.scan <max>, %get3A_395 masked %reduce_max3A_397 : vector<16xf32>, vector<16xi1> -> vector<16xf32>
      %reduce_max3A_399 = vector.extract %reduce_max3A_398[15] : f32 from vector<16xf32>
      %eq3A_400 = arith.constant 4 : i32
      %eq3A_401 = vector.broadcast %eq3A_400 : i32 to vector<16xi32>
      %eq3A_402 = arith.cmpi eq, %iota3A, %eq3A_401 : vector<16xi32>
      %broadcast_in_dim3A_403 = vector.broadcast %reduce_max3A_399 : f32 to vector<16xf32>
      %select_n3A_404 = arith.select %eq3A_402, %broadcast_in_dim3A_403, %select_n3A_393 : vector<16xi1>, vector<16xf32>
      %get3A_405 = arith.constant 336 : index
      %get3A_406 = tpu.vector_load %arg10[%get3A_405] {strides = array<i32>} : memref<512xf32, #tpu.memory_space<vmem>>, vector<16xf32>,
      %reduce_max3A_407 = arith.constant true
      %reduce_max3A_408 = vector.broadcast %reduce_max3A_407 : i1 to vector<16xi1>
      %reduce_max3A_409 = tpu.scan <max>, %get3A_406 masked %reduce_max3A_408 : vector<16xf32>, vector<16xi1> -> vector<16xf32>
      %reduce_max3A_410 = vector.extract %reduce_max3A_409[15] : f32 from vector<16xf32>
      %eq3A_411 = arith.constant 5 : i32
      %eq3A_412 = vector.broadcast %eq3A_411 : i32 to vector<16xi32>
      %eq3A_413 = arith.cmpi eq, %iota3A, %eq3A_412 : vector<16xi32>
      %broadcast_in_dim3A_414 = vector.broadcast %reduce_max3A_410 : f32 to vector<16xf32>
      %select_n3A_415 = arith.select %eq3A_413, %broadcast_in_dim3A_414, %select_n3A_404 : vector<16xi1>, vector<16xf32>
      %get3A_416 = arith.constant 352 : index
      %get3A_417 = tpu.vector_load %arg10[%get3A_416] {strides = array<i32>} : memref<512xf32, #tpu.memory_space<vmem>>, vector<16xf32>,
      %reduce_max3A_418 = arith.constant true
      %reduce_max3A_419 = vector.broadcast %reduce_max3A_418 : i1 to vector<16xi1>
      %reduce_max3A_420 = tpu.scan <max>, %get3A_417 masked %reduce_max3A_419 : vector<16xf32>, vector<16xi1> -> vector<16xf32>
      %reduce_max3A_421 = vector.extract %reduce_max3A_420[15] : f32 from vector<16xf32>
      %eq3A_422 = arith.constant 6 : i32
      %eq3A_423 = vector.broadcast %eq3A_422 : i32 to vector<16xi32>
      %eq3A_424 = arith.cmpi eq, %iota3A, %eq3A_423 : vector<16xi32>
      %broadcast_in_dim3A_425 = vector.broadcast %reduce_max3A_421 : f32 to vector<16xf32>
      %select_n3A_426 = arith.select %eq3A_424, %broadcast_in_dim3A_425, %select_n3A_415 : vector<16xi1>, vector<16xf32>
      %get3A_427 = arith.constant 368 : index
      %get3A_428 = tpu.vector_load %arg10[%get3A_427] {strides = array<i32>} : memref<512xf32, #tpu.memory_space<vmem>>, vector<16xf32>,
      %reduce_max3A_429 = arith.constant true
      %reduce_max3A_430 = vector.broadcast %reduce_max3A_429 : i1 to vector<16xi1>
      %reduce_max3A_431 = tpu.scan <max>, %get3A_428 masked %reduce_max3A_430 : vector<16xf32>, vector<16xi1> -> vector<16xf32>
      %reduce_max3A_432 = vector.extract %reduce_max3A_431[15] : f32 from vector<16xf32>
      %eq3A_433 = arith.constant 7 : i32
      %eq3A_434 = vector.broadcast %eq3A_433 : i32 to vector<16xi32>
      %eq3A_435 = arith.cmpi eq, %iota3A, %eq3A_434 : vector<16xi32>
      %broadcast_in_dim3A_436 = vector.broadcast %reduce_max3A_432 : f32 to vector<16xf32>
      %select_n3A_437 = arith.select %eq3A_435, %broadcast_in_dim3A_436, %select_n3A_426 : vector<16xi1>, vector<16xf32>
      %get3A_438 = arith.constant 384 : index
      %get3A_439 = tpu.vector_load %arg10[%get3A_438] {strides = array<i32>} : memref<512xf32, #tpu.memory_space<vmem>>, vector<16xf32>,
      %reduce_max3A_440 = arith.constant true
      %reduce_max3A_441 = vector.broadcast %reduce_max3A_440 : i1 to vector<16xi1>
      %reduce_max3A_442 = tpu.scan <max>, %get3A_439 masked %reduce_max3A_441 : vector<16xf32>, vector<16xi1> -> vector<16xf32>
      %reduce_max3A_443 = vector.extract %reduce_max3A_442[15] : f32 from vector<16xf32>
      %eq3A_444 = arith.constant 8 : i32
      %eq3A_445 = vector.broadcast %eq3A_444 : i32 to vector<16xi32>
      %eq3A_446 = arith.cmpi eq, %iota3A, %eq3A_445 : vector<16xi32>
      %broadcast_in_dim3A_447 = vector.broadcast %reduce_max3A_443 : f32 to vector<16xf32>
      %select_n3A_448 = arith.select %eq3A_446, %broadcast_in_dim3A_447, %select_n3A_437 : vector<16xi1>, vector<16xf32>
      %get3A_449 = arith.constant 400 : index
      %get3A_450 = tpu.vector_load %arg10[%get3A_449] {strides = array<i32>} : memref<512xf32, #tpu.memory_space<vmem>>, vector<16xf32>,
      %reduce_max3A_451 = arith.constant true
      %reduce_max3A_452 = vector.broadcast %reduce_max3A_451 : i1 to vector<16xi1>
      %reduce_max3A_453 = tpu.scan <max>, %get3A_450 masked %reduce_max3A_452 : vector<16xf32>, vector<16xi1> -> vector<16xf32>
      %reduce_max3A_454 = vector.extract %reduce_max3A_453[15] : f32 from vector<16xf32>
      %eq3A_455 = arith.constant 9 : i32
      %eq3A_456 = vector.broadcast %eq3A_455 : i32 to vector<16xi32>
      %eq3A_457 = arith.cmpi eq, %iota3A, %eq3A_456 : vector<16xi32>
      %broadcast_in_dim3A_458 = vector.broadcast %reduce_max3A_454 : f32 to vector<16xf32>
      %select_n3A_459 = arith.select %eq3A_457, %broadcast_in_dim3A_458, %select_n3A_448 : vector<16xi1>, vector<16xf32>
      %get3A_460 = arith.constant 416 : index
      %get3A_461 = tpu.vector_load %arg10[%get3A_460] {strides = array<i32>} : memref<512xf32, #tpu.memory_space<vmem>>, vector<16xf32>,
      %reduce_max3A_462 = arith.constant true
      %reduce_max3A_463 = vector.broadcast %reduce_max3A_462 : i1 to vector<16xi1>
      %reduce_max3A_464 = tpu.scan <max>, %get3A_461 masked %reduce_max3A_463 : vector<16xf32>, vector<16xi1> -> vector<16xf32>
      %reduce_max3A_465 = vector.extract %reduce_max3A_464[15] : f32 from vector<16xf32>
      %eq3A_466 = arith.constant 10 : i32
      %eq3A_467 = vector.broadcast %eq3A_466 : i32 to vector<16xi32>
      %eq3A_468 = arith.cmpi eq, %iota3A, %eq3A_467 : vector<16xi32>
      %broadcast_in_dim3A_469 = vector.broadcast %reduce_max3A_465 : f32 to vector<16xf32>
      %select_n3A_470 = arith.select %eq3A_468, %broadcast_in_dim3A_469, %select_n3A_459 : vector<16xi1>, vector<16xf32>
      %get3A_471 = arith.constant 432 : index
      %get3A_472 = tpu.vector_load %arg10[%get3A_471] {strides = array<i32>} : memref<512xf32, #tpu.memory_space<vmem>>, vector<16xf32>,
      %reduce_max3A_473 = arith.constant true
      %reduce_max3A_474 = vector.broadcast %reduce_max3A_473 : i1 to vector<16xi1>
      %reduce_max3A_475 = tpu.scan <max>, %get3A_472 masked %reduce_max3A_474 : vector<16xf32>, vector<16xi1> -> vector<16xf32>
      %reduce_max3A_476 = vector.extract %reduce_max3A_475[15] : f32 from vector<16xf32>
      %eq3A_477 = arith.constant 11 : i32
      %eq3A_478 = vector.broadcast %eq3A_477 : i32 to vector<16xi32>
      %eq3A_479 = arith.cmpi eq, %iota3A, %eq3A_478 : vector<16xi32>
      %broadcast_in_dim3A_480 = vector.broadcast %reduce_max3A_476 : f32 to vector<16xf32>
      %select_n3A_481 = arith.select %eq3A_479, %broadcast_in_dim3A_480, %select_n3A_470 : vector<16xi1>, vector<16xf32>
      %get3A_482 = arith.constant 448 : index
      %get3A_483 = tpu.vector_load %arg10[%get3A_482] {strides = array<i32>} : memref<512xf32, #tpu.memory_space<vmem>>, vector<16xf32>,
      %reduce_max3A_484 = arith.constant true
      %reduce_max3A_485 = vector.broadcast %reduce_max3A_484 : i1 to vector<16xi1>
      %reduce_max3A_486 = tpu.scan <max>, %get3A_483 masked %reduce_max3A_485 : vector<16xf32>, vector<16xi1> -> vector<16xf32>
      %reduce_max3A_487 = vector.extract %reduce_max3A_486[15] : f32 from vector<16xf32>
      %eq3A_488 = arith.constant 12 : i32
      %eq3A_489 = vector.broadcast %eq3A_488 : i32 to vector<16xi32>
      %eq3A_490 = arith.cmpi eq, %iota3A, %eq3A_489 : vector<16xi32>
      %broadcast_in_dim3A_491 = vector.broadcast %reduce_max3A_487 : f32 to vector<16xf32>
      %select_n3A_492 = arith.select %eq3A_490, %broadcast_in_dim3A_491, %select_n3A_481 : vector<16xi1>, vector<16xf32>
      %get3A_493 = arith.constant 464 : index
      %get3A_494 = tpu.vector_load %arg10[%get3A_493] {strides = array<i32>} : memref<512xf32, #tpu.memory_space<vmem>>, vector<16xf32>,
      %reduce_max3A_495 = arith.constant true
      %reduce_max3A_496 = vector.broadcast %reduce_max3A_495 : i1 to vector<16xi1>
      %reduce_max3A_497 = tpu.scan <max>, %get3A_494 masked %reduce_max3A_496 : vector<16xf32>, vector<16xi1> -> vector<16xf32>
      %reduce_max3A_498 = vector.extract %reduce_max3A_497[15] : f32 from vector<16xf32>
      %eq3A_499 = arith.constant 13 : i32
      %eq3A_500 = vector.broadcast %eq3A_499 : i32 to vector<16xi32>
      %eq3A_501 = arith.cmpi eq, %iota3A, %eq3A_500 : vector<16xi32>
      %broadcast_in_dim3A_502 = vector.broadcast %reduce_max3A_498 : f32 to vector<16xf32>
      %select_n3A_503 = arith.select %eq3A_501, %broadcast_in_dim3A_502, %select_n3A_492 : vector<16xi1>, vector<16xf32>
      %get3A_504 = arith.constant 480 : index
      %get3A_505 = tpu.vector_load %arg10[%get3A_504] {strides = array<i32>} : memref<512xf32, #tpu.memory_space<vmem>>, vector<16xf32>,
      %reduce_max3A_506 = arith.constant true
      %reduce_max3A_507 = vector.broadcast %reduce_max3A_506 : i1 to vector<16xi1>
      %reduce_max3A_508 = tpu.scan <max>, %get3A_505 masked %reduce_max3A_507 : vector<16xf32>, vector<16xi1> -> vector<16xf32>
      %reduce_max3A_509 = vector.extract %reduce_max3A_508[15] : f32 from vector<16xf32>
      %eq3A_510 = arith.constant 14 : i32
      %eq3A_511 = vector.broadcast %eq3A_510 : i32 to vector<16xi32>
      %eq3A_512 = arith.cmpi eq, %iota3A, %eq3A_511 : vector<16xi32>
      %broadcast_in_dim3A_513 = vector.broadcast %reduce_max3A_509 : f32 to vector<16xf32>
      %select_n3A_514 = arith.select %eq3A_512, %broadcast_in_dim3A_513, %select_n3A_503 : vector<16xi1>, vector<16xf32>
      %get3A_515 = arith.constant 496 : index
      %get3A_516 = tpu.vector_load %arg10[%get3A_515] {strides = array<i32>} : memref<512xf32, #tpu.memory_space<vmem>>, vector<16xf32>,
      %reduce_max3A_517 = arith.constant true
      %reduce_max3A_518 = vector.broadcast %reduce_max3A_517 : i1 to vector<16xi1>
      %reduce_max3A_519 = tpu.scan <max>, %get3A_516 masked %reduce_max3A_518 : vector<16xf32>, vector<16xi1> -> vector<16xf32>
      %reduce_max3A_520 = vector.extract %reduce_max3A_519[15] : f32 from vector<16xf32>
      %eq3A_521 = arith.constant 15 : i32
      %eq3A_522 = vector.broadcast %eq3A_521 : i32 to vector<16xi32>
      %eq3A_523 = arith.cmpi eq, %iota3A, %eq3A_522 : vector<16xi32>
      %broadcast_in_dim3A_524 = vector.broadcast %reduce_max3A_520 : f32 to vector<16xf32>
      %select_n3A_525 = arith.select %eq3A_523, %broadcast_in_dim3A_524, %select_n3A_514 : vector<16xi1>, vector<16xf32>
      %max3A = arith.maximumf %select_n3A_347, %select_n3A_525 : vector<16xf32>
      %reduce_max3A_526 = arith.constant true
      %reduce_max3A_527 = vector.broadcast %reduce_max3A_526 : i1 to vector<16xi1>
      %reduce_max3A_528 = tpu.scan <max>, %max3A masked %reduce_max3A_527 : vector<16xf32>, vector<16xi1> -> vector<16xf32>
      %reduce_max3A_529 = vector.extract %reduce_max3A_528[15] : f32 from vector<16xf32>
      %while3A = arith.constant 0 : i32
      %while3A_530 = arith.constant 0.000000e+00 : f32
      %while3A_531:5 = scf.while (%while3A_542 = %while3A, %while3A_543 = %while3A_530, %while3A_544 = %reduce_max3A_529, %while3A_545 = %select_n3A_347, %while3A_546 = %select_n3A_525) : (i32, f32, f32, vector<16xf32>, vector<16xf32>) -> (i32, f32, f32, vector<16xf32>, vector<16xf32>) {
        %lt3A = arith.constant 512 : i32
        %lt3A_547 = arith.cmpi slt, %while3A_542, %lt3A : i32
        scf.condition(%lt3A_547) %while3A_542, %while3A_543, %while3A_544, %while3A_545, %while3A_546 : i32, f32, f32, vector<16xf32>, vector<16xf32>
      } do {
      ^bb0(%while3A_542: i32, %while3A_543: f32, %while3A_544: f32, %while3A_545: vector<16xf32>, %while3A_546: vector<16xf32>):
        %eq3A_547 = vector.broadcast %while3A_544 : f32 to vector<16xf32>
        %eq3A_548 = arith.cmpf oeq, %while3A_545, %eq3A_547 : vector<16xf32>
        %eq3A_549 = vector.broadcast %while3A_544 : f32 to vector<16xf32>
        %eq3A_550 = arith.cmpf oeq, %while3A_546, %eq3A_549 : vector<16xf32>
        %add3A = arith.constant 16 : i32
        %add3A_551 = vector.broadcast %add3A : i32 to vector<16xi32>
        %add3A_552 = arith.addi %iota3A, %add3A_551 : vector<16xi32>
        %jit3A = arith.constant 32 : i32
        %broadcast_in_dim3A_553 = vector.broadcast %jit3A : i32 to vector<16xi32>
        %select_n3A_554 = arith.select %eq3A_550, %add3A_552, %broadcast_in_dim3A_553 : vector<16xi1>, vector<16xi32>
        %select_n3A_555 = arith.select %eq3A_548, %iota3A, %select_n3A_554 : vector<16xi1>, vector<16xi32>
        %reduce_min3A = arith.constant true
        %reduce_min3A_556 = vector.broadcast %reduce_min3A : i1 to vector<16xi1>
        %reduce_min3A_557 = arith.constant -2147483648 : i32
        %reduce_min3A_558 = vector.broadcast %reduce_min3A_557 : i32 to vector<16xi32>
        %reduce_min3A_559 = arith.xori %select_n3A_555, %reduce_min3A_558 : vector<16xi32>
        %reduce_min3A_560 = tpu.scan <min>, %reduce_min3A_559 masked %reduce_min3A_556 : vector<16xi32>, vector<16xi1> -> vector<16xi32>
        %reduce_min3A_561 = arith.xori %reduce_min3A_560, %reduce_min3A_558 : vector<16xi32>
        %reduce_min3A_562 = vector.extract %reduce_min3A_561[15] : i32 from vector<16xi32>
        %broadcast_in_dim3A_563 = vector.broadcast %reduce_min3A_562 : i32 to vector<16xi32>
        %and3A = arith.constant 15 : i32
        %and3A_564 = vector.broadcast %and3A : i32 to vector<16xi32>
        %and3A_565 = arith.andi %broadcast_in_dim3A_563, %and3A_564 : vector<16xi32>
        %eq3A_566 = arith.cmpi eq, %iota3A, %and3A_565 : vector<16xi32>
        %lt3A = arith.constant 16 : i32
        %lt3A_567 = vector.broadcast %lt3A : i32 to vector<16xi32>
        %lt3A_568 = arith.cmpi slt, %broadcast_in_dim3A_563, %lt3A_567 : vector<16xi32>
        %and3A_569 = arith.andi %lt3A_568, %eq3A_566 : vector<16xi1>
        %ge3A = arith.constant 16 : i32
        %ge3A_570 = vector.broadcast %ge3A : i32 to vector<16xi32>
        %ge3A_571 = arith.cmpi sge, %broadcast_in_dim3A_563, %ge3A_570 : vector<16xi32>
        %and3A_572 = arith.andi %ge3A_571, %eq3A_566 : vector<16xi1>
        %broadcast_in_dim3A_573 = arith.constant 0xFF800000 : f32
        %broadcast_in_dim3A_574 = vector.broadcast %broadcast_in_dim3A_573 : f32 to vector<16xf32>
        %select_n3A_575 = arith.select %and3A_569, %broadcast_in_dim3A_574, %while3A_545 : vector<16xi1>, vector<16xf32>
        %select_n3A_576 = arith.select %and3A_572, %broadcast_in_dim3A_574, %while3A_546 : vector<16xi1>, vector<16xf32>
        %max3A_577 = arith.maximumf %select_n3A_575, %select_n3A_576 : vector<16xf32>
        %reduce_max3A_578 = arith.constant true
        %reduce_max3A_579 = vector.broadcast %reduce_max3A_578 : i1 to vector<16xi1>
        %reduce_max3A_580 = tpu.scan <max>, %max3A_577 masked %reduce_max3A_579 : vector<16xf32>, vector<16xi1> -> vector<16xf32>
        %reduce_max3A_581 = vector.extract %reduce_max3A_580[15] : f32 from vector<16xf32>
        %mul3A_582 = arith.constant 16 : i32
        %mul3A_583 = arith.muli %reduce_min3A_562, %mul3A_582 : i32
        %get3A_584 = arith.index_cast %mul3A_583 : i32 to index
        %get3A_585 = tpu.vector_load %arg10[%get3A_584] {strides = array<i32>} : memref<512xf32, #tpu.memory_space<vmem>>, vector<16xf32>,
        %eq3A_586 = vector.broadcast %while3A_544 : f32 to vector<16xf32>
        %eq3A_587 = arith.cmpf oeq, %get3A_585, %eq3A_586 : vector<16xf32>
        %jit3A_588 = arith.constant 16 : i32
        %broadcast_in_dim3A_589 = vector.broadcast %jit3A_588 : i32 to vector<16xi32>
        %select_n3A_590 = arith.select %eq3A_587, %iota3A, %broadcast_in_dim3A_589 : vector<16xi1>, vector<16xi32>
        %reduce_min3A_591 = arith.constant true
        %reduce_min3A_592 = vector.broadcast %reduce_min3A_591 : i1 to vector<16xi1>
        %reduce_min3A_593 = arith.constant -2147483648 : i32
        %reduce_min3A_594 = vector.broadcast %reduce_min3A_593 : i32 to vector<16xi32>
        %reduce_min3A_595 = arith.xori %select_n3A_590, %reduce_min3A_594 : vector<16xi32>
        %reduce_min3A_596 = tpu.scan <min>, %reduce_min3A_595 masked %reduce_min3A_592 : vector<16xi32>, vector<16xi1> -> vector<16xi32>
        %reduce_min3A_597 = arith.xori %reduce_min3A_596, %reduce_min3A_594 : vector<16xi32>
        %reduce_min3A_598 = vector.extract %reduce_min3A_597[15] : i32 from vector<16xi32>
        %mul3A_599 = arith.constant 16 : i32
        %mul3A_600 = arith.muli %reduce_min3A_562, %mul3A_599 : i32
        %add3A_601 = arith.addi %mul3A_600, %reduce_min3A_598 : i32
        %get3A_602 = arith.index_cast %add3A_601 : i32 to index
        %get3A_603 = memref.load %arg21[%get3A_602] : memref<512xi32, #tpu.memory_space<smem>>
        %and3A_604 = arith.constant 511 : i32
        %and3A_605 = arith.andi %get3A_603, %and3A_604 : i32
        %get3A_606 = arith.index_cast %and3A_605 : i32 to index
        %get3A_607 = memref.load %arg23[%get3A_606] : memref<512xi32, #tpu.memory_space<smem>>
        %eq3A_608 = arith.constant 1 : i32
        %eq3A_609 = arith.cmpi eq, %get3A_607, %eq3A_608 : i32
        %convert_element_type3A_610 = arith.extui %eq3A_609 : i1 to i32
        %cond3A_611 = arith.constant 0 : i32
        %cond3A_612 = arith.cmpi ne, %convert_element_type3A_610, %cond3A_611 : i32
        scf.if %cond3A_612 {
          %eq3A_635 = vector.broadcast %reduce_min3A_598 : i32 to vector<16xi32>
          %eq3A_636 = arith.cmpi eq, %iota3A, %eq3A_635 : vector<16xi32>
          %jit3A_637 = arith.constant 0xFF800000 : f32
          %broadcast_in_dim3A_638 = vector.broadcast %jit3A_637 : f32 to vector<16xf32>
          %select_n3A_639 = arith.select %eq3A_636, %broadcast_in_dim3A_638, %get3A_585 : vector<16xi1>, vector<16xf32>
          %mul3A_640 = arith.constant 16 : i32
          %mul3A_641 = arith.muli %reduce_min3A_562, %mul3A_640 : i32
          %swap3A_642 = arith.index_cast %mul3A_641 : i32 to index
          %swap3A_643 = tpu.vector_load %arg10[%swap3A_642] {strides = array<i32>} : memref<512xf32, #tpu.memory_space<vmem>>, vector<16xf32>,
          tpu.vector_store %arg10[%swap3A_642], %select_n3A_639 {strides = array<i32>} : memref<512xf32, #tpu.memory_space<vmem>>, vector<16xf32>,
          %swap3A_644 = arith.constant 0 : i32
          %swap3A_645 = arith.index_cast %and3A_605 : i32 to index
          %swap3A_646 = memref.load %arg23[%swap3A_645] : memref<512xi32, #tpu.memory_space<smem>>
          memref.store %swap3A_644, %arg23[%swap3A_645] : memref<512xi32, #tpu.memory_space<smem>>
          %jit3A_647 = arith.constant 16 : i32
          %div3A = arith.divsi %and3A_605, %jit3A_647 : i32
          %sign3A = arith.constant 0 : i32
          %sign3A_648 = arith.cmpi sgt, %and3A_605, %sign3A : i32
          %sign3A_649 = arith.extui %sign3A_648 : i1 to i32
          %sign3A_650 = arith.constant 0 : i32
          %sign3A_651 = arith.cmpi slt, %and3A_605, %sign3A_650 : i32
          %sign3A_652 = arith.extui %sign3A_651 : i1 to i32
          %sign3A_653 = arith.subi %sign3A_649, %sign3A_652 : i32
          %sign3A_654 = arith.constant 0 : i32
          %sign3A_655 = arith.cmpi sgt, %jit3A_647, %sign3A_654 : i32
          %sign3A_656 = arith.extui %sign3A_655 : i1 to i32
          %sign3A_657 = arith.constant 0 : i32
          %sign3A_658 = arith.cmpi slt, %jit3A_647, %sign3A_657 : i32
          %sign3A_659 = arith.extui %sign3A_658 : i1 to i32
          %sign3A_660 = arith.subi %sign3A_656, %sign3A_659 : i32
          %ne3A = arith.cmpi ne, %sign3A_653, %sign3A_660 : i32
          %rem3A = arith.remsi %and3A_605, %jit3A_647 : i32
          %ne3A_661 = arith.constant 0 : i32
          %ne3A_662 = arith.cmpi ne, %rem3A, %ne3A_661 : i32
          %and3A_663 = arith.andi %ne3A, %ne3A_662 : i1
          %sub3A = arith.constant 1 : i32
          %sub3A_664 = arith.subi %div3A, %sub3A : i32
          %select_n3A_665 = arith.select %and3A_663, %sub3A_664, %div3A : i32
          %mul3A_666 = arith.constant 16 : i32
          %mul3A_667 = arith.muli %select_n3A_665, %mul3A_666 : i32
          %get3A_668 = arith.index_cast %mul3A_667 : i32 to index
          %get3A_669 = tpu.vector_load %arg14[%get3A_668] {strides = array<i32>} : memref<512xf32, #tpu.memory_space<vmem>>, vector<16xf32>,
          %sub3A_670 = arith.subi %and3A_605, %mul3A_667 : i32
          %eq3A_671 = vector.broadcast %sub3A_670 : i32 to vector<16xi32>
          %eq3A_672 = arith.cmpi eq, %iota3A, %eq3A_671 : vector<16xi32>
          %jit3A_673 = arith.constant 0xFF800000 : f32
          %broadcast_in_dim3A_674 = vector.broadcast %jit3A_673 : f32 to vector<16xf32>
          %select_n3A_675 = arith.select %eq3A_672, %broadcast_in_dim3A_674, %get3A_669 : vector<16xi1>, vector<16xf32>
          %swap3A_676 = arith.index_cast %mul3A_667 : i32 to index
          %swap3A_677 = tpu.vector_load %arg14[%swap3A_676] {strides = array<i32>} : memref<512xf32, #tpu.memory_space<vmem>>, vector<16xf32>,
          tpu.vector_store %arg14[%swap3A_676], %select_n3A_675 {strides = array<i32>} : memref<512xf32, #tpu.memory_space<vmem>>, vector<16xf32>,
        } else {
        }
        %not3A = arith.constant true
        %not3A_613 = arith.xori %eq3A_609, %not3A : i1
        %convert_element_type3A_614 = arith.extui %not3A_613 : i1 to i32
        %cond3A_615 = arith.constant 0 : i32
        %cond3A_616 = arith.cmpi ne, %convert_element_type3A_614, %cond3A_615 : i32
        scf.if %cond3A_616 {
          %shift_right_arithmetic3A = arith.constant 9 : i32
          %shift_right_arithmetic3A_635 = arith.shrsi %get3A_603, %shift_right_arithmetic3A : i32
          %and3A_636 = arith.constant 511 : i32
          %and3A_637 = arith.andi %shift_right_arithmetic3A_635, %and3A_636 : i32
          %shift_right_arithmetic3A_638 = arith.constant 18 : i32
          %shift_right_arithmetic3A_639 = arith.shrsi %get3A_603, %shift_right_arithmetic3A_638 : i32
          %get3A_640 = arith.index_cast %and3A_637 : i32 to index
          %get3A_641 = memref.load %arg23[%get3A_640] : memref<512xi32, #tpu.memory_space<smem>>
          %eq3A_642 = arith.constant 1 : i32
          %eq3A_643 = arith.cmpi eq, %get3A_641, %eq3A_642 : i32
          %mul3A_644 = arith.constant 16 : i32
          %mul3A_645 = arith.muli %reduce_min3A_562, %mul3A_644 : i32
          %get3A_646 = arith.index_cast %mul3A_645 : i32 to index
          %get3A_647 = tpu.vector_load %arg13[%get3A_646] {strides = array<i32>} : memref<512xf32, #tpu.memory_space<vmem>>, vector<16xf32>,
          %eq3A_648 = vector.broadcast %reduce_min3A_598 : i32 to vector<16xi32>
          %eq3A_649 = arith.cmpi eq, %iota3A, %eq3A_648 : vector<16xi32>
          %jit3A_650 = arith.constant 0xFF800000 : f32
          %broadcast_in_dim3A_651 = vector.broadcast %jit3A_650 : f32 to vector<16xf32>
          %select_n3A_652 = arith.select %eq3A_649, %get3A_647, %broadcast_in_dim3A_651 : vector<16xi1>, vector<16xf32>
          %reduce_max3A_653 = arith.constant true
          %reduce_max3A_654 = vector.broadcast %reduce_max3A_653 : i1 to vector<16xi1>
          %reduce_max3A_655 = tpu.scan <max>, %select_n3A_652 masked %reduce_max3A_654 : vector<16xf32>, vector<16xi1> -> vector<16xf32>
          %reduce_max3A_656 = vector.extract %reduce_max3A_655[15] : f32 from vector<16xf32>
          %convert_element_type3A_657 = arith.extui %eq3A_643 : i1 to i32
          %cond3A_658 = arith.constant 0 : i32
          %cond3A_659 = arith.cmpi ne, %convert_element_type3A_657, %cond3A_658 : i32
          scf.if %cond3A_659 {
            %get3A_685 = arith.index_cast %add3A_601 : i32 to index
            %get3A_686 = memref.load %arg22[%get3A_685] : memref<512xf32, #tpu.memory_space<smem>>
            %eq3A_687 = vector.broadcast %reduce_min3A_598 : i32 to vector<16xi32>
            %eq3A_688 = arith.cmpi eq, %iota3A, %eq3A_687 : vector<16xi32>
            %broadcast_in_dim3A_689 = vector.broadcast %get3A_686 : f32 to vector<16xf32>
            %select_n3A_690 = arith.select %eq3A_688, %broadcast_in_dim3A_689, %get3A_585 : vector<16xi1>, vector<16xf32>
            %mul3A_691 = arith.constant 16 : i32
            %mul3A_692 = arith.muli %reduce_min3A_562, %mul3A_691 : i32
            %swap3A_693 = arith.index_cast %mul3A_692 : i32 to index
            %swap3A_694 = tpu.vector_load %arg10[%swap3A_693] {strides = array<i32>} : memref<512xf32, #tpu.memory_space<vmem>>, vector<16xf32>,
            tpu.vector_store %arg10[%swap3A_693], %select_n3A_690 {strides = array<i32>} : memref<512xf32, #tpu.memory_space<vmem>>, vector<16xf32>,
            %shift_left3A = arith.constant 9 : i32
            %shift_left3A_695 = arith.shli %shift_right_arithmetic3A_639, %shift_left3A : i32
            %or3A = arith.ori %and3A_637, %shift_left3A_695 : i32
            %shift_left3A_696 = arith.constant 18 : i32
            %shift_left3A_697 = arith.shli %and3A_605, %shift_left3A_696 : i32
            %or3A_698 = arith.ori %or3A, %shift_left3A_697 : i32
            %swap3A_699 = arith.index_cast %add3A_601 : i32 to index
            %swap3A_700 = memref.load %arg21[%swap3A_699] : memref<512xi32, #tpu.memory_space<smem>>
            memref.store %or3A_698, %arg21[%swap3A_699] : memref<512xi32, #tpu.memory_space<smem>>
            %swap3A_701 = arith.index_cast %add3A_601 : i32 to index
            %swap3A_702 = memref.load %arg22[%swap3A_701] : memref<512xf32, #tpu.memory_space<smem>>
            memref.store %reduce_max3A_656, %arg22[%swap3A_701] : memref<512xf32, #tpu.memory_space<smem>>
          } else {
          }
          %get3A_660 = arith.index_cast %shift_right_arithmetic3A_639 : i32 to index
          %get3A_661 = memref.load %arg23[%get3A_660] : memref<512xi32, #tpu.memory_space<smem>>
          %eq3A_662 = arith.constant 1 : i32
          %eq3A_663 = arith.cmpi eq, %get3A_661, %eq3A_662 : i32
          %not3A_664 = arith.constant true
          %not3A_665 = arith.xori %eq3A_643, %not3A_664 : i1
          %and3A_666 = arith.andi %not3A_665, %eq3A_663 : i1
          %convert_element_type3A_667 = arith.extui %and3A_666 : i1 to i32
          %cond3A_668 = arith.constant 0 : i32
          %cond3A_669 = arith.cmpi ne, %convert_element_type3A_667, %cond3A_668 : i32
          scf.if %cond3A_669 {
            %eq3A_685 = vector.broadcast %reduce_min3A_598 : i32 to vector<16xi32>
            %eq3A_686 = arith.cmpi eq, %iota3A, %eq3A_685 : vector<16xi32>
            %broadcast_in_dim3A_687 = vector.broadcast %reduce_max3A_656 : f32 to vector<16xf32>
            %select_n3A_688 = arith.select %eq3A_686, %broadcast_in_dim3A_687, %get3A_585 : vector<16xi1>, vector<16xf32>
            %mul3A_689 = arith.constant 16 : i32
            %mul3A_690 = arith.muli %reduce_min3A_562, %mul3A_689 : i32
            %swap3A_691 = arith.index_cast %mul3A_690 : i32 to index
            %swap3A_692 = tpu.vector_load %arg10[%swap3A_691] {strides = array<i32>} : memref<512xf32, #tpu.memory_space<vmem>>, vector<16xf32>,
            tpu.vector_store %arg10[%swap3A_691], %select_n3A_688 {strides = array<i32>} : memref<512xf32, #tpu.memory_space<vmem>>, vector<16xf32>,
            %shift_left3A = arith.constant 9 : i32
            %shift_left3A_693 = arith.shli %and3A_605, %shift_left3A : i32
            %or3A = arith.ori %shift_right_arithmetic3A_639, %shift_left3A_693 : i32
            %shift_left3A_694 = arith.constant 18 : i32
            %shift_left3A_695 = arith.shli %and3A_605, %shift_left3A_694 : i32
            %or3A_696 = arith.ori %or3A, %shift_left3A_695 : i32
            %swap3A_697 = arith.index_cast %add3A_601 : i32 to index
            %swap3A_698 = memref.load %arg21[%swap3A_697] : memref<512xi32, #tpu.memory_space<smem>>
            memref.store %or3A_696, %arg21[%swap3A_697] : memref<512xi32, #tpu.memory_space<smem>>
          } else {
          }
          %not3A_670 = arith.constant true
          %not3A_671 = arith.xori %eq3A_663, %not3A_670 : i1
          %and3A_672 = arith.andi %not3A_665, %not3A_671 : i1
          %lt3A_673 = arith.constant 208 : i32
          %lt3A_674 = arith.cmpi slt, %add3A_601, %lt3A_673 : i32
          %and3A_675 = arith.andi %and3A_672, %lt3A_674 : i1
          %convert_element_type3A_676 = arith.extui %and3A_675 : i1 to i32
          %cond3A_677 = arith.constant 0 : i32
          %cond3A_678 = arith.cmpi ne, %convert_element_type3A_676, %cond3A_677 : i32
          scf.if %cond3A_678 {
            %broadcast_in_dim3A_685 = arith.constant 0xFF800000 : f32
            %broadcast_in_dim3A_686 = vector.broadcast %broadcast_in_dim3A_685 : f32 to vector<16xf32>
            %broadcast_in_dim3A_687 = arith.constant 0 : i32
            %broadcast_in_dim3A_688 = vector.broadcast %broadcast_in_dim3A_687 : i32 to vector<16xi32>
            %broadcast_in_dim3A_689 = arith.constant 0xFF800000 : f32
            %broadcast_in_dim3A_690 = vector.broadcast %broadcast_in_dim3A_689 : f32 to vector<16xf32>
            %broadcast_in_dim3A_691 = arith.constant 0 : i32
            %broadcast_in_dim3A_692 = vector.broadcast %broadcast_in_dim3A_691 : i32 to vector<16xi32>
            %broadcast_in_dim3A_693 = arith.constant 0xFF800000 : f32
            %broadcast_in_dim3A_694 = vector.broadcast %broadcast_in_dim3A_693 : f32 to vector<16xf32>
            %broadcast_in_dim3A_695 = arith.constant 0 : i32
            %broadcast_in_dim3A_696 = vector.broadcast %broadcast_in_dim3A_695 : i32 to vector<16xi32>
            %mul3A_697 = arith.constant 512 : i32
            %mul3A_698 = arith.muli %add3A_601, %mul3A_697 : i32
            %add3A_699 = arith.constant 0 : i32
            %add3A_700 = arith.addi %mul3A_698, %add3A_699 : i32
            %get3A_701 = arith.index_cast %add3A_700 : i32 to index
            %get3A_702 = tpu.vector_load %arg9[%get3A_701] {strides = array<i32>} : memref<106496xf32, #tpu.memory_space<vmem>>, vector<16xf32>,
            %get3A_703 = arith.constant 0 : index
            %get3A_704 = tpu.vector_load %arg14[%get3A_703] {strides = array<i32>} : memref<512xf32, #tpu.memory_space<vmem>>, vector<16xf32>,
            %add3A_705 = arith.addf %get3A_702, %get3A_704 : vector<16xf32>
            %gt3A = arith.cmpf ogt, %add3A_705, %broadcast_in_dim3A_686 : vector<16xf32>
            %gt3A_706 = arith.cmpf ogt, %add3A_705, %broadcast_in_dim3A_690 : vector<16xf32>
            %gt3A_707 = arith.cmpf ogt, %add3A_705, %broadcast_in_dim3A_694 : vector<16xf32>
            %select_n3A_708 = arith.select %gt3A_707, %add3A_705, %broadcast_in_dim3A_694 : vector<16xi1>, vector<16xf32>
            %select_n3A_709 = arith.select %gt3A_706, %broadcast_in_dim3A_690, %select_n3A_708 : vector<16xi1>, vector<16xf32>
            %jit3A_710 = arith.constant 0 : i32
            %broadcast_in_dim3A_711 = vector.broadcast %jit3A_710 : i32 to vector<16xi32>
            %select_n3A_712 = arith.select %gt3A_707, %broadcast_in_dim3A_711, %broadcast_in_dim3A_696 : vector<16xi1>, vector<16xi32>
            %select_n3A_713 = arith.select %gt3A_706, %broadcast_in_dim3A_692, %select_n3A_712 : vector<16xi1>, vector<16xi32>
            %select_n3A_714 = arith.select %gt3A_706, %add3A_705, %broadcast_in_dim3A_690 : vector<16xi1>, vector<16xf32>
            %select_n3A_715 = arith.select %gt3A, %broadcast_in_dim3A_686, %select_n3A_714 : vector<16xi1>, vector<16xf32>
            %jit3A_716 = arith.constant 0 : i32
            %broadcast_in_dim3A_717 = vector.broadcast %jit3A_716 : i32 to vector<16xi32>
            %select_n3A_718 = arith.select %gt3A_706, %broadcast_in_dim3A_717, %broadcast_in_dim3A_692 : vector<16xi1>, vector<16xi32>
            %select_n3A_719 = arith.select %gt3A, %broadcast_in_dim3A_688, %select_n3A_718 : vector<16xi1>, vector<16xi32>
            %select_n3A_720 = arith.select %gt3A, %add3A_705, %broadcast_in_dim3A_686 : vector<16xi1>, vector<16xf32>
            %jit3A_721 = arith.constant 0 : i32
            %broadcast_in_dim3A_722 = vector.broadcast %jit3A_721 : i32 to vector<16xi32>
            %select_n3A_723 = arith.select %gt3A, %broadcast_in_dim3A_722, %broadcast_in_dim3A_688 : vector<16xi1>, vector<16xi32>
            %mul3A_724 = arith.constant 512 : i32
            %mul3A_725 = arith.muli %add3A_601, %mul3A_724 : i32
            %add3A_726 = arith.constant 16 : i32
            %add3A_727 = arith.addi %mul3A_725, %add3A_726 : i32
            %get3A_728 = arith.index_cast %add3A_727 : i32 to index
            %get3A_729 = tpu.vector_load %arg9[%get3A_728] {strides = array<i32>} : memref<106496xf32, #tpu.memory_space<vmem>>, vector<16xf32>,
            %get3A_730 = arith.constant 16 : index
            %get3A_731 = tpu.vector_load %arg14[%get3A_730] {strides = array<i32>} : memref<512xf32, #tpu.memory_space<vmem>>, vector<16xf32>,
            %add3A_732 = arith.addf %get3A_729, %get3A_731 : vector<16xf32>
            %gt3A_733 = arith.cmpf ogt, %add3A_732, %select_n3A_720 : vector<16xf32>
            %gt3A_734 = arith.cmpf ogt, %add3A_732, %select_n3A_715 : vector<16xf32>
            %gt3A_735 = arith.cmpf ogt, %add3A_732, %select_n3A_709 : vector<16xf32>
            %select_n3A_736 = arith.select %gt3A_735, %add3A_732, %select_n3A_709 : vector<16xi1>, vector<16xf32>
            %select_n3A_737 = arith.select %gt3A_734, %select_n3A_715, %select_n3A_736 : vector<16xi1>, vector<16xf32>
            %jit3A_738 = arith.constant 1 : i32
            %broadcast_in_dim3A_739 = vector.broadcast %jit3A_738 : i32 to vector<16xi32>
            %select_n3A_740 = arith.select %gt3A_735, %broadcast_in_dim3A_739, %select_n3A_713 : vector<16xi1>, vector<16xi32>
            %select_n3A_741 = arith.select %gt3A_734, %select_n3A_719, %select_n3A_740 : vector<16xi1>, vector<16xi32>
            %select_n3A_742 = arith.select %gt3A_734, %add3A_732, %select_n3A_715 : vector<16xi1>, vector<16xf32>
            %select_n3A_743 = arith.select %gt3A_733, %select_n3A_720, %select_n3A_742 : vector<16xi1>, vector<16xf32>
            %jit3A_744 = arith.constant 1 : i32
            %broadcast_in_dim3A_745 = vector.broadcast %jit3A_744 : i32 to vector<16xi32>
            %select_n3A_746 = arith.select %gt3A_734, %broadcast_in_dim3A_745, %select_n3A_719 : vector<16xi1>, vector<16xi32>
            %select_n3A_747 = arith.select %gt3A_733, %select_n3A_723, %select_n3A_746 : vector<16xi1>, vector<16xi32>
            %select_n3A_748 = arith.select %gt3A_733, %add3A_732, %select_n3A_720 : vector<16xi1>, vector<16xf32>
            %jit3A_749 = arith.constant 1 : i32
            %broadcast_in_dim3A_750 = vector.broadcast %jit3A_749 : i32 to vector<16xi32>
            %select_n3A_751 = arith.select %gt3A_733, %broadcast_in_dim3A_750, %select_n3A_723 : vector<16xi1>, vector<16xi32>
            %mul3A_752 = arith.constant 512 : i32
            %mul3A_753 = arith.muli %add3A_601, %mul3A_752 : i32
            %add3A_754 = arith.constant 32 : i32
            %add3A_755 = arith.addi %mul3A_753, %add3A_754 : i32
            %get3A_756 = arith.index_cast %add3A_755 : i32 to index
            %get3A_757 = tpu.vector_load %arg9[%get3A_756] {strides = array<i32>} : memref<106496xf32, #tpu.memory_space<vmem>>, vector<16xf32>,
            %get3A_758 = arith.constant 32 : index
            %get3A_759 = tpu.vector_load %arg14[%get3A_758] {strides = array<i32>} : memref<512xf32, #tpu.memory_space<vmem>>, vector<16xf32>,
            %add3A_760 = arith.addf %get3A_757, %get3A_759 : vector<16xf32>
            %gt3A_761 = arith.cmpf ogt, %add3A_760, %select_n3A_748 : vector<16xf32>
            %gt3A_762 = arith.cmpf ogt, %add3A_760, %select_n3A_743 : vector<16xf32>
            %gt3A_763 = arith.cmpf ogt, %add3A_760, %select_n3A_737 : vector<16xf32>
            %select_n3A_764 = arith.select %gt3A_763, %add3A_760, %select_n3A_737 : vector<16xi1>, vector<16xf32>
            %select_n3A_765 = arith.select %gt3A_762, %select_n3A_743, %select_n3A_764 : vector<16xi1>, vector<16xf32>
            %jit3A_766 = arith.constant 2 : i32
            %broadcast_in_dim3A_767 = vector.broadcast %jit3A_766 : i32 to vector<16xi32>
            %select_n3A_768 = arith.select %gt3A_763, %broadcast_in_dim3A_767, %select_n3A_741 : vector<16xi1>, vector<16xi32>
            %select_n3A_769 = arith.select %gt3A_762, %select_n3A_747, %select_n3A_768 : vector<16xi1>, vector<16xi32>
            %select_n3A_770 = arith.select %gt3A_762, %add3A_760, %select_n3A_743 : vector<16xi1>, vector<16xf32>
            %select_n3A_771 = arith.select %gt3A_761, %select_n3A_748, %select_n3A_770 : vector<16xi1>, vector<16xf32>
            %jit3A_772 = arith.constant 2 : i32
            %broadcast_in_dim3A_773 = vector.broadcast %jit3A_772 : i32 to vector<16xi32>
            %select_n3A_774 = arith.select %gt3A_762, %broadcast_in_dim3A_773, %select_n3A_747 : vector<16xi1>, vector<16xi32>
            %select_n3A_775 = arith.select %gt3A_761, %select_n3A_751, %select_n3A_774 : vector<16xi1>, vector<16xi32>
            %select_n3A_776 = arith.select %gt3A_761, %add3A_760, %select_n3A_748 : vector<16xi1>, vector<16xf32>
            %jit3A_777 = arith.constant 2 : i32
            %broadcast_in_dim3A_778 = vector.broadcast %jit3A_777 : i32 to vector<16xi32>
            %select_n3A_779 = arith.select %gt3A_761, %broadcast_in_dim3A_778, %select_n3A_751 : vector<16xi1>, vector<16xi32>
            %mul3A_780 = arith.constant 512 : i32
            %mul3A_781 = arith.muli %add3A_601, %mul3A_780 : i32
            %add3A_782 = arith.constant 48 : i32
            %add3A_783 = arith.addi %mul3A_781, %add3A_782 : i32
            %get3A_784 = arith.index_cast %add3A_783 : i32 to index
            %get3A_785 = tpu.vector_load %arg9[%get3A_784] {strides = array<i32>} : memref<106496xf32, #tpu.memory_space<vmem>>, vector<16xf32>,
            %get3A_786 = arith.constant 48 : index
            %get3A_787 = tpu.vector_load %arg14[%get3A_786] {strides = array<i32>} : memref<512xf32, #tpu.memory_space<vmem>>, vector<16xf32>,
            %add3A_788 = arith.addf %get3A_785, %get3A_787 : vector<16xf32>
            %gt3A_789 = arith.cmpf ogt, %add3A_788, %select_n3A_776 : vector<16xf32>
            %gt3A_790 = arith.cmpf ogt, %add3A_788, %select_n3A_771 : vector<16xf32>
            %gt3A_791 = arith.cmpf ogt, %add3A_788, %select_n3A_765 : vector<16xf32>
            %select_n3A_792 = arith.select %gt3A_791, %add3A_788, %select_n3A_765 : vector<16xi1>, vector<16xf32>
            %select_n3A_793 = arith.select %gt3A_790, %select_n3A_771, %select_n3A_792 : vector<16xi1>, vector<16xf32>
            %jit3A_794 = arith.constant 3 : i32
            %broadcast_in_dim3A_795 = vector.broadcast %jit3A_794 : i32 to vector<16xi32>
            %select_n3A_796 = arith.select %gt3A_791, %broadcast_in_dim3A_795, %select_n3A_769 : vector<16xi1>, vector<16xi32>
            %select_n3A_797 = arith.select %gt3A_790, %select_n3A_775, %select_n3A_796 : vector<16xi1>, vector<16xi32>
            %select_n3A_798 = arith.select %gt3A_790, %add3A_788, %select_n3A_771 : vector<16xi1>, vector<16xf32>
            %select_n3A_799 = arith.select %gt3A_789, %select_n3A_776, %select_n3A_798 : vector<16xi1>, vector<16xf32>
            %jit3A_800 = arith.constant 3 : i32
            %broadcast_in_dim3A_801 = vector.broadcast %jit3A_800 : i32 to vector<16xi32>
            %select_n3A_802 = arith.select %gt3A_790, %broadcast_in_dim3A_801, %select_n3A_775 : vector<16xi1>, vector<16xi32>
            %select_n3A_803 = arith.select %gt3A_789, %select_n3A_779, %select_n3A_802 : vector<16xi1>, vector<16xi32>
            %select_n3A_804 = arith.select %gt3A_789, %add3A_788, %select_n3A_776 : vector<16xi1>, vector<16xf32>
            %jit3A_805 = arith.constant 3 : i32
            %broadcast_in_dim3A_806 = vector.broadcast %jit3A_805 : i32 to vector<16xi32>
            %select_n3A_807 = arith.select %gt3A_789, %broadcast_in_dim3A_806, %select_n3A_779 : vector<16xi1>, vector<16xi32>
            %mul3A_808 = arith.constant 512 : i32
            %mul3A_809 = arith.muli %add3A_601, %mul3A_808 : i32
            %add3A_810 = arith.constant 64 : i32
            %add3A_811 = arith.addi %mul3A_809, %add3A_810 : i32
            %get3A_812 = arith.index_cast %add3A_811 : i32 to index
            %get3A_813 = tpu.vector_load %arg9[%get3A_812] {strides = array<i32>} : memref<106496xf32, #tpu.memory_space<vmem>>, vector<16xf32>,
            %get3A_814 = arith.constant 64 : index
            %get3A_815 = tpu.vector_load %arg14[%get3A_814] {strides = array<i32>} : memref<512xf32, #tpu.memory_space<vmem>>, vector<16xf32>,
            %add3A_816 = arith.addf %get3A_813, %get3A_815 : vector<16xf32>
            %gt3A_817 = arith.cmpf ogt, %add3A_816, %select_n3A_804 : vector<16xf32>
            %gt3A_818 = arith.cmpf ogt, %add3A_816, %select_n3A_799 : vector<16xf32>
            %gt3A_819 = arith.cmpf ogt, %add3A_816, %select_n3A_793 : vector<16xf32>
            %select_n3A_820 = arith.select %gt3A_819, %add3A_816, %select_n3A_793 : vector<16xi1>, vector<16xf32>
            %select_n3A_821 = arith.select %gt3A_818, %select_n3A_799, %select_n3A_820 : vector<16xi1>, vector<16xf32>
            %jit3A_822 = arith.constant 4 : i32
            %broadcast_in_dim3A_823 = vector.broadcast %jit3A_822 : i32 to vector<16xi32>
            %select_n3A_824 = arith.select %gt3A_819, %broadcast_in_dim3A_823, %select_n3A_797 : vector<16xi1>, vector<16xi32>
            %select_n3A_825 = arith.select %gt3A_818, %select_n3A_803, %select_n3A_824 : vector<16xi1>, vector<16xi32>
            %select_n3A_826 = arith.select %gt3A_818, %add3A_816, %select_n3A_799 : vector<16xi1>, vector<16xf32>
            %select_n3A_827 = arith.select %gt3A_817, %select_n3A_804, %select_n3A_826 : vector<16xi1>, vector<16xf32>
            %jit3A_828 = arith.constant 4 : i32
            %broadcast_in_dim3A_829 = vector.broadcast %jit3A_828 : i32 to vector<16xi32>
            %select_n3A_830 = arith.select %gt3A_818, %broadcast_in_dim3A_829, %select_n3A_803 : vector<16xi1>, vector<16xi32>
            %select_n3A_831 = arith.select %gt3A_817, %select_n3A_807, %select_n3A_830 : vector<16xi1>, vector<16xi32>
            %select_n3A_832 = arith.select %gt3A_817, %add3A_816, %select_n3A_804 : vector<16xi1>, vector<16xf32>
            %jit3A_833 = arith.constant 4 : i32
            %broadcast_in_dim3A_834 = vector.broadcast %jit3A_833 : i32 to vector<16xi32>
            %select_n3A_835 = arith.select %gt3A_817, %broadcast_in_dim3A_834, %select_n3A_807 : vector<16xi1>, vector<16xi32>
            %mul3A_836 = arith.constant 512 : i32
            %mul3A_837 = arith.muli %add3A_601, %mul3A_836 : i32
            %add3A_838 = arith.constant 80 : i32
            %add3A_839 = arith.addi %mul3A_837, %add3A_838 : i32
            %get3A_840 = arith.index_cast %add3A_839 : i32 to index
            %get3A_841 = tpu.vector_load %arg9[%get3A_840] {strides = array<i32>} : memref<106496xf32, #tpu.memory_space<vmem>>, vector<16xf32>,
            %get3A_842 = arith.constant 80 : index
            %get3A_843 = tpu.vector_load %arg14[%get3A_842] {strides = array<i32>} : memref<512xf32, #tpu.memory_space<vmem>>, vector<16xf32>,
            %add3A_844 = arith.addf %get3A_841, %get3A_843 : vector<16xf32>
            %gt3A_845 = arith.cmpf ogt, %add3A_844, %select_n3A_832 : vector<16xf32>
            %gt3A_846 = arith.cmpf ogt, %add3A_844, %select_n3A_827 : vector<16xf32>
            %gt3A_847 = arith.cmpf ogt, %add3A_844, %select_n3A_821 : vector<16xf32>
            %select_n3A_848 = arith.select %gt3A_847, %add3A_844, %select_n3A_821 : vector<16xi1>, vector<16xf32>
            %select_n3A_849 = arith.select %gt3A_846, %select_n3A_827, %select_n3A_848 : vector<16xi1>, vector<16xf32>
            %jit3A_850 = arith.constant 5 : i32
            %broadcast_in_dim3A_851 = vector.broadcast %jit3A_850 : i32 to vector<16xi32>
            %select_n3A_852 = arith.select %gt3A_847, %broadcast_in_dim3A_851, %select_n3A_825 : vector<16xi1>, vector<16xi32>
            %select_n3A_853 = arith.select %gt3A_846, %select_n3A_831, %select_n3A_852 : vector<16xi1>, vector<16xi32>
            %select_n3A_854 = arith.select %gt3A_846, %add3A_844, %select_n3A_827 : vector<16xi1>, vector<16xf32>
            %select_n3A_855 = arith.select %gt3A_845, %select_n3A_832, %select_n3A_854 : vector<16xi1>, vector<16xf32>
            %jit3A_856 = arith.constant 5 : i32
            %broadcast_in_dim3A_857 = vector.broadcast %jit3A_856 : i32 to vector<16xi32>
            %select_n3A_858 = arith.select %gt3A_846, %broadcast_in_dim3A_857, %select_n3A_831 : vector<16xi1>, vector<16xi32>
            %select_n3A_859 = arith.select %gt3A_845, %select_n3A_835, %select_n3A_858 : vector<16xi1>, vector<16xi32>
            %select_n3A_860 = arith.select %gt3A_845, %add3A_844, %select_n3A_832 : vector<16xi1>, vector<16xf32>
            %jit3A_861 = arith.constant 5 : i32
            %broadcast_in_dim3A_862 = vector.broadcast %jit3A_861 : i32 to vector<16xi32>
            %select_n3A_863 = arith.select %gt3A_845, %broadcast_in_dim3A_862, %select_n3A_835 : vector<16xi1>, vector<16xi32>
            %mul3A_864 = arith.constant 512 : i32
            %mul3A_865 = arith.muli %add3A_601, %mul3A_864 : i32
            %add3A_866 = arith.constant 96 : i32
            %add3A_867 = arith.addi %mul3A_865, %add3A_866 : i32
            %get3A_868 = arith.index_cast %add3A_867 : i32 to index
            %get3A_869 = tpu.vector_load %arg9[%get3A_868] {strides = array<i32>} : memref<106496xf32, #tpu.memory_space<vmem>>, vector<16xf32>,
            %get3A_870 = arith.constant 96 : index
            %get3A_871 = tpu.vector_load %arg14[%get3A_870] {strides = array<i32>} : memref<512xf32, #tpu.memory_space<vmem>>, vector<16xf32>,
            %add3A_872 = arith.addf %get3A_869, %get3A_871 : vector<16xf32>
            %gt3A_873 = arith.cmpf ogt, %add3A_872, %select_n3A_860 : vector<16xf32>
            %gt3A_874 = arith.cmpf ogt, %add3A_872, %select_n3A_855 : vector<16xf32>
            %gt3A_875 = arith.cmpf ogt, %add3A_872, %select_n3A_849 : vector<16xf32>
            %select_n3A_876 = arith.select %gt3A_875, %add3A_872, %select_n3A_849 : vector<16xi1>, vector<16xf32>
            %select_n3A_877 = arith.select %gt3A_874, %select_n3A_855, %select_n3A_876 : vector<16xi1>, vector<16xf32>
            %jit3A_878 = arith.constant 6 : i32
            %broadcast_in_dim3A_879 = vector.broadcast %jit3A_878 : i32 to vector<16xi32>
            %select_n3A_880 = arith.select %gt3A_875, %broadcast_in_dim3A_879, %select_n3A_853 : vector<16xi1>, vector<16xi32>
            %select_n3A_881 = arith.select %gt3A_874, %select_n3A_859, %select_n3A_880 : vector<16xi1>, vector<16xi32>
            %select_n3A_882 = arith.select %gt3A_874, %add3A_872, %select_n3A_855 : vector<16xi1>, vector<16xf32>
            %select_n3A_883 = arith.select %gt3A_873, %select_n3A_860, %select_n3A_882 : vector<16xi1>, vector<16xf32>
            %jit3A_884 = arith.constant 6 : i32
            %broadcast_in_dim3A_885 = vector.broadcast %jit3A_884 : i32 to vector<16xi32>
            %select_n3A_886 = arith.select %gt3A_874, %broadcast_in_dim3A_885, %select_n3A_859 : vector<16xi1>, vector<16xi32>
            %select_n3A_887 = arith.select %gt3A_873, %select_n3A_863, %select_n3A_886 : vector<16xi1>, vector<16xi32>
            %select_n3A_888 = arith.select %gt3A_873, %add3A_872, %select_n3A_860 : vector<16xi1>, vector<16xf32>
            %jit3A_889 = arith.constant 6 : i32
            %broadcast_in_dim3A_890 = vector.broadcast %jit3A_889 : i32 to vector<16xi32>
            %select_n3A_891 = arith.select %gt3A_873, %broadcast_in_dim3A_890, %select_n3A_863 : vector<16xi1>, vector<16xi32>
            %mul3A_892 = arith.constant 512 : i32
            %mul3A_893 = arith.muli %add3A_601, %mul3A_892 : i32
            %add3A_894 = arith.constant 112 : i32
            %add3A_895 = arith.addi %mul3A_893, %add3A_894 : i32
            %get3A_896 = arith.index_cast %add3A_895 : i32 to index
            %get3A_897 = tpu.vector_load %arg9[%get3A_896] {strides = array<i32>} : memref<106496xf32, #tpu.memory_space<vmem>>, vector<16xf32>,
            %get3A_898 = arith.constant 112 : index
            %get3A_899 = tpu.vector_load %arg14[%get3A_898] {strides = array<i32>} : memref<512xf32, #tpu.memory_space<vmem>>, vector<16xf32>,
            %add3A_900 = arith.addf %get3A_897, %get3A_899 : vector<16xf32>
            %gt3A_901 = arith.cmpf ogt, %add3A_900, %select_n3A_888 : vector<16xf32>
            %gt3A_902 = arith.cmpf ogt, %add3A_900, %select_n3A_883 : vector<16xf32>
            %gt3A_903 = arith.cmpf ogt, %add3A_900, %select_n3A_877 : vector<16xf32>
            %select_n3A_904 = arith.select %gt3A_903, %add3A_900, %select_n3A_877 : vector<16xi1>, vector<16xf32>
            %select_n3A_905 = arith.select %gt3A_902, %select_n3A_883, %select_n3A_904 : vector<16xi1>, vector<16xf32>
            %jit3A_906 = arith.constant 7 : i32
            %broadcast_in_dim3A_907 = vector.broadcast %jit3A_906 : i32 to vector<16xi32>
            %select_n3A_908 = arith.select %gt3A_903, %broadcast_in_dim3A_907, %select_n3A_881 : vector<16xi1>, vector<16xi32>
            %select_n3A_909 = arith.select %gt3A_902, %select_n3A_887, %select_n3A_908 : vector<16xi1>, vector<16xi32>
            %select_n3A_910 = arith.select %gt3A_902, %add3A_900, %select_n3A_883 : vector<16xi1>, vector<16xf32>
            %select_n3A_911 = arith.select %gt3A_901, %select_n3A_888, %select_n3A_910 : vector<16xi1>, vector<16xf32>
            %jit3A_912 = arith.constant 7 : i32
            %broadcast_in_dim3A_913 = vector.broadcast %jit3A_912 : i32 to vector<16xi32>
            %select_n3A_914 = arith.select %gt3A_902, %broadcast_in_dim3A_913, %select_n3A_887 : vector<16xi1>, vector<16xi32>
            %select_n3A_915 = arith.select %gt3A_901, %select_n3A_891, %select_n3A_914 : vector<16xi1>, vector<16xi32>
            %select_n3A_916 = arith.select %gt3A_901, %add3A_900, %select_n3A_888 : vector<16xi1>, vector<16xf32>
            %jit3A_917 = arith.constant 7 : i32
            %broadcast_in_dim3A_918 = vector.broadcast %jit3A_917 : i32 to vector<16xi32>
            %select_n3A_919 = arith.select %gt3A_901, %broadcast_in_dim3A_918, %select_n3A_891 : vector<16xi1>, vector<16xi32>
            %mul3A_920 = arith.constant 512 : i32
            %mul3A_921 = arith.muli %add3A_601, %mul3A_920 : i32
            %add3A_922 = arith.constant 128 : i32
            %add3A_923 = arith.addi %mul3A_921, %add3A_922 : i32
            %get3A_924 = arith.index_cast %add3A_923 : i32 to index
            %get3A_925 = tpu.vector_load %arg9[%get3A_924] {strides = array<i32>} : memref<106496xf32, #tpu.memory_space<vmem>>, vector<16xf32>,
            %get3A_926 = arith.constant 128 : index
            %get3A_927 = tpu.vector_load %arg14[%get3A_926] {strides = array<i32>} : memref<512xf32, #tpu.memory_space<vmem>>, vector<16xf32>,
            %add3A_928 = arith.addf %get3A_925, %get3A_927 : vector<16xf32>
            %gt3A_929 = arith.cmpf ogt, %add3A_928, %select_n3A_916 : vector<16xf32>
            %gt3A_930 = arith.cmpf ogt, %add3A_928, %select_n3A_911 : vector<16xf32>
            %gt3A_931 = arith.cmpf ogt, %add3A_928, %select_n3A_905 : vector<16xf32>
            %select_n3A_932 = arith.select %gt3A_931, %add3A_928, %select_n3A_905 : vector<16xi1>, vector<16xf32>
            %select_n3A_933 = arith.select %gt3A_930, %select_n3A_911, %select_n3A_932 : vector<16xi1>, vector<16xf32>
            %jit3A_934 = arith.constant 8 : i32
            %broadcast_in_dim3A_935 = vector.broadcast %jit3A_934 : i32 to vector<16xi32>
            %select_n3A_936 = arith.select %gt3A_931, %broadcast_in_dim3A_935, %select_n3A_909 : vector<16xi1>, vector<16xi32>
            %select_n3A_937 = arith.select %gt3A_930, %select_n3A_915, %select_n3A_936 : vector<16xi1>, vector<16xi32>
            %select_n3A_938 = arith.select %gt3A_930, %add3A_928, %select_n3A_911 : vector<16xi1>, vector<16xf32>
            %select_n3A_939 = arith.select %gt3A_929, %select_n3A_916, %select_n3A_938 : vector<16xi1>, vector<16xf32>
            %jit3A_940 = arith.constant 8 : i32
            %broadcast_in_dim3A_941 = vector.broadcast %jit3A_940 : i32 to vector<16xi32>
            %select_n3A_942 = arith.select %gt3A_930, %broadcast_in_dim3A_941, %select_n3A_915 : vector<16xi1>, vector<16xi32>
            %select_n3A_943 = arith.select %gt3A_929, %select_n3A_919, %select_n3A_942 : vector<16xi1>, vector<16xi32>
            %select_n3A_944 = arith.select %gt3A_929, %add3A_928, %select_n3A_916 : vector<16xi1>, vector<16xf32>
            %jit3A_945 = arith.constant 8 : i32
            %broadcast_in_dim3A_946 = vector.broadcast %jit3A_945 : i32 to vector<16xi32>
            %select_n3A_947 = arith.select %gt3A_929, %broadcast_in_dim3A_946, %select_n3A_919 : vector<16xi1>, vector<16xi32>
            %mul3A_948 = arith.constant 512 : i32
            %mul3A_949 = arith.muli %add3A_601, %mul3A_948 : i32
            %add3A_950 = arith.constant 144 : i32
            %add3A_951 = arith.addi %mul3A_949, %add3A_950 : i32
            %get3A_952 = arith.index_cast %add3A_951 : i32 to index
            %get3A_953 = tpu.vector_load %arg9[%get3A_952] {strides = array<i32>} : memref<106496xf32, #tpu.memory_space<vmem>>, vector<16xf32>,
            %get3A_954 = arith.constant 144 : index
            %get3A_955 = tpu.vector_load %arg14[%get3A_954] {strides = array<i32>} : memref<512xf32, #tpu.memory_space<vmem>>, vector<16xf32>,
            %add3A_956 = arith.addf %get3A_953, %get3A_955 : vector<16xf32>
            %gt3A_957 = arith.cmpf ogt, %add3A_956, %select_n3A_944 : vector<16xf32>
            %gt3A_958 = arith.cmpf ogt, %add3A_956, %select_n3A_939 : vector<16xf32>
            %gt3A_959 = arith.cmpf ogt, %add3A_956, %select_n3A_933 : vector<16xf32>
            %select_n3A_960 = arith.select %gt3A_959, %add3A_956, %select_n3A_933 : vector<16xi1>, vector<16xf32>
            %select_n3A_961 = arith.select %gt3A_958, %select_n3A_939, %select_n3A_960 : vector<16xi1>, vector<16xf32>
            %jit3A_962 = arith.constant 9 : i32
            %broadcast_in_dim3A_963 = vector.broadcast %jit3A_962 : i32 to vector<16xi32>
            %select_n3A_964 = arith.select %gt3A_959, %broadcast_in_dim3A_963, %select_n3A_937 : vector<16xi1>, vector<16xi32>
            %select_n3A_965 = arith.select %gt3A_958, %select_n3A_943, %select_n3A_964 : vector<16xi1>, vector<16xi32>
            %select_n3A_966 = arith.select %gt3A_958, %add3A_956, %select_n3A_939 : vector<16xi1>, vector<16xf32>
            %select_n3A_967 = arith.select %gt3A_957, %select_n3A_944, %select_n3A_966 : vector<16xi1>, vector<16xf32>
            %jit3A_968 = arith.constant 9 : i32
            %broadcast_in_dim3A_969 = vector.broadcast %jit3A_968 : i32 to vector<16xi32>
            %select_n3A_970 = arith.select %gt3A_958, %broadcast_in_dim3A_969, %select_n3A_943 : vector<16xi1>, vector<16xi32>
            %select_n3A_971 = arith.select %gt3A_957, %select_n3A_947, %select_n3A_970 : vector<16xi1>, vector<16xi32>
            %select_n3A_972 = arith.select %gt3A_957, %add3A_956, %select_n3A_944 : vector<16xi1>, vector<16xf32>
            %jit3A_973 = arith.constant 9 : i32
            %broadcast_in_dim3A_974 = vector.broadcast %jit3A_973 : i32 to vector<16xi32>
            %select_n3A_975 = arith.select %gt3A_957, %broadcast_in_dim3A_974, %select_n3A_947 : vector<16xi1>, vector<16xi32>
            %mul3A_976 = arith.constant 512 : i32
            %mul3A_977 = arith.muli %add3A_601, %mul3A_976 : i32
            %add3A_978 = arith.constant 160 : i32
            %add3A_979 = arith.addi %mul3A_977, %add3A_978 : i32
            %get3A_980 = arith.index_cast %add3A_979 : i32 to index
            %get3A_981 = tpu.vector_load %arg9[%get3A_980] {strides = array<i32>} : memref<106496xf32, #tpu.memory_space<vmem>>, vector<16xf32>,
            %get3A_982 = arith.constant 160 : index
            %get3A_983 = tpu.vector_load %arg14[%get3A_982] {strides = array<i32>} : memref<512xf32, #tpu.memory_space<vmem>>, vector<16xf32>,
            %add3A_984 = arith.addf %get3A_981, %get3A_983 : vector<16xf32>
            %gt3A_985 = arith.cmpf ogt, %add3A_984, %select_n3A_972 : vector<16xf32>
            %gt3A_986 = arith.cmpf ogt, %add3A_984, %select_n3A_967 : vector<16xf32>
            %gt3A_987 = arith.cmpf ogt, %add3A_984, %select_n3A_961 : vector<16xf32>
            %select_n3A_988 = arith.select %gt3A_987, %add3A_984, %select_n3A_961 : vector<16xi1>, vector<16xf32>
            %select_n3A_989 = arith.select %gt3A_986, %select_n3A_967, %select_n3A_988 : vector<16xi1>, vector<16xf32>
            %jit3A_990 = arith.constant 10 : i32
            %broadcast_in_dim3A_991 = vector.broadcast %jit3A_990 : i32 to vector<16xi32>
            %select_n3A_992 = arith.select %gt3A_987, %broadcast_in_dim3A_991, %select_n3A_965 : vector<16xi1>, vector<16xi32>
            %select_n3A_993 = arith.select %gt3A_986, %select_n3A_971, %select_n3A_992 : vector<16xi1>, vector<16xi32>
            %select_n3A_994 = arith.select %gt3A_986, %add3A_984, %select_n3A_967 : vector<16xi1>, vector<16xf32>
            %select_n3A_995 = arith.select %gt3A_985, %select_n3A_972, %select_n3A_994 : vector<16xi1>, vector<16xf32>
            %jit3A_996 = arith.constant 10 : i32
            %broadcast_in_dim3A_997 = vector.broadcast %jit3A_996 : i32 to vector<16xi32>
            %select_n3A_998 = arith.select %gt3A_986, %broadcast_in_dim3A_997, %select_n3A_971 : vector<16xi1>, vector<16xi32>
            %select_n3A_999 = arith.select %gt3A_985, %select_n3A_975, %select_n3A_998 : vector<16xi1>, vector<16xi32>
            %select_n3A_1000 = arith.select %gt3A_985, %add3A_984, %select_n3A_972 : vector<16xi1>, vector<16xf32>
            %jit3A_1001 = arith.constant 10 : i32
            %broadcast_in_dim3A_1002 = vector.broadcast %jit3A_1001 : i32 to vector<16xi32>
            %select_n3A_1003 = arith.select %gt3A_985, %broadcast_in_dim3A_1002, %select_n3A_975 : vector<16xi1>, vector<16xi32>
            %mul3A_1004 = arith.constant 512 : i32
            %mul3A_1005 = arith.muli %add3A_601, %mul3A_1004 : i32
            %add3A_1006 = arith.constant 176 : i32
            %add3A_1007 = arith.addi %mul3A_1005, %add3A_1006 : i32
            %get3A_1008 = arith.index_cast %add3A_1007 : i32 to index
            %get3A_1009 = tpu.vector_load %arg9[%get3A_1008] {strides = array<i32>} : memref<106496xf32, #tpu.memory_space<vmem>>, vector<16xf32>,
            %get3A_1010 = arith.constant 176 : index
            %get3A_1011 = tpu.vector_load %arg14[%get3A_1010] {strides = array<i32>} : memref<512xf32, #tpu.memory_space<vmem>>, vector<16xf32>,
            %add3A_1012 = arith.addf %get3A_1009, %get3A_1011 : vector<16xf32>
            %gt3A_1013 = arith.cmpf ogt, %add3A_1012, %select_n3A_1000 : vector<16xf32>
            %gt3A_1014 = arith.cmpf ogt, %add3A_1012, %select_n3A_995 : vector<16xf32>
            %gt3A_1015 = arith.cmpf ogt, %add3A_1012, %select_n3A_989 : vector<16xf32>
            %select_n3A_1016 = arith.select %gt3A_1015, %add3A_1012, %select_n3A_989 : vector<16xi1>, vector<16xf32>
            %select_n3A_1017 = arith.select %gt3A_1014, %select_n3A_995, %select_n3A_1016 : vector<16xi1>, vector<16xf32>
            %jit3A_1018 = arith.constant 11 : i32
            %broadcast_in_dim3A_1019 = vector.broadcast %jit3A_1018 : i32 to vector<16xi32>
            %select_n3A_1020 = arith.select %gt3A_1015, %broadcast_in_dim3A_1019, %select_n3A_993 : vector<16xi1>, vector<16xi32>
            %select_n3A_1021 = arith.select %gt3A_1014, %select_n3A_999, %select_n3A_1020 : vector<16xi1>, vector<16xi32>
            %select_n3A_1022 = arith.select %gt3A_1014, %add3A_1012, %select_n3A_995 : vector<16xi1>, vector<16xf32>
            %select_n3A_1023 = arith.select %gt3A_1013, %select_n3A_1000, %select_n3A_1022 : vector<16xi1>, vector<16xf32>
            %jit3A_1024 = arith.constant 11 : i32
            %broadcast_in_dim3A_1025 = vector.broadcast %jit3A_1024 : i32 to vector<16xi32>
            %select_n3A_1026 = arith.select %gt3A_1014, %broadcast_in_dim3A_1025, %select_n3A_999 : vector<16xi1>, vector<16xi32>
            %select_n3A_1027 = arith.select %gt3A_1013, %select_n3A_1003, %select_n3A_1026 : vector<16xi1>, vector<16xi32>
            %select_n3A_1028 = arith.select %gt3A_1013, %add3A_1012, %select_n3A_1000 : vector<16xi1>, vector<16xf32>
            %jit3A_1029 = arith.constant 11 : i32
            %broadcast_in_dim3A_1030 = vector.broadcast %jit3A_1029 : i32 to vector<16xi32>
            %select_n3A_1031 = arith.select %gt3A_1013, %broadcast_in_dim3A_1030, %select_n3A_1003 : vector<16xi1>, vector<16xi32>
            %mul3A_1032 = arith.constant 512 : i32
            %mul3A_1033 = arith.muli %add3A_601, %mul3A_1032 : i32
            %add3A_1034 = arith.constant 192 : i32
            %add3A_1035 = arith.addi %mul3A_1033, %add3A_1034 : i32
            %get3A_1036 = arith.index_cast %add3A_1035 : i32 to index
            %get3A_1037 = tpu.vector_load %arg9[%get3A_1036] {strides = array<i32>} : memref<106496xf32, #tpu.memory_space<vmem>>, vector<16xf32>,
            %get3A_1038 = arith.constant 192 : index
            %get3A_1039 = tpu.vector_load %arg14[%get3A_1038] {strides = array<i32>} : memref<512xf32, #tpu.memory_space<vmem>>, vector<16xf32>,
            %add3A_1040 = arith.addf %get3A_1037, %get3A_1039 : vector<16xf32>
            %gt3A_1041 = arith.cmpf ogt, %add3A_1040, %select_n3A_1028 : vector<16xf32>
            %gt3A_1042 = arith.cmpf ogt, %add3A_1040, %select_n3A_1023 : vector<16xf32>
            %gt3A_1043 = arith.cmpf ogt, %add3A_1040, %select_n3A_1017 : vector<16xf32>
            %select_n3A_1044 = arith.select %gt3A_1043, %add3A_1040, %select_n3A_1017 : vector<16xi1>, vector<16xf32>
            %select_n3A_1045 = arith.select %gt3A_1042, %select_n3A_1023, %select_n3A_1044 : vector<16xi1>, vector<16xf32>
            %jit3A_1046 = arith.constant 12 : i32
            %broadcast_in_dim3A_1047 = vector.broadcast %jit3A_1046 : i32 to vector<16xi32>
            %select_n3A_1048 = arith.select %gt3A_1043, %broadcast_in_dim3A_1047, %select_n3A_1021 : vector<16xi1>, vector<16xi32>
            %select_n3A_1049 = arith.select %gt3A_1042, %select_n3A_1027, %select_n3A_1048 : vector<16xi1>, vector<16xi32>
            %select_n3A_1050 = arith.select %gt3A_1042, %add3A_1040, %select_n3A_1023 : vector<16xi1>, vector<16xf32>
            %select_n3A_1051 = arith.select %gt3A_1041, %select_n3A_1028, %select_n3A_1050 : vector<16xi1>, vector<16xf32>
            %jit3A_1052 = arith.constant 12 : i32
            %broadcast_in_dim3A_1053 = vector.broadcast %jit3A_1052 : i32 to vector<16xi32>
            %select_n3A_1054 = arith.select %gt3A_1042, %broadcast_in_dim3A_1053, %select_n3A_1027 : vector<16xi1>, vector<16xi32>
            %select_n3A_1055 = arith.select %gt3A_1041, %select_n3A_1031, %select_n3A_1054 : vector<16xi1>, vector<16xi32>
            %select_n3A_1056 = arith.select %gt3A_1041, %add3A_1040, %select_n3A_1028 : vector<16xi1>, vector<16xf32>
            %jit3A_1057 = arith.constant 12 : i32
            %broadcast_in_dim3A_1058 = vector.broadcast %jit3A_1057 : i32 to vector<16xi32>
            %select_n3A_1059 = arith.select %gt3A_1041, %broadcast_in_dim3A_1058, %select_n3A_1031 : vector<16xi1>, vector<16xi32>
            %mul3A_1060 = arith.constant 512 : i32
            %mul3A_1061 = arith.muli %add3A_601, %mul3A_1060 : i32
            %add3A_1062 = arith.constant 208 : i32
            %add3A_1063 = arith.addi %mul3A_1061, %add3A_1062 : i32
            %get3A_1064 = arith.index_cast %add3A_1063 : i32 to index
            %get3A_1065 = tpu.vector_load %arg9[%get3A_1064] {strides = array<i32>} : memref<106496xf32, #tpu.memory_space<vmem>>, vector<16xf32>,
            %get3A_1066 = arith.constant 208 : index
            %get3A_1067 = tpu.vector_load %arg14[%get3A_1066] {strides = array<i32>} : memref<512xf32, #tpu.memory_space<vmem>>, vector<16xf32>,
            %add3A_1068 = arith.addf %get3A_1065, %get3A_1067 : vector<16xf32>
            %gt3A_1069 = arith.cmpf ogt, %add3A_1068, %select_n3A_1056 : vector<16xf32>
            %gt3A_1070 = arith.cmpf ogt, %add3A_1068, %select_n3A_1051 : vector<16xf32>
            %gt3A_1071 = arith.cmpf ogt, %add3A_1068, %select_n3A_1045 : vector<16xf32>
            %select_n3A_1072 = arith.select %gt3A_1071, %add3A_1068, %select_n3A_1045 : vector<16xi1>, vector<16xf32>
            %select_n3A_1073 = arith.select %gt3A_1070, %select_n3A_1051, %select_n3A_1072 : vector<16xi1>, vector<16xf32>
            %jit3A_1074 = arith.constant 13 : i32
            %broadcast_in_dim3A_1075 = vector.broadcast %jit3A_1074 : i32 to vector<16xi32>
            %select_n3A_1076 = arith.select %gt3A_1071, %broadcast_in_dim3A_1075, %select_n3A_1049 : vector<16xi1>, vector<16xi32>
            %select_n3A_1077 = arith.select %gt3A_1070, %select_n3A_1055, %select_n3A_1076 : vector<16xi1>, vector<16xi32>
            %select_n3A_1078 = arith.select %gt3A_1070, %add3A_1068, %select_n3A_1051 : vector<16xi1>, vector<16xf32>
            %select_n3A_1079 = arith.select %gt3A_1069, %select_n3A_1056, %select_n3A_1078 : vector<16xi1>, vector<16xf32>
            %jit3A_1080 = arith.constant 13 : i32
            %broadcast_in_dim3A_1081 = vector.broadcast %jit3A_1080 : i32 to vector<16xi32>
            %select_n3A_1082 = arith.select %gt3A_1070, %broadcast_in_dim3A_1081, %select_n3A_1055 : vector<16xi1>, vector<16xi32>
            %select_n3A_1083 = arith.select %gt3A_1069, %select_n3A_1059, %select_n3A_1082 : vector<16xi1>, vector<16xi32>
            %select_n3A_1084 = arith.select %gt3A_1069, %add3A_1068, %select_n3A_1056 : vector<16xi1>, vector<16xf32>
            %jit3A_1085 = arith.constant 13 : i32
            %broadcast_in_dim3A_1086 = vector.broadcast %jit3A_1085 : i32 to vector<16xi32>
            %select_n3A_1087 = arith.select %gt3A_1069, %broadcast_in_dim3A_1086, %select_n3A_1059 : vector<16xi1>, vector<16xi32>
            %mul3A_1088 = arith.constant 512 : i32
            %mul3A_1089 = arith.muli %add3A_601, %mul3A_1088 : i32
            %add3A_1090 = arith.constant 224 : i32
            %add3A_1091 = arith.addi %mul3A_1089, %add3A_1090 : i32
            %get3A_1092 = arith.index_cast %add3A_1091 : i32 to index
            %get3A_1093 = tpu.vector_load %arg9[%get3A_1092] {strides = array<i32>} : memref<106496xf32, #tpu.memory_space<vmem>>, vector<16xf32>,
            %get3A_1094 = arith.constant 224 : index
            %get3A_1095 = tpu.vector_load %arg14[%get3A_1094] {strides = array<i32>} : memref<512xf32, #tpu.memory_space<vmem>>, vector<16xf32>,
            %add3A_1096 = arith.addf %get3A_1093, %get3A_1095 : vector<16xf32>
            %gt3A_1097 = arith.cmpf ogt, %add3A_1096, %select_n3A_1084 : vector<16xf32>
            %gt3A_1098 = arith.cmpf ogt, %add3A_1096, %select_n3A_1079 : vector<16xf32>
            %gt3A_1099 = arith.cmpf ogt, %add3A_1096, %select_n3A_1073 : vector<16xf32>
            %select_n3A_1100 = arith.select %gt3A_1099, %add3A_1096, %select_n3A_1073 : vector<16xi1>, vector<16xf32>
            %select_n3A_1101 = arith.select %gt3A_1098, %select_n3A_1079, %select_n3A_1100 : vector<16xi1>, vector<16xf32>
            %jit3A_1102 = arith.constant 14 : i32
            %broadcast_in_dim3A_1103 = vector.broadcast %jit3A_1102 : i32 to vector<16xi32>
            %select_n3A_1104 = arith.select %gt3A_1099, %broadcast_in_dim3A_1103, %select_n3A_1077 : vector<16xi1>, vector<16xi32>
            %select_n3A_1105 = arith.select %gt3A_1098, %select_n3A_1083, %select_n3A_1104 : vector<16xi1>, vector<16xi32>
            %select_n3A_1106 = arith.select %gt3A_1098, %add3A_1096, %select_n3A_1079 : vector<16xi1>, vector<16xf32>
            %select_n3A_1107 = arith.select %gt3A_1097, %select_n3A_1084, %select_n3A_1106 : vector<16xi1>, vector<16xf32>
            %jit3A_1108 = arith.constant 14 : i32
            %broadcast_in_dim3A_1109 = vector.broadcast %jit3A_1108 : i32 to vector<16xi32>
            %select_n3A_1110 = arith.select %gt3A_1098, %broadcast_in_dim3A_1109, %select_n3A_1083 : vector<16xi1>, vector<16xi32>
            %select_n3A_1111 = arith.select %gt3A_1097, %select_n3A_1087, %select_n3A_1110 : vector<16xi1>, vector<16xi32>
            %select_n3A_1112 = arith.select %gt3A_1097, %add3A_1096, %select_n3A_1084 : vector<16xi1>, vector<16xf32>
            %jit3A_1113 = arith.constant 14 : i32
            %broadcast_in_dim3A_1114 = vector.broadcast %jit3A_1113 : i32 to vector<16xi32>
            %select_n3A_1115 = arith.select %gt3A_1097, %broadcast_in_dim3A_1114, %select_n3A_1087 : vector<16xi1>, vector<16xi32>
            %mul3A_1116 = arith.constant 512 : i32
            %mul3A_1117 = arith.muli %add3A_601, %mul3A_1116 : i32
            %add3A_1118 = arith.constant 240 : i32
            %add3A_1119 = arith.addi %mul3A_1117, %add3A_1118 : i32
            %get3A_1120 = arith.index_cast %add3A_1119 : i32 to index
            %get3A_1121 = tpu.vector_load %arg9[%get3A_1120] {strides = array<i32>} : memref<106496xf32, #tpu.memory_space<vmem>>, vector<16xf32>,
            %get3A_1122 = arith.constant 240 : index
            %get3A_1123 = tpu.vector_load %arg14[%get3A_1122] {strides = array<i32>} : memref<512xf32, #tpu.memory_space<vmem>>, vector<16xf32>,
            %add3A_1124 = arith.addf %get3A_1121, %get3A_1123 : vector<16xf32>
            %gt3A_1125 = arith.cmpf ogt, %add3A_1124, %select_n3A_1112 : vector<16xf32>
            %gt3A_1126 = arith.cmpf ogt, %add3A_1124, %select_n3A_1107 : vector<16xf32>
            %gt3A_1127 = arith.cmpf ogt, %add3A_1124, %select_n3A_1101 : vector<16xf32>
            %select_n3A_1128 = arith.select %gt3A_1127, %add3A_1124, %select_n3A_1101 : vector<16xi1>, vector<16xf32>
            %select_n3A_1129 = arith.select %gt3A_1126, %select_n3A_1107, %select_n3A_1128 : vector<16xi1>, vector<16xf32>
            %jit3A_1130 = arith.constant 15 : i32
            %broadcast_in_dim3A_1131 = vector.broadcast %jit3A_1130 : i32 to vector<16xi32>
            %select_n3A_1132 = arith.select %gt3A_1127, %broadcast_in_dim3A_1131, %select_n3A_1105 : vector<16xi1>, vector<16xi32>
            %select_n3A_1133 = arith.select %gt3A_1126, %select_n3A_1111, %select_n3A_1132 : vector<16xi1>, vector<16xi32>
            %select_n3A_1134 = arith.select %gt3A_1126, %add3A_1124, %select_n3A_1107 : vector<16xi1>, vector<16xf32>
            %select_n3A_1135 = arith.select %gt3A_1125, %select_n3A_1112, %select_n3A_1134 : vector<16xi1>, vector<16xf32>
            %jit3A_1136 = arith.constant 15 : i32
            %broadcast_in_dim3A_1137 = vector.broadcast %jit3A_1136 : i32 to vector<16xi32>
            %select_n3A_1138 = arith.select %gt3A_1126, %broadcast_in_dim3A_1137, %select_n3A_1111 : vector<16xi1>, vector<16xi32>
            %select_n3A_1139 = arith.select %gt3A_1125, %select_n3A_1115, %select_n3A_1138 : vector<16xi1>, vector<16xi32>
            %select_n3A_1140 = arith.select %gt3A_1125, %add3A_1124, %select_n3A_1112 : vector<16xi1>, vector<16xf32>
            %jit3A_1141 = arith.constant 15 : i32
            %broadcast_in_dim3A_1142 = vector.broadcast %jit3A_1141 : i32 to vector<16xi32>
            %select_n3A_1143 = arith.select %gt3A_1125, %broadcast_in_dim3A_1142, %select_n3A_1115 : vector<16xi1>, vector<16xi32>
            %mul3A_1144 = arith.constant 512 : i32
            %mul3A_1145 = arith.muli %add3A_601, %mul3A_1144 : i32
            %add3A_1146 = arith.constant 256 : i32
            %add3A_1147 = arith.addi %mul3A_1145, %add3A_1146 : i32
            %get3A_1148 = arith.index_cast %add3A_1147 : i32 to index
            %get3A_1149 = tpu.vector_load %arg9[%get3A_1148] {strides = array<i32>} : memref<106496xf32, #tpu.memory_space<vmem>>, vector<16xf32>,
            %get3A_1150 = arith.constant 256 : index
            %get3A_1151 = tpu.vector_load %arg14[%get3A_1150] {strides = array<i32>} : memref<512xf32, #tpu.memory_space<vmem>>, vector<16xf32>,
            %add3A_1152 = arith.addf %get3A_1149, %get3A_1151 : vector<16xf32>
            %gt3A_1153 = arith.cmpf ogt, %add3A_1152, %select_n3A_1140 : vector<16xf32>
            %gt3A_1154 = arith.cmpf ogt, %add3A_1152, %select_n3A_1135 : vector<16xf32>
            %gt3A_1155 = arith.cmpf ogt, %add3A_1152, %select_n3A_1129 : vector<16xf32>
            %select_n3A_1156 = arith.select %gt3A_1155, %add3A_1152, %select_n3A_1129 : vector<16xi1>, vector<16xf32>
            %select_n3A_1157 = arith.select %gt3A_1154, %select_n3A_1135, %select_n3A_1156 : vector<16xi1>, vector<16xf32>
            %jit3A_1158 = arith.constant 16 : i32
            %broadcast_in_dim3A_1159 = vector.broadcast %jit3A_1158 : i32 to vector<16xi32>
            %select_n3A_1160 = arith.select %gt3A_1155, %broadcast_in_dim3A_1159, %select_n3A_1133 : vector<16xi1>, vector<16xi32>
            %select_n3A_1161 = arith.select %gt3A_1154, %select_n3A_1139, %select_n3A_1160 : vector<16xi1>, vector<16xi32>
            %select_n3A_1162 = arith.select %gt3A_1154, %add3A_1152, %select_n3A_1135 : vector<16xi1>, vector<16xf32>
            %select_n3A_1163 = arith.select %gt3A_1153, %select_n3A_1140, %select_n3A_1162 : vector<16xi1>, vector<16xf32>
            %jit3A_1164 = arith.constant 16 : i32
            %broadcast_in_dim3A_1165 = vector.broadcast %jit3A_1164 : i32 to vector<16xi32>
            %select_n3A_1166 = arith.select %gt3A_1154, %broadcast_in_dim3A_1165, %select_n3A_1139 : vector<16xi1>, vector<16xi32>
            %select_n3A_1167 = arith.select %gt3A_1153, %select_n3A_1143, %select_n3A_1166 : vector<16xi1>, vector<16xi32>
            %select_n3A_1168 = arith.select %gt3A_1153, %add3A_1152, %select_n3A_1140 : vector<16xi1>, vector<16xf32>
            %jit3A_1169 = arith.constant 16 : i32
            %broadcast_in_dim3A_1170 = vector.broadcast %jit3A_1169 : i32 to vector<16xi32>
            %select_n3A_1171 = arith.select %gt3A_1153, %broadcast_in_dim3A_1170, %select_n3A_1143 : vector<16xi1>, vector<16xi32>
            %mul3A_1172 = arith.constant 512 : i32
            %mul3A_1173 = arith.muli %add3A_601, %mul3A_1172 : i32
            %add3A_1174 = arith.constant 272 : i32
            %add3A_1175 = arith.addi %mul3A_1173, %add3A_1174 : i32
            %get3A_1176 = arith.index_cast %add3A_1175 : i32 to index
            %get3A_1177 = tpu.vector_load %arg9[%get3A_1176] {strides = array<i32>} : memref<106496xf32, #tpu.memory_space<vmem>>, vector<16xf32>,
            %get3A_1178 = arith.constant 272 : index
            %get3A_1179 = tpu.vector_load %arg14[%get3A_1178] {strides = array<i32>} : memref<512xf32, #tpu.memory_space<vmem>>, vector<16xf32>,
            %add3A_1180 = arith.addf %get3A_1177, %get3A_1179 : vector<16xf32>
            %gt3A_1181 = arith.cmpf ogt, %add3A_1180, %select_n3A_1168 : vector<16xf32>
            %gt3A_1182 = arith.cmpf ogt, %add3A_1180, %select_n3A_1163 : vector<16xf32>
            %gt3A_1183 = arith.cmpf ogt, %add3A_1180, %select_n3A_1157 : vector<16xf32>
            %select_n3A_1184 = arith.select %gt3A_1183, %add3A_1180, %select_n3A_1157 : vector<16xi1>, vector<16xf32>
            %select_n3A_1185 = arith.select %gt3A_1182, %select_n3A_1163, %select_n3A_1184 : vector<16xi1>, vector<16xf32>
            %jit3A_1186 = arith.constant 17 : i32
            %broadcast_in_dim3A_1187 = vector.broadcast %jit3A_1186 : i32 to vector<16xi32>
            %select_n3A_1188 = arith.select %gt3A_1183, %broadcast_in_dim3A_1187, %select_n3A_1161 : vector<16xi1>, vector<16xi32>
            %select_n3A_1189 = arith.select %gt3A_1182, %select_n3A_1167, %select_n3A_1188 : vector<16xi1>, vector<16xi32>
            %select_n3A_1190 = arith.select %gt3A_1182, %add3A_1180, %select_n3A_1163 : vector<16xi1>, vector<16xf32>
            %select_n3A_1191 = arith.select %gt3A_1181, %select_n3A_1168, %select_n3A_1190 : vector<16xi1>, vector<16xf32>
            %jit3A_1192 = arith.constant 17 : i32
            %broadcast_in_dim3A_1193 = vector.broadcast %jit3A_1192 : i32 to vector<16xi32>
            %select_n3A_1194 = arith.select %gt3A_1182, %broadcast_in_dim3A_1193, %select_n3A_1167 : vector<16xi1>, vector<16xi32>
            %select_n3A_1195 = arith.select %gt3A_1181, %select_n3A_1171, %select_n3A_1194 : vector<16xi1>, vector<16xi32>
            %select_n3A_1196 = arith.select %gt3A_1181, %add3A_1180, %select_n3A_1168 : vector<16xi1>, vector<16xf32>
            %jit3A_1197 = arith.constant 17 : i32
            %broadcast_in_dim3A_1198 = vector.broadcast %jit3A_1197 : i32 to vector<16xi32>
            %select_n3A_1199 = arith.select %gt3A_1181, %broadcast_in_dim3A_1198, %select_n3A_1171 : vector<16xi1>, vector<16xi32>
            %mul3A_1200 = arith.constant 512 : i32
            %mul3A_1201 = arith.muli %add3A_601, %mul3A_1200 : i32
            %add3A_1202 = arith.constant 288 : i32
            %add3A_1203 = arith.addi %mul3A_1201, %add3A_1202 : i32
            %get3A_1204 = arith.index_cast %add3A_1203 : i32 to index
            %get3A_1205 = tpu.vector_load %arg9[%get3A_1204] {strides = array<i32>} : memref<106496xf32, #tpu.memory_space<vmem>>, vector<16xf32>,
            %get3A_1206 = arith.constant 288 : index
            %get3A_1207 = tpu.vector_load %arg14[%get3A_1206] {strides = array<i32>} : memref<512xf32, #tpu.memory_space<vmem>>, vector<16xf32>,
            %add3A_1208 = arith.addf %get3A_1205, %get3A_1207 : vector<16xf32>
            %gt3A_1209 = arith.cmpf ogt, %add3A_1208, %select_n3A_1196 : vector<16xf32>
            %gt3A_1210 = arith.cmpf ogt, %add3A_1208, %select_n3A_1191 : vector<16xf32>
            %gt3A_1211 = arith.cmpf ogt, %add3A_1208, %select_n3A_1185 : vector<16xf32>
            %select_n3A_1212 = arith.select %gt3A_1211, %add3A_1208, %select_n3A_1185 : vector<16xi1>, vector<16xf32>
            %select_n3A_1213 = arith.select %gt3A_1210, %select_n3A_1191, %select_n3A_1212 : vector<16xi1>, vector<16xf32>
            %jit3A_1214 = arith.constant 18 : i32
            %broadcast_in_dim3A_1215 = vector.broadcast %jit3A_1214 : i32 to vector<16xi32>
            %select_n3A_1216 = arith.select %gt3A_1211, %broadcast_in_dim3A_1215, %select_n3A_1189 : vector<16xi1>, vector<16xi32>
            %select_n3A_1217 = arith.select %gt3A_1210, %select_n3A_1195, %select_n3A_1216 : vector<16xi1>, vector<16xi32>
            %select_n3A_1218 = arith.select %gt3A_1210, %add3A_1208, %select_n3A_1191 : vector<16xi1>, vector<16xf32>
            %select_n3A_1219 = arith.select %gt3A_1209, %select_n3A_1196, %select_n3A_1218 : vector<16xi1>, vector<16xf32>
            %jit3A_1220 = arith.constant 18 : i32
            %broadcast_in_dim3A_1221 = vector.broadcast %jit3A_1220 : i32 to vector<16xi32>
            %select_n3A_1222 = arith.select %gt3A_1210, %broadcast_in_dim3A_1221, %select_n3A_1195 : vector<16xi1>, vector<16xi32>
            %select_n3A_1223 = arith.select %gt3A_1209, %select_n3A_1199, %select_n3A_1222 : vector<16xi1>, vector<16xi32>
            %select_n3A_1224 = arith.select %gt3A_1209, %add3A_1208, %select_n3A_1196 : vector<16xi1>, vector<16xf32>
            %jit3A_1225 = arith.constant 18 : i32
            %broadcast_in_dim3A_1226 = vector.broadcast %jit3A_1225 : i32 to vector<16xi32>
            %select_n3A_1227 = arith.select %gt3A_1209, %broadcast_in_dim3A_1226, %select_n3A_1199 : vector<16xi1>, vector<16xi32>
            %mul3A_1228 = arith.constant 512 : i32
            %mul3A_1229 = arith.muli %add3A_601, %mul3A_1228 : i32
            %add3A_1230 = arith.constant 304 : i32
            %add3A_1231 = arith.addi %mul3A_1229, %add3A_1230 : i32
            %get3A_1232 = arith.index_cast %add3A_1231 : i32 to index
            %get3A_1233 = tpu.vector_load %arg9[%get3A_1232] {strides = array<i32>} : memref<106496xf32, #tpu.memory_space<vmem>>, vector<16xf32>,
            %get3A_1234 = arith.constant 304 : index
            %get3A_1235 = tpu.vector_load %arg14[%get3A_1234] {strides = array<i32>} : memref<512xf32, #tpu.memory_space<vmem>>, vector<16xf32>,
            %add3A_1236 = arith.addf %get3A_1233, %get3A_1235 : vector<16xf32>
            %gt3A_1237 = arith.cmpf ogt, %add3A_1236, %select_n3A_1224 : vector<16xf32>
            %gt3A_1238 = arith.cmpf ogt, %add3A_1236, %select_n3A_1219 : vector<16xf32>
            %gt3A_1239 = arith.cmpf ogt, %add3A_1236, %select_n3A_1213 : vector<16xf32>
            %select_n3A_1240 = arith.select %gt3A_1239, %add3A_1236, %select_n3A_1213 : vector<16xi1>, vector<16xf32>
            %select_n3A_1241 = arith.select %gt3A_1238, %select_n3A_1219, %select_n3A_1240 : vector<16xi1>, vector<16xf32>
            %jit3A_1242 = arith.constant 19 : i32
            %broadcast_in_dim3A_1243 = vector.broadcast %jit3A_1242 : i32 to vector<16xi32>
            %select_n3A_1244 = arith.select %gt3A_1239, %broadcast_in_dim3A_1243, %select_n3A_1217 : vector<16xi1>, vector<16xi32>
            %select_n3A_1245 = arith.select %gt3A_1238, %select_n3A_1223, %select_n3A_1244 : vector<16xi1>, vector<16xi32>
            %select_n3A_1246 = arith.select %gt3A_1238, %add3A_1236, %select_n3A_1219 : vector<16xi1>, vector<16xf32>
            %select_n3A_1247 = arith.select %gt3A_1237, %select_n3A_1224, %select_n3A_1246 : vector<16xi1>, vector<16xf32>
            %jit3A_1248 = arith.constant 19 : i32
            %broadcast_in_dim3A_1249 = vector.broadcast %jit3A_1248 : i32 to vector<16xi32>
            %select_n3A_1250 = arith.select %gt3A_1238, %broadcast_in_dim3A_1249, %select_n3A_1223 : vector<16xi1>, vector<16xi32>
            %select_n3A_1251 = arith.select %gt3A_1237, %select_n3A_1227, %select_n3A_1250 : vector<16xi1>, vector<16xi32>
            %select_n3A_1252 = arith.select %gt3A_1237, %add3A_1236, %select_n3A_1224 : vector<16xi1>, vector<16xf32>
            %jit3A_1253 = arith.constant 19 : i32
            %broadcast_in_dim3A_1254 = vector.broadcast %jit3A_1253 : i32 to vector<16xi32>
            %select_n3A_1255 = arith.select %gt3A_1237, %broadcast_in_dim3A_1254, %select_n3A_1227 : vector<16xi1>, vector<16xi32>
            %mul3A_1256 = arith.constant 512 : i32
            %mul3A_1257 = arith.muli %add3A_601, %mul3A_1256 : i32
            %add3A_1258 = arith.constant 320 : i32
            %add3A_1259 = arith.addi %mul3A_1257, %add3A_1258 : i32
            %get3A_1260 = arith.index_cast %add3A_1259 : i32 to index
            %get3A_1261 = tpu.vector_load %arg9[%get3A_1260] {strides = array<i32>} : memref<106496xf32, #tpu.memory_space<vmem>>, vector<16xf32>,
            %get3A_1262 = arith.constant 320 : index
            %get3A_1263 = tpu.vector_load %arg14[%get3A_1262] {strides = array<i32>} : memref<512xf32, #tpu.memory_space<vmem>>, vector<16xf32>,
            %add3A_1264 = arith.addf %get3A_1261, %get3A_1263 : vector<16xf32>
            %gt3A_1265 = arith.cmpf ogt, %add3A_1264, %select_n3A_1252 : vector<16xf32>
            %gt3A_1266 = arith.cmpf ogt, %add3A_1264, %select_n3A_1247 : vector<16xf32>
            %gt3A_1267 = arith.cmpf ogt, %add3A_1264, %select_n3A_1241 : vector<16xf32>
            %select_n3A_1268 = arith.select %gt3A_1267, %add3A_1264, %select_n3A_1241 : vector<16xi1>, vector<16xf32>
            %select_n3A_1269 = arith.select %gt3A_1266, %select_n3A_1247, %select_n3A_1268 : vector<16xi1>, vector<16xf32>
            %jit3A_1270 = arith.constant 20 : i32
            %broadcast_in_dim3A_1271 = vector.broadcast %jit3A_1270 : i32 to vector<16xi32>
            %select_n3A_1272 = arith.select %gt3A_1267, %broadcast_in_dim3A_1271, %select_n3A_1245 : vector<16xi1>, vector<16xi32>
            %select_n3A_1273 = arith.select %gt3A_1266, %select_n3A_1251, %select_n3A_1272 : vector<16xi1>, vector<16xi32>
            %select_n3A_1274 = arith.select %gt3A_1266, %add3A_1264, %select_n3A_1247 : vector<16xi1>, vector<16xf32>
            %select_n3A_1275 = arith.select %gt3A_1265, %select_n3A_1252, %select_n3A_1274 : vector<16xi1>, vector<16xf32>
            %jit3A_1276 = arith.constant 20 : i32
            %broadcast_in_dim3A_1277 = vector.broadcast %jit3A_1276 : i32 to vector<16xi32>
            %select_n3A_1278 = arith.select %gt3A_1266, %broadcast_in_dim3A_1277, %select_n3A_1251 : vector<16xi1>, vector<16xi32>
            %select_n3A_1279 = arith.select %gt3A_1265, %select_n3A_1255, %select_n3A_1278 : vector<16xi1>, vector<16xi32>
            %select_n3A_1280 = arith.select %gt3A_1265, %add3A_1264, %select_n3A_1252 : vector<16xi1>, vector<16xf32>
            %jit3A_1281 = arith.constant 20 : i32
            %broadcast_in_dim3A_1282 = vector.broadcast %jit3A_1281 : i32 to vector<16xi32>
            %select_n3A_1283 = arith.select %gt3A_1265, %broadcast_in_dim3A_1282, %select_n3A_1255 : vector<16xi1>, vector<16xi32>
            %mul3A_1284 = arith.constant 512 : i32
            %mul3A_1285 = arith.muli %add3A_601, %mul3A_1284 : i32
            %add3A_1286 = arith.constant 336 : i32
            %add3A_1287 = arith.addi %mul3A_1285, %add3A_1286 : i32
            %get3A_1288 = arith.index_cast %add3A_1287 : i32 to index
            %get3A_1289 = tpu.vector_load %arg9[%get3A_1288] {strides = array<i32>} : memref<106496xf32, #tpu.memory_space<vmem>>, vector<16xf32>,
            %get3A_1290 = arith.constant 336 : index
            %get3A_1291 = tpu.vector_load %arg14[%get3A_1290] {strides = array<i32>} : memref<512xf32, #tpu.memory_space<vmem>>, vector<16xf32>,
            %add3A_1292 = arith.addf %get3A_1289, %get3A_1291 : vector<16xf32>
            %gt3A_1293 = arith.cmpf ogt, %add3A_1292, %select_n3A_1280 : vector<16xf32>
            %gt3A_1294 = arith.cmpf ogt, %add3A_1292, %select_n3A_1275 : vector<16xf32>
            %gt3A_1295 = arith.cmpf ogt, %add3A_1292, %select_n3A_1269 : vector<16xf32>
            %select_n3A_1296 = arith.select %gt3A_1295, %add3A_1292, %select_n3A_1269 : vector<16xi1>, vector<16xf32>
            %select_n3A_1297 = arith.select %gt3A_1294, %select_n3A_1275, %select_n3A_1296 : vector<16xi1>, vector<16xf32>
            %jit3A_1298 = arith.constant 21 : i32
            %broadcast_in_dim3A_1299 = vector.broadcast %jit3A_1298 : i32 to vector<16xi32>
            %select_n3A_1300 = arith.select %gt3A_1295, %broadcast_in_dim3A_1299, %select_n3A_1273 : vector<16xi1>, vector<16xi32>
            %select_n3A_1301 = arith.select %gt3A_1294, %select_n3A_1279, %select_n3A_1300 : vector<16xi1>, vector<16xi32>
            %select_n3A_1302 = arith.select %gt3A_1294, %add3A_1292, %select_n3A_1275 : vector<16xi1>, vector<16xf32>
            %select_n3A_1303 = arith.select %gt3A_1293, %select_n3A_1280, %select_n3A_1302 : vector<16xi1>, vector<16xf32>
            %jit3A_1304 = arith.constant 21 : i32
            %broadcast_in_dim3A_1305 = vector.broadcast %jit3A_1304 : i32 to vector<16xi32>
            %select_n3A_1306 = arith.select %gt3A_1294, %broadcast_in_dim3A_1305, %select_n3A_1279 : vector<16xi1>, vector<16xi32>
            %select_n3A_1307 = arith.select %gt3A_1293, %select_n3A_1283, %select_n3A_1306 : vector<16xi1>, vector<16xi32>
            %select_n3A_1308 = arith.select %gt3A_1293, %add3A_1292, %select_n3A_1280 : vector<16xi1>, vector<16xf32>
            %jit3A_1309 = arith.constant 21 : i32
            %broadcast_in_dim3A_1310 = vector.broadcast %jit3A_1309 : i32 to vector<16xi32>
            %select_n3A_1311 = arith.select %gt3A_1293, %broadcast_in_dim3A_1310, %select_n3A_1283 : vector<16xi1>, vector<16xi32>
            %mul3A_1312 = arith.constant 512 : i32
            %mul3A_1313 = arith.muli %add3A_601, %mul3A_1312 : i32
            %add3A_1314 = arith.constant 352 : i32
            %add3A_1315 = arith.addi %mul3A_1313, %add3A_1314 : i32
            %get3A_1316 = arith.index_cast %add3A_1315 : i32 to index
            %get3A_1317 = tpu.vector_load %arg9[%get3A_1316] {strides = array<i32>} : memref<106496xf32, #tpu.memory_space<vmem>>, vector<16xf32>,
            %get3A_1318 = arith.constant 352 : index
            %get3A_1319 = tpu.vector_load %arg14[%get3A_1318] {strides = array<i32>} : memref<512xf32, #tpu.memory_space<vmem>>, vector<16xf32>,
            %add3A_1320 = arith.addf %get3A_1317, %get3A_1319 : vector<16xf32>
            %gt3A_1321 = arith.cmpf ogt, %add3A_1320, %select_n3A_1308 : vector<16xf32>
            %gt3A_1322 = arith.cmpf ogt, %add3A_1320, %select_n3A_1303 : vector<16xf32>
            %gt3A_1323 = arith.cmpf ogt, %add3A_1320, %select_n3A_1297 : vector<16xf32>
            %select_n3A_1324 = arith.select %gt3A_1323, %add3A_1320, %select_n3A_1297 : vector<16xi1>, vector<16xf32>
            %select_n3A_1325 = arith.select %gt3A_1322, %select_n3A_1303, %select_n3A_1324 : vector<16xi1>, vector<16xf32>
            %jit3A_1326 = arith.constant 22 : i32
            %broadcast_in_dim3A_1327 = vector.broadcast %jit3A_1326 : i32 to vector<16xi32>
            %select_n3A_1328 = arith.select %gt3A_1323, %broadcast_in_dim3A_1327, %select_n3A_1301 : vector<16xi1>, vector<16xi32>
            %select_n3A_1329 = arith.select %gt3A_1322, %select_n3A_1307, %select_n3A_1328 : vector<16xi1>, vector<16xi32>
            %select_n3A_1330 = arith.select %gt3A_1322, %add3A_1320, %select_n3A_1303 : vector<16xi1>, vector<16xf32>
            %select_n3A_1331 = arith.select %gt3A_1321, %select_n3A_1308, %select_n3A_1330 : vector<16xi1>, vector<16xf32>
            %jit3A_1332 = arith.constant 22 : i32
            %broadcast_in_dim3A_1333 = vector.broadcast %jit3A_1332 : i32 to vector<16xi32>
            %select_n3A_1334 = arith.select %gt3A_1322, %broadcast_in_dim3A_1333, %select_n3A_1307 : vector<16xi1>, vector<16xi32>
            %select_n3A_1335 = arith.select %gt3A_1321, %select_n3A_1311, %select_n3A_1334 : vector<16xi1>, vector<16xi32>
            %select_n3A_1336 = arith.select %gt3A_1321, %add3A_1320, %select_n3A_1308 : vector<16xi1>, vector<16xf32>
            %jit3A_1337 = arith.constant 22 : i32
            %broadcast_in_dim3A_1338 = vector.broadcast %jit3A_1337 : i32 to vector<16xi32>
            %select_n3A_1339 = arith.select %gt3A_1321, %broadcast_in_dim3A_1338, %select_n3A_1311 : vector<16xi1>, vector<16xi32>
            %mul3A_1340 = arith.constant 512 : i32
            %mul3A_1341 = arith.muli %add3A_601, %mul3A_1340 : i32
            %add3A_1342 = arith.constant 368 : i32
            %add3A_1343 = arith.addi %mul3A_1341, %add3A_1342 : i32
            %get3A_1344 = arith.index_cast %add3A_1343 : i32 to index
            %get3A_1345 = tpu.vector_load %arg9[%get3A_1344] {strides = array<i32>} : memref<106496xf32, #tpu.memory_space<vmem>>, vector<16xf32>,
            %get3A_1346 = arith.constant 368 : index
            %get3A_1347 = tpu.vector_load %arg14[%get3A_1346] {strides = array<i32>} : memref<512xf32, #tpu.memory_space<vmem>>, vector<16xf32>,
            %add3A_1348 = arith.addf %get3A_1345, %get3A_1347 : vector<16xf32>
            %gt3A_1349 = arith.cmpf ogt, %add3A_1348, %select_n3A_1336 : vector<16xf32>
            %gt3A_1350 = arith.cmpf ogt, %add3A_1348, %select_n3A_1331 : vector<16xf32>
            %gt3A_1351 = arith.cmpf ogt, %add3A_1348, %select_n3A_1325 : vector<16xf32>
            %select_n3A_1352 = arith.select %gt3A_1351, %add3A_1348, %select_n3A_1325 : vector<16xi1>, vector<16xf32>
            %select_n3A_1353 = arith.select %gt3A_1350, %select_n3A_1331, %select_n3A_1352 : vector<16xi1>, vector<16xf32>
            %jit3A_1354 = arith.constant 23 : i32
            %broadcast_in_dim3A_1355 = vector.broadcast %jit3A_1354 : i32 to vector<16xi32>
            %select_n3A_1356 = arith.select %gt3A_1351, %broadcast_in_dim3A_1355, %select_n3A_1329 : vector<16xi1>, vector<16xi32>
            %select_n3A_1357 = arith.select %gt3A_1350, %select_n3A_1335, %select_n3A_1356 : vector<16xi1>, vector<16xi32>
            %select_n3A_1358 = arith.select %gt3A_1350, %add3A_1348, %select_n3A_1331 : vector<16xi1>, vector<16xf32>
            %select_n3A_1359 = arith.select %gt3A_1349, %select_n3A_1336, %select_n3A_1358 : vector<16xi1>, vector<16xf32>
            %jit3A_1360 = arith.constant 23 : i32
            %broadcast_in_dim3A_1361 = vector.broadcast %jit3A_1360 : i32 to vector<16xi32>
            %select_n3A_1362 = arith.select %gt3A_1350, %broadcast_in_dim3A_1361, %select_n3A_1335 : vector<16xi1>, vector<16xi32>
            %select_n3A_1363 = arith.select %gt3A_1349, %select_n3A_1339, %select_n3A_1362 : vector<16xi1>, vector<16xi32>
            %select_n3A_1364 = arith.select %gt3A_1349, %add3A_1348, %select_n3A_1336 : vector<16xi1>, vector<16xf32>
            %jit3A_1365 = arith.constant 23 : i32
            %broadcast_in_dim3A_1366 = vector.broadcast %jit3A_1365 : i32 to vector<16xi32>
            %select_n3A_1367 = arith.select %gt3A_1349, %broadcast_in_dim3A_1366, %select_n3A_1339 : vector<16xi1>, vector<16xi32>
            %mul3A_1368 = arith.constant 512 : i32
            %mul3A_1369 = arith.muli %add3A_601, %mul3A_1368 : i32
            %add3A_1370 = arith.constant 384 : i32
            %add3A_1371 = arith.addi %mul3A_1369, %add3A_1370 : i32
            %get3A_1372 = arith.index_cast %add3A_1371 : i32 to index
            %get3A_1373 = tpu.vector_load %arg9[%get3A_1372] {strides = array<i32>} : memref<106496xf32, #tpu.memory_space<vmem>>, vector<16xf32>,
            %get3A_1374 = arith.constant 384 : index
            %get3A_1375 = tpu.vector_load %arg14[%get3A_1374] {strides = array<i32>} : memref<512xf32, #tpu.memory_space<vmem>>, vector<16xf32>,
            %add3A_1376 = arith.addf %get3A_1373, %get3A_1375 : vector<16xf32>
            %gt3A_1377 = arith.cmpf ogt, %add3A_1376, %select_n3A_1364 : vector<16xf32>
            %gt3A_1378 = arith.cmpf ogt, %add3A_1376, %select_n3A_1359 : vector<16xf32>
            %gt3A_1379 = arith.cmpf ogt, %add3A_1376, %select_n3A_1353 : vector<16xf32>
            %select_n3A_1380 = arith.select %gt3A_1379, %add3A_1376, %select_n3A_1353 : vector<16xi1>, vector<16xf32>
            %select_n3A_1381 = arith.select %gt3A_1378, %select_n3A_1359, %select_n3A_1380 : vector<16xi1>, vector<16xf32>
            %jit3A_1382 = arith.constant 24 : i32
            %broadcast_in_dim3A_1383 = vector.broadcast %jit3A_1382 : i32 to vector<16xi32>
            %select_n3A_1384 = arith.select %gt3A_1379, %broadcast_in_dim3A_1383, %select_n3A_1357 : vector<16xi1>, vector<16xi32>
            %select_n3A_1385 = arith.select %gt3A_1378, %select_n3A_1363, %select_n3A_1384 : vector<16xi1>, vector<16xi32>
            %select_n3A_1386 = arith.select %gt3A_1378, %add3A_1376, %select_n3A_1359 : vector<16xi1>, vector<16xf32>
            %select_n3A_1387 = arith.select %gt3A_1377, %select_n3A_1364, %select_n3A_1386 : vector<16xi1>, vector<16xf32>
            %jit3A_1388 = arith.constant 24 : i32
            %broadcast_in_dim3A_1389 = vector.broadcast %jit3A_1388 : i32 to vector<16xi32>
            %select_n3A_1390 = arith.select %gt3A_1378, %broadcast_in_dim3A_1389, %select_n3A_1363 : vector<16xi1>, vector<16xi32>
            %select_n3A_1391 = arith.select %gt3A_1377, %select_n3A_1367, %select_n3A_1390 : vector<16xi1>, vector<16xi32>
            %select_n3A_1392 = arith.select %gt3A_1377, %add3A_1376, %select_n3A_1364 : vector<16xi1>, vector<16xf32>
            %jit3A_1393 = arith.constant 24 : i32
            %broadcast_in_dim3A_1394 = vector.broadcast %jit3A_1393 : i32 to vector<16xi32>
            %select_n3A_1395 = arith.select %gt3A_1377, %broadcast_in_dim3A_1394, %select_n3A_1367 : vector<16xi1>, vector<16xi32>
            %mul3A_1396 = arith.constant 512 : i32
            %mul3A_1397 = arith.muli %add3A_601, %mul3A_1396 : i32
            %add3A_1398 = arith.constant 400 : i32
            %add3A_1399 = arith.addi %mul3A_1397, %add3A_1398 : i32
            %get3A_1400 = arith.index_cast %add3A_1399 : i32 to index
            %get3A_1401 = tpu.vector_load %arg9[%get3A_1400] {strides = array<i32>} : memref<106496xf32, #tpu.memory_space<vmem>>, vector<16xf32>,
            %get3A_1402 = arith.constant 400 : index
            %get3A_1403 = tpu.vector_load %arg14[%get3A_1402] {strides = array<i32>} : memref<512xf32, #tpu.memory_space<vmem>>, vector<16xf32>,
            %add3A_1404 = arith.addf %get3A_1401, %get3A_1403 : vector<16xf32>
            %gt3A_1405 = arith.cmpf ogt, %add3A_1404, %select_n3A_1392 : vector<16xf32>
            %gt3A_1406 = arith.cmpf ogt, %add3A_1404, %select_n3A_1387 : vector<16xf32>
            %gt3A_1407 = arith.cmpf ogt, %add3A_1404, %select_n3A_1381 : vector<16xf32>
            %select_n3A_1408 = arith.select %gt3A_1407, %add3A_1404, %select_n3A_1381 : vector<16xi1>, vector<16xf32>
            %select_n3A_1409 = arith.select %gt3A_1406, %select_n3A_1387, %select_n3A_1408 : vector<16xi1>, vector<16xf32>
            %jit3A_1410 = arith.constant 25 : i32
            %broadcast_in_dim3A_1411 = vector.broadcast %jit3A_1410 : i32 to vector<16xi32>
            %select_n3A_1412 = arith.select %gt3A_1407, %broadcast_in_dim3A_1411, %select_n3A_1385 : vector<16xi1>, vector<16xi32>
            %select_n3A_1413 = arith.select %gt3A_1406, %select_n3A_1391, %select_n3A_1412 : vector<16xi1>, vector<16xi32>
            %select_n3A_1414 = arith.select %gt3A_1406, %add3A_1404, %select_n3A_1387 : vector<16xi1>, vector<16xf32>
            %select_n3A_1415 = arith.select %gt3A_1405, %select_n3A_1392, %select_n3A_1414 : vector<16xi1>, vector<16xf32>
            %jit3A_1416 = arith.constant 25 : i32
            %broadcast_in_dim3A_1417 = vector.broadcast %jit3A_1416 : i32 to vector<16xi32>
            %select_n3A_1418 = arith.select %gt3A_1406, %broadcast_in_dim3A_1417, %select_n3A_1391 : vector<16xi1>, vector<16xi32>
            %select_n3A_1419 = arith.select %gt3A_1405, %select_n3A_1395, %select_n3A_1418 : vector<16xi1>, vector<16xi32>
            %select_n3A_1420 = arith.select %gt3A_1405, %add3A_1404, %select_n3A_1392 : vector<16xi1>, vector<16xf32>
            %jit3A_1421 = arith.constant 25 : i32
            %broadcast_in_dim3A_1422 = vector.broadcast %jit3A_1421 : i32 to vector<16xi32>
            %select_n3A_1423 = arith.select %gt3A_1405, %broadcast_in_dim3A_1422, %select_n3A_1395 : vector<16xi1>, vector<16xi32>
            %mul3A_1424 = arith.constant 512 : i32
            %mul3A_1425 = arith.muli %add3A_601, %mul3A_1424 : i32
            %add3A_1426 = arith.constant 416 : i32
            %add3A_1427 = arith.addi %mul3A_1425, %add3A_1426 : i32
            %get3A_1428 = arith.index_cast %add3A_1427 : i32 to index
            %get3A_1429 = tpu.vector_load %arg9[%get3A_1428] {strides = array<i32>} : memref<106496xf32, #tpu.memory_space<vmem>>, vector<16xf32>,
            %get3A_1430 = arith.constant 416 : index
            %get3A_1431 = tpu.vector_load %arg14[%get3A_1430] {strides = array<i32>} : memref<512xf32, #tpu.memory_space<vmem>>, vector<16xf32>,
            %add3A_1432 = arith.addf %get3A_1429, %get3A_1431 : vector<16xf32>
            %gt3A_1433 = arith.cmpf ogt, %add3A_1432, %select_n3A_1420 : vector<16xf32>
            %gt3A_1434 = arith.cmpf ogt, %add3A_1432, %select_n3A_1415 : vector<16xf32>
            %gt3A_1435 = arith.cmpf ogt, %add3A_1432, %select_n3A_1409 : vector<16xf32>
            %select_n3A_1436 = arith.select %gt3A_1435, %add3A_1432, %select_n3A_1409 : vector<16xi1>, vector<16xf32>
            %select_n3A_1437 = arith.select %gt3A_1434, %select_n3A_1415, %select_n3A_1436 : vector<16xi1>, vector<16xf32>
            %jit3A_1438 = arith.constant 26 : i32
            %broadcast_in_dim3A_1439 = vector.broadcast %jit3A_1438 : i32 to vector<16xi32>
            %select_n3A_1440 = arith.select %gt3A_1435, %broadcast_in_dim3A_1439, %select_n3A_1413 : vector<16xi1>, vector<16xi32>
            %select_n3A_1441 = arith.select %gt3A_1434, %select_n3A_1419, %select_n3A_1440 : vector<16xi1>, vector<16xi32>
            %select_n3A_1442 = arith.select %gt3A_1434, %add3A_1432, %select_n3A_1415 : vector<16xi1>, vector<16xf32>
            %select_n3A_1443 = arith.select %gt3A_1433, %select_n3A_1420, %select_n3A_1442 : vector<16xi1>, vector<16xf32>
            %jit3A_1444 = arith.constant 26 : i32
            %broadcast_in_dim3A_1445 = vector.broadcast %jit3A_1444 : i32 to vector<16xi32>
            %select_n3A_1446 = arith.select %gt3A_1434, %broadcast_in_dim3A_1445, %select_n3A_1419 : vector<16xi1>, vector<16xi32>
            %select_n3A_1447 = arith.select %gt3A_1433, %select_n3A_1423, %select_n3A_1446 : vector<16xi1>, vector<16xi32>
            %select_n3A_1448 = arith.select %gt3A_1433, %add3A_1432, %select_n3A_1420 : vector<16xi1>, vector<16xf32>
            %jit3A_1449 = arith.constant 26 : i32
            %broadcast_in_dim3A_1450 = vector.broadcast %jit3A_1449 : i32 to vector<16xi32>
            %select_n3A_1451 = arith.select %gt3A_1433, %broadcast_in_dim3A_1450, %select_n3A_1423 : vector<16xi1>, vector<16xi32>
            %mul3A_1452 = arith.constant 512 : i32
            %mul3A_1453 = arith.muli %add3A_601, %mul3A_1452 : i32
            %add3A_1454 = arith.constant 432 : i32
            %add3A_1455 = arith.addi %mul3A_1453, %add3A_1454 : i32
            %get3A_1456 = arith.index_cast %add3A_1455 : i32 to index
            %get3A_1457 = tpu.vector_load %arg9[%get3A_1456] {strides = array<i32>} : memref<106496xf32, #tpu.memory_space<vmem>>, vector<16xf32>,
            %get3A_1458 = arith.constant 432 : index
            %get3A_1459 = tpu.vector_load %arg14[%get3A_1458] {strides = array<i32>} : memref<512xf32, #tpu.memory_space<vmem>>, vector<16xf32>,
            %add3A_1460 = arith.addf %get3A_1457, %get3A_1459 : vector<16xf32>
            %gt3A_1461 = arith.cmpf ogt, %add3A_1460, %select_n3A_1448 : vector<16xf32>
            %gt3A_1462 = arith.cmpf ogt, %add3A_1460, %select_n3A_1443 : vector<16xf32>
            %gt3A_1463 = arith.cmpf ogt, %add3A_1460, %select_n3A_1437 : vector<16xf32>
            %select_n3A_1464 = arith.select %gt3A_1463, %add3A_1460, %select_n3A_1437 : vector<16xi1>, vector<16xf32>
            %select_n3A_1465 = arith.select %gt3A_1462, %select_n3A_1443, %select_n3A_1464 : vector<16xi1>, vector<16xf32>
            %jit3A_1466 = arith.constant 27 : i32
            %broadcast_in_dim3A_1467 = vector.broadcast %jit3A_1466 : i32 to vector<16xi32>
            %select_n3A_1468 = arith.select %gt3A_1463, %broadcast_in_dim3A_1467, %select_n3A_1441 : vector<16xi1>, vector<16xi32>
            %select_n3A_1469 = arith.select %gt3A_1462, %select_n3A_1447, %select_n3A_1468 : vector<16xi1>, vector<16xi32>
            %select_n3A_1470 = arith.select %gt3A_1462, %add3A_1460, %select_n3A_1443 : vector<16xi1>, vector<16xf32>
            %select_n3A_1471 = arith.select %gt3A_1461, %select_n3A_1448, %select_n3A_1470 : vector<16xi1>, vector<16xf32>
            %jit3A_1472 = arith.constant 27 : i32
            %broadcast_in_dim3A_1473 = vector.broadcast %jit3A_1472 : i32 to vector<16xi32>
            %select_n3A_1474 = arith.select %gt3A_1462, %broadcast_in_dim3A_1473, %select_n3A_1447 : vector<16xi1>, vector<16xi32>
            %select_n3A_1475 = arith.select %gt3A_1461, %select_n3A_1451, %select_n3A_1474 : vector<16xi1>, vector<16xi32>
            %select_n3A_1476 = arith.select %gt3A_1461, %add3A_1460, %select_n3A_1448 : vector<16xi1>, vector<16xf32>
            %jit3A_1477 = arith.constant 27 : i32
            %broadcast_in_dim3A_1478 = vector.broadcast %jit3A_1477 : i32 to vector<16xi32>
            %select_n3A_1479 = arith.select %gt3A_1461, %broadcast_in_dim3A_1478, %select_n3A_1451 : vector<16xi1>, vector<16xi32>
            %mul3A_1480 = arith.constant 512 : i32
            %mul3A_1481 = arith.muli %add3A_601, %mul3A_1480 : i32
            %add3A_1482 = arith.constant 448 : i32
            %add3A_1483 = arith.addi %mul3A_1481, %add3A_1482 : i32
            %get3A_1484 = arith.index_cast %add3A_1483 : i32 to index
            %get3A_1485 = tpu.vector_load %arg9[%get3A_1484] {strides = array<i32>} : memref<106496xf32, #tpu.memory_space<vmem>>, vector<16xf32>,
            %get3A_1486 = arith.constant 448 : index
            %get3A_1487 = tpu.vector_load %arg14[%get3A_1486] {strides = array<i32>} : memref<512xf32, #tpu.memory_space<vmem>>, vector<16xf32>,
            %add3A_1488 = arith.addf %get3A_1485, %get3A_1487 : vector<16xf32>
            %gt3A_1489 = arith.cmpf ogt, %add3A_1488, %select_n3A_1476 : vector<16xf32>
            %gt3A_1490 = arith.cmpf ogt, %add3A_1488, %select_n3A_1471 : vector<16xf32>
            %gt3A_1491 = arith.cmpf ogt, %add3A_1488, %select_n3A_1465 : vector<16xf32>
            %select_n3A_1492 = arith.select %gt3A_1491, %add3A_1488, %select_n3A_1465 : vector<16xi1>, vector<16xf32>
            %select_n3A_1493 = arith.select %gt3A_1490, %select_n3A_1471, %select_n3A_1492 : vector<16xi1>, vector<16xf32>
            %jit3A_1494 = arith.constant 28 : i32
            %broadcast_in_dim3A_1495 = vector.broadcast %jit3A_1494 : i32 to vector<16xi32>
            %select_n3A_1496 = arith.select %gt3A_1491, %broadcast_in_dim3A_1495, %select_n3A_1469 : vector<16xi1>, vector<16xi32>
            %select_n3A_1497 = arith.select %gt3A_1490, %select_n3A_1475, %select_n3A_1496 : vector<16xi1>, vector<16xi32>
            %select_n3A_1498 = arith.select %gt3A_1490, %add3A_1488, %select_n3A_1471 : vector<16xi1>, vector<16xf32>
            %select_n3A_1499 = arith.select %gt3A_1489, %select_n3A_1476, %select_n3A_1498 : vector<16xi1>, vector<16xf32>
            %jit3A_1500 = arith.constant 28 : i32
            %broadcast_in_dim3A_1501 = vector.broadcast %jit3A_1500 : i32 to vector<16xi32>
            %select_n3A_1502 = arith.select %gt3A_1490, %broadcast_in_dim3A_1501, %select_n3A_1475 : vector<16xi1>, vector<16xi32>
            %select_n3A_1503 = arith.select %gt3A_1489, %select_n3A_1479, %select_n3A_1502 : vector<16xi1>, vector<16xi32>
            %select_n3A_1504 = arith.select %gt3A_1489, %add3A_1488, %select_n3A_1476 : vector<16xi1>, vector<16xf32>
            %jit3A_1505 = arith.constant 28 : i32
            %broadcast_in_dim3A_1506 = vector.broadcast %jit3A_1505 : i32 to vector<16xi32>
            %select_n3A_1507 = arith.select %gt3A_1489, %broadcast_in_dim3A_1506, %select_n3A_1479 : vector<16xi1>, vector<16xi32>
            %mul3A_1508 = arith.constant 512 : i32
            %mul3A_1509 = arith.muli %add3A_601, %mul3A_1508 : i32
            %add3A_1510 = arith.constant 464 : i32
            %add3A_1511 = arith.addi %mul3A_1509, %add3A_1510 : i32
            %get3A_1512 = arith.index_cast %add3A_1511 : i32 to index
            %get3A_1513 = tpu.vector_load %arg9[%get3A_1512] {strides = array<i32>} : memref<106496xf32, #tpu.memory_space<vmem>>, vector<16xf32>,
            %get3A_1514 = arith.constant 464 : index
            %get3A_1515 = tpu.vector_load %arg14[%get3A_1514] {strides = array<i32>} : memref<512xf32, #tpu.memory_space<vmem>>, vector<16xf32>,
            %add3A_1516 = arith.addf %get3A_1513, %get3A_1515 : vector<16xf32>
            %gt3A_1517 = arith.cmpf ogt, %add3A_1516, %select_n3A_1504 : vector<16xf32>
            %gt3A_1518 = arith.cmpf ogt, %add3A_1516, %select_n3A_1499 : vector<16xf32>
            %gt3A_1519 = arith.cmpf ogt, %add3A_1516, %select_n3A_1493 : vector<16xf32>
            %select_n3A_1520 = arith.select %gt3A_1519, %add3A_1516, %select_n3A_1493 : vector<16xi1>, vector<16xf32>
            %select_n3A_1521 = arith.select %gt3A_1518, %select_n3A_1499, %select_n3A_1520 : vector<16xi1>, vector<16xf32>
            %jit3A_1522 = arith.constant 29 : i32
            %broadcast_in_dim3A_1523 = vector.broadcast %jit3A_1522 : i32 to vector<16xi32>
            %select_n3A_1524 = arith.select %gt3A_1519, %broadcast_in_dim3A_1523, %select_n3A_1497 : vector<16xi1>, vector<16xi32>
            %select_n3A_1525 = arith.select %gt3A_1518, %select_n3A_1503, %select_n3A_1524 : vector<16xi1>, vector<16xi32>
            %select_n3A_1526 = arith.select %gt3A_1518, %add3A_1516, %select_n3A_1499 : vector<16xi1>, vector<16xf32>
            %select_n3A_1527 = arith.select %gt3A_1517, %select_n3A_1504, %select_n3A_1526 : vector<16xi1>, vector<16xf32>
            %jit3A_1528 = arith.constant 29 : i32
            %broadcast_in_dim3A_1529 = vector.broadcast %jit3A_1528 : i32 to vector<16xi32>
            %select_n3A_1530 = arith.select %gt3A_1518, %broadcast_in_dim3A_1529, %select_n3A_1503 : vector<16xi1>, vector<16xi32>
            %select_n3A_1531 = arith.select %gt3A_1517, %select_n3A_1507, %select_n3A_1530 : vector<16xi1>, vector<16xi32>
            %select_n3A_1532 = arith.select %gt3A_1517, %add3A_1516, %select_n3A_1504 : vector<16xi1>, vector<16xf32>
            %jit3A_1533 = arith.constant 29 : i32
            %broadcast_in_dim3A_1534 = vector.broadcast %jit3A_1533 : i32 to vector<16xi32>
            %select_n3A_1535 = arith.select %gt3A_1517, %broadcast_in_dim3A_1534, %select_n3A_1507 : vector<16xi1>, vector<16xi32>
            %mul3A_1536 = arith.constant 512 : i32
            %mul3A_1537 = arith.muli %add3A_601, %mul3A_1536 : i32
            %add3A_1538 = arith.constant 480 : i32
            %add3A_1539 = arith.addi %mul3A_1537, %add3A_1538 : i32
            %get3A_1540 = arith.index_cast %add3A_1539 : i32 to index
            %get3A_1541 = tpu.vector_load %arg9[%get3A_1540] {strides = array<i32>} : memref<106496xf32, #tpu.memory_space<vmem>>, vector<16xf32>,
            %get3A_1542 = arith.constant 480 : index
            %get3A_1543 = tpu.vector_load %arg14[%get3A_1542] {strides = array<i32>} : memref<512xf32, #tpu.memory_space<vmem>>, vector<16xf32>,
            %add3A_1544 = arith.addf %get3A_1541, %get3A_1543 : vector<16xf32>
            %gt3A_1545 = arith.cmpf ogt, %add3A_1544, %select_n3A_1532 : vector<16xf32>
            %gt3A_1546 = arith.cmpf ogt, %add3A_1544, %select_n3A_1527 : vector<16xf32>
            %gt3A_1547 = arith.cmpf ogt, %add3A_1544, %select_n3A_1521 : vector<16xf32>
            %select_n3A_1548 = arith.select %gt3A_1547, %add3A_1544, %select_n3A_1521 : vector<16xi1>, vector<16xf32>
            %select_n3A_1549 = arith.select %gt3A_1546, %select_n3A_1527, %select_n3A_1548 : vector<16xi1>, vector<16xf32>
            %jit3A_1550 = arith.constant 30 : i32
            %broadcast_in_dim3A_1551 = vector.broadcast %jit3A_1550 : i32 to vector<16xi32>
            %select_n3A_1552 = arith.select %gt3A_1547, %broadcast_in_dim3A_1551, %select_n3A_1525 : vector<16xi1>, vector<16xi32>
            %select_n3A_1553 = arith.select %gt3A_1546, %select_n3A_1531, %select_n3A_1552 : vector<16xi1>, vector<16xi32>
            %select_n3A_1554 = arith.select %gt3A_1546, %add3A_1544, %select_n3A_1527 : vector<16xi1>, vector<16xf32>
            %select_n3A_1555 = arith.select %gt3A_1545, %select_n3A_1532, %select_n3A_1554 : vector<16xi1>, vector<16xf32>
            %jit3A_1556 = arith.constant 30 : i32
            %broadcast_in_dim3A_1557 = vector.broadcast %jit3A_1556 : i32 to vector<16xi32>
            %select_n3A_1558 = arith.select %gt3A_1546, %broadcast_in_dim3A_1557, %select_n3A_1531 : vector<16xi1>, vector<16xi32>
            %select_n3A_1559 = arith.select %gt3A_1545, %select_n3A_1535, %select_n3A_1558 : vector<16xi1>, vector<16xi32>
            %select_n3A_1560 = arith.select %gt3A_1545, %add3A_1544, %select_n3A_1532 : vector<16xi1>, vector<16xf32>
            %jit3A_1561 = arith.constant 30 : i32
            %broadcast_in_dim3A_1562 = vector.broadcast %jit3A_1561 : i32 to vector<16xi32>
            %select_n3A_1563 = arith.select %gt3A_1545, %broadcast_in_dim3A_1562, %select_n3A_1535 : vector<16xi1>, vector<16xi32>
            %mul3A_1564 = arith.constant 512 : i32
            %mul3A_1565 = arith.muli %add3A_601, %mul3A_1564 : i32
            %add3A_1566 = arith.constant 496 : i32
            %add3A_1567 = arith.addi %mul3A_1565, %add3A_1566 : i32
            %get3A_1568 = arith.index_cast %add3A_1567 : i32 to index
            %get3A_1569 = tpu.vector_load %arg9[%get3A_1568] {strides = array<i32>} : memref<106496xf32, #tpu.memory_space<vmem>>, vector<16xf32>,
            %get3A_1570 = arith.constant 496 : index
            %get3A_1571 = tpu.vector_load %arg14[%get3A_1570] {strides = array<i32>} : memref<512xf32, #tpu.memory_space<vmem>>, vector<16xf32>,
            %add3A_1572 = arith.addf %get3A_1569, %get3A_1571 : vector<16xf32>
            %gt3A_1573 = arith.cmpf ogt, %add3A_1572, %select_n3A_1560 : vector<16xf32>
            %gt3A_1574 = arith.cmpf ogt, %add3A_1572, %select_n3A_1555 : vector<16xf32>
            %gt3A_1575 = arith.cmpf ogt, %add3A_1572, %select_n3A_1549 : vector<16xf32>
            %select_n3A_1576 = arith.select %gt3A_1575, %add3A_1572, %select_n3A_1549 : vector<16xi1>, vector<16xf32>
            %select_n3A_1577 = arith.select %gt3A_1574, %select_n3A_1555, %select_n3A_1576 : vector<16xi1>, vector<16xf32>
            %jit3A_1578 = arith.constant 31 : i32
            %broadcast_in_dim3A_1579 = vector.broadcast %jit3A_1578 : i32 to vector<16xi32>
            %select_n3A_1580 = arith.select %gt3A_1575, %broadcast_in_dim3A_1579, %select_n3A_1553 : vector<16xi1>, vector<16xi32>
            %select_n3A_1581 = arith.select %gt3A_1574, %select_n3A_1559, %select_n3A_1580 : vector<16xi1>, vector<16xi32>
            %select_n3A_1582 = arith.select %gt3A_1574, %add3A_1572, %select_n3A_1555 : vector<16xi1>, vector<16xf32>
            %select_n3A_1583 = arith.select %gt3A_1573, %select_n3A_1560, %select_n3A_1582 : vector<16xi1>, vector<16xf32>
            %jit3A_1584 = arith.constant 31 : i32
            %broadcast_in_dim3A_1585 = vector.broadcast %jit3A_1584 : i32 to vector<16xi32>
            %select_n3A_1586 = arith.select %gt3A_1574, %broadcast_in_dim3A_1585, %select_n3A_1559 : vector<16xi1>, vector<16xi32>
            %select_n3A_1587 = arith.select %gt3A_1573, %select_n3A_1563, %select_n3A_1586 : vector<16xi1>, vector<16xi32>
            %select_n3A_1588 = arith.select %gt3A_1573, %add3A_1572, %select_n3A_1560 : vector<16xi1>, vector<16xf32>
            %jit3A_1589 = arith.constant 31 : i32
            %broadcast_in_dim3A_1590 = vector.broadcast %jit3A_1589 : i32 to vector<16xi32>
            %select_n3A_1591 = arith.select %gt3A_1573, %broadcast_in_dim3A_1590, %select_n3A_1563 : vector<16xi1>, vector<16xi32>
            %reduce_max3A_1592 = arith.constant true
            %reduce_max3A_1593 = vector.broadcast %reduce_max3A_1592 : i1 to vector<16xi1>
            %reduce_max3A_1594 = tpu.scan <max>, %select_n3A_1588 masked %reduce_max3A_1593 : vector<16xf32>, vector<16xi1> -> vector<16xf32>
            %reduce_max3A_1595 = vector.extract %reduce_max3A_1594[15] : f32 from vector<16xf32>
            %eq3A_1596 = vector.broadcast %reduce_max3A_1595 : f32 to vector<16xf32>
            %eq3A_1597 = arith.cmpf oeq, %select_n3A_1588, %eq3A_1596 : vector<16xf32>
            %mul3A_1598 = arith.constant 16 : i32
            %mul3A_1599 = vector.broadcast %mul3A_1598 : i32 to vector<16xi32>
            %mul3A_1600 = arith.muli %select_n3A_1591, %mul3A_1599 : vector<16xi32>
            %add3A_1601 = arith.addi %mul3A_1600, %iota3A : vector<16xi32>
            %jit3A_1602 = arith.constant 512 : i32
            %broadcast_in_dim3A_1603 = vector.broadcast %jit3A_1602 : i32 to vector<16xi32>
            %select_n3A_1604 = arith.select %eq3A_1597, %add3A_1601, %broadcast_in_dim3A_1603 : vector<16xi1>, vector<16xi32>
            %reduce_min3A_1605 = arith.constant true
            %reduce_min3A_1606 = vector.broadcast %reduce_min3A_1605 : i1 to vector<16xi1>
            %reduce_min3A_1607 = arith.constant -2147483648 : i32
            %reduce_min3A_1608 = vector.broadcast %reduce_min3A_1607 : i32 to vector<16xi32>
            %reduce_min3A_1609 = arith.xori %select_n3A_1604, %reduce_min3A_1608 : vector<16xi32>
            %reduce_min3A_1610 = tpu.scan <min>, %reduce_min3A_1609 masked %reduce_min3A_1606 : vector<16xi32>, vector<16xi1> -> vector<16xi32>
            %reduce_min3A_1611 = arith.xori %reduce_min3A_1610, %reduce_min3A_1608 : vector<16xi32>
            %reduce_min3A_1612 = vector.extract %reduce_min3A_1611[15] : i32 from vector<16xi32>
            %and3A_1613 = arith.constant 15 : i32
            %and3A_1614 = arith.andi %reduce_min3A_1612, %and3A_1613 : i32
            %eq3A_1615 = vector.broadcast %and3A_1614 : i32 to vector<16xi32>
            %eq3A_1616 = arith.cmpi eq, %iota3A, %eq3A_1615 : vector<16xi32>
            %select_n3A_1617 = arith.select %eq3A_1616, %select_n3A_1583, %select_n3A_1588 : vector<16xi1>, vector<16xf32>
            %select_n3A_1618 = arith.select %eq3A_1616, %select_n3A_1587, %select_n3A_1591 : vector<16xi1>, vector<16xi32>
            %select_n3A_1619 = arith.select %eq3A_1616, %select_n3A_1577, %select_n3A_1583 : vector<16xi1>, vector<16xf32>
            %select_n3A_1620 = arith.select %eq3A_1616, %select_n3A_1581, %select_n3A_1587 : vector<16xi1>, vector<16xi32>
            %reduce_max3A_1621 = arith.constant true
            %reduce_max3A_1622 = vector.broadcast %reduce_max3A_1621 : i1 to vector<16xi1>
            %reduce_max3A_1623 = tpu.scan <max>, %select_n3A_1617 masked %reduce_max3A_1622 : vector<16xf32>, vector<16xi1> -> vector<16xf32>
            %reduce_max3A_1624 = vector.extract %reduce_max3A_1623[15] : f32 from vector<16xf32>
            %eq3A_1625 = vector.broadcast %reduce_max3A_1624 : f32 to vector<16xf32>
            %eq3A_1626 = arith.cmpf oeq, %select_n3A_1617, %eq3A_1625 : vector<16xf32>
            %mul3A_1627 = arith.constant 16 : i32
            %mul3A_1628 = vector.broadcast %mul3A_1627 : i32 to vector<16xi32>
            %mul3A_1629 = arith.muli %select_n3A_1618, %mul3A_1628 : vector<16xi32>
            %add3A_1630 = arith.addi %mul3A_1629, %iota3A : vector<16xi32>
            %jit3A_1631 = arith.constant 512 : i32
            %broadcast_in_dim3A_1632 = vector.broadcast %jit3A_1631 : i32 to vector<16xi32>
            %select_n3A_1633 = arith.select %eq3A_1626, %add3A_1630, %broadcast_in_dim3A_1632 : vector<16xi1>, vector<16xi32>
            %reduce_min3A_1634 = arith.constant true
            %reduce_min3A_1635 = vector.broadcast %reduce_min3A_1634 : i1 to vector<16xi1>
            %reduce_min3A_1636 = arith.constant -2147483648 : i32
            %reduce_min3A_1637 = vector.broadcast %reduce_min3A_1636 : i32 to vector<16xi32>
            %reduce_min3A_1638 = arith.xori %select_n3A_1633, %reduce_min3A_1637 : vector<16xi32>
            %reduce_min3A_1639 = tpu.scan <min>, %reduce_min3A_1638 masked %reduce_min3A_1635 : vector<16xi32>, vector<16xi1> -> vector<16xi32>
            %reduce_min3A_1640 = arith.xori %reduce_min3A_1639, %reduce_min3A_1637 : vector<16xi32>
            %reduce_min3A_1641 = vector.extract %reduce_min3A_1640[15] : i32 from vector<16xi32>
            %and3A_1642 = arith.constant 15 : i32
            %and3A_1643 = arith.andi %reduce_min3A_1641, %and3A_1642 : i32
            %eq3A_1644 = vector.broadcast %and3A_1643 : i32 to vector<16xi32>
            %eq3A_1645 = arith.cmpi eq, %iota3A, %eq3A_1644 : vector<16xi32>
            %select_n3A_1646 = arith.select %eq3A_1645, %select_n3A_1619, %select_n3A_1617 : vector<16xi1>, vector<16xf32>
            %select_n3A_1647 = arith.select %eq3A_1645, %select_n3A_1620, %select_n3A_1618 : vector<16xi1>, vector<16xi32>
            %reduce_max3A_1648 = arith.constant true
            %reduce_max3A_1649 = vector.broadcast %reduce_max3A_1648 : i1 to vector<16xi1>
            %reduce_max3A_1650 = tpu.scan <max>, %select_n3A_1646 masked %reduce_max3A_1649 : vector<16xf32>, vector<16xi1> -> vector<16xf32>
            %reduce_max3A_1651 = vector.extract %reduce_max3A_1650[15] : f32 from vector<16xf32>
            %eq3A_1652 = vector.broadcast %reduce_max3A_1651 : f32 to vector<16xf32>
            %eq3A_1653 = arith.cmpf oeq, %select_n3A_1646, %eq3A_1652 : vector<16xf32>
            %mul3A_1654 = arith.constant 16 : i32
            %mul3A_1655 = vector.broadcast %mul3A_1654 : i32 to vector<16xi32>
            %mul3A_1656 = arith.muli %select_n3A_1647, %mul3A_1655 : vector<16xi32>
            %add3A_1657 = arith.addi %mul3A_1656, %iota3A : vector<16xi32>
            %jit3A_1658 = arith.constant 512 : i32
            %broadcast_in_dim3A_1659 = vector.broadcast %jit3A_1658 : i32 to vector<16xi32>
            %select_n3A_1660 = arith.select %eq3A_1653, %add3A_1657, %broadcast_in_dim3A_1659 : vector<16xi1>, vector<16xi32>
            %reduce_min3A_1661 = arith.constant true
            %reduce_min3A_1662 = vector.broadcast %reduce_min3A_1661 : i1 to vector<16xi1>
            %reduce_min3A_1663 = arith.constant -2147483648 : i32
            %reduce_min3A_1664 = vector.broadcast %reduce_min3A_1663 : i32 to vector<16xi32>
            %reduce_min3A_1665 = arith.xori %select_n3A_1660, %reduce_min3A_1664 : vector<16xi32>
            %reduce_min3A_1666 = tpu.scan <min>, %reduce_min3A_1665 masked %reduce_min3A_1662 : vector<16xi32>, vector<16xi1> -> vector<16xi32>
            %reduce_min3A_1667 = arith.xori %reduce_min3A_1666, %reduce_min3A_1664 : vector<16xi32>
            %reduce_min3A_1668 = vector.extract %reduce_min3A_1667[15] : i32 from vector<16xi32>
            %eq3A_1669 = vector.broadcast %reduce_min3A_598 : i32 to vector<16xi32>
            %eq3A_1670 = arith.cmpi eq, %iota3A, %eq3A_1669 : vector<16xi32>
            %broadcast_in_dim3A_1671 = vector.broadcast %reduce_max3A_1595 : f32 to vector<16xf32>
            %select_n3A_1672 = arith.select %eq3A_1670, %broadcast_in_dim3A_1671, %get3A_585 : vector<16xi1>, vector<16xf32>
            %mul3A_1673 = arith.constant 16 : i32
            %mul3A_1674 = arith.muli %reduce_min3A_562, %mul3A_1673 : i32
            %swap3A_1675 = arith.index_cast %mul3A_1674 : i32 to index
            %swap3A_1676 = tpu.vector_load %arg10[%swap3A_1675] {strides = array<i32>} : memref<512xf32, #tpu.memory_space<vmem>>, vector<16xf32>,
            tpu.vector_store %arg10[%swap3A_1675], %select_n3A_1672 {strides = array<i32>} : memref<512xf32, #tpu.memory_space<vmem>>, vector<16xf32>,
            %shift_left3A = arith.constant 9 : i32
            %shift_left3A_1677 = arith.shli %reduce_min3A_1641, %shift_left3A : i32
            %or3A = arith.ori %reduce_min3A_1612, %shift_left3A_1677 : i32
            %shift_left3A_1678 = arith.constant 18 : i32
            %shift_left3A_1679 = arith.shli %reduce_min3A_1668, %shift_left3A_1678 : i32
            %or3A_1680 = arith.ori %or3A, %shift_left3A_1679 : i32
            %swap3A_1681 = arith.index_cast %add3A_601 : i32 to index
            %swap3A_1682 = memref.load %arg21[%swap3A_1681] : memref<512xi32, #tpu.memory_space<smem>>
            memref.store %or3A_1680, %arg21[%swap3A_1681] : memref<512xi32, #tpu.memory_space<smem>>
            %swap3A_1683 = arith.index_cast %add3A_601 : i32 to index
            %swap3A_1684 = memref.load %arg22[%swap3A_1683] : memref<512xf32, #tpu.memory_space<smem>>
            memref.store %reduce_max3A_1624, %arg22[%swap3A_1683] : memref<512xf32, #tpu.memory_space<smem>>
            %jit3A_1685 = arith.constant 16 : i32
            %div3A = arith.divsi %add3A_601, %jit3A_1685 : i32
            %sign3A = arith.constant 0 : i32
            %sign3A_1686 = arith.cmpi sgt, %add3A_601, %sign3A : i32
            %sign3A_1687 = arith.extui %sign3A_1686 : i1 to i32
            %sign3A_1688 = arith.constant 0 : i32
            %sign3A_1689 = arith.cmpi slt, %add3A_601, %sign3A_1688 : i32
            %sign3A_1690 = arith.extui %sign3A_1689 : i1 to i32
            %sign3A_1691 = arith.subi %sign3A_1687, %sign3A_1690 : i32
            %sign3A_1692 = arith.constant 0 : i32
            %sign3A_1693 = arith.cmpi sgt, %jit3A_1685, %sign3A_1692 : i32
            %sign3A_1694 = arith.extui %sign3A_1693 : i1 to i32
            %sign3A_1695 = arith.constant 0 : i32
            %sign3A_1696 = arith.cmpi slt, %jit3A_1685, %sign3A_1695 : i32
            %sign3A_1697 = arith.extui %sign3A_1696 : i1 to i32
            %sign3A_1698 = arith.subi %sign3A_1694, %sign3A_1697 : i32
            %ne3A = arith.cmpi ne, %sign3A_1691, %sign3A_1698 : i32
            %rem3A = arith.remsi %add3A_601, %jit3A_1685 : i32
            %ne3A_1699 = arith.constant 0 : i32
            %ne3A_1700 = arith.cmpi ne, %rem3A, %ne3A_1699 : i32
            %and3A_1701 = arith.andi %ne3A, %ne3A_1700 : i1
            %sub3A = arith.constant 1 : i32
            %sub3A_1702 = arith.subi %div3A, %sub3A : i32
            %select_n3A_1703 = arith.select %and3A_1701, %sub3A_1702, %div3A : i32
            %mul3A_1704 = arith.constant 16 : i32
            %mul3A_1705 = arith.muli %select_n3A_1703, %mul3A_1704 : i32
            %get3A_1706 = arith.index_cast %mul3A_1705 : i32 to index
            %get3A_1707 = tpu.vector_load %arg13[%get3A_1706] {strides = array<i32>} : memref<512xf32, #tpu.memory_space<vmem>>, vector<16xf32>,
            %sub3A_1708 = arith.subi %add3A_601, %mul3A_1705 : i32
            %eq3A_1709 = vector.broadcast %sub3A_1708 : i32 to vector<16xi32>
            %eq3A_1710 = arith.cmpi eq, %iota3A, %eq3A_1709 : vector<16xi32>
            %broadcast_in_dim3A_1711 = vector.broadcast %reduce_max3A_1651 : f32 to vector<16xf32>
            %select_n3A_1712 = arith.select %eq3A_1710, %broadcast_in_dim3A_1711, %get3A_1707 : vector<16xi1>, vector<16xf32>
            %swap3A_1713 = arith.index_cast %mul3A_1705 : i32 to index
            %swap3A_1714 = tpu.vector_load %arg13[%swap3A_1713] {strides = array<i32>} : memref<512xf32, #tpu.memory_space<vmem>>, vector<16xf32>,
            tpu.vector_store %arg13[%swap3A_1713], %select_n3A_1712 {strides = array<i32>} : memref<512xf32, #tpu.memory_space<vmem>>, vector<16xf32>,
          } else {
          }
          %ge3A_679 = arith.constant 208 : i32
          %ge3A_680 = arith.cmpi sge, %add3A_601, %ge3A_679 : i32
          %and3A_681 = arith.andi %and3A_672, %ge3A_680 : i1
          %convert_element_type3A_682 = arith.extui %and3A_681 : i1 to i32
          %cond3A_683 = arith.constant 0 : i32
          %cond3A_684 = arith.cmpi ne, %convert_element_type3A_682, %cond3A_683 : i32
          scf.if %cond3A_684 {
            %mul3A_685 = arith.constant 512 : i32
            %mul3A_686 = arith.muli %add3A_601, %mul3A_685 : i32
            "tpu.region"() ({
              %run_scoped3A = tpu.sem_alloc : memref<!tpu.dma_semaphore, #tpu.memory_space<semaphore_mem>>
              %dma_start3A_1589 = tpu.memref_slice %arg4[%mul3A_686] : memref<262144xf32, #tpu.memory_space<vmem_shared>> -> memref<512xf32, #tpu.memory_space<vmem_shared>>
              %dma_start3A_1590 = tpu.memref_slice %arg4[%mul3A_686] : memref<262144xf32, #tpu.memory_space<vmem_shared>> -> memref<512xf32, #tpu.memory_space<vmem_shared>>
              tpu.enqueue_dma source(%dma_start3A_1590 : memref<512xf32, #tpu.memory_space<vmem_shared>>) target(%arg15 : memref<512xf32, #tpu.memory_space<vmem>>) target_semaphore(%run_scoped3A : memref<!tpu.dma_semaphore, #tpu.memory_space<semaphore_mem>>)
              %dma_wait3A_1591 = tpu.memref_slice %arg4[%mul3A_686] : memref<262144xf32, #tpu.memory_space<vmem_shared>> -> memref<512xf32, #tpu.memory_space<vmem_shared>>
              %dma_wait3A_1592 = tpu.memref_slice %arg4[%mul3A_686] : memref<262144xf32, #tpu.memory_space<vmem_shared>> -> memref<512xf32, #tpu.memory_space<vmem_shared>>
              tpu.wait_dma2 semaphore(%run_scoped3A : memref<!tpu.dma_semaphore, #tpu.memory_space<semaphore_mem>>) src(%dma_wait3A_1592 : memref<512xf32, #tpu.memory_space<vmem_shared>>) dst(%arg15 : memref<512xf32, #tpu.memory_space<vmem>>)
              tpu.yield
            }) : () -> ()
            %broadcast_in_dim3A_687 = arith.constant 0xFF800000 : f32
            %broadcast_in_dim3A_688 = vector.broadcast %broadcast_in_dim3A_687 : f32 to vector<16xf32>
            %broadcast_in_dim3A_689 = arith.constant 0 : i32
            %broadcast_in_dim3A_690 = vector.broadcast %broadcast_in_dim3A_689 : i32 to vector<16xi32>
            %broadcast_in_dim3A_691 = arith.constant 0xFF800000 : f32
            %broadcast_in_dim3A_692 = vector.broadcast %broadcast_in_dim3A_691 : f32 to vector<16xf32>
            %broadcast_in_dim3A_693 = arith.constant 0 : i32
            %broadcast_in_dim3A_694 = vector.broadcast %broadcast_in_dim3A_693 : i32 to vector<16xi32>
            %broadcast_in_dim3A_695 = arith.constant 0xFF800000 : f32
            %broadcast_in_dim3A_696 = vector.broadcast %broadcast_in_dim3A_695 : f32 to vector<16xf32>
            %broadcast_in_dim3A_697 = arith.constant 0 : i32
            %broadcast_in_dim3A_698 = vector.broadcast %broadcast_in_dim3A_697 : i32 to vector<16xi32>
            %get3A_699 = arith.constant 0 : index
            %get3A_700 = tpu.vector_load %arg15[%get3A_699] {strides = array<i32>} : memref<512xf32, #tpu.memory_space<vmem>>, vector<16xf32>,
            %get3A_701 = arith.constant 0 : index
            %get3A_702 = tpu.vector_load %arg14[%get3A_701] {strides = array<i32>} : memref<512xf32, #tpu.memory_space<vmem>>, vector<16xf32>,
            %add3A_703 = arith.addf %get3A_700, %get3A_702 : vector<16xf32>
            %gt3A = arith.cmpf ogt, %add3A_703, %broadcast_in_dim3A_688 : vector<16xf32>
            %gt3A_704 = arith.cmpf ogt, %add3A_703, %broadcast_in_dim3A_692 : vector<16xf32>
            %gt3A_705 = arith.cmpf ogt, %add3A_703, %broadcast_in_dim3A_696 : vector<16xf32>
            %select_n3A_706 = arith.select %gt3A_705, %add3A_703, %broadcast_in_dim3A_696 : vector<16xi1>, vector<16xf32>
            %select_n3A_707 = arith.select %gt3A_704, %broadcast_in_dim3A_692, %select_n3A_706 : vector<16xi1>, vector<16xf32>
            %jit3A_708 = arith.constant 0 : i32
            %broadcast_in_dim3A_709 = vector.broadcast %jit3A_708 : i32 to vector<16xi32>
            %select_n3A_710 = arith.select %gt3A_705, %broadcast_in_dim3A_709, %broadcast_in_dim3A_698 : vector<16xi1>, vector<16xi32>
            %select_n3A_711 = arith.select %gt3A_704, %broadcast_in_dim3A_694, %select_n3A_710 : vector<16xi1>, vector<16xi32>
            %select_n3A_712 = arith.select %gt3A_704, %add3A_703, %broadcast_in_dim3A_692 : vector<16xi1>, vector<16xf32>
            %select_n3A_713 = arith.select %gt3A, %broadcast_in_dim3A_688, %select_n3A_712 : vector<16xi1>, vector<16xf32>
            %jit3A_714 = arith.constant 0 : i32
            %broadcast_in_dim3A_715 = vector.broadcast %jit3A_714 : i32 to vector<16xi32>
            %select_n3A_716 = arith.select %gt3A_704, %broadcast_in_dim3A_715, %broadcast_in_dim3A_694 : vector<16xi1>, vector<16xi32>
            %select_n3A_717 = arith.select %gt3A, %broadcast_in_dim3A_690, %select_n3A_716 : vector<16xi1>, vector<16xi32>
            %select_n3A_718 = arith.select %gt3A, %add3A_703, %broadcast_in_dim3A_688 : vector<16xi1>, vector<16xf32>
            %jit3A_719 = arith.constant 0 : i32
            %broadcast_in_dim3A_720 = vector.broadcast %jit3A_719 : i32 to vector<16xi32>
            %select_n3A_721 = arith.select %gt3A, %broadcast_in_dim3A_720, %broadcast_in_dim3A_690 : vector<16xi1>, vector<16xi32>
            %get3A_722 = arith.constant 16 : index
            %get3A_723 = tpu.vector_load %arg15[%get3A_722] {strides = array<i32>} : memref<512xf32, #tpu.memory_space<vmem>>, vector<16xf32>,
            %get3A_724 = arith.constant 16 : index
            %get3A_725 = tpu.vector_load %arg14[%get3A_724] {strides = array<i32>} : memref<512xf32, #tpu.memory_space<vmem>>, vector<16xf32>,
            %add3A_726 = arith.addf %get3A_723, %get3A_725 : vector<16xf32>
            %gt3A_727 = arith.cmpf ogt, %add3A_726, %select_n3A_718 : vector<16xf32>
            %gt3A_728 = arith.cmpf ogt, %add3A_726, %select_n3A_713 : vector<16xf32>
            %gt3A_729 = arith.cmpf ogt, %add3A_726, %select_n3A_707 : vector<16xf32>
            %select_n3A_730 = arith.select %gt3A_729, %add3A_726, %select_n3A_707 : vector<16xi1>, vector<16xf32>
            %select_n3A_731 = arith.select %gt3A_728, %select_n3A_713, %select_n3A_730 : vector<16xi1>, vector<16xf32>
            %jit3A_732 = arith.constant 1 : i32
            %broadcast_in_dim3A_733 = vector.broadcast %jit3A_732 : i32 to vector<16xi32>
            %select_n3A_734 = arith.select %gt3A_729, %broadcast_in_dim3A_733, %select_n3A_711 : vector<16xi1>, vector<16xi32>
            %select_n3A_735 = arith.select %gt3A_728, %select_n3A_717, %select_n3A_734 : vector<16xi1>, vector<16xi32>
            %select_n3A_736 = arith.select %gt3A_728, %add3A_726, %select_n3A_713 : vector<16xi1>, vector<16xf32>
            %select_n3A_737 = arith.select %gt3A_727, %select_n3A_718, %select_n3A_736 : vector<16xi1>, vector<16xf32>
            %jit3A_738 = arith.constant 1 : i32
            %broadcast_in_dim3A_739 = vector.broadcast %jit3A_738 : i32 to vector<16xi32>
            %select_n3A_740 = arith.select %gt3A_728, %broadcast_in_dim3A_739, %select_n3A_717 : vector<16xi1>, vector<16xi32>
            %select_n3A_741 = arith.select %gt3A_727, %select_n3A_721, %select_n3A_740 : vector<16xi1>, vector<16xi32>
            %select_n3A_742 = arith.select %gt3A_727, %add3A_726, %select_n3A_718 : vector<16xi1>, vector<16xf32>
            %jit3A_743 = arith.constant 1 : i32
            %broadcast_in_dim3A_744 = vector.broadcast %jit3A_743 : i32 to vector<16xi32>
            %select_n3A_745 = arith.select %gt3A_727, %broadcast_in_dim3A_744, %select_n3A_721 : vector<16xi1>, vector<16xi32>
            %get3A_746 = arith.constant 32 : index
            %get3A_747 = tpu.vector_load %arg15[%get3A_746] {strides = array<i32>} : memref<512xf32, #tpu.memory_space<vmem>>, vector<16xf32>,
            %get3A_748 = arith.constant 32 : index
            %get3A_749 = tpu.vector_load %arg14[%get3A_748] {strides = array<i32>} : memref<512xf32, #tpu.memory_space<vmem>>, vector<16xf32>,
            %add3A_750 = arith.addf %get3A_747, %get3A_749 : vector<16xf32>
            %gt3A_751 = arith.cmpf ogt, %add3A_750, %select_n3A_742 : vector<16xf32>
            %gt3A_752 = arith.cmpf ogt, %add3A_750, %select_n3A_737 : vector<16xf32>
            %gt3A_753 = arith.cmpf ogt, %add3A_750, %select_n3A_731 : vector<16xf32>
            %select_n3A_754 = arith.select %gt3A_753, %add3A_750, %select_n3A_731 : vector<16xi1>, vector<16xf32>
            %select_n3A_755 = arith.select %gt3A_752, %select_n3A_737, %select_n3A_754 : vector<16xi1>, vector<16xf32>
            %jit3A_756 = arith.constant 2 : i32
            %broadcast_in_dim3A_757 = vector.broadcast %jit3A_756 : i32 to vector<16xi32>
            %select_n3A_758 = arith.select %gt3A_753, %broadcast_in_dim3A_757, %select_n3A_735 : vector<16xi1>, vector<16xi32>
            %select_n3A_759 = arith.select %gt3A_752, %select_n3A_741, %select_n3A_758 : vector<16xi1>, vector<16xi32>
            %select_n3A_760 = arith.select %gt3A_752, %add3A_750, %select_n3A_737 : vector<16xi1>, vector<16xf32>
            %select_n3A_761 = arith.select %gt3A_751, %select_n3A_742, %select_n3A_760 : vector<16xi1>, vector<16xf32>
            %jit3A_762 = arith.constant 2 : i32
            %broadcast_in_dim3A_763 = vector.broadcast %jit3A_762 : i32 to vector<16xi32>
            %select_n3A_764 = arith.select %gt3A_752, %broadcast_in_dim3A_763, %select_n3A_741 : vector<16xi1>, vector<16xi32>
            %select_n3A_765 = arith.select %gt3A_751, %select_n3A_745, %select_n3A_764 : vector<16xi1>, vector<16xi32>
            %select_n3A_766 = arith.select %gt3A_751, %add3A_750, %select_n3A_742 : vector<16xi1>, vector<16xf32>
            %jit3A_767 = arith.constant 2 : i32
            %broadcast_in_dim3A_768 = vector.broadcast %jit3A_767 : i32 to vector<16xi32>
            %select_n3A_769 = arith.select %gt3A_751, %broadcast_in_dim3A_768, %select_n3A_745 : vector<16xi1>, vector<16xi32>
            %get3A_770 = arith.constant 48 : index
            %get3A_771 = tpu.vector_load %arg15[%get3A_770] {strides = array<i32>} : memref<512xf32, #tpu.memory_space<vmem>>, vector<16xf32>,
            %get3A_772 = arith.constant 48 : index
            %get3A_773 = tpu.vector_load %arg14[%get3A_772] {strides = array<i32>} : memref<512xf32, #tpu.memory_space<vmem>>, vector<16xf32>,
            %add3A_774 = arith.addf %get3A_771, %get3A_773 : vector<16xf32>
            %gt3A_775 = arith.cmpf ogt, %add3A_774, %select_n3A_766 : vector<16xf32>
            %gt3A_776 = arith.cmpf ogt, %add3A_774, %select_n3A_761 : vector<16xf32>
            %gt3A_777 = arith.cmpf ogt, %add3A_774, %select_n3A_755 : vector<16xf32>
            %select_n3A_778 = arith.select %gt3A_777, %add3A_774, %select_n3A_755 : vector<16xi1>, vector<16xf32>
            %select_n3A_779 = arith.select %gt3A_776, %select_n3A_761, %select_n3A_778 : vector<16xi1>, vector<16xf32>
            %jit3A_780 = arith.constant 3 : i32
            %broadcast_in_dim3A_781 = vector.broadcast %jit3A_780 : i32 to vector<16xi32>
            %select_n3A_782 = arith.select %gt3A_777, %broadcast_in_dim3A_781, %select_n3A_759 : vector<16xi1>, vector<16xi32>
            %select_n3A_783 = arith.select %gt3A_776, %select_n3A_765, %select_n3A_782 : vector<16xi1>, vector<16xi32>
            %select_n3A_784 = arith.select %gt3A_776, %add3A_774, %select_n3A_761 : vector<16xi1>, vector<16xf32>
            %select_n3A_785 = arith.select %gt3A_775, %select_n3A_766, %select_n3A_784 : vector<16xi1>, vector<16xf32>
            %jit3A_786 = arith.constant 3 : i32
            %broadcast_in_dim3A_787 = vector.broadcast %jit3A_786 : i32 to vector<16xi32>
            %select_n3A_788 = arith.select %gt3A_776, %broadcast_in_dim3A_787, %select_n3A_765 : vector<16xi1>, vector<16xi32>
            %select_n3A_789 = arith.select %gt3A_775, %select_n3A_769, %select_n3A_788 : vector<16xi1>, vector<16xi32>
            %select_n3A_790 = arith.select %gt3A_775, %add3A_774, %select_n3A_766 : vector<16xi1>, vector<16xf32>
            %jit3A_791 = arith.constant 3 : i32
            %broadcast_in_dim3A_792 = vector.broadcast %jit3A_791 : i32 to vector<16xi32>
            %select_n3A_793 = arith.select %gt3A_775, %broadcast_in_dim3A_792, %select_n3A_769 : vector<16xi1>, vector<16xi32>
            %get3A_794 = arith.constant 64 : index
            %get3A_795 = tpu.vector_load %arg15[%get3A_794] {strides = array<i32>} : memref<512xf32, #tpu.memory_space<vmem>>, vector<16xf32>,
            %get3A_796 = arith.constant 64 : index
            %get3A_797 = tpu.vector_load %arg14[%get3A_796] {strides = array<i32>} : memref<512xf32, #tpu.memory_space<vmem>>, vector<16xf32>,
            %add3A_798 = arith.addf %get3A_795, %get3A_797 : vector<16xf32>
            %gt3A_799 = arith.cmpf ogt, %add3A_798, %select_n3A_790 : vector<16xf32>
            %gt3A_800 = arith.cmpf ogt, %add3A_798, %select_n3A_785 : vector<16xf32>
            %gt3A_801 = arith.cmpf ogt, %add3A_798, %select_n3A_779 : vector<16xf32>
            %select_n3A_802 = arith.select %gt3A_801, %add3A_798, %select_n3A_779 : vector<16xi1>, vector<16xf32>
            %select_n3A_803 = arith.select %gt3A_800, %select_n3A_785, %select_n3A_802 : vector<16xi1>, vector<16xf32>
            %jit3A_804 = arith.constant 4 : i32
            %broadcast_in_dim3A_805 = vector.broadcast %jit3A_804 : i32 to vector<16xi32>
            %select_n3A_806 = arith.select %gt3A_801, %broadcast_in_dim3A_805, %select_n3A_783 : vector<16xi1>, vector<16xi32>
            %select_n3A_807 = arith.select %gt3A_800, %select_n3A_789, %select_n3A_806 : vector<16xi1>, vector<16xi32>
            %select_n3A_808 = arith.select %gt3A_800, %add3A_798, %select_n3A_785 : vector<16xi1>, vector<16xf32>
            %select_n3A_809 = arith.select %gt3A_799, %select_n3A_790, %select_n3A_808 : vector<16xi1>, vector<16xf32>
            %jit3A_810 = arith.constant 4 : i32
            %broadcast_in_dim3A_811 = vector.broadcast %jit3A_810 : i32 to vector<16xi32>
            %select_n3A_812 = arith.select %gt3A_800, %broadcast_in_dim3A_811, %select_n3A_789 : vector<16xi1>, vector<16xi32>
            %select_n3A_813 = arith.select %gt3A_799, %select_n3A_793, %select_n3A_812 : vector<16xi1>, vector<16xi32>
            %select_n3A_814 = arith.select %gt3A_799, %add3A_798, %select_n3A_790 : vector<16xi1>, vector<16xf32>
            %jit3A_815 = arith.constant 4 : i32
            %broadcast_in_dim3A_816 = vector.broadcast %jit3A_815 : i32 to vector<16xi32>
            %select_n3A_817 = arith.select %gt3A_799, %broadcast_in_dim3A_816, %select_n3A_793 : vector<16xi1>, vector<16xi32>
            %get3A_818 = arith.constant 80 : index
            %get3A_819 = tpu.vector_load %arg15[%get3A_818] {strides = array<i32>} : memref<512xf32, #tpu.memory_space<vmem>>, vector<16xf32>,
            %get3A_820 = arith.constant 80 : index
            %get3A_821 = tpu.vector_load %arg14[%get3A_820] {strides = array<i32>} : memref<512xf32, #tpu.memory_space<vmem>>, vector<16xf32>,
            %add3A_822 = arith.addf %get3A_819, %get3A_821 : vector<16xf32>
            %gt3A_823 = arith.cmpf ogt, %add3A_822, %select_n3A_814 : vector<16xf32>
            %gt3A_824 = arith.cmpf ogt, %add3A_822, %select_n3A_809 : vector<16xf32>
            %gt3A_825 = arith.cmpf ogt, %add3A_822, %select_n3A_803 : vector<16xf32>
            %select_n3A_826 = arith.select %gt3A_825, %add3A_822, %select_n3A_803 : vector<16xi1>, vector<16xf32>
            %select_n3A_827 = arith.select %gt3A_824, %select_n3A_809, %select_n3A_826 : vector<16xi1>, vector<16xf32>
            %jit3A_828 = arith.constant 5 : i32
            %broadcast_in_dim3A_829 = vector.broadcast %jit3A_828 : i32 to vector<16xi32>
            %select_n3A_830 = arith.select %gt3A_825, %broadcast_in_dim3A_829, %select_n3A_807 : vector<16xi1>, vector<16xi32>
            %select_n3A_831 = arith.select %gt3A_824, %select_n3A_813, %select_n3A_830 : vector<16xi1>, vector<16xi32>
            %select_n3A_832 = arith.select %gt3A_824, %add3A_822, %select_n3A_809 : vector<16xi1>, vector<16xf32>
            %select_n3A_833 = arith.select %gt3A_823, %select_n3A_814, %select_n3A_832 : vector<16xi1>, vector<16xf32>
            %jit3A_834 = arith.constant 5 : i32
            %broadcast_in_dim3A_835 = vector.broadcast %jit3A_834 : i32 to vector<16xi32>
            %select_n3A_836 = arith.select %gt3A_824, %broadcast_in_dim3A_835, %select_n3A_813 : vector<16xi1>, vector<16xi32>
            %select_n3A_837 = arith.select %gt3A_823, %select_n3A_817, %select_n3A_836 : vector<16xi1>, vector<16xi32>
            %select_n3A_838 = arith.select %gt3A_823, %add3A_822, %select_n3A_814 : vector<16xi1>, vector<16xf32>
            %jit3A_839 = arith.constant 5 : i32
            %broadcast_in_dim3A_840 = vector.broadcast %jit3A_839 : i32 to vector<16xi32>
            %select_n3A_841 = arith.select %gt3A_823, %broadcast_in_dim3A_840, %select_n3A_817 : vector<16xi1>, vector<16xi32>
            %get3A_842 = arith.constant 96 : index
            %get3A_843 = tpu.vector_load %arg15[%get3A_842] {strides = array<i32>} : memref<512xf32, #tpu.memory_space<vmem>>, vector<16xf32>,
            %get3A_844 = arith.constant 96 : index
            %get3A_845 = tpu.vector_load %arg14[%get3A_844] {strides = array<i32>} : memref<512xf32, #tpu.memory_space<vmem>>, vector<16xf32>,
            %add3A_846 = arith.addf %get3A_843, %get3A_845 : vector<16xf32>
            %gt3A_847 = arith.cmpf ogt, %add3A_846, %select_n3A_838 : vector<16xf32>
            %gt3A_848 = arith.cmpf ogt, %add3A_846, %select_n3A_833 : vector<16xf32>
            %gt3A_849 = arith.cmpf ogt, %add3A_846, %select_n3A_827 : vector<16xf32>
            %select_n3A_850 = arith.select %gt3A_849, %add3A_846, %select_n3A_827 : vector<16xi1>, vector<16xf32>
            %select_n3A_851 = arith.select %gt3A_848, %select_n3A_833, %select_n3A_850 : vector<16xi1>, vector<16xf32>
            %jit3A_852 = arith.constant 6 : i32
            %broadcast_in_dim3A_853 = vector.broadcast %jit3A_852 : i32 to vector<16xi32>
            %select_n3A_854 = arith.select %gt3A_849, %broadcast_in_dim3A_853, %select_n3A_831 : vector<16xi1>, vector<16xi32>
            %select_n3A_855 = arith.select %gt3A_848, %select_n3A_837, %select_n3A_854 : vector<16xi1>, vector<16xi32>
            %select_n3A_856 = arith.select %gt3A_848, %add3A_846, %select_n3A_833 : vector<16xi1>, vector<16xf32>
            %select_n3A_857 = arith.select %gt3A_847, %select_n3A_838, %select_n3A_856 : vector<16xi1>, vector<16xf32>
            %jit3A_858 = arith.constant 6 : i32
            %broadcast_in_dim3A_859 = vector.broadcast %jit3A_858 : i32 to vector<16xi32>
            %select_n3A_860 = arith.select %gt3A_848, %broadcast_in_dim3A_859, %select_n3A_837 : vector<16xi1>, vector<16xi32>
            %select_n3A_861 = arith.select %gt3A_847, %select_n3A_841, %select_n3A_860 : vector<16xi1>, vector<16xi32>
            %select_n3A_862 = arith.select %gt3A_847, %add3A_846, %select_n3A_838 : vector<16xi1>, vector<16xf32>
            %jit3A_863 = arith.constant 6 : i32
            %broadcast_in_dim3A_864 = vector.broadcast %jit3A_863 : i32 to vector<16xi32>
            %select_n3A_865 = arith.select %gt3A_847, %broadcast_in_dim3A_864, %select_n3A_841 : vector<16xi1>, vector<16xi32>
            %get3A_866 = arith.constant 112 : index
            %get3A_867 = tpu.vector_load %arg15[%get3A_866] {strides = array<i32>} : memref<512xf32, #tpu.memory_space<vmem>>, vector<16xf32>,
            %get3A_868 = arith.constant 112 : index
            %get3A_869 = tpu.vector_load %arg14[%get3A_868] {strides = array<i32>} : memref<512xf32, #tpu.memory_space<vmem>>, vector<16xf32>,
            %add3A_870 = arith.addf %get3A_867, %get3A_869 : vector<16xf32>
            %gt3A_871 = arith.cmpf ogt, %add3A_870, %select_n3A_862 : vector<16xf32>
            %gt3A_872 = arith.cmpf ogt, %add3A_870, %select_n3A_857 : vector<16xf32>
            %gt3A_873 = arith.cmpf ogt, %add3A_870, %select_n3A_851 : vector<16xf32>
            %select_n3A_874 = arith.select %gt3A_873, %add3A_870, %select_n3A_851 : vector<16xi1>, vector<16xf32>
            %select_n3A_875 = arith.select %gt3A_872, %select_n3A_857, %select_n3A_874 : vector<16xi1>, vector<16xf32>
            %jit3A_876 = arith.constant 7 : i32
            %broadcast_in_dim3A_877 = vector.broadcast %jit3A_876 : i32 to vector<16xi32>
            %select_n3A_878 = arith.select %gt3A_873, %broadcast_in_dim3A_877, %select_n3A_855 : vector<16xi1>, vector<16xi32>
            %select_n3A_879 = arith.select %gt3A_872, %select_n3A_861, %select_n3A_878 : vector<16xi1>, vector<16xi32>
            %select_n3A_880 = arith.select %gt3A_872, %add3A_870, %select_n3A_857 : vector<16xi1>, vector<16xf32>
            %select_n3A_881 = arith.select %gt3A_871, %select_n3A_862, %select_n3A_880 : vector<16xi1>, vector<16xf32>
            %jit3A_882 = arith.constant 7 : i32
            %broadcast_in_dim3A_883 = vector.broadcast %jit3A_882 : i32 to vector<16xi32>
            %select_n3A_884 = arith.select %gt3A_872, %broadcast_in_dim3A_883, %select_n3A_861 : vector<16xi1>, vector<16xi32>
            %select_n3A_885 = arith.select %gt3A_871, %select_n3A_865, %select_n3A_884 : vector<16xi1>, vector<16xi32>
            %select_n3A_886 = arith.select %gt3A_871, %add3A_870, %select_n3A_862 : vector<16xi1>, vector<16xf32>
            %jit3A_887 = arith.constant 7 : i32
            %broadcast_in_dim3A_888 = vector.broadcast %jit3A_887 : i32 to vector<16xi32>
            %select_n3A_889 = arith.select %gt3A_871, %broadcast_in_dim3A_888, %select_n3A_865 : vector<16xi1>, vector<16xi32>
            %get3A_890 = arith.constant 128 : index
            %get3A_891 = tpu.vector_load %arg15[%get3A_890] {strides = array<i32>} : memref<512xf32, #tpu.memory_space<vmem>>, vector<16xf32>,
            %get3A_892 = arith.constant 128 : index
            %get3A_893 = tpu.vector_load %arg14[%get3A_892] {strides = array<i32>} : memref<512xf32, #tpu.memory_space<vmem>>, vector<16xf32>,
            %add3A_894 = arith.addf %get3A_891, %get3A_893 : vector<16xf32>
            %gt3A_895 = arith.cmpf ogt, %add3A_894, %select_n3A_886 : vector<16xf32>
            %gt3A_896 = arith.cmpf ogt, %add3A_894, %select_n3A_881 : vector<16xf32>
            %gt3A_897 = arith.cmpf ogt, %add3A_894, %select_n3A_875 : vector<16xf32>
            %select_n3A_898 = arith.select %gt3A_897, %add3A_894, %select_n3A_875 : vector<16xi1>, vector<16xf32>
            %select_n3A_899 = arith.select %gt3A_896, %select_n3A_881, %select_n3A_898 : vector<16xi1>, vector<16xf32>
            %jit3A_900 = arith.constant 8 : i32
            %broadcast_in_dim3A_901 = vector.broadcast %jit3A_900 : i32 to vector<16xi32>
            %select_n3A_902 = arith.select %gt3A_897, %broadcast_in_dim3A_901, %select_n3A_879 : vector<16xi1>, vector<16xi32>
            %select_n3A_903 = arith.select %gt3A_896, %select_n3A_885, %select_n3A_902 : vector<16xi1>, vector<16xi32>
            %select_n3A_904 = arith.select %gt3A_896, %add3A_894, %select_n3A_881 : vector<16xi1>, vector<16xf32>
            %select_n3A_905 = arith.select %gt3A_895, %select_n3A_886, %select_n3A_904 : vector<16xi1>, vector<16xf32>
            %jit3A_906 = arith.constant 8 : i32
            %broadcast_in_dim3A_907 = vector.broadcast %jit3A_906 : i32 to vector<16xi32>
            %select_n3A_908 = arith.select %gt3A_896, %broadcast_in_dim3A_907, %select_n3A_885 : vector<16xi1>, vector<16xi32>
            %select_n3A_909 = arith.select %gt3A_895, %select_n3A_889, %select_n3A_908 : vector<16xi1>, vector<16xi32>
            %select_n3A_910 = arith.select %gt3A_895, %add3A_894, %select_n3A_886 : vector<16xi1>, vector<16xf32>
            %jit3A_911 = arith.constant 8 : i32
            %broadcast_in_dim3A_912 = vector.broadcast %jit3A_911 : i32 to vector<16xi32>
            %select_n3A_913 = arith.select %gt3A_895, %broadcast_in_dim3A_912, %select_n3A_889 : vector<16xi1>, vector<16xi32>
            %get3A_914 = arith.constant 144 : index
            %get3A_915 = tpu.vector_load %arg15[%get3A_914] {strides = array<i32>} : memref<512xf32, #tpu.memory_space<vmem>>, vector<16xf32>,
            %get3A_916 = arith.constant 144 : index
            %get3A_917 = tpu.vector_load %arg14[%get3A_916] {strides = array<i32>} : memref<512xf32, #tpu.memory_space<vmem>>, vector<16xf32>,
            %add3A_918 = arith.addf %get3A_915, %get3A_917 : vector<16xf32>
            %gt3A_919 = arith.cmpf ogt, %add3A_918, %select_n3A_910 : vector<16xf32>
            %gt3A_920 = arith.cmpf ogt, %add3A_918, %select_n3A_905 : vector<16xf32>
            %gt3A_921 = arith.cmpf ogt, %add3A_918, %select_n3A_899 : vector<16xf32>
            %select_n3A_922 = arith.select %gt3A_921, %add3A_918, %select_n3A_899 : vector<16xi1>, vector<16xf32>
            %select_n3A_923 = arith.select %gt3A_920, %select_n3A_905, %select_n3A_922 : vector<16xi1>, vector<16xf32>
            %jit3A_924 = arith.constant 9 : i32
            %broadcast_in_dim3A_925 = vector.broadcast %jit3A_924 : i32 to vector<16xi32>
            %select_n3A_926 = arith.select %gt3A_921, %broadcast_in_dim3A_925, %select_n3A_903 : vector<16xi1>, vector<16xi32>
            %select_n3A_927 = arith.select %gt3A_920, %select_n3A_909, %select_n3A_926 : vector<16xi1>, vector<16xi32>
            %select_n3A_928 = arith.select %gt3A_920, %add3A_918, %select_n3A_905 : vector<16xi1>, vector<16xf32>
            %select_n3A_929 = arith.select %gt3A_919, %select_n3A_910, %select_n3A_928 : vector<16xi1>, vector<16xf32>
            %jit3A_930 = arith.constant 9 : i32
            %broadcast_in_dim3A_931 = vector.broadcast %jit3A_930 : i32 to vector<16xi32>
            %select_n3A_932 = arith.select %gt3A_920, %broadcast_in_dim3A_931, %select_n3A_909 : vector<16xi1>, vector<16xi32>
            %select_n3A_933 = arith.select %gt3A_919, %select_n3A_913, %select_n3A_932 : vector<16xi1>, vector<16xi32>
            %select_n3A_934 = arith.select %gt3A_919, %add3A_918, %select_n3A_910 : vector<16xi1>, vector<16xf32>
            %jit3A_935 = arith.constant 9 : i32
            %broadcast_in_dim3A_936 = vector.broadcast %jit3A_935 : i32 to vector<16xi32>
            %select_n3A_937 = arith.select %gt3A_919, %broadcast_in_dim3A_936, %select_n3A_913 : vector<16xi1>, vector<16xi32>
            %get3A_938 = arith.constant 160 : index
            %get3A_939 = tpu.vector_load %arg15[%get3A_938] {strides = array<i32>} : memref<512xf32, #tpu.memory_space<vmem>>, vector<16xf32>,
            %get3A_940 = arith.constant 160 : index
            %get3A_941 = tpu.vector_load %arg14[%get3A_940] {strides = array<i32>} : memref<512xf32, #tpu.memory_space<vmem>>, vector<16xf32>,
            %add3A_942 = arith.addf %get3A_939, %get3A_941 : vector<16xf32>
            %gt3A_943 = arith.cmpf ogt, %add3A_942, %select_n3A_934 : vector<16xf32>
            %gt3A_944 = arith.cmpf ogt, %add3A_942, %select_n3A_929 : vector<16xf32>
            %gt3A_945 = arith.cmpf ogt, %add3A_942, %select_n3A_923 : vector<16xf32>
            %select_n3A_946 = arith.select %gt3A_945, %add3A_942, %select_n3A_923 : vector<16xi1>, vector<16xf32>
            %select_n3A_947 = arith.select %gt3A_944, %select_n3A_929, %select_n3A_946 : vector<16xi1>, vector<16xf32>
            %jit3A_948 = arith.constant 10 : i32
            %broadcast_in_dim3A_949 = vector.broadcast %jit3A_948 : i32 to vector<16xi32>
            %select_n3A_950 = arith.select %gt3A_945, %broadcast_in_dim3A_949, %select_n3A_927 : vector<16xi1>, vector<16xi32>
            %select_n3A_951 = arith.select %gt3A_944, %select_n3A_933, %select_n3A_950 : vector<16xi1>, vector<16xi32>
            %select_n3A_952 = arith.select %gt3A_944, %add3A_942, %select_n3A_929 : vector<16xi1>, vector<16xf32>
            %select_n3A_953 = arith.select %gt3A_943, %select_n3A_934, %select_n3A_952 : vector<16xi1>, vector<16xf32>
            %jit3A_954 = arith.constant 10 : i32
            %broadcast_in_dim3A_955 = vector.broadcast %jit3A_954 : i32 to vector<16xi32>
            %select_n3A_956 = arith.select %gt3A_944, %broadcast_in_dim3A_955, %select_n3A_933 : vector<16xi1>, vector<16xi32>
            %select_n3A_957 = arith.select %gt3A_943, %select_n3A_937, %select_n3A_956 : vector<16xi1>, vector<16xi32>
            %select_n3A_958 = arith.select %gt3A_943, %add3A_942, %select_n3A_934 : vector<16xi1>, vector<16xf32>
            %jit3A_959 = arith.constant 10 : i32
            %broadcast_in_dim3A_960 = vector.broadcast %jit3A_959 : i32 to vector<16xi32>
            %select_n3A_961 = arith.select %gt3A_943, %broadcast_in_dim3A_960, %select_n3A_937 : vector<16xi1>, vector<16xi32>
            %get3A_962 = arith.constant 176 : index
            %get3A_963 = tpu.vector_load %arg15[%get3A_962] {strides = array<i32>} : memref<512xf32, #tpu.memory_space<vmem>>, vector<16xf32>,
            %get3A_964 = arith.constant 176 : index
            %get3A_965 = tpu.vector_load %arg14[%get3A_964] {strides = array<i32>} : memref<512xf32, #tpu.memory_space<vmem>>, vector<16xf32>,
            %add3A_966 = arith.addf %get3A_963, %get3A_965 : vector<16xf32>
            %gt3A_967 = arith.cmpf ogt, %add3A_966, %select_n3A_958 : vector<16xf32>
            %gt3A_968 = arith.cmpf ogt, %add3A_966, %select_n3A_953 : vector<16xf32>
            %gt3A_969 = arith.cmpf ogt, %add3A_966, %select_n3A_947 : vector<16xf32>
            %select_n3A_970 = arith.select %gt3A_969, %add3A_966, %select_n3A_947 : vector<16xi1>, vector<16xf32>
            %select_n3A_971 = arith.select %gt3A_968, %select_n3A_953, %select_n3A_970 : vector<16xi1>, vector<16xf32>
            %jit3A_972 = arith.constant 11 : i32
            %broadcast_in_dim3A_973 = vector.broadcast %jit3A_972 : i32 to vector<16xi32>
            %select_n3A_974 = arith.select %gt3A_969, %broadcast_in_dim3A_973, %select_n3A_951 : vector<16xi1>, vector<16xi32>
            %select_n3A_975 = arith.select %gt3A_968, %select_n3A_957, %select_n3A_974 : vector<16xi1>, vector<16xi32>
            %select_n3A_976 = arith.select %gt3A_968, %add3A_966, %select_n3A_953 : vector<16xi1>, vector<16xf32>
            %select_n3A_977 = arith.select %gt3A_967, %select_n3A_958, %select_n3A_976 : vector<16xi1>, vector<16xf32>
            %jit3A_978 = arith.constant 11 : i32
            %broadcast_in_dim3A_979 = vector.broadcast %jit3A_978 : i32 to vector<16xi32>
            %select_n3A_980 = arith.select %gt3A_968, %broadcast_in_dim3A_979, %select_n3A_957 : vector<16xi1>, vector<16xi32>
            %select_n3A_981 = arith.select %gt3A_967, %select_n3A_961, %select_n3A_980 : vector<16xi1>, vector<16xi32>
            %select_n3A_982 = arith.select %gt3A_967, %add3A_966, %select_n3A_958 : vector<16xi1>, vector<16xf32>
            %jit3A_983 = arith.constant 11 : i32
            %broadcast_in_dim3A_984 = vector.broadcast %jit3A_983 : i32 to vector<16xi32>
            %select_n3A_985 = arith.select %gt3A_967, %broadcast_in_dim3A_984, %select_n3A_961 : vector<16xi1>, vector<16xi32>
            %get3A_986 = arith.constant 192 : index
            %get3A_987 = tpu.vector_load %arg15[%get3A_986] {strides = array<i32>} : memref<512xf32, #tpu.memory_space<vmem>>, vector<16xf32>,
            %get3A_988 = arith.constant 192 : index
            %get3A_989 = tpu.vector_load %arg14[%get3A_988] {strides = array<i32>} : memref<512xf32, #tpu.memory_space<vmem>>, vector<16xf32>,
            %add3A_990 = arith.addf %get3A_987, %get3A_989 : vector<16xf32>
            %gt3A_991 = arith.cmpf ogt, %add3A_990, %select_n3A_982 : vector<16xf32>
            %gt3A_992 = arith.cmpf ogt, %add3A_990, %select_n3A_977 : vector<16xf32>
            %gt3A_993 = arith.cmpf ogt, %add3A_990, %select_n3A_971 : vector<16xf32>
            %select_n3A_994 = arith.select %gt3A_993, %add3A_990, %select_n3A_971 : vector<16xi1>, vector<16xf32>
            %select_n3A_995 = arith.select %gt3A_992, %select_n3A_977, %select_n3A_994 : vector<16xi1>, vector<16xf32>
            %jit3A_996 = arith.constant 12 : i32
            %broadcast_in_dim3A_997 = vector.broadcast %jit3A_996 : i32 to vector<16xi32>
            %select_n3A_998 = arith.select %gt3A_993, %broadcast_in_dim3A_997, %select_n3A_975 : vector<16xi1>, vector<16xi32>
            %select_n3A_999 = arith.select %gt3A_992, %select_n3A_981, %select_n3A_998 : vector<16xi1>, vector<16xi32>
            %select_n3A_1000 = arith.select %gt3A_992, %add3A_990, %select_n3A_977 : vector<16xi1>, vector<16xf32>
            %select_n3A_1001 = arith.select %gt3A_991, %select_n3A_982, %select_n3A_1000 : vector<16xi1>, vector<16xf32>
            %jit3A_1002 = arith.constant 12 : i32
            %broadcast_in_dim3A_1003 = vector.broadcast %jit3A_1002 : i32 to vector<16xi32>
            %select_n3A_1004 = arith.select %gt3A_992, %broadcast_in_dim3A_1003, %select_n3A_981 : vector<16xi1>, vector<16xi32>
            %select_n3A_1005 = arith.select %gt3A_991, %select_n3A_985, %select_n3A_1004 : vector<16xi1>, vector<16xi32>
            %select_n3A_1006 = arith.select %gt3A_991, %add3A_990, %select_n3A_982 : vector<16xi1>, vector<16xf32>
            %jit3A_1007 = arith.constant 12 : i32
            %broadcast_in_dim3A_1008 = vector.broadcast %jit3A_1007 : i32 to vector<16xi32>
            %select_n3A_1009 = arith.select %gt3A_991, %broadcast_in_dim3A_1008, %select_n3A_985 : vector<16xi1>, vector<16xi32>
            %get3A_1010 = arith.constant 208 : index
            %get3A_1011 = tpu.vector_load %arg15[%get3A_1010] {strides = array<i32>} : memref<512xf32, #tpu.memory_space<vmem>>, vector<16xf32>,
            %get3A_1012 = arith.constant 208 : index
            %get3A_1013 = tpu.vector_load %arg14[%get3A_1012] {strides = array<i32>} : memref<512xf32, #tpu.memory_space<vmem>>, vector<16xf32>,
            %add3A_1014 = arith.addf %get3A_1011, %get3A_1013 : vector<16xf32>
            %gt3A_1015 = arith.cmpf ogt, %add3A_1014, %select_n3A_1006 : vector<16xf32>
            %gt3A_1016 = arith.cmpf ogt, %add3A_1014, %select_n3A_1001 : vector<16xf32>
            %gt3A_1017 = arith.cmpf ogt, %add3A_1014, %select_n3A_995 : vector<16xf32>
            %select_n3A_1018 = arith.select %gt3A_1017, %add3A_1014, %select_n3A_995 : vector<16xi1>, vector<16xf32>
            %select_n3A_1019 = arith.select %gt3A_1016, %select_n3A_1001, %select_n3A_1018 : vector<16xi1>, vector<16xf32>
            %jit3A_1020 = arith.constant 13 : i32
            %broadcast_in_dim3A_1021 = vector.broadcast %jit3A_1020 : i32 to vector<16xi32>
            %select_n3A_1022 = arith.select %gt3A_1017, %broadcast_in_dim3A_1021, %select_n3A_999 : vector<16xi1>, vector<16xi32>
            %select_n3A_1023 = arith.select %gt3A_1016, %select_n3A_1005, %select_n3A_1022 : vector<16xi1>, vector<16xi32>
            %select_n3A_1024 = arith.select %gt3A_1016, %add3A_1014, %select_n3A_1001 : vector<16xi1>, vector<16xf32>
            %select_n3A_1025 = arith.select %gt3A_1015, %select_n3A_1006, %select_n3A_1024 : vector<16xi1>, vector<16xf32>
            %jit3A_1026 = arith.constant 13 : i32
            %broadcast_in_dim3A_1027 = vector.broadcast %jit3A_1026 : i32 to vector<16xi32>
            %select_n3A_1028 = arith.select %gt3A_1016, %broadcast_in_dim3A_1027, %select_n3A_1005 : vector<16xi1>, vector<16xi32>
            %select_n3A_1029 = arith.select %gt3A_1015, %select_n3A_1009, %select_n3A_1028 : vector<16xi1>, vector<16xi32>
            %select_n3A_1030 = arith.select %gt3A_1015, %add3A_1014, %select_n3A_1006 : vector<16xi1>, vector<16xf32>
            %jit3A_1031 = arith.constant 13 : i32
            %broadcast_in_dim3A_1032 = vector.broadcast %jit3A_1031 : i32 to vector<16xi32>
            %select_n3A_1033 = arith.select %gt3A_1015, %broadcast_in_dim3A_1032, %select_n3A_1009 : vector<16xi1>, vector<16xi32>
            %get3A_1034 = arith.constant 224 : index
            %get3A_1035 = tpu.vector_load %arg15[%get3A_1034] {strides = array<i32>} : memref<512xf32, #tpu.memory_space<vmem>>, vector<16xf32>,
            %get3A_1036 = arith.constant 224 : index
            %get3A_1037 = tpu.vector_load %arg14[%get3A_1036] {strides = array<i32>} : memref<512xf32, #tpu.memory_space<vmem>>, vector<16xf32>,
            %add3A_1038 = arith.addf %get3A_1035, %get3A_1037 : vector<16xf32>
            %gt3A_1039 = arith.cmpf ogt, %add3A_1038, %select_n3A_1030 : vector<16xf32>
            %gt3A_1040 = arith.cmpf ogt, %add3A_1038, %select_n3A_1025 : vector<16xf32>
            %gt3A_1041 = arith.cmpf ogt, %add3A_1038, %select_n3A_1019 : vector<16xf32>
            %select_n3A_1042 = arith.select %gt3A_1041, %add3A_1038, %select_n3A_1019 : vector<16xi1>, vector<16xf32>
            %select_n3A_1043 = arith.select %gt3A_1040, %select_n3A_1025, %select_n3A_1042 : vector<16xi1>, vector<16xf32>
            %jit3A_1044 = arith.constant 14 : i32
            %broadcast_in_dim3A_1045 = vector.broadcast %jit3A_1044 : i32 to vector<16xi32>
            %select_n3A_1046 = arith.select %gt3A_1041, %broadcast_in_dim3A_1045, %select_n3A_1023 : vector<16xi1>, vector<16xi32>
            %select_n3A_1047 = arith.select %gt3A_1040, %select_n3A_1029, %select_n3A_1046 : vector<16xi1>, vector<16xi32>
            %select_n3A_1048 = arith.select %gt3A_1040, %add3A_1038, %select_n3A_1025 : vector<16xi1>, vector<16xf32>
            %select_n3A_1049 = arith.select %gt3A_1039, %select_n3A_1030, %select_n3A_1048 : vector<16xi1>, vector<16xf32>
            %jit3A_1050 = arith.constant 14 : i32
            %broadcast_in_dim3A_1051 = vector.broadcast %jit3A_1050 : i32 to vector<16xi32>
            %select_n3A_1052 = arith.select %gt3A_1040, %broadcast_in_dim3A_1051, %select_n3A_1029 : vector<16xi1>, vector<16xi32>
            %select_n3A_1053 = arith.select %gt3A_1039, %select_n3A_1033, %select_n3A_1052 : vector<16xi1>, vector<16xi32>
            %select_n3A_1054 = arith.select %gt3A_1039, %add3A_1038, %select_n3A_1030 : vector<16xi1>, vector<16xf32>
            %jit3A_1055 = arith.constant 14 : i32
            %broadcast_in_dim3A_1056 = vector.broadcast %jit3A_1055 : i32 to vector<16xi32>
            %select_n3A_1057 = arith.select %gt3A_1039, %broadcast_in_dim3A_1056, %select_n3A_1033 : vector<16xi1>, vector<16xi32>
            %get3A_1058 = arith.constant 240 : index
            %get3A_1059 = tpu.vector_load %arg15[%get3A_1058] {strides = array<i32>} : memref<512xf32, #tpu.memory_space<vmem>>, vector<16xf32>,
            %get3A_1060 = arith.constant 240 : index
            %get3A_1061 = tpu.vector_load %arg14[%get3A_1060] {strides = array<i32>} : memref<512xf32, #tpu.memory_space<vmem>>, vector<16xf32>,
            %add3A_1062 = arith.addf %get3A_1059, %get3A_1061 : vector<16xf32>
            %gt3A_1063 = arith.cmpf ogt, %add3A_1062, %select_n3A_1054 : vector<16xf32>
            %gt3A_1064 = arith.cmpf ogt, %add3A_1062, %select_n3A_1049 : vector<16xf32>
            %gt3A_1065 = arith.cmpf ogt, %add3A_1062, %select_n3A_1043 : vector<16xf32>
            %select_n3A_1066 = arith.select %gt3A_1065, %add3A_1062, %select_n3A_1043 : vector<16xi1>, vector<16xf32>
            %select_n3A_1067 = arith.select %gt3A_1064, %select_n3A_1049, %select_n3A_1066 : vector<16xi1>, vector<16xf32>
            %jit3A_1068 = arith.constant 15 : i32
            %broadcast_in_dim3A_1069 = vector.broadcast %jit3A_1068 : i32 to vector<16xi32>
            %select_n3A_1070 = arith.select %gt3A_1065, %broadcast_in_dim3A_1069, %select_n3A_1047 : vector<16xi1>, vector<16xi32>
            %select_n3A_1071 = arith.select %gt3A_1064, %select_n3A_1053, %select_n3A_1070 : vector<16xi1>, vector<16xi32>
            %select_n3A_1072 = arith.select %gt3A_1064, %add3A_1062, %select_n3A_1049 : vector<16xi1>, vector<16xf32>
            %select_n3A_1073 = arith.select %gt3A_1063, %select_n3A_1054, %select_n3A_1072 : vector<16xi1>, vector<16xf32>
            %jit3A_1074 = arith.constant 15 : i32
            %broadcast_in_dim3A_1075 = vector.broadcast %jit3A_1074 : i32 to vector<16xi32>
            %select_n3A_1076 = arith.select %gt3A_1064, %broadcast_in_dim3A_1075, %select_n3A_1053 : vector<16xi1>, vector<16xi32>
            %select_n3A_1077 = arith.select %gt3A_1063, %select_n3A_1057, %select_n3A_1076 : vector<16xi1>, vector<16xi32>
            %select_n3A_1078 = arith.select %gt3A_1063, %add3A_1062, %select_n3A_1054 : vector<16xi1>, vector<16xf32>
            %jit3A_1079 = arith.constant 15 : i32
            %broadcast_in_dim3A_1080 = vector.broadcast %jit3A_1079 : i32 to vector<16xi32>
            %select_n3A_1081 = arith.select %gt3A_1063, %broadcast_in_dim3A_1080, %select_n3A_1057 : vector<16xi1>, vector<16xi32>
            %get3A_1082 = arith.constant 256 : index
            %get3A_1083 = tpu.vector_load %arg15[%get3A_1082] {strides = array<i32>} : memref<512xf32, #tpu.memory_space<vmem>>, vector<16xf32>,
            %get3A_1084 = arith.constant 256 : index
            %get3A_1085 = tpu.vector_load %arg14[%get3A_1084] {strides = array<i32>} : memref<512xf32, #tpu.memory_space<vmem>>, vector<16xf32>,
            %add3A_1086 = arith.addf %get3A_1083, %get3A_1085 : vector<16xf32>
            %gt3A_1087 = arith.cmpf ogt, %add3A_1086, %select_n3A_1078 : vector<16xf32>
            %gt3A_1088 = arith.cmpf ogt, %add3A_1086, %select_n3A_1073 : vector<16xf32>
            %gt3A_1089 = arith.cmpf ogt, %add3A_1086, %select_n3A_1067 : vector<16xf32>
            %select_n3A_1090 = arith.select %gt3A_1089, %add3A_1086, %select_n3A_1067 : vector<16xi1>, vector<16xf32>
            %select_n3A_1091 = arith.select %gt3A_1088, %select_n3A_1073, %select_n3A_1090 : vector<16xi1>, vector<16xf32>
            %jit3A_1092 = arith.constant 16 : i32
            %broadcast_in_dim3A_1093 = vector.broadcast %jit3A_1092 : i32 to vector<16xi32>
            %select_n3A_1094 = arith.select %gt3A_1089, %broadcast_in_dim3A_1093, %select_n3A_1071 : vector<16xi1>, vector<16xi32>
            %select_n3A_1095 = arith.select %gt3A_1088, %select_n3A_1077, %select_n3A_1094 : vector<16xi1>, vector<16xi32>
            %select_n3A_1096 = arith.select %gt3A_1088, %add3A_1086, %select_n3A_1073 : vector<16xi1>, vector<16xf32>
            %select_n3A_1097 = arith.select %gt3A_1087, %select_n3A_1078, %select_n3A_1096 : vector<16xi1>, vector<16xf32>
            %jit3A_1098 = arith.constant 16 : i32
            %broadcast_in_dim3A_1099 = vector.broadcast %jit3A_1098 : i32 to vector<16xi32>
            %select_n3A_1100 = arith.select %gt3A_1088, %broadcast_in_dim3A_1099, %select_n3A_1077 : vector<16xi1>, vector<16xi32>
            %select_n3A_1101 = arith.select %gt3A_1087, %select_n3A_1081, %select_n3A_1100 : vector<16xi1>, vector<16xi32>
            %select_n3A_1102 = arith.select %gt3A_1087, %add3A_1086, %select_n3A_1078 : vector<16xi1>, vector<16xf32>
            %jit3A_1103 = arith.constant 16 : i32
            %broadcast_in_dim3A_1104 = vector.broadcast %jit3A_1103 : i32 to vector<16xi32>
            %select_n3A_1105 = arith.select %gt3A_1087, %broadcast_in_dim3A_1104, %select_n3A_1081 : vector<16xi1>, vector<16xi32>
            %get3A_1106 = arith.constant 272 : index
            %get3A_1107 = tpu.vector_load %arg15[%get3A_1106] {strides = array<i32>} : memref<512xf32, #tpu.memory_space<vmem>>, vector<16xf32>,
            %get3A_1108 = arith.constant 272 : index
            %get3A_1109 = tpu.vector_load %arg14[%get3A_1108] {strides = array<i32>} : memref<512xf32, #tpu.memory_space<vmem>>, vector<16xf32>,
            %add3A_1110 = arith.addf %get3A_1107, %get3A_1109 : vector<16xf32>
            %gt3A_1111 = arith.cmpf ogt, %add3A_1110, %select_n3A_1102 : vector<16xf32>
            %gt3A_1112 = arith.cmpf ogt, %add3A_1110, %select_n3A_1097 : vector<16xf32>
            %gt3A_1113 = arith.cmpf ogt, %add3A_1110, %select_n3A_1091 : vector<16xf32>
            %select_n3A_1114 = arith.select %gt3A_1113, %add3A_1110, %select_n3A_1091 : vector<16xi1>, vector<16xf32>
            %select_n3A_1115 = arith.select %gt3A_1112, %select_n3A_1097, %select_n3A_1114 : vector<16xi1>, vector<16xf32>
            %jit3A_1116 = arith.constant 17 : i32
            %broadcast_in_dim3A_1117 = vector.broadcast %jit3A_1116 : i32 to vector<16xi32>
            %select_n3A_1118 = arith.select %gt3A_1113, %broadcast_in_dim3A_1117, %select_n3A_1095 : vector<16xi1>, vector<16xi32>
            %select_n3A_1119 = arith.select %gt3A_1112, %select_n3A_1101, %select_n3A_1118 : vector<16xi1>, vector<16xi32>
            %select_n3A_1120 = arith.select %gt3A_1112, %add3A_1110, %select_n3A_1097 : vector<16xi1>, vector<16xf32>
            %select_n3A_1121 = arith.select %gt3A_1111, %select_n3A_1102, %select_n3A_1120 : vector<16xi1>, vector<16xf32>
            %jit3A_1122 = arith.constant 17 : i32
            %broadcast_in_dim3A_1123 = vector.broadcast %jit3A_1122 : i32 to vector<16xi32>
            %select_n3A_1124 = arith.select %gt3A_1112, %broadcast_in_dim3A_1123, %select_n3A_1101 : vector<16xi1>, vector<16xi32>
            %select_n3A_1125 = arith.select %gt3A_1111, %select_n3A_1105, %select_n3A_1124 : vector<16xi1>, vector<16xi32>
            %select_n3A_1126 = arith.select %gt3A_1111, %add3A_1110, %select_n3A_1102 : vector<16xi1>, vector<16xf32>
            %jit3A_1127 = arith.constant 17 : i32
            %broadcast_in_dim3A_1128 = vector.broadcast %jit3A_1127 : i32 to vector<16xi32>
            %select_n3A_1129 = arith.select %gt3A_1111, %broadcast_in_dim3A_1128, %select_n3A_1105 : vector<16xi1>, vector<16xi32>
            %get3A_1130 = arith.constant 288 : index
            %get3A_1131 = tpu.vector_load %arg15[%get3A_1130] {strides = array<i32>} : memref<512xf32, #tpu.memory_space<vmem>>, vector<16xf32>,
            %get3A_1132 = arith.constant 288 : index
            %get3A_1133 = tpu.vector_load %arg14[%get3A_1132] {strides = array<i32>} : memref<512xf32, #tpu.memory_space<vmem>>, vector<16xf32>,
            %add3A_1134 = arith.addf %get3A_1131, %get3A_1133 : vector<16xf32>
            %gt3A_1135 = arith.cmpf ogt, %add3A_1134, %select_n3A_1126 : vector<16xf32>
            %gt3A_1136 = arith.cmpf ogt, %add3A_1134, %select_n3A_1121 : vector<16xf32>
            %gt3A_1137 = arith.cmpf ogt, %add3A_1134, %select_n3A_1115 : vector<16xf32>
            %select_n3A_1138 = arith.select %gt3A_1137, %add3A_1134, %select_n3A_1115 : vector<16xi1>, vector<16xf32>
            %select_n3A_1139 = arith.select %gt3A_1136, %select_n3A_1121, %select_n3A_1138 : vector<16xi1>, vector<16xf32>
            %jit3A_1140 = arith.constant 18 : i32
            %broadcast_in_dim3A_1141 = vector.broadcast %jit3A_1140 : i32 to vector<16xi32>
            %select_n3A_1142 = arith.select %gt3A_1137, %broadcast_in_dim3A_1141, %select_n3A_1119 : vector<16xi1>, vector<16xi32>
            %select_n3A_1143 = arith.select %gt3A_1136, %select_n3A_1125, %select_n3A_1142 : vector<16xi1>, vector<16xi32>
            %select_n3A_1144 = arith.select %gt3A_1136, %add3A_1134, %select_n3A_1121 : vector<16xi1>, vector<16xf32>
            %select_n3A_1145 = arith.select %gt3A_1135, %select_n3A_1126, %select_n3A_1144 : vector<16xi1>, vector<16xf32>
            %jit3A_1146 = arith.constant 18 : i32
            %broadcast_in_dim3A_1147 = vector.broadcast %jit3A_1146 : i32 to vector<16xi32>
            %select_n3A_1148 = arith.select %gt3A_1136, %broadcast_in_dim3A_1147, %select_n3A_1125 : vector<16xi1>, vector<16xi32>
            %select_n3A_1149 = arith.select %gt3A_1135, %select_n3A_1129, %select_n3A_1148 : vector<16xi1>, vector<16xi32>
            %select_n3A_1150 = arith.select %gt3A_1135, %add3A_1134, %select_n3A_1126 : vector<16xi1>, vector<16xf32>
            %jit3A_1151 = arith.constant 18 : i32
            %broadcast_in_dim3A_1152 = vector.broadcast %jit3A_1151 : i32 to vector<16xi32>
            %select_n3A_1153 = arith.select %gt3A_1135, %broadcast_in_dim3A_1152, %select_n3A_1129 : vector<16xi1>, vector<16xi32>
            %get3A_1154 = arith.constant 304 : index
            %get3A_1155 = tpu.vector_load %arg15[%get3A_1154] {strides = array<i32>} : memref<512xf32, #tpu.memory_space<vmem>>, vector<16xf32>,
            %get3A_1156 = arith.constant 304 : index
            %get3A_1157 = tpu.vector_load %arg14[%get3A_1156] {strides = array<i32>} : memref<512xf32, #tpu.memory_space<vmem>>, vector<16xf32>,
            %add3A_1158 = arith.addf %get3A_1155, %get3A_1157 : vector<16xf32>
            %gt3A_1159 = arith.cmpf ogt, %add3A_1158, %select_n3A_1150 : vector<16xf32>
            %gt3A_1160 = arith.cmpf ogt, %add3A_1158, %select_n3A_1145 : vector<16xf32>
            %gt3A_1161 = arith.cmpf ogt, %add3A_1158, %select_n3A_1139 : vector<16xf32>
            %select_n3A_1162 = arith.select %gt3A_1161, %add3A_1158, %select_n3A_1139 : vector<16xi1>, vector<16xf32>
            %select_n3A_1163 = arith.select %gt3A_1160, %select_n3A_1145, %select_n3A_1162 : vector<16xi1>, vector<16xf32>
            %jit3A_1164 = arith.constant 19 : i32
            %broadcast_in_dim3A_1165 = vector.broadcast %jit3A_1164 : i32 to vector<16xi32>
            %select_n3A_1166 = arith.select %gt3A_1161, %broadcast_in_dim3A_1165, %select_n3A_1143 : vector<16xi1>, vector<16xi32>
            %select_n3A_1167 = arith.select %gt3A_1160, %select_n3A_1149, %select_n3A_1166 : vector<16xi1>, vector<16xi32>
            %select_n3A_1168 = arith.select %gt3A_1160, %add3A_1158, %select_n3A_1145 : vector<16xi1>, vector<16xf32>
            %select_n3A_1169 = arith.select %gt3A_1159, %select_n3A_1150, %select_n3A_1168 : vector<16xi1>, vector<16xf32>
            %jit3A_1170 = arith.constant 19 : i32
            %broadcast_in_dim3A_1171 = vector.broadcast %jit3A_1170 : i32 to vector<16xi32>
            %select_n3A_1172 = arith.select %gt3A_1160, %broadcast_in_dim3A_1171, %select_n3A_1149 : vector<16xi1>, vector<16xi32>
            %select_n3A_1173 = arith.select %gt3A_1159, %select_n3A_1153, %select_n3A_1172 : vector<16xi1>, vector<16xi32>
            %select_n3A_1174 = arith.select %gt3A_1159, %add3A_1158, %select_n3A_1150 : vector<16xi1>, vector<16xf32>
            %jit3A_1175 = arith.constant 19 : i32
            %broadcast_in_dim3A_1176 = vector.broadcast %jit3A_1175 : i32 to vector<16xi32>
            %select_n3A_1177 = arith.select %gt3A_1159, %broadcast_in_dim3A_1176, %select_n3A_1153 : vector<16xi1>, vector<16xi32>
            %get3A_1178 = arith.constant 320 : index
            %get3A_1179 = tpu.vector_load %arg15[%get3A_1178] {strides = array<i32>} : memref<512xf32, #tpu.memory_space<vmem>>, vector<16xf32>,
            %get3A_1180 = arith.constant 320 : index
            %get3A_1181 = tpu.vector_load %arg14[%get3A_1180] {strides = array<i32>} : memref<512xf32, #tpu.memory_space<vmem>>, vector<16xf32>,
            %add3A_1182 = arith.addf %get3A_1179, %get3A_1181 : vector<16xf32>
            %gt3A_1183 = arith.cmpf ogt, %add3A_1182, %select_n3A_1174 : vector<16xf32>
            %gt3A_1184 = arith.cmpf ogt, %add3A_1182, %select_n3A_1169 : vector<16xf32>
            %gt3A_1185 = arith.cmpf ogt, %add3A_1182, %select_n3A_1163 : vector<16xf32>
            %select_n3A_1186 = arith.select %gt3A_1185, %add3A_1182, %select_n3A_1163 : vector<16xi1>, vector<16xf32>
            %select_n3A_1187 = arith.select %gt3A_1184, %select_n3A_1169, %select_n3A_1186 : vector<16xi1>, vector<16xf32>
            %jit3A_1188 = arith.constant 20 : i32
            %broadcast_in_dim3A_1189 = vector.broadcast %jit3A_1188 : i32 to vector<16xi32>
            %select_n3A_1190 = arith.select %gt3A_1185, %broadcast_in_dim3A_1189, %select_n3A_1167 : vector<16xi1>, vector<16xi32>
            %select_n3A_1191 = arith.select %gt3A_1184, %select_n3A_1173, %select_n3A_1190 : vector<16xi1>, vector<16xi32>
            %select_n3A_1192 = arith.select %gt3A_1184, %add3A_1182, %select_n3A_1169 : vector<16xi1>, vector<16xf32>
            %select_n3A_1193 = arith.select %gt3A_1183, %select_n3A_1174, %select_n3A_1192 : vector<16xi1>, vector<16xf32>
            %jit3A_1194 = arith.constant 20 : i32
            %broadcast_in_dim3A_1195 = vector.broadcast %jit3A_1194 : i32 to vector<16xi32>
            %select_n3A_1196 = arith.select %gt3A_1184, %broadcast_in_dim3A_1195, %select_n3A_1173 : vector<16xi1>, vector<16xi32>
            %select_n3A_1197 = arith.select %gt3A_1183, %select_n3A_1177, %select_n3A_1196 : vector<16xi1>, vector<16xi32>
            %select_n3A_1198 = arith.select %gt3A_1183, %add3A_1182, %select_n3A_1174 : vector<16xi1>, vector<16xf32>
            %jit3A_1199 = arith.constant 20 : i32
            %broadcast_in_dim3A_1200 = vector.broadcast %jit3A_1199 : i32 to vector<16xi32>
            %select_n3A_1201 = arith.select %gt3A_1183, %broadcast_in_dim3A_1200, %select_n3A_1177 : vector<16xi1>, vector<16xi32>
            %get3A_1202 = arith.constant 336 : index
            %get3A_1203 = tpu.vector_load %arg15[%get3A_1202] {strides = array<i32>} : memref<512xf32, #tpu.memory_space<vmem>>, vector<16xf32>,
            %get3A_1204 = arith.constant 336 : index
            %get3A_1205 = tpu.vector_load %arg14[%get3A_1204] {strides = array<i32>} : memref<512xf32, #tpu.memory_space<vmem>>, vector<16xf32>,
            %add3A_1206 = arith.addf %get3A_1203, %get3A_1205 : vector<16xf32>
            %gt3A_1207 = arith.cmpf ogt, %add3A_1206, %select_n3A_1198 : vector<16xf32>
            %gt3A_1208 = arith.cmpf ogt, %add3A_1206, %select_n3A_1193 : vector<16xf32>
            %gt3A_1209 = arith.cmpf ogt, %add3A_1206, %select_n3A_1187 : vector<16xf32>
            %select_n3A_1210 = arith.select %gt3A_1209, %add3A_1206, %select_n3A_1187 : vector<16xi1>, vector<16xf32>
            %select_n3A_1211 = arith.select %gt3A_1208, %select_n3A_1193, %select_n3A_1210 : vector<16xi1>, vector<16xf32>
            %jit3A_1212 = arith.constant 21 : i32
            %broadcast_in_dim3A_1213 = vector.broadcast %jit3A_1212 : i32 to vector<16xi32>
            %select_n3A_1214 = arith.select %gt3A_1209, %broadcast_in_dim3A_1213, %select_n3A_1191 : vector<16xi1>, vector<16xi32>
            %select_n3A_1215 = arith.select %gt3A_1208, %select_n3A_1197, %select_n3A_1214 : vector<16xi1>, vector<16xi32>
            %select_n3A_1216 = arith.select %gt3A_1208, %add3A_1206, %select_n3A_1193 : vector<16xi1>, vector<16xf32>
            %select_n3A_1217 = arith.select %gt3A_1207, %select_n3A_1198, %select_n3A_1216 : vector<16xi1>, vector<16xf32>
            %jit3A_1218 = arith.constant 21 : i32
            %broadcast_in_dim3A_1219 = vector.broadcast %jit3A_1218 : i32 to vector<16xi32>
            %select_n3A_1220 = arith.select %gt3A_1208, %broadcast_in_dim3A_1219, %select_n3A_1197 : vector<16xi1>, vector<16xi32>
            %select_n3A_1221 = arith.select %gt3A_1207, %select_n3A_1201, %select_n3A_1220 : vector<16xi1>, vector<16xi32>
            %select_n3A_1222 = arith.select %gt3A_1207, %add3A_1206, %select_n3A_1198 : vector<16xi1>, vector<16xf32>
            %jit3A_1223 = arith.constant 21 : i32
            %broadcast_in_dim3A_1224 = vector.broadcast %jit3A_1223 : i32 to vector<16xi32>
            %select_n3A_1225 = arith.select %gt3A_1207, %broadcast_in_dim3A_1224, %select_n3A_1201 : vector<16xi1>, vector<16xi32>
            %get3A_1226 = arith.constant 352 : index
            %get3A_1227 = tpu.vector_load %arg15[%get3A_1226] {strides = array<i32>} : memref<512xf32, #tpu.memory_space<vmem>>, vector<16xf32>,
            %get3A_1228 = arith.constant 352 : index
            %get3A_1229 = tpu.vector_load %arg14[%get3A_1228] {strides = array<i32>} : memref<512xf32, #tpu.memory_space<vmem>>, vector<16xf32>,
            %add3A_1230 = arith.addf %get3A_1227, %get3A_1229 : vector<16xf32>
            %gt3A_1231 = arith.cmpf ogt, %add3A_1230, %select_n3A_1222 : vector<16xf32>
            %gt3A_1232 = arith.cmpf ogt, %add3A_1230, %select_n3A_1217 : vector<16xf32>
            %gt3A_1233 = arith.cmpf ogt, %add3A_1230, %select_n3A_1211 : vector<16xf32>
            %select_n3A_1234 = arith.select %gt3A_1233, %add3A_1230, %select_n3A_1211 : vector<16xi1>, vector<16xf32>
            %select_n3A_1235 = arith.select %gt3A_1232, %select_n3A_1217, %select_n3A_1234 : vector<16xi1>, vector<16xf32>
            %jit3A_1236 = arith.constant 22 : i32
            %broadcast_in_dim3A_1237 = vector.broadcast %jit3A_1236 : i32 to vector<16xi32>
            %select_n3A_1238 = arith.select %gt3A_1233, %broadcast_in_dim3A_1237, %select_n3A_1215 : vector<16xi1>, vector<16xi32>
            %select_n3A_1239 = arith.select %gt3A_1232, %select_n3A_1221, %select_n3A_1238 : vector<16xi1>, vector<16xi32>
            %select_n3A_1240 = arith.select %gt3A_1232, %add3A_1230, %select_n3A_1217 : vector<16xi1>, vector<16xf32>
            %select_n3A_1241 = arith.select %gt3A_1231, %select_n3A_1222, %select_n3A_1240 : vector<16xi1>, vector<16xf32>
            %jit3A_1242 = arith.constant 22 : i32
            %broadcast_in_dim3A_1243 = vector.broadcast %jit3A_1242 : i32 to vector<16xi32>
            %select_n3A_1244 = arith.select %gt3A_1232, %broadcast_in_dim3A_1243, %select_n3A_1221 : vector<16xi1>, vector<16xi32>
            %select_n3A_1245 = arith.select %gt3A_1231, %select_n3A_1225, %select_n3A_1244 : vector<16xi1>, vector<16xi32>
            %select_n3A_1246 = arith.select %gt3A_1231, %add3A_1230, %select_n3A_1222 : vector<16xi1>, vector<16xf32>
            %jit3A_1247 = arith.constant 22 : i32
            %broadcast_in_dim3A_1248 = vector.broadcast %jit3A_1247 : i32 to vector<16xi32>
            %select_n3A_1249 = arith.select %gt3A_1231, %broadcast_in_dim3A_1248, %select_n3A_1225 : vector<16xi1>, vector<16xi32>
            %get3A_1250 = arith.constant 368 : index
            %get3A_1251 = tpu.vector_load %arg15[%get3A_1250] {strides = array<i32>} : memref<512xf32, #tpu.memory_space<vmem>>, vector<16xf32>,
            %get3A_1252 = arith.constant 368 : index
            %get3A_1253 = tpu.vector_load %arg14[%get3A_1252] {strides = array<i32>} : memref<512xf32, #tpu.memory_space<vmem>>, vector<16xf32>,
            %add3A_1254 = arith.addf %get3A_1251, %get3A_1253 : vector<16xf32>
            %gt3A_1255 = arith.cmpf ogt, %add3A_1254, %select_n3A_1246 : vector<16xf32>
            %gt3A_1256 = arith.cmpf ogt, %add3A_1254, %select_n3A_1241 : vector<16xf32>
            %gt3A_1257 = arith.cmpf ogt, %add3A_1254, %select_n3A_1235 : vector<16xf32>
            %select_n3A_1258 = arith.select %gt3A_1257, %add3A_1254, %select_n3A_1235 : vector<16xi1>, vector<16xf32>
            %select_n3A_1259 = arith.select %gt3A_1256, %select_n3A_1241, %select_n3A_1258 : vector<16xi1>, vector<16xf32>
            %jit3A_1260 = arith.constant 23 : i32
            %broadcast_in_dim3A_1261 = vector.broadcast %jit3A_1260 : i32 to vector<16xi32>
            %select_n3A_1262 = arith.select %gt3A_1257, %broadcast_in_dim3A_1261, %select_n3A_1239 : vector<16xi1>, vector<16xi32>
            %select_n3A_1263 = arith.select %gt3A_1256, %select_n3A_1245, %select_n3A_1262 : vector<16xi1>, vector<16xi32>
            %select_n3A_1264 = arith.select %gt3A_1256, %add3A_1254, %select_n3A_1241 : vector<16xi1>, vector<16xf32>
            %select_n3A_1265 = arith.select %gt3A_1255, %select_n3A_1246, %select_n3A_1264 : vector<16xi1>, vector<16xf32>
            %jit3A_1266 = arith.constant 23 : i32
            %broadcast_in_dim3A_1267 = vector.broadcast %jit3A_1266 : i32 to vector<16xi32>
            %select_n3A_1268 = arith.select %gt3A_1256, %broadcast_in_dim3A_1267, %select_n3A_1245 : vector<16xi1>, vector<16xi32>
            %select_n3A_1269 = arith.select %gt3A_1255, %select_n3A_1249, %select_n3A_1268 : vector<16xi1>, vector<16xi32>
            %select_n3A_1270 = arith.select %gt3A_1255, %add3A_1254, %select_n3A_1246 : vector<16xi1>, vector<16xf32>
            %jit3A_1271 = arith.constant 23 : i32
            %broadcast_in_dim3A_1272 = vector.broadcast %jit3A_1271 : i32 to vector<16xi32>
            %select_n3A_1273 = arith.select %gt3A_1255, %broadcast_in_dim3A_1272, %select_n3A_1249 : vector<16xi1>, vector<16xi32>
            %get3A_1274 = arith.constant 384 : index
            %get3A_1275 = tpu.vector_load %arg15[%get3A_1274] {strides = array<i32>} : memref<512xf32, #tpu.memory_space<vmem>>, vector<16xf32>,
            %get3A_1276 = arith.constant 384 : index
            %get3A_1277 = tpu.vector_load %arg14[%get3A_1276] {strides = array<i32>} : memref<512xf32, #tpu.memory_space<vmem>>, vector<16xf32>,
            %add3A_1278 = arith.addf %get3A_1275, %get3A_1277 : vector<16xf32>
            %gt3A_1279 = arith.cmpf ogt, %add3A_1278, %select_n3A_1270 : vector<16xf32>
            %gt3A_1280 = arith.cmpf ogt, %add3A_1278, %select_n3A_1265 : vector<16xf32>
            %gt3A_1281 = arith.cmpf ogt, %add3A_1278, %select_n3A_1259 : vector<16xf32>
            %select_n3A_1282 = arith.select %gt3A_1281, %add3A_1278, %select_n3A_1259 : vector<16xi1>, vector<16xf32>
            %select_n3A_1283 = arith.select %gt3A_1280, %select_n3A_1265, %select_n3A_1282 : vector<16xi1>, vector<16xf32>
            %jit3A_1284 = arith.constant 24 : i32
            %broadcast_in_dim3A_1285 = vector.broadcast %jit3A_1284 : i32 to vector<16xi32>
            %select_n3A_1286 = arith.select %gt3A_1281, %broadcast_in_dim3A_1285, %select_n3A_1263 : vector<16xi1>, vector<16xi32>
            %select_n3A_1287 = arith.select %gt3A_1280, %select_n3A_1269, %select_n3A_1286 : vector<16xi1>, vector<16xi32>
            %select_n3A_1288 = arith.select %gt3A_1280, %add3A_1278, %select_n3A_1265 : vector<16xi1>, vector<16xf32>
            %select_n3A_1289 = arith.select %gt3A_1279, %select_n3A_1270, %select_n3A_1288 : vector<16xi1>, vector<16xf32>
            %jit3A_1290 = arith.constant 24 : i32
            %broadcast_in_dim3A_1291 = vector.broadcast %jit3A_1290 : i32 to vector<16xi32>
            %select_n3A_1292 = arith.select %gt3A_1280, %broadcast_in_dim3A_1291, %select_n3A_1269 : vector<16xi1>, vector<16xi32>
            %select_n3A_1293 = arith.select %gt3A_1279, %select_n3A_1273, %select_n3A_1292 : vector<16xi1>, vector<16xi32>
            %select_n3A_1294 = arith.select %gt3A_1279, %add3A_1278, %select_n3A_1270 : vector<16xi1>, vector<16xf32>
            %jit3A_1295 = arith.constant 24 : i32
            %broadcast_in_dim3A_1296 = vector.broadcast %jit3A_1295 : i32 to vector<16xi32>
            %select_n3A_1297 = arith.select %gt3A_1279, %broadcast_in_dim3A_1296, %select_n3A_1273 : vector<16xi1>, vector<16xi32>
            %get3A_1298 = arith.constant 400 : index
            %get3A_1299 = tpu.vector_load %arg15[%get3A_1298] {strides = array<i32>} : memref<512xf32, #tpu.memory_space<vmem>>, vector<16xf32>,
            %get3A_1300 = arith.constant 400 : index
            %get3A_1301 = tpu.vector_load %arg14[%get3A_1300] {strides = array<i32>} : memref<512xf32, #tpu.memory_space<vmem>>, vector<16xf32>,
            %add3A_1302 = arith.addf %get3A_1299, %get3A_1301 : vector<16xf32>
            %gt3A_1303 = arith.cmpf ogt, %add3A_1302, %select_n3A_1294 : vector<16xf32>
            %gt3A_1304 = arith.cmpf ogt, %add3A_1302, %select_n3A_1289 : vector<16xf32>
            %gt3A_1305 = arith.cmpf ogt, %add3A_1302, %select_n3A_1283 : vector<16xf32>
            %select_n3A_1306 = arith.select %gt3A_1305, %add3A_1302, %select_n3A_1283 : vector<16xi1>, vector<16xf32>
            %select_n3A_1307 = arith.select %gt3A_1304, %select_n3A_1289, %select_n3A_1306 : vector<16xi1>, vector<16xf32>
            %jit3A_1308 = arith.constant 25 : i32
            %broadcast_in_dim3A_1309 = vector.broadcast %jit3A_1308 : i32 to vector<16xi32>
            %select_n3A_1310 = arith.select %gt3A_1305, %broadcast_in_dim3A_1309, %select_n3A_1287 : vector<16xi1>, vector<16xi32>
            %select_n3A_1311 = arith.select %gt3A_1304, %select_n3A_1293, %select_n3A_1310 : vector<16xi1>, vector<16xi32>
            %select_n3A_1312 = arith.select %gt3A_1304, %add3A_1302, %select_n3A_1289 : vector<16xi1>, vector<16xf32>
            %select_n3A_1313 = arith.select %gt3A_1303, %select_n3A_1294, %select_n3A_1312 : vector<16xi1>, vector<16xf32>
            %jit3A_1314 = arith.constant 25 : i32
            %broadcast_in_dim3A_1315 = vector.broadcast %jit3A_1314 : i32 to vector<16xi32>
            %select_n3A_1316 = arith.select %gt3A_1304, %broadcast_in_dim3A_1315, %select_n3A_1293 : vector<16xi1>, vector<16xi32>
            %select_n3A_1317 = arith.select %gt3A_1303, %select_n3A_1297, %select_n3A_1316 : vector<16xi1>, vector<16xi32>
            %select_n3A_1318 = arith.select %gt3A_1303, %add3A_1302, %select_n3A_1294 : vector<16xi1>, vector<16xf32>
            %jit3A_1319 = arith.constant 25 : i32
            %broadcast_in_dim3A_1320 = vector.broadcast %jit3A_1319 : i32 to vector<16xi32>
            %select_n3A_1321 = arith.select %gt3A_1303, %broadcast_in_dim3A_1320, %select_n3A_1297 : vector<16xi1>, vector<16xi32>
            %get3A_1322 = arith.constant 416 : index
            %get3A_1323 = tpu.vector_load %arg15[%get3A_1322] {strides = array<i32>} : memref<512xf32, #tpu.memory_space<vmem>>, vector<16xf32>,
            %get3A_1324 = arith.constant 416 : index
            %get3A_1325 = tpu.vector_load %arg14[%get3A_1324] {strides = array<i32>} : memref<512xf32, #tpu.memory_space<vmem>>, vector<16xf32>,
            %add3A_1326 = arith.addf %get3A_1323, %get3A_1325 : vector<16xf32>
            %gt3A_1327 = arith.cmpf ogt, %add3A_1326, %select_n3A_1318 : vector<16xf32>
            %gt3A_1328 = arith.cmpf ogt, %add3A_1326, %select_n3A_1313 : vector<16xf32>
            %gt3A_1329 = arith.cmpf ogt, %add3A_1326, %select_n3A_1307 : vector<16xf32>
            %select_n3A_1330 = arith.select %gt3A_1329, %add3A_1326, %select_n3A_1307 : vector<16xi1>, vector<16xf32>
            %select_n3A_1331 = arith.select %gt3A_1328, %select_n3A_1313, %select_n3A_1330 : vector<16xi1>, vector<16xf32>
            %jit3A_1332 = arith.constant 26 : i32
            %broadcast_in_dim3A_1333 = vector.broadcast %jit3A_1332 : i32 to vector<16xi32>
            %select_n3A_1334 = arith.select %gt3A_1329, %broadcast_in_dim3A_1333, %select_n3A_1311 : vector<16xi1>, vector<16xi32>
            %select_n3A_1335 = arith.select %gt3A_1328, %select_n3A_1317, %select_n3A_1334 : vector<16xi1>, vector<16xi32>
            %select_n3A_1336 = arith.select %gt3A_1328, %add3A_1326, %select_n3A_1313 : vector<16xi1>, vector<16xf32>
            %select_n3A_1337 = arith.select %gt3A_1327, %select_n3A_1318, %select_n3A_1336 : vector<16xi1>, vector<16xf32>
            %jit3A_1338 = arith.constant 26 : i32
            %broadcast_in_dim3A_1339 = vector.broadcast %jit3A_1338 : i32 to vector<16xi32>
            %select_n3A_1340 = arith.select %gt3A_1328, %broadcast_in_dim3A_1339, %select_n3A_1317 : vector<16xi1>, vector<16xi32>
            %select_n3A_1341 = arith.select %gt3A_1327, %select_n3A_1321, %select_n3A_1340 : vector<16xi1>, vector<16xi32>
            %select_n3A_1342 = arith.select %gt3A_1327, %add3A_1326, %select_n3A_1318 : vector<16xi1>, vector<16xf32>
            %jit3A_1343 = arith.constant 26 : i32
            %broadcast_in_dim3A_1344 = vector.broadcast %jit3A_1343 : i32 to vector<16xi32>
            %select_n3A_1345 = arith.select %gt3A_1327, %broadcast_in_dim3A_1344, %select_n3A_1321 : vector<16xi1>, vector<16xi32>
            %get3A_1346 = arith.constant 432 : index
            %get3A_1347 = tpu.vector_load %arg15[%get3A_1346] {strides = array<i32>} : memref<512xf32, #tpu.memory_space<vmem>>, vector<16xf32>,
            %get3A_1348 = arith.constant 432 : index
            %get3A_1349 = tpu.vector_load %arg14[%get3A_1348] {strides = array<i32>} : memref<512xf32, #tpu.memory_space<vmem>>, vector<16xf32>,
            %add3A_1350 = arith.addf %get3A_1347, %get3A_1349 : vector<16xf32>
            %gt3A_1351 = arith.cmpf ogt, %add3A_1350, %select_n3A_1342 : vector<16xf32>
            %gt3A_1352 = arith.cmpf ogt, %add3A_1350, %select_n3A_1337 : vector<16xf32>
            %gt3A_1353 = arith.cmpf ogt, %add3A_1350, %select_n3A_1331 : vector<16xf32>
            %select_n3A_1354 = arith.select %gt3A_1353, %add3A_1350, %select_n3A_1331 : vector<16xi1>, vector<16xf32>
            %select_n3A_1355 = arith.select %gt3A_1352, %select_n3A_1337, %select_n3A_1354 : vector<16xi1>, vector<16xf32>
            %jit3A_1356 = arith.constant 27 : i32
            %broadcast_in_dim3A_1357 = vector.broadcast %jit3A_1356 : i32 to vector<16xi32>
            %select_n3A_1358 = arith.select %gt3A_1353, %broadcast_in_dim3A_1357, %select_n3A_1335 : vector<16xi1>, vector<16xi32>
            %select_n3A_1359 = arith.select %gt3A_1352, %select_n3A_1341, %select_n3A_1358 : vector<16xi1>, vector<16xi32>
            %select_n3A_1360 = arith.select %gt3A_1352, %add3A_1350, %select_n3A_1337 : vector<16xi1>, vector<16xf32>
            %select_n3A_1361 = arith.select %gt3A_1351, %select_n3A_1342, %select_n3A_1360 : vector<16xi1>, vector<16xf32>
            %jit3A_1362 = arith.constant 27 : i32
            %broadcast_in_dim3A_1363 = vector.broadcast %jit3A_1362 : i32 to vector<16xi32>
            %select_n3A_1364 = arith.select %gt3A_1352, %broadcast_in_dim3A_1363, %select_n3A_1341 : vector<16xi1>, vector<16xi32>
            %select_n3A_1365 = arith.select %gt3A_1351, %select_n3A_1345, %select_n3A_1364 : vector<16xi1>, vector<16xi32>
            %select_n3A_1366 = arith.select %gt3A_1351, %add3A_1350, %select_n3A_1342 : vector<16xi1>, vector<16xf32>
            %jit3A_1367 = arith.constant 27 : i32
            %broadcast_in_dim3A_1368 = vector.broadcast %jit3A_1367 : i32 to vector<16xi32>
            %select_n3A_1369 = arith.select %gt3A_1351, %broadcast_in_dim3A_1368, %select_n3A_1345 : vector<16xi1>, vector<16xi32>
            %get3A_1370 = arith.constant 448 : index
            %get3A_1371 = tpu.vector_load %arg15[%get3A_1370] {strides = array<i32>} : memref<512xf32, #tpu.memory_space<vmem>>, vector<16xf32>,
            %get3A_1372 = arith.constant 448 : index
            %get3A_1373 = tpu.vector_load %arg14[%get3A_1372] {strides = array<i32>} : memref<512xf32, #tpu.memory_space<vmem>>, vector<16xf32>,
            %add3A_1374 = arith.addf %get3A_1371, %get3A_1373 : vector<16xf32>
            %gt3A_1375 = arith.cmpf ogt, %add3A_1374, %select_n3A_1366 : vector<16xf32>
            %gt3A_1376 = arith.cmpf ogt, %add3A_1374, %select_n3A_1361 : vector<16xf32>
            %gt3A_1377 = arith.cmpf ogt, %add3A_1374, %select_n3A_1355 : vector<16xf32>
            %select_n3A_1378 = arith.select %gt3A_1377, %add3A_1374, %select_n3A_1355 : vector<16xi1>, vector<16xf32>
            %select_n3A_1379 = arith.select %gt3A_1376, %select_n3A_1361, %select_n3A_1378 : vector<16xi1>, vector<16xf32>
            %jit3A_1380 = arith.constant 28 : i32
            %broadcast_in_dim3A_1381 = vector.broadcast %jit3A_1380 : i32 to vector<16xi32>
            %select_n3A_1382 = arith.select %gt3A_1377, %broadcast_in_dim3A_1381, %select_n3A_1359 : vector<16xi1>, vector<16xi32>
            %select_n3A_1383 = arith.select %gt3A_1376, %select_n3A_1365, %select_n3A_1382 : vector<16xi1>, vector<16xi32>
            %select_n3A_1384 = arith.select %gt3A_1376, %add3A_1374, %select_n3A_1361 : vector<16xi1>, vector<16xf32>
            %select_n3A_1385 = arith.select %gt3A_1375, %select_n3A_1366, %select_n3A_1384 : vector<16xi1>, vector<16xf32>
            %jit3A_1386 = arith.constant 28 : i32
            %broadcast_in_dim3A_1387 = vector.broadcast %jit3A_1386 : i32 to vector<16xi32>
            %select_n3A_1388 = arith.select %gt3A_1376, %broadcast_in_dim3A_1387, %select_n3A_1365 : vector<16xi1>, vector<16xi32>
            %select_n3A_1389 = arith.select %gt3A_1375, %select_n3A_1369, %select_n3A_1388 : vector<16xi1>, vector<16xi32>
            %select_n3A_1390 = arith.select %gt3A_1375, %add3A_1374, %select_n3A_1366 : vector<16xi1>, vector<16xf32>
            %jit3A_1391 = arith.constant 28 : i32
            %broadcast_in_dim3A_1392 = vector.broadcast %jit3A_1391 : i32 to vector<16xi32>
            %select_n3A_1393 = arith.select %gt3A_1375, %broadcast_in_dim3A_1392, %select_n3A_1369 : vector<16xi1>, vector<16xi32>
            %get3A_1394 = arith.constant 464 : index
            %get3A_1395 = tpu.vector_load %arg15[%get3A_1394] {strides = array<i32>} : memref<512xf32, #tpu.memory_space<vmem>>, vector<16xf32>,
            %get3A_1396 = arith.constant 464 : index
            %get3A_1397 = tpu.vector_load %arg14[%get3A_1396] {strides = array<i32>} : memref<512xf32, #tpu.memory_space<vmem>>, vector<16xf32>,
            %add3A_1398 = arith.addf %get3A_1395, %get3A_1397 : vector<16xf32>
            %gt3A_1399 = arith.cmpf ogt, %add3A_1398, %select_n3A_1390 : vector<16xf32>
            %gt3A_1400 = arith.cmpf ogt, %add3A_1398, %select_n3A_1385 : vector<16xf32>
            %gt3A_1401 = arith.cmpf ogt, %add3A_1398, %select_n3A_1379 : vector<16xf32>
            %select_n3A_1402 = arith.select %gt3A_1401, %add3A_1398, %select_n3A_1379 : vector<16xi1>, vector<16xf32>
            %select_n3A_1403 = arith.select %gt3A_1400, %select_n3A_1385, %select_n3A_1402 : vector<16xi1>, vector<16xf32>
            %jit3A_1404 = arith.constant 29 : i32
            %broadcast_in_dim3A_1405 = vector.broadcast %jit3A_1404 : i32 to vector<16xi32>
            %select_n3A_1406 = arith.select %gt3A_1401, %broadcast_in_dim3A_1405, %select_n3A_1383 : vector<16xi1>, vector<16xi32>
            %select_n3A_1407 = arith.select %gt3A_1400, %select_n3A_1389, %select_n3A_1406 : vector<16xi1>, vector<16xi32>
            %select_n3A_1408 = arith.select %gt3A_1400, %add3A_1398, %select_n3A_1385 : vector<16xi1>, vector<16xf32>
            %select_n3A_1409 = arith.select %gt3A_1399, %select_n3A_1390, %select_n3A_1408 : vector<16xi1>, vector<16xf32>
            %jit3A_1410 = arith.constant 29 : i32
            %broadcast_in_dim3A_1411 = vector.broadcast %jit3A_1410 : i32 to vector<16xi32>
            %select_n3A_1412 = arith.select %gt3A_1400, %broadcast_in_dim3A_1411, %select_n3A_1389 : vector<16xi1>, vector<16xi32>
            %select_n3A_1413 = arith.select %gt3A_1399, %select_n3A_1393, %select_n3A_1412 : vector<16xi1>, vector<16xi32>
            %select_n3A_1414 = arith.select %gt3A_1399, %add3A_1398, %select_n3A_1390 : vector<16xi1>, vector<16xf32>
            %jit3A_1415 = arith.constant 29 : i32
            %broadcast_in_dim3A_1416 = vector.broadcast %jit3A_1415 : i32 to vector<16xi32>
            %select_n3A_1417 = arith.select %gt3A_1399, %broadcast_in_dim3A_1416, %select_n3A_1393 : vector<16xi1>, vector<16xi32>
            %get3A_1418 = arith.constant 480 : index
            %get3A_1419 = tpu.vector_load %arg15[%get3A_1418] {strides = array<i32>} : memref<512xf32, #tpu.memory_space<vmem>>, vector<16xf32>,
            %get3A_1420 = arith.constant 480 : index
            %get3A_1421 = tpu.vector_load %arg14[%get3A_1420] {strides = array<i32>} : memref<512xf32, #tpu.memory_space<vmem>>, vector<16xf32>,
            %add3A_1422 = arith.addf %get3A_1419, %get3A_1421 : vector<16xf32>
            %gt3A_1423 = arith.cmpf ogt, %add3A_1422, %select_n3A_1414 : vector<16xf32>
            %gt3A_1424 = arith.cmpf ogt, %add3A_1422, %select_n3A_1409 : vector<16xf32>
            %gt3A_1425 = arith.cmpf ogt, %add3A_1422, %select_n3A_1403 : vector<16xf32>
            %select_n3A_1426 = arith.select %gt3A_1425, %add3A_1422, %select_n3A_1403 : vector<16xi1>, vector<16xf32>
            %select_n3A_1427 = arith.select %gt3A_1424, %select_n3A_1409, %select_n3A_1426 : vector<16xi1>, vector<16xf32>
            %jit3A_1428 = arith.constant 30 : i32
            %broadcast_in_dim3A_1429 = vector.broadcast %jit3A_1428 : i32 to vector<16xi32>
            %select_n3A_1430 = arith.select %gt3A_1425, %broadcast_in_dim3A_1429, %select_n3A_1407 : vector<16xi1>, vector<16xi32>
            %select_n3A_1431 = arith.select %gt3A_1424, %select_n3A_1413, %select_n3A_1430 : vector<16xi1>, vector<16xi32>
            %select_n3A_1432 = arith.select %gt3A_1424, %add3A_1422, %select_n3A_1409 : vector<16xi1>, vector<16xf32>
            %select_n3A_1433 = arith.select %gt3A_1423, %select_n3A_1414, %select_n3A_1432 : vector<16xi1>, vector<16xf32>
            %jit3A_1434 = arith.constant 30 : i32
            %broadcast_in_dim3A_1435 = vector.broadcast %jit3A_1434 : i32 to vector<16xi32>
            %select_n3A_1436 = arith.select %gt3A_1424, %broadcast_in_dim3A_1435, %select_n3A_1413 : vector<16xi1>, vector<16xi32>
            %select_n3A_1437 = arith.select %gt3A_1423, %select_n3A_1417, %select_n3A_1436 : vector<16xi1>, vector<16xi32>
            %select_n3A_1438 = arith.select %gt3A_1423, %add3A_1422, %select_n3A_1414 : vector<16xi1>, vector<16xf32>
            %jit3A_1439 = arith.constant 30 : i32
            %broadcast_in_dim3A_1440 = vector.broadcast %jit3A_1439 : i32 to vector<16xi32>
            %select_n3A_1441 = arith.select %gt3A_1423, %broadcast_in_dim3A_1440, %select_n3A_1417 : vector<16xi1>, vector<16xi32>
            %get3A_1442 = arith.constant 496 : index
            %get3A_1443 = tpu.vector_load %arg15[%get3A_1442] {strides = array<i32>} : memref<512xf32, #tpu.memory_space<vmem>>, vector<16xf32>,
            %get3A_1444 = arith.constant 496 : index
            %get3A_1445 = tpu.vector_load %arg14[%get3A_1444] {strides = array<i32>} : memref<512xf32, #tpu.memory_space<vmem>>, vector<16xf32>,
            %add3A_1446 = arith.addf %get3A_1443, %get3A_1445 : vector<16xf32>
            %gt3A_1447 = arith.cmpf ogt, %add3A_1446, %select_n3A_1438 : vector<16xf32>
            %gt3A_1448 = arith.cmpf ogt, %add3A_1446, %select_n3A_1433 : vector<16xf32>
            %gt3A_1449 = arith.cmpf ogt, %add3A_1446, %select_n3A_1427 : vector<16xf32>
            %select_n3A_1450 = arith.select %gt3A_1449, %add3A_1446, %select_n3A_1427 : vector<16xi1>, vector<16xf32>
            %select_n3A_1451 = arith.select %gt3A_1448, %select_n3A_1433, %select_n3A_1450 : vector<16xi1>, vector<16xf32>
            %jit3A_1452 = arith.constant 31 : i32
            %broadcast_in_dim3A_1453 = vector.broadcast %jit3A_1452 : i32 to vector<16xi32>
            %select_n3A_1454 = arith.select %gt3A_1449, %broadcast_in_dim3A_1453, %select_n3A_1431 : vector<16xi1>, vector<16xi32>
            %select_n3A_1455 = arith.select %gt3A_1448, %select_n3A_1437, %select_n3A_1454 : vector<16xi1>, vector<16xi32>
            %select_n3A_1456 = arith.select %gt3A_1448, %add3A_1446, %select_n3A_1433 : vector<16xi1>, vector<16xf32>
            %select_n3A_1457 = arith.select %gt3A_1447, %select_n3A_1438, %select_n3A_1456 : vector<16xi1>, vector<16xf32>
            %jit3A_1458 = arith.constant 31 : i32
            %broadcast_in_dim3A_1459 = vector.broadcast %jit3A_1458 : i32 to vector<16xi32>
            %select_n3A_1460 = arith.select %gt3A_1448, %broadcast_in_dim3A_1459, %select_n3A_1437 : vector<16xi1>, vector<16xi32>
            %select_n3A_1461 = arith.select %gt3A_1447, %select_n3A_1441, %select_n3A_1460 : vector<16xi1>, vector<16xi32>
            %select_n3A_1462 = arith.select %gt3A_1447, %add3A_1446, %select_n3A_1438 : vector<16xi1>, vector<16xf32>
            %jit3A_1463 = arith.constant 31 : i32
            %broadcast_in_dim3A_1464 = vector.broadcast %jit3A_1463 : i32 to vector<16xi32>
            %select_n3A_1465 = arith.select %gt3A_1447, %broadcast_in_dim3A_1464, %select_n3A_1441 : vector<16xi1>, vector<16xi32>
            %reduce_max3A_1466 = arith.constant true
            %reduce_max3A_1467 = vector.broadcast %reduce_max3A_1466 : i1 to vector<16xi1>
            %reduce_max3A_1468 = tpu.scan <max>, %select_n3A_1462 masked %reduce_max3A_1467 : vector<16xf32>, vector<16xi1> -> vector<16xf32>
            %reduce_max3A_1469 = vector.extract %reduce_max3A_1468[15] : f32 from vector<16xf32>
            %eq3A_1470 = vector.broadcast %reduce_max3A_1469 : f32 to vector<16xf32>
            %eq3A_1471 = arith.cmpf oeq, %select_n3A_1462, %eq3A_1470 : vector<16xf32>
            %mul3A_1472 = arith.constant 16 : i32
            %mul3A_1473 = vector.broadcast %mul3A_1472 : i32 to vector<16xi32>
            %mul3A_1474 = arith.muli %select_n3A_1465, %mul3A_1473 : vector<16xi32>
            %add3A_1475 = arith.addi %mul3A_1474, %iota3A : vector<16xi32>
            %jit3A_1476 = arith.constant 512 : i32
            %broadcast_in_dim3A_1477 = vector.broadcast %jit3A_1476 : i32 to vector<16xi32>
            %select_n3A_1478 = arith.select %eq3A_1471, %add3A_1475, %broadcast_in_dim3A_1477 : vector<16xi1>, vector<16xi32>
            %reduce_min3A_1479 = arith.constant true
            %reduce_min3A_1480 = vector.broadcast %reduce_min3A_1479 : i1 to vector<16xi1>
            %reduce_min3A_1481 = arith.constant -2147483648 : i32
            %reduce_min3A_1482 = vector.broadcast %reduce_min3A_1481 : i32 to vector<16xi32>
            %reduce_min3A_1483 = arith.xori %select_n3A_1478, %reduce_min3A_1482 : vector<16xi32>
            %reduce_min3A_1484 = tpu.scan <min>, %reduce_min3A_1483 masked %reduce_min3A_1480 : vector<16xi32>, vector<16xi1> -> vector<16xi32>
            %reduce_min3A_1485 = arith.xori %reduce_min3A_1484, %reduce_min3A_1482 : vector<16xi32>
            %reduce_min3A_1486 = vector.extract %reduce_min3A_1485[15] : i32 from vector<16xi32>
            %and3A_1487 = arith.constant 15 : i32
            %and3A_1488 = arith.andi %reduce_min3A_1486, %and3A_1487 : i32
            %eq3A_1489 = vector.broadcast %and3A_1488 : i32 to vector<16xi32>
            %eq3A_1490 = arith.cmpi eq, %iota3A, %eq3A_1489 : vector<16xi32>
            %select_n3A_1491 = arith.select %eq3A_1490, %select_n3A_1457, %select_n3A_1462 : vector<16xi1>, vector<16xf32>
            %select_n3A_1492 = arith.select %eq3A_1490, %select_n3A_1461, %select_n3A_1465 : vector<16xi1>, vector<16xi32>
            %select_n3A_1493 = arith.select %eq3A_1490, %select_n3A_1451, %select_n3A_1457 : vector<16xi1>, vector<16xf32>
            %select_n3A_1494 = arith.select %eq3A_1490, %select_n3A_1455, %select_n3A_1461 : vector<16xi1>, vector<16xi32>
            %reduce_max3A_1495 = arith.constant true
            %reduce_max3A_1496 = vector.broadcast %reduce_max3A_1495 : i1 to vector<16xi1>
            %reduce_max3A_1497 = tpu.scan <max>, %select_n3A_1491 masked %reduce_max3A_1496 : vector<16xf32>, vector<16xi1> -> vector<16xf32>
            %reduce_max3A_1498 = vector.extract %reduce_max3A_1497[15] : f32 from vector<16xf32>
            %eq3A_1499 = vector.broadcast %reduce_max3A_1498 : f32 to vector<16xf32>
            %eq3A_1500 = arith.cmpf oeq, %select_n3A_1491, %eq3A_1499 : vector<16xf32>
            %mul3A_1501 = arith.constant 16 : i32
            %mul3A_1502 = vector.broadcast %mul3A_1501 : i32 to vector<16xi32>
            %mul3A_1503 = arith.muli %select_n3A_1492, %mul3A_1502 : vector<16xi32>
            %add3A_1504 = arith.addi %mul3A_1503, %iota3A : vector<16xi32>
            %jit3A_1505 = arith.constant 512 : i32
            %broadcast_in_dim3A_1506 = vector.broadcast %jit3A_1505 : i32 to vector<16xi32>
            %select_n3A_1507 = arith.select %eq3A_1500, %add3A_1504, %broadcast_in_dim3A_1506 : vector<16xi1>, vector<16xi32>
            %reduce_min3A_1508 = arith.constant true
            %reduce_min3A_1509 = vector.broadcast %reduce_min3A_1508 : i1 to vector<16xi1>
            %reduce_min3A_1510 = arith.constant -2147483648 : i32
            %reduce_min3A_1511 = vector.broadcast %reduce_min3A_1510 : i32 to vector<16xi32>
            %reduce_min3A_1512 = arith.xori %select_n3A_1507, %reduce_min3A_1511 : vector<16xi32>
            %reduce_min3A_1513 = tpu.scan <min>, %reduce_min3A_1512 masked %reduce_min3A_1509 : vector<16xi32>, vector<16xi1> -> vector<16xi32>
            %reduce_min3A_1514 = arith.xori %reduce_min3A_1513, %reduce_min3A_1511 : vector<16xi32>
            %reduce_min3A_1515 = vector.extract %reduce_min3A_1514[15] : i32 from vector<16xi32>
            %and3A_1516 = arith.constant 15 : i32
            %and3A_1517 = arith.andi %reduce_min3A_1515, %and3A_1516 : i32
            %eq3A_1518 = vector.broadcast %and3A_1517 : i32 to vector<16xi32>
            %eq3A_1519 = arith.cmpi eq, %iota3A, %eq3A_1518 : vector<16xi32>
            %select_n3A_1520 = arith.select %eq3A_1519, %select_n3A_1493, %select_n3A_1491 : vector<16xi1>, vector<16xf32>
            %select_n3A_1521 = arith.select %eq3A_1519, %select_n3A_1494, %select_n3A_1492 : vector<16xi1>, vector<16xi32>
            %reduce_max3A_1522 = arith.constant true
            %reduce_max3A_1523 = vector.broadcast %reduce_max3A_1522 : i1 to vector<16xi1>
            %reduce_max3A_1524 = tpu.scan <max>, %select_n3A_1520 masked %reduce_max3A_1523 : vector<16xf32>, vector<16xi1> -> vector<16xf32>
            %reduce_max3A_1525 = vector.extract %reduce_max3A_1524[15] : f32 from vector<16xf32>
            %eq3A_1526 = vector.broadcast %reduce_max3A_1525 : f32 to vector<16xf32>
            %eq3A_1527 = arith.cmpf oeq, %select_n3A_1520, %eq3A_1526 : vector<16xf32>
            %mul3A_1528 = arith.constant 16 : i32
            %mul3A_1529 = vector.broadcast %mul3A_1528 : i32 to vector<16xi32>
            %mul3A_1530 = arith.muli %select_n3A_1521, %mul3A_1529 : vector<16xi32>
            %add3A_1531 = arith.addi %mul3A_1530, %iota3A : vector<16xi32>
            %jit3A_1532 = arith.constant 512 : i32
            %broadcast_in_dim3A_1533 = vector.broadcast %jit3A_1532 : i32 to vector<16xi32>
            %select_n3A_1534 = arith.select %eq3A_1527, %add3A_1531, %broadcast_in_dim3A_1533 : vector<16xi1>, vector<16xi32>
            %reduce_min3A_1535 = arith.constant true
            %reduce_min3A_1536 = vector.broadcast %reduce_min3A_1535 : i1 to vector<16xi1>
            %reduce_min3A_1537 = arith.constant -2147483648 : i32
            %reduce_min3A_1538 = vector.broadcast %reduce_min3A_1537 : i32 to vector<16xi32>
            %reduce_min3A_1539 = arith.xori %select_n3A_1534, %reduce_min3A_1538 : vector<16xi32>
            %reduce_min3A_1540 = tpu.scan <min>, %reduce_min3A_1539 masked %reduce_min3A_1536 : vector<16xi32>, vector<16xi1> -> vector<16xi32>
            %reduce_min3A_1541 = arith.xori %reduce_min3A_1540, %reduce_min3A_1538 : vector<16xi32>
            %reduce_min3A_1542 = vector.extract %reduce_min3A_1541[15] : i32 from vector<16xi32>
            %eq3A_1543 = vector.broadcast %reduce_min3A_598 : i32 to vector<16xi32>
            %eq3A_1544 = arith.cmpi eq, %iota3A, %eq3A_1543 : vector<16xi32>
            %broadcast_in_dim3A_1545 = vector.broadcast %reduce_max3A_1469 : f32 to vector<16xf32>
            %select_n3A_1546 = arith.select %eq3A_1544, %broadcast_in_dim3A_1545, %get3A_585 : vector<16xi1>, vector<16xf32>
            %mul3A_1547 = arith.constant 16 : i32
            %mul3A_1548 = arith.muli %reduce_min3A_562, %mul3A_1547 : i32
            %swap3A_1549 = arith.index_cast %mul3A_1548 : i32 to index
            %swap3A_1550 = tpu.vector_load %arg10[%swap3A_1549] {strides = array<i32>} : memref<512xf32, #tpu.memory_space<vmem>>, vector<16xf32>,
            tpu.vector_store %arg10[%swap3A_1549], %select_n3A_1546 {strides = array<i32>} : memref<512xf32, #tpu.memory_space<vmem>>, vector<16xf32>,
            %shift_left3A = arith.constant 9 : i32
            %shift_left3A_1551 = arith.shli %reduce_min3A_1515, %shift_left3A : i32
            %or3A = arith.ori %reduce_min3A_1486, %shift_left3A_1551 : i32
            %shift_left3A_1552 = arith.constant 18 : i32
            %shift_left3A_1553 = arith.shli %reduce_min3A_1542, %shift_left3A_1552 : i32
            %or3A_1554 = arith.ori %or3A, %shift_left3A_1553 : i32
            %swap3A_1555 = arith.index_cast %add3A_601 : i32 to index
            %swap3A_1556 = memref.load %arg21[%swap3A_1555] : memref<512xi32, #tpu.memory_space<smem>>
            memref.store %or3A_1554, %arg21[%swap3A_1555] : memref<512xi32, #tpu.memory_space<smem>>
            %swap3A_1557 = arith.index_cast %add3A_601 : i32 to index
            %swap3A_1558 = memref.load %arg22[%swap3A_1557] : memref<512xf32, #tpu.memory_space<smem>>
            memref.store %reduce_max3A_1498, %arg22[%swap3A_1557] : memref<512xf32, #tpu.memory_space<smem>>
            %jit3A_1559 = arith.constant 16 : i32
            %div3A = arith.divsi %add3A_601, %jit3A_1559 : i32
            %sign3A = arith.constant 0 : i32
            %sign3A_1560 = arith.cmpi sgt, %add3A_601, %sign3A : i32
            %sign3A_1561 = arith.extui %sign3A_1560 : i1 to i32
            %sign3A_1562 = arith.constant 0 : i32
            %sign3A_1563 = arith.cmpi slt, %add3A_601, %sign3A_1562 : i32
            %sign3A_1564 = arith.extui %sign3A_1563 : i1 to i32
            %sign3A_1565 = arith.subi %sign3A_1561, %sign3A_1564 : i32
            %sign3A_1566 = arith.constant 0 : i32
            %sign3A_1567 = arith.cmpi sgt, %jit3A_1559, %sign3A_1566 : i32
            %sign3A_1568 = arith.extui %sign3A_1567 : i1 to i32
            %sign3A_1569 = arith.constant 0 : i32
            %sign3A_1570 = arith.cmpi slt, %jit3A_1559, %sign3A_1569 : i32
            %sign3A_1571 = arith.extui %sign3A_1570 : i1 to i32
            %sign3A_1572 = arith.subi %sign3A_1568, %sign3A_1571 : i32
            %ne3A = arith.cmpi ne, %sign3A_1565, %sign3A_1572 : i32
            %rem3A = arith.remsi %add3A_601, %jit3A_1559 : i32
            %ne3A_1573 = arith.constant 0 : i32
            %ne3A_1574 = arith.cmpi ne, %rem3A, %ne3A_1573 : i32
            %and3A_1575 = arith.andi %ne3A, %ne3A_1574 : i1
            %sub3A = arith.constant 1 : i32
            %sub3A_1576 = arith.subi %div3A, %sub3A : i32
            %select_n3A_1577 = arith.select %and3A_1575, %sub3A_1576, %div3A : i32
            %mul3A_1578 = arith.constant 16 : i32
            %mul3A_1579 = arith.muli %select_n3A_1577, %mul3A_1578 : i32
            %get3A_1580 = arith.index_cast %mul3A_1579 : i32 to index
            %get3A_1581 = tpu.vector_load %arg13[%get3A_1580] {strides = array<i32>} : memref<512xf32, #tpu.memory_space<vmem>>, vector<16xf32>,
            %sub3A_1582 = arith.subi %add3A_601, %mul3A_1579 : i32
            %eq3A_1583 = vector.broadcast %sub3A_1582 : i32 to vector<16xi32>
            %eq3A_1584 = arith.cmpi eq, %iota3A, %eq3A_1583 : vector<16xi32>
            %broadcast_in_dim3A_1585 = vector.broadcast %reduce_max3A_1525 : f32 to vector<16xf32>
            %select_n3A_1586 = arith.select %eq3A_1584, %broadcast_in_dim3A_1585, %get3A_1581 : vector<16xi1>, vector<16xf32>
            %swap3A_1587 = arith.index_cast %mul3A_1579 : i32 to index
            %swap3A_1588 = tpu.vector_load %arg13[%swap3A_1587] {strides = array<i32>} : memref<512xf32, #tpu.memory_space<vmem>>, vector<16xf32>,
            tpu.vector_store %arg13[%swap3A_1587], %select_n3A_1586 {strides = array<i32>} : memref<512xf32, #tpu.memory_space<vmem>>, vector<16xf32>,
          } else {
          }
        } else {
        }
        %mul3A_617 = arith.constant 16 : i32
        %mul3A_618 = arith.muli %reduce_min3A_562, %mul3A_617 : i32
        %get3A_619 = arith.index_cast %mul3A_618 : i32 to index
        %get3A_620 = tpu.vector_load %arg10[%get3A_619] {strides = array<i32>} : memref<512xf32, #tpu.memory_space<vmem>>, vector<16xf32>,
        %reduce_max3A_621 = arith.constant true
        %reduce_max3A_622 = vector.broadcast %reduce_max3A_621 : i1 to vector<16xi1>
        %reduce_max3A_623 = tpu.scan <max>, %get3A_620 masked %reduce_max3A_622 : vector<16xf32>, vector<16xi1> -> vector<16xf32>
        %reduce_max3A_624 = vector.extract %reduce_max3A_623[15] : f32 from vector<16xf32>
        %broadcast_in_dim3A_625 = vector.broadcast %reduce_max3A_624 : f32 to vector<16xf32>
        %select_n3A_626 = arith.select %and3A_569, %broadcast_in_dim3A_625, %while3A_545 : vector<16xi1>, vector<16xf32>
        %broadcast_in_dim3A_627 = vector.broadcast %reduce_max3A_624 : f32 to vector<16xf32>
        %select_n3A_628 = arith.select %and3A_572, %broadcast_in_dim3A_627, %while3A_546 : vector<16xi1>, vector<16xf32>
        %max3A_629 = arith.maximumf %reduce_max3A_581, %reduce_max3A_624 : f32
        %convert_element_type3A_630 = arith.extui %eq3A_609 : i1 to i32
        %add3A_631 = arith.addi %while3A_542, %convert_element_type3A_630 : i32
        %jit3A_632 = arith.constant 0.000000e+00 : f32
        %select_n3A_633 = arith.select %eq3A_609, %while3A_544, %jit3A_632 : f32
        %add3A_634 = arith.addf %while3A_543, %select_n3A_633 : f32
        scf.yield %add3A_631, %add3A_634, %max3A_629, %select_n3A_626, %select_n3A_628 : i32, f32, f32, vector<16xf32>, vector<16xf32>
      }
      %mul3A_532 = arith.constant 0.001953125 : f32
      %mul3A_533 = arith.mulf %while3A_531#1, %mul3A_532 : f32
      %broadcast_in_dim3A_534 = vector.broadcast %mul3A_533 : f32 to vector<16xf32>
      %swap3A_535 = arith.constant 0 : index
      %swap3A_536 = tpu.vector_load %arg20[%swap3A_535] {strides = array<i32>} : memref<16xf32, #tpu.memory_space<vmem>>, vector<16xf32>,
      tpu.vector_store %arg20[%swap3A_535], %broadcast_in_dim3A_534 {strides = array<i32>} : memref<16xf32, #tpu.memory_space<vmem>>, vector<16xf32>,
      %eq3A_537 = arith.constant 0 : i32
      %eq3A_538 = arith.cmpi eq, %arg0, %eq3A_537 : i32
      %convert_element_type3A_539 = arith.extui %eq3A_538 : i1 to i32
      %cond3A_540 = arith.constant 0 : i32
      %cond3A_541 = arith.cmpi ne, %convert_element_type3A_539, %cond3A_540 : i32
      scf.if %cond3A_541 {
        "tpu.region"() ({
          %run_scoped3A = tpu.sem_alloc : memref<!tpu.dma_semaphore, #tpu.memory_space<semaphore_mem>>
          tpu.enqueue_dma source(%arg20 : memref<16xf32, #tpu.memory_space<vmem>>) target(%arg3 : memref<16xf32, #tpu.memory_space<hbm>>) target_semaphore(%run_scoped3A : memref<!tpu.dma_semaphore, #tpu.memory_space<semaphore_mem>>)
          tpu.wait_dma2 semaphore(%run_scoped3A : memref<!tpu.dma_semaphore, #tpu.memory_space<semaphore_mem>>) src(%arg20 : memref<16xf32, #tpu.memory_space<vmem>>) dst(%arg3 : memref<16xf32, #tpu.memory_space<hbm>>)
          tpu.yield
        }) : () -> ()
      } else {
      }
    } else {
    }
    return
  }
}

module attributes {stable_mosaic.version = 14 : i64} {
  func.func @_mm_body(%arg0: memref<512x256xf32, #tpu.memory_space<vmem>>, %arg1: memref<512x256xf32, #tpu.memory_space<vmem>>, %arg2: memref<512x512xf32, #tpu.memory_space<vmem>>) attributes {dimension_semantics = [], scalar_prefetch = 0 : i64, scratch_operands = 0 : i64, tpu.core_type = #tpu.core_type<tc>} {
    %get3A = arith.constant 0 : index
    %get3A_0 = arith.constant 0 : index
    %get3A_1 = vector.load %arg0[%get3A, %get3A_0] : memref<512x256xf32, #tpu.memory_space<vmem>>, vector<512x256xf32>
    %get3A_2 = arith.constant 0 : index
    %get3A_3 = arith.constant 0 : index
    %get3A_4 = vector.load %arg1[%get3A_2, %get3A_3] : memref<512x256xf32, #tpu.memory_space<vmem>>, vector<512x256xf32>
    %dot_general3A = arith.constant dense<0.000000e+00> : vector<512x512xf32>
    %dot_general3A_5 = tpu.matmul %get3A_1, %get3A_4, %dot_general3A {dimension_numbers = #tpu.dot_dimension_numbers<[1], [1], [0], [0], [0, 0, 1, 0], [], []>, transpose_lhs_hint = false} : vector<512x256xf32>, vector<512x256xf32>, vector<512x512xf32> -> vector<512x512xf32>
    %swap3A = arith.constant 0 : index
    %swap3A_6 = arith.constant 0 : index
    %swap3A_7 = vector.load %arg2[%swap3A, %swap3A_6] : memref<512x512xf32, #tpu.memory_space<vmem>>, vector<512x512xf32>
    tpu.vector_store %arg2[%swap3A, %swap3A_6], %dot_general3A_5 {strides = array<i32>} : memref<512x512xf32, #tpu.memory_space<vmem>>, vector<512x512xf32>,
    return
  }
}

</mosaic_0001>

<sc_bundles>
// kernel: kernel.4.cloned.1.call-start
scs
__scs_entry_jumppad:
0x0: {  	(pc) =	sbr.rel $0x88, $3  }
0x1: {  	(tag) =	ssettag $0x0;
	lr =	simm.s32 $0x1  }
0x2: {  	[smem:$0x3F9F] =	sst lr;
	_ =	strace $0xD0000000  }
0x3: {  	_ = 	snop  }
0x4: {  	_ = 	snop  }
0x5: {  	_ = 	snop  }
0x6: {  	_ = 	snop  }
0x7: {  	_ = 	snop  }
__scs_overlays_trampoline_lowered:
0x8: {  	[smem:$0x3FAE] =	sst s0  }
0x9: {  	[smem:$0x3FAF] =	sst s1  }
0xa: {  	[smem:$0x3FB0] =	sst s2  }
0xb: {  	[smem:$0x3FB1] =	sst s3  }
0xc: {  	[smem:$0x3FB2] =	sst s4  }
0xd: {  	[smem:$0x3FB3] =	sst s5  }
0xe: {  	[smem:$0x3FB4] =	sst s6  }
0xf: {  	[smem:$0x3FB5] =	sst s7  }
0x10: {  	[smem:$0x3FB6] =	sst s8  }
0x11: {  	[smem:$0x3FB7] =	sst s9;
	s0 =	simm.s32 @!p0 $0x0  }
0x12: {  	s1 =	sld [smem:$0x3F9D];
	s0 =	simm.s32 @p0 $0x1  }
0x13: {  	[smem:$0x3FB8] =	sst s0;
	s0 =	simm.s32 @!p1 $0x0  }
0x14: {  	s2 =	sld [smem:$0x3F9C];
	s0 =	simm.s32 @p1 $0x1  }
0x15: {  	[smem:$0x3FB9] =	sst s0;
	s0 =	simm.s32 @!p2 $0x0  }
0x16: {  	s3 =	sld [smem:$0x3FDB];
	s0 =	simm.s32 @p2 $0x1  }
0x17: {  	s4 =	simm.s32 $0x1BF5;
	[smem:$0x3FBB] =	sst s0  }
0x18: {  	s0 =	sld [smem:$0x3F9E];
	_ =	swait.ge [sflag:s4], $0x0  }
0x19: {  	s7 =	sld [smem:$0x3F9F]  }
0x1a: {  	s8 =	sadd.s32 $0xFFFFE003, lr  }
0x1b: {  	s9 =	sadd.s32 $0xFFFFFEF7, lr;
	s5 =	simm.s32 $0xFFFFFFFF;
	p2 =	slt.u32 s8, $0xFFFFF086  }
0x1c: {  	p1 =	slt.u32 s9, $0xF7A;
	s5 =	simm.s32 @!p2 $0x0  }
0x1d: {  	s5 =	simm.s32 @p1 $0x1;
	p0 =	seq.s32 s7, s2  }
0x1e: {  	s7 =	smul.u32 @!p0 $0xF7A, s2;
	p2 =	seq.s32 @!p0 s5, $0x0  }
0x1f: {  	s9 =	smul.u32 $0xF7A, s1;
	s8 =	simm.s32 @!p0 $0x1BF5;
	p2 =	por !p2, p0  }
0x20: {  	[sflag:s8] =	ssyncset.s32 @!p0 $0xFFFFF086;
	s6 =	sadd.s32 @!p0 s3, s7;
	s7 =	simm.s32 @!p0 $0x108  }
0x21: {  	s3 =	sadd.s32 s3, s9;
	s6 =	sadd.s32 @!p0 $0x88, s6;
	s7 =	simm.s32 @p2 $0x1082  }
0x22: {  	[simem:s7], [sflag:s8] =	dma.local @!p0 [hbm:s6], $0xF7A  }
0x23: {  	s9 =	sor.u32 $0xD0000000, s2;
	s6 =	simm.s32 $0x108;
	_ =	swait.ge @!p0 [sflag:s8], $0x0  }
0x24: {  	s3 =	sadd.s32 $0x88, s3;
	s6 =	simm.s32 @!p1 $0x1082;
	[sflag:s4] =	ssyncset.s32 $0xFFFFF086  }
0x25: {  	[simem:s6], [sflag:s4] =	dma.local [hbm:s3], $0xF7A  }
0x26: {  	[smem:$0x3F9F] =	sst s1;
	(tag) =	ssettag s2;
	_ =	strace s9  }
0x27: {  	s1 =	sld [smem:$0x3FAF]  }
0x28: {  	s2 =	sld [smem:$0x3FB0]  }
0x29: {  	s4 =	sld [smem:$0x3FB2]  }
0x2a: {  	p0 =	seq.s32 s5, $0x0;
	s5 =	sld [smem:$0x3FB3]  }
0x2b: {  	s6 =	sld [smem:$0x3FB4]  }
0x2c: {  	s7 =	sld [smem:$0x3FB5]  }
0x2d: {  	s3 =	simm.s32 $0x108;
	s8 =	sld [smem:$0x3FB6]  }
0x2e: {  	s3 =	simm.s32 @!p0 $0x1082;
	s9 =	sld [smem:$0x3FB7]  }
0x2f: {  	lr =	sadd.s32 s0, s3;
	s0 =	sld [smem:$0x3FAE]  }
0x30: {  	s3 =	sld [smem:$0x3FB1]  }
0x31: {  	[smem:$0x3FBA] =	sst s10  }
0x32: {  	s10 =	sld [smem:$0x3FB8];
	_ =	sdelay $0x3  }
0x33: {  	p0 =	seq.s32 s10, $0x1;
	s10 =	sld [smem:$0x3FBA];
	_ =	sdelay $0x3  }
0x34: {  	[smem:$0x3FBA] =	sst s10  }
0x35: {  	s10 =	sld [smem:$0x3FB9];
	_ =	sdelay $0x3  }
0x36: {  	p1 =	seq.s32 s10, $0x1;
	s10 =	sld [smem:$0x3FBA];
	_ =	sdelay $0x3  }
0x37: {  	[smem:$0x3FBA] =	sst s10  }
0x38: {  	s10 =	sld [smem:$0x3FBB]  }
0x39: {  	_ = 	snop;
	(pc) =	sbr.ind lr, $3  }
0x3a: {  	_ = 	snop  }
0x3b: {  	_ = 	snop  }
0x3c: {  	p2 =	seq.s32 s10, $0x1;
	s10 =	sld [smem:$0x3FBA]  }
0x3d: {  	_ =	shalt  }
0x3e: {  	_ =	shalt  }
0x3f: {  	_ =	shalt  }
0x40: {  	_ =	shalt  }
0x41: {  	_ =	shalt  }
0x42: {  	_ =	shalt  }
0x43: {  	_ =	shalt  }
0x44: {  	_ =	shalt  }
0x45: {  	_ =	shalt  }
0x46: {  	_ =	shalt  }
0x47: {  	_ =	shalt  }
0x48: {  	_ =	shalt  }
0x49: {  	_ =	shalt  }
0x4a: {  	_ =	shalt  }
0x4b: {  	_ =	shalt  }
0x4c: {  	_ =	shalt  }
0x4d: {  	_ =	shalt  }
0x4e: {  	_ =	shalt  }
0x4f: {  	_ =	shalt  }
0x50: {  	_ =	shalt  }
0x51: {  	_ =	shalt  }
0x52: {  	_ =	shalt  }
0x53: {  	_ =	shalt  }
0x54: {  	_ =	shalt  }
0x55: {  	_ =	shalt  }
0x56: {  	_ =	shalt  }
0x57: {  	_ =	shalt  }
0x58: {  	_ =	shalt  }
0x59: {  	_ =	shalt  }
0x5a: {  	_ =	shalt  }
0x5b: {  	_ =	shalt  }
0x5c: {  	_ =	shalt  }
0x5d: {  	_ =	shalt  }
0x5e: {  	_ =	shalt  }
0x5f: {  	_ =	shalt  }
0x60: {  	_ =	shalt  }
0x61: {  	_ =	shalt  }
0x62: {  	_ =	shalt  }
0x63: {  	_ =	shalt  }
0x64: {  	_ =	shalt  }
0x65: {  	_ =	shalt  }
0x66: {  	_ =	shalt  }
0x67: {  	_ =	shalt  }
0x68: {  	_ =	shalt  }
0x69: {  	_ =	shalt  }
0x6a: {  	_ =	shalt  }
0x6b: {  	_ =	shalt  }
0x6c: {  	_ =	shalt  }
0x6d: {  	_ =	shalt  }
0x6e: {  	_ =	shalt  }
0x6f: {  	_ =	shalt  }
0x70: {  	_ =	shalt  }
0x71: {  	_ =	shalt  }
0x72: {  	_ =	shalt  }
0x73: {  	_ =	shalt  }
0x74: {  	_ =	shalt  }
0x75: {  	_ =	shalt  }
0x76: {  	_ =	shalt  }
0x77: {  	_ =	shalt  }
0x78: {  	_ =	shalt  }
0x79: {  	_ =	shalt  }
0x7a: {  	_ =	shalt  }
0x7b: {  	_ =	shalt  }
0x7c: {  	_ =	shalt  }
0x7d: {  	_ =	shalt  }
0x7e: {  	_ =	shalt  }
0x7f: {  	_ =	shalt  }
0x80: {  	_ =	shalt  }
0x81: {  	_ =	shalt  }
0x82: {  	_ =	shalt  }
0x83: {  	_ =	shalt  }
0x84: {  	_ =	shalt  }
0x85: {  	_ =	shalt  }
0x86: {  	_ =	shalt  }
0x87: {  	_ =	shalt  }
.Lfunc_end0:
.L_simem_size_0:
called_computation_lowered:
.L_overlay_start_0:
0x88: {  	s2 =	sld [smem:$0x3FD9]  }
0x89: {  	s3 =	sld [smem:$0x3FFE];
	_ =	sdelay $0x1  }
0x8a: {  	s1 =	srdreg.scid  }
0x8b: {  	s0 =	sand.u32 $0x1, s1  }
0x8c: {  	s17 =	sshll.u32 s0, $0xA;
	s2 =	sadd.s32 s3, s2  }
0x8d: {  	s2 =	sadd.s32 s2, s17  }
0x8e: {  	[smem:$0x3FC6] =	sst s2  }
0x8f: {  	_ = 	snop  }
0x90: {  	s2 =	sld [smem:$0x3FD0];
	(tm) =	ssettm $0x1  }
0x91: {  	s18 =	sld [smem:$0x3FFB];
	_ =	sdelay $0x3  }
0x92: {  	_ =	strace s18  }
0x93: {  	s3 =	sld [smem:$0x3FFC];
	_ =	sdelay $0x3  }
0x94: {  	_ =	strace s3  }
0x95: {  	s3 =	sld [smem:$0x3FFD];
	_ =	sdelay $0x3  }
0x96: {  	_ =	strace s3  }
0x97: {  	_ =	strace $0x8FFFFFFF  }
0x98: {  	s19 =	sld [smem:$0x3FDB];
	_ =	sdelay $0x1  }
0x99: {  	s4 =	simm.s32 $_scs_section_size  }
0x9a: {  	s5 =	simm.s32 $_size__tile_overlayer_lowered;
	s6 =	simm.s32 $_tile_overlayer_lowered  }
0x9b: {  	s22 =	simm.s32 $0x1BFF;
	s21 =	sshll.u32 s6, $0x1;
	s3 =	sadd.s32 s4, s19  }
0x9c: {  	s7 =	simm.s32 $0x0;
	s20 =	sshll.u32 s5, $0x1;
	s5 =	sadd.s32 s21, s3  }
0x9d: {  	[timem:s7], [sflag:s22] =	dma.local [hbm:s5], s20  }
0x9e: {  	_ =	swait.ge [sflag:s22], s20  }
0x9f: {  	s4 =	ssub.s32 $0x0, s20;
	[sflag:s22] =	ssyncset.done $0x0  }
0xa0: {  	[sflag:s22] =	ssyncadd.s32 s4;
	_ =	sdelay $0x1  }
0xa1: {  	s23 =	simm.s32 $0x1B8B  }
0xa2: {  	_ =	swait.ge [sflag:s23], $0x1  }
0xa3: {  	[sflag:s23] =	ssyncset.done $0x0  }
0xa4: {  	s25 =	simm.s32 $0x1B8E;
	s24 =	sld [smem:$0x3FFE];
	[sflag:s23] =	ssyncadd.s32 $0xFFFFFFFF  }
0xa5: {  	s26 =	simm.s32 $execute0_lowered;
	[smem:$0x3FD2] =	sst s25  }
0xa6: {  	s5 =	sshll.u32 s26, $0x1;
	_ =	strace $0x80000046;
	[dreg:$0x1] =	wrdreg $0xFFFFFFFF  }
0xa7: {  	s28 =	simm.s32 $_size_execute0_lowered;
	s3 =	sadd.s32 s3, s5;
	[dreg:$0x0] =	wrdreg $0x0  }
0xa8: {  	s5 =	sshll.u32 s28, $0x1;
	[dreg:$0x2] =	wrdreg s3  }
0xa9: {  	[dreg:$0x3] =	wrdreg s5  }
0xaa: {  	[dreg:$0x4] =	wrdreg $0xC0  }
0xab: {  	_ =	task [dreg:s7], $0x5FFFF  }
0xac: {  	[dreg:$0x1] =	wrdreg $0xFFFFFFFF  }
0xad: {  	[dreg:$0x0] =	wrdreg $0x60  }
0xae: {  	[dreg:$0x2] =	wrdreg s24  }
0xaf: {  	[dreg:$0x3] =	wrdreg s2  }
0xb0: {  	[dreg:$0x4] =	wrdreg $0x0  }
0xb1: {  	[dreg:$0x5] =	wrdreg $0x40000  }
0xb2: {  	[dreg:$0x6] =	wrdreg $0x40200  }
0xb3: {  	[dreg:$0x7] =	wrdreg $0x40400  }
0xb4: {  	[dreg:$0x8] =	wrdreg $0x40600  }
0xb5: {  	[dreg:$0x9] =	wrdreg $0x9  }
0xb6: {  	_ =	task.clear_ibuf [dreg:s7], $0xAFFFF;
	_ =	strace $0x90000046  }
0xb7: {  	s29 =	simm.s32 $0x9;
	_ =	strace $0x80000048  }
0xb8: {  	_ =	swait.ge [sflag:s29], $0x1  }
0xb9: {  	[sflag:s29] =	ssyncadd.s32 $0xFFFFFFFF  }
0xba: {  	_ =	strace $0x90000048  }
0xbb: {  	_ =	sfence  }
0xbc: {  	s30 =	sld [smem:$0x0];
	_ =	sdelay $0x2  }
0xbd: {  	s31 =	sshll.u32 s1, $0xD;
	s1 =	sshrl.u32 s1, $0x2  }
0xbe: {  	s3 =	sand.u32 $0x4000, s31;
	s1 =	sadd.s32 s1, s30  }
0xbf: {  	s0 =	sor.u32 s3, s0;
	s1 =	sshll.u32 s1, $0x11  }
0xc0: {  	s0 =	sor.u32 s1, s0  }
0xc1: {  	s0 =	sadd.s32 $0x8F2B, s0  }
0xc2: {  	[sflag:s0] =	ssyncadd.remote.s32 $0x1  }
0xc3: {  	_ =	sfence.sel $0xFFFF  }
0xc4: {  	[dreg:$0x0] =	wrdreg $0xFFFFFFFF;
	(pc) =	sbr.abs _section_cstart, $3  }
0xc5: {  	[dreg:$0x1] =	wrdreg $0xFFFFFFFF  }
0xc6: {  	_ =	task.clear_ibuf [dreg:s7], $0x2FFFF;
	_ =	strace $0x9FFFFFFF  }
0xc7: {  	(tm) =	ssettm $0x7FFFFFFF  }
tec
execute0_lowered:
.L_overlay_start_1:
0x0: {  	(tag) =	ssettag $0x1  }
0x1: {  	s0 =	rddreg [dreg:$0x0]  }
0x2: {  	s10 =	rddreg [dreg:$0x2]  }
0x3: {  	s11 =	rddreg [dreg:$0x3]  }
0x4: {  	s12 =	rddreg [dreg:$0x4]  }
0x5: {  	s13 =	rddreg [dreg:$0x5]  }
0x6: {  	s14 =	rddreg [dreg:$0x6];
	s1 =	srdreg.scid  }
0x7: {  	s7 =	simm.s32 $0x0;
	s2 =	stileid.u32;
	s16 =	simm.s32 $0x4080  }
0x8: {  	s18 =	simm.s32 $0x1;
	s19 =	simm.s32 $0x1EC80;
	s20 =	simm.s32 $0x4  }
0x9: {  	s21 =	simm.s32 $0x1ED00;
	s22 =	simm.s32 $0x1ED80;
	s23 =	simm.s32 $0x1EE00  }
0xa: {  	s24 =	simm.s32 $0x2;
	s25 =	simm.s32 $0x3;
	s1 =	sand.u32 $0x1, s1  }
0xb: {  	[smem:$0x7FF] =	sst s7;
	s4 =	sshll.u32 s2, $0xB;
	s30 =	sshll.u32 s2, $0x5  }
0xc: {  	s6 =	sshll.u32 s2, $0xE;
	s9 =	sshll.u32 s2, $0x6;
	p0 =	sne.s32 s2, $0x0  }
0xd: {  	s2 =	simm.s32 $0x0;
	s3 =	ssub.s32 $0x2, s1;
	_ =	strace $0x80000047  }
.Ltmp0:
0xe: {  	s4 =	sadd.s32 s4, s0;
	s31 =	sadd.s32 s6, s10;
	(pc) =	sbr.rel .LBB2_1-.Ltmp0, $4  }
0xf: {  	s9 =	sor.u32 $0x1C02, s9;
	s10 =	sadd.s32 $0x1000, s0;
	s11 =	sadd.s32 s30, s11  }
0x10: {  	v0 =	vlaneseq.u32;
	s12 =	sadd.s32 s30, s12;
	s13 =	sadd.s32 s30, s13;
	s5 =	sshrl.u32 s3, $0x1  }
0x11: {  	v46 =	vor.u32 $0x80000000, v0;
	s14 =	sadd.s32 s30, s14;
	p1 =	sne.s32 s1, $0x0;
	s3 =	ssub.s32 s3, s5  }
0x12: {  	v20 =	vimm.s32 $0x0;
	[tilespmem:$0x1FFF0] =	vst v46;
	s8 =	sadd.s32 $0x800, s4;
	s17 =	sshrl.u32 s31, $0x3;
	s15 =	smax.u32 s3, $0x1  }
.LBB2_17:
0x13: {  	s0 =	smul.f32 $1.953125000e-03, s0;
	_ =	sdelay $0x1  }
0x14: {  	v0 =	vmov s0  }
0x15: {  	s1 =	simm.s32 @!p1 $0x1EE80;
	s3 =	rddreg [dreg:$0x1];
	s0 =	simm.s32 @!p1 $0x0;
	[tilespmem:$0x1EE80] =	vst v0  }
0x16: {  	[hbm4b:s3+s0] =	stream.linear.scatter @!p1 [tilespmem:s1], [sflag:$0x4], $0x80, $0x38;
	[tilespmem:$0x1EF00] =	vst v63  }
0x17: {  	s0 =	simm.s32 @!p1 $0x4  }
0x18: {  	_ =	swait.ge @!p1 [sflag:s0], $0x80  }
0x19: {  	[sflag:s0] =	ssyncset.done @!p1 $0x0  }
0x1a: {  	s16 =	simm.s32 $0x4080;
	[sflag:s0] =	ssyncadd.s32 @!p1 $0xFFFFFF80  }
.LBB2_18:
0x1b: {  	s2 =	sadd.s32 $0x1, s2  }
0x1c: {  	p2 =	sne.s32 s2, s15  }
.Ltmp1:
0x1d: {  	_ = 	snop;
	(pc) =	sbr.rel @!p2 .LBB2_19-.Ltmp1, $1  }
0x1e: {  	_ =	sdelay $0x3  }
.LBB2_1:
0x1f: {  	[tilespmem:s16], [sflag:$0x1] =	stream.linear.gather [hbm4b:s8+s7], $0x4000, $0x38;
	[tilespmem:$0x1EF00] =	vst v63  }
0x20: {  	s0 =	simm.s32 @!p0 $0x0;
	s1 =	simm.s32 @!p0 $0x8080  }
0x21: {  	[spmem:s17], [sflag:s9] =	dma.local [hbm:s8], $0x800  }
0x22: {  	[tilespmem:s1], [sflag:$0x3] =	stream.linear.gather @!p0 [hbm4b:s10+s0], $0x16000, $0x38;
	[tilespmem:$0x1EF00] =	vst v63  }
0x23: {  	_ =	swait.ge [sflag:s18], $0x4000  }
0x24: {  	[sflag:s18] =	ssyncset.done $0x0  }
0x25: {  	s3 =	simm.s32 $0x0;
	s0 =	simm.s32 $0x4180;
	[sflag:s18] =	ssyncadd.s32 $0xFFFFC000  }
.LBB2_2:
0x26: {  	v4 =	vld [tilespmem:s0+$0xFFFFFF00]  }
0x27: {  	v5 =	vld [tilespmem:s0+$0xFFFFFF10]  }
0x28: {  	v6 =	vld [tilespmem:s0+$0xFFFFFF20];
	_ =	sdelay $0x1  }
0x29: {  	v0 =	vimm.s32 $0x0;
	v34 =	vimm.s32 $0x0;
	v46 =	vimm.s32 $0x0  }
0x2a: {  	v47 =	vimm.s32 $0x0;
	v49 =	vimm.s32 $0x0;
	v50 =	vimm.s32 $0x0  }
0x2b: {  	v1 =	vimm.s32 $0x0;
	vm0 =	vgt.f32 v4, $-Inf;
	vm9 =	vlt.f32 v5, $-Inf  }
0x2c: {  	vm1 =	vgt.f32 v5, $-Inf;
	vm3 =	vlt.f32 v6, $-Inf;
	vm4 =	vgt.f32 v6, $-Inf  }
0x2d: {  	v4 =	vnsel vm0, $0xFF800000, v4;
	vm0 =	vmor vm1, vm9;
	vm11 =	vmor vm4, vm3  }
0x2e: {  	vm2 =	vgt.f32 v5, v4;
	v7 =	vnsel vm0, $0xFF800000, v5;
	v51 =	vnsel vm11, $0xFF800000, v6  }
0x2f: {  	v9 =	vld [tilespmem:s0+$0xFFFFFF30];
	v11 =	vsel vm11, $0x2, v20;
	vm10 =	vmneg vm2;
	v10 =	vsel vm2, $0x1, v20  }
0x30: {  	vm0 =	vmand vm0, vm10;
	v7 =	vsel vm10, v7, v4;
	v4 =	vsel vm10, v4, v5  }
0x31: {  	v8 =	vsel vm0, $0x1, v20;
	vm12 =	vgt.f32 v6, v7;
	vm13 =	vgt.f32 v6, v4  }
0x32: {  	v5 =	vsel vm12, v7, v51;
	v7 =	vsel vm12, v6, v7;
	v12 =	vsel vm12, $0x2, v8  }
0x33: {  	v8 =	vsel vm12, v8, v11;
	v54 =	vsel vm13, $0x2, v10;
	v7 =	vsel vm13, v4, v7  }
0x34: {  	v53 =	vld [tilespmem:s0+$0xFFFFFF40];
	v52 =	vsel vm13, v10, v12;
	v4 =	vsel vm13, v6, v4;
	vm14 =	vgt.f32 v9, v5  }
0x35: {  	vm15 =	vgt.f32 v9, v4;
	vm4 =	vgt.f32 v9, v7;
	v5 =	vsel vm14, v9, v5  }
0x36: {  	v8 =	vsel vm14, $0x3, v8;
	v5 =	vsel vm4, v7, v5;
	v7 =	vsel vm4, v9, v7  }
0x37: {  	v8 =	vsel vm4, v52, v8;
	v55 =	vsel vm4, $0x3, v52;
	v6 =	vsel vm15, $0x3, v54  }
0x38: {  	v7 =	vsel vm15, v4, v7;
	v10 =	vsel vm15, v54, v55;
	v4 =	vsel vm15, v9, v4  }
0x39: {  	v56 =	vld [tilespmem:s0+$0xFFFFFF50];
	vm5 =	vgt.f32 v53, v5;
	v54 =	vimm.s32 $0x0;
	v9 =	vimm.s32 $0x0  }
0x3a: {  	vm6 =	vgt.f32 v53, v7;
	v5 =	vsel vm5, v53, v5;
	v8 =	vsel vm5, $0x4, v8  }
0x3b: {  	v57 =	vld [tilespmem:s0+$0xFFFFFF60];
	vm7 =	vgt.f32 v53, v4;
	v5 =	vsel vm6, v7, v5;
	v8 =	vsel vm6, v10, v8  }
0x3c: {  	v7 =	vsel vm6, v53, v7;
	v12 =	vsel vm7, v53, v4;
	v58 =	vsel vm6, $0x4, v10  }
0x3d: {  	v53 =	vimm.s32 $0x0;
	v10 =	vimm.s32 $0x0;
	v4 =	vsel vm7, v4, v7  }
0x3e: {  	vm8 =	vgt.f32 v56, v12;
	v7 =	vsel vm7, v6, v58;
	v6 =	vsel vm7, $0x4, v6  }
0x3f: {  	v13 =	vld [tilespmem:s0+$0xFFFFFF70];
	vm10 =	vgt.f32 v56, v5;
	v59 =	vsel vm8, v56, v12;
	vm9 =	vgt.f32 v56, v4  }
0x40: {  	v5 =	vsel vm10, v56, v5;
	v8 =	vsel vm10, $0x5, v8;
	vm11 =	vgt.f32 v57, v59  }
0x41: {  	v5 =	vsel vm9, v4, v5;
	v8 =	vsel vm9, v7, v8;
	v4 =	vsel vm9, v56, v4  }
0x42: {  	v14 =	vld [tilespmem:s0+$0xFFFFFF80];
	v7 =	vsel vm9, $0x5, v7;
	v15 =	vsel vm11, v57, v59;
	v4 =	vsel vm8, v12, v4  }
0x43: {  	v7 =	vsel vm8, v6, v7;
	v6 =	vsel vm8, $0x5, v6;
	vm13 =	vgt.f32 v57, v5  }
0x44: {  	vm12 =	vgt.f32 v13, v15;
	vm5 =	vgt.f32 v57, v4;
	v5 =	vsel vm13, v57, v5  }
0x45: {  	v26 =	vld [tilespmem:s0+$0xFFFFFF90];
	v8 =	vsel vm13, $0x6, v8;
	v60 =	vsel vm12, v13, v15;
	v5 =	vsel vm5, v4, v5  }
0x46: {  	v8 =	vsel vm5, v7, v8;
	v4 =	vsel vm5, v57, v4;
	v7 =	vsel vm5, $0x6, v7  }
0x47: {  	v57 =	vimm.s32 $0x0;
	vm3 =	vgt.f32 v14, v60;
	v4 =	vsel vm11, v59, v4  }
0x48: {  	v7 =	vsel vm11, v6, v7;
	v6 =	vsel vm11, $0x6, v6;
	vm15 =	vgt.f32 v13, v5  }
0x49: {  	v27 =	vld [tilespmem:s0+$0xFFFFFFA0];
	v59 =	vimm.s32 $0x0;
	v61 =	vsel vm3, v14, v60;
	vm14 =	vgt.f32 v13, v4  }
0x4a: {  	v5 =	vsel vm15, v13, v5;
	v8 =	vsel vm15, $0x7, v8;
	vm2 =	vgt.f32 v26, v61  }
0x4b: {  	v5 =	vsel vm14, v4, v5;
	v8 =	vsel vm14, v7, v8;
	v4 =	vsel vm14, v13, v4  }
0x4c: {  	v25 =	vld [tilespmem:s0+$0xFFFFFFB0];
	v7 =	vsel vm14, $0x7, v7;
	v28 =	vsel vm2, v26, v61;
	v4 =	vsel vm12, v15, v4  }
0x4d: {  	v7 =	vsel vm12, v6, v7;
	v6 =	vsel vm12, $0x7, v6;
	vm0 =	vgt.f32 v14, v5  }
0x4e: {  	vm1 =	vgt.f32 v27, v28;
	vm6 =	vgt.f32 v14, v4;
	v5 =	vsel vm0, v14, v5  }
0x4f: {  	v24 =	vld [tilespmem:s0+$0xFFFFFFC0];
	v8 =	vsel vm0, $0x8, v8;
	v62 =	vsel vm1, v27, v28;
	v5 =	vsel vm6, v4, v5  }
0x50: {  	v8 =	vsel vm6, v7, v8;
	v4 =	vsel vm6, v14, v4;
	v7 =	vsel vm6, $0x8, v7  }
0x51: {  	vm9 =	vgt.f32 v25, v62;
	v4 =	vsel vm3, v60, v4;
	v7 =	vsel vm3, v6, v7  }
0x52: {  	v23 =	vld [tilespmem:s0+$0xFFFFFFD0];
	v6 =	vsel vm3, $0x8, v6;
	vm11 =	vgt.f32 v26, v5;
	v63 =	vsel vm9, v25, v62  }
0x53: {  	vm5 =	vgt.f32 v26, v4;
	v5 =	vsel vm11, v26, v5;
	v39 =	vsel vm11, $0x9, v8  }
0x54: {  	v22 =	vld [tilespmem:s0+$0xFFFFFFE0];
	v48 =	vsel vm2, $0x9, v6;
	vm10 =	vgt.f32 v24, v63;
	v11 =	vsel vm5, v26, v4  }
0x55: {  	v26 =	vsel vm5, v4, v5;
	v8 =	vsel vm5, v7, v39;
	v44 =	vsel vm5, $0x9, v7  }
0x56: {  	v21 =	vld [tilespmem:s0+$0xFFFFFFF0];
	v29 =	vsel vm10, v24, v63;
	v11 =	vsel vm2, v61, v11;
	v38 =	vsel vm2, v6, v44  }
0x57: {  	vm11 =	vgt.f32 v27, v26;
	v61 =	vimm.s32 $0x0;
	vm7 =	vgt.f32 v23, v29  }
0x58: {  	v20 =	vld [tilespmem:s0+$0x0];
	vm3 =	vgt.f32 v27, v11;
	v52 =	vsel vm11, v27, v26;
	v13 =	vsel vm7, v23, v29  }
0x59: {  	v8 =	vsel vm11, $0xA, v8;
	v26 =	vimm.s32 $0x0;
	vm12 =	vgt.f32 v22, v13  }
0x5a: {  	v19 =	vld [tilespmem:s0+$0x10];
	v35 =	vsel vm3, v27, v11;
	v55 =	vsel vm3, v11, v52;
	v15 =	vsel vm12, v22, v13  }
0x5b: {  	v58 =	vsel vm3, v38, v8;
	vm5 =	vmmov vm7;
	vm4 =	vgt.f32 v21, v15  }
0x5c: {  	v18 =	vld [tilespmem:s0+$0x20];
	v60 =	vsel vm3, $0xA, v38;
	v11 =	vimm.s32 $0x0;
	v30 =	vsel vm4, v21, v15  }
0x5d: {  	v27 =	vimm.s32 $0x0;
	v42 =	vsel vm1, v28, v35;
	[tilespmem:$0x1FCE0] =	vst v55;
	vm8 =	vgt.f32 v20, v30  }
0x5e: {  	v17 =	vld [tilespmem:s0+$0x30];
	[tilespmem:$0x1FDE0] =	vst v58;
	v55 =	vimm.s32 $0x0;
	v58 =	vimm.s32 $0x0;
	v32 =	vsel vm8, v20, v30  }
0x5f: {  	vm14 =	vgt.f32 v25, v42;
	vm2 =	vmmov vm12;
	vm0 =	vgt.f32 v19, v32  }
0x60: {  	v16 =	vld [tilespmem:s0+$0x40];
	v45 =	vsel vm14, v25, v42;
	v0 =	vsel vm8, $0xFFFFFFFF, v0;
	v33 =	vsel vm0, v19, v32  }
0x61: {  	[tilespmem:$0x1FCD0] =	vst v0;
	v0 =	vsel vm0, $0xFFFFFFFF, v34;
	v34 =	vsel vm9, v62, v45;
	vm15 =	vgt.f32 v18, v33  }
0x62: {  	v14 =	vld [tilespmem:s0+$0x50];
	v62 =	vsel vm1, v48, v60;
	v60 =	vimm.s32 $0x0;
	v37 =	vsel vm15, v18, v33  }
0x63: {  	[tilespmem:$0x1FCF0] =	vst v0;
	v0 =	vsel vm14, $0xFFFFFFFF, v46;
	vm8 =	vgt.f32 v24, v34;
	vm13 =	vgt.f32 v17, v37  }
0x64: {  	v12 =	vld [tilespmem:s0+$0x60];
	v45 =	vsel vm14, $0xB, v62;
	v51 =	vsel vm8, v24, v34;
	v28 =	vsel vm13, v17, v37  }
0x65: {  	[tilespmem:$0x1FE00] =	vst v62;
	v62 =	vimm.s32 $0x0;
	v35 =	vsel vm10, v63, v51;
	vm6 =	vgt.f32 v16, v28  }
0x66: {  	[tilespmem:$0x1FE10] =	vst v0;
	v0 =	vsel vm6, $0xFFFFFFFF, v47;
	v39 =	vsel vm6, v16, v28;
	vm6 =	vgt.f32 v23, v35  }
0x67: {  	v4 =	vld [tilespmem:s0+$0x70];
	[tilespmem:$0x1FD30] =	vst v0;
	v0 =	vsel vm8, $0xFFFFFFFF, v49;
	vm0 =	vgt.f32 v14, v39;
	v56 =	vsel vm6, v23, v35  }
0x68: {  	[tilespmem:$0x1FE40] =	vst v0;
	v0 =	vsel vm0, $0xFFFFFFFF, v50;
	v40 =	vsel vm0, v14, v39;
	v36 =	vsel vm7, v29, v56  }
0x69: {  	v5 =	vld [tilespmem:s0+$0x80];
	v29 =	vsel vm1, $0xA, v48;
	vm0 =	vgt.f32 v12, v40;
	vm11 =	vgt.f32 v22, v36  }
0x6a: {  	v56 =	vld [tilespmem:$0x1FCD0];
	[tilespmem:$0x1FD50] =	vst v0;
	v47 =	vsel vm9, $0xB, v29;
	v0 =	vsel vm0, $0xFFFFFFFF, v53;
	v41 =	vsel vm0, v12, v40  }
0x6b: {  	v6 =	vld [tilespmem:s0+$0x90];
	v63 =	vsel vm11, v22, v36;
	v48 =	vsel vm10, $0xC, v47;
	[tilespmem:$0x1FC90] =	vst v0;
	v0 =	vsel vm6, $0xFFFFFFFF, v54  }
0x6c: {  	vm8 =	vgt.f32 v4, v41;
	v44 =	vsel vm12, v13, v63;
	v13 =	vimm.s32 $0x0  }
0x6d: {  	v63 =	vimm.s32 $0x0;
	[tilespmem:$0x1FE70] =	vst v0;
	v0 =	vsel vm8, $0xFFFFFFFF, v57;
	v43 =	vsel vm8, v4, v41  }
0x6e: {  	v7 =	vld [tilespmem:s0+$0xA0];
	v57 =	vimm.s32 $0x0;
	[tilespmem:$0x1FD70] =	vst v0;
	v0 =	vsel vm7, $0xFFFFFFFF, v59;
	vm7 =	vgt.f32 v5, v43  }
0x6f: {  	vm6 =	vnez.u8 v56;
	v59 =	vld [tilespmem:$0x1FCF0];
	[tilespmem:$0x1FCA0] =	vst v0;
	v38 =	vsel vm7, v5, v43;
	v1 =	vsel vm7, $0xFFFFFFFF, v1  }
0x70: {  	v8 =	vld [tilespmem:s0+$0xB0];
	v0 =	vsel vm11, $0xFFFFFFFF, v61;
	[tilespmem:$0x1FD10] =	vst v1;
	v1 =	vsel vm12, $0xFFFFFFFF, v9;
	vm12 =	vgt.f32 v6, v38  }
0x71: {  	[tilespmem:$0x1FCB0] =	vst v1;
	v1 =	vsel vm12, $0xFFFFFFFF, v10;
	v46 =	vsel vm12, v6, v38;
	vm12 =	vgt.f32 v21, v44  }
0x72: {  	v61 =	vimm.s32 $0x0;
	[tilespmem:$0x1FEB0] =	vst v0;
	v10 =	vsel vm12, v21, v44;
	v0 =	vsel vm12, $0xFFFFFFFF, v11  }
0x73: {  	v9 =	vld [tilespmem:s0+$0xC0];
	vm14 =	vgt.f32 v7, v46;
	[tilespmem:$0x1FEF0] =	vst v0;
	v0 =	vsel vm4, $0xFFFFFFFF, v13;
	v49 =	vsel vm4, v15, v10  }
0x74: {  	v50 =	vsel vm14, v7, v46;
	v15 =	vsel vm5, $0xD, v48;
	vm1 =	vnez.u8 v59  }
0x75: {  	[tilespmem:$0x1FCC0] =	vst v0;
	v0 =	vsel vm14, $0xFFFFFFFF, v26;
	vm5 =	vgt.f32 v20, v49;
	vm8 =	vgt.f32 v8, v50  }
0x76: {  	v10 =	vld [tilespmem:s0+$0xD0];
	v51 =	vsel vm2, $0xE, v15;
	[tilespmem:$0x1FD40] =	vst v0;
	v0 =	vsel vm5, $0xFFFFFFFF, v27;
	v31 =	vsel vm5, v20, v49  }
0x77: {  	v52 =	vsel vm8, v8, v50;
	v53 =	vsel vm4, $0xF, v51;
	v27 =	vimm.s32 $0x0  }
0x78: {  	v13 =	vld [tilespmem:s0+$0xE0];
	[tilespmem:$0x1FF10] =	vst v0;
	v0 =	vsel vm8, $0xFFFFFFFF, v55;
	v54 =	vsel vm6, v30, v31;
	vm11 =	vgt.f32 v9, v52  }
0x79: {  	v55 =	vsel vm6, $0x10, v53;
	[tilespmem:$0x1FD60] =	vst v0;
	v0 =	vsel vm11, $0xFFFFFFFF, v57;
	vm4 =	vgt.f32 v19, v54  }
0x7a: {  	v11 =	vld [tilespmem:s0+$0xF0];
	v56 =	vsel vm11, v9, v52;
	[tilespmem:$0x1FD80] =	vst v0;
	v0 =	vsel vm4, $0xFFFFFFFF, v58;
	v30 =	vsel vm4, v19, v54  }
0x7b: {  	vm6 =	vgt.f32 v10, v56;
	[tilespmem:$0x1FF30] =	vst v0;
	v58 =	vsel vm1, v32, v30;
	v0 =	vsel vm15, $0xFFFFFFFF, v60  }
0x7c: {  	v60 =	vsel vm6, v10, v56;
	[tilespmem:$0x1FD00] =	vst v0;
	v0 =	vsel vm6, $0xFFFFFFFF, v61;
	vm0 =	vgt.f32 v18, v58  }
0x7d: {  	vm4 =	vgt.f32 v13, v60;
	[tilespmem:$0x1FDA0] =	vst v0;
	v0 =	vsel vm13, $0xFFFFFFFF, v62;
	v30 =	vsel vm0, v18, v58  }
0x7e: {  	[tilespmem:$0x1FD20] =	vst v0;
	v0 =	vsel vm0, $0xFFFFFFFF, v63;
	v63 =	vsel vm4, v13, v60;
	v31 =	vsel vm15, v33, v30;
	v30 =	vld [tilespmem:$0x1FD50]  }
0x7f: {  	v32 =	vld [tilespmem:$0x1FC90];
	v33 =	vimm.s32 $0x0;
	[tilespmem:$0x1FF50] =	vst v0;
	v0 =	vsel vm4, $0xFFFFFFFF, v27;
	vm3 =	vgt.f32 v11, v63  }
0x80: {  	[tilespmem:$0x1FDB0] =	vst v0;
	v0 =	vsel vm3, $0xFFFFFFFF, v33;
	v33 =	vld [tilespmem:$0x1FE40];
	_ =	sdelay $0x1  }
0x81: {  	v26 =	vld [tilespmem:$0x1FD30];
	v57 =	vsel vm1, $0x11, v55  }
0x82: {  	vm5 =	vgt.f32 v17, v31;
	vm1 =	vnez.u8 v30;
	v30 =	vimm.s32 $0x0  }
0x83: {  	v59 =	vsel vm15, $0x12, v57;
	vm15 =	vnez.u8 v32;
	v32 =	vld [tilespmem:$0x1FD70];
	[tilespmem:$0x1FDD0] =	vst v0;
	v0 =	vsel vm5, $0xFFFFFFFF, v30  }
0x84: {  	[tilespmem:$0x1FF70] =	vst v0;
	v0 =	vsel vm9, v29, v45;
	vm9 =	vnez.u8 v33  }
0x85: {  	[tilespmem:$0x1FD90] =	vst v1;
	v2 =	vsel vm9, $0xC, v0  }
0x86: {  	vm2 =	vnez.u8 v26;
	v61 =	vsel vm13, $0x13, v59;
	[tilespmem:$0x1FE30] =	vst v0;
	v0 =	vsel vm10, v47, v2;
	v47 =	vld [tilespmem:$0x1FD90]  }
0x87: {  	v62 =	vsel vm2, $0x14, v61;
	v30 =	vld [tilespmem:$0x1FE70];
	v29 =	vsel vm5, v17, v31  }
0x88: {  	v3 =	vsel vm1, $0x15, v62;
	vm5 =	vnez.u8 v32;
	v32 =	vsel vm13, v37, v29;
	v37 =	vld [tilespmem:$0x1FCA0]  }
0x89: {  	v26 =	vsel vm15, $0x16, v3  }
0x8a: {  	v45 =	vsel vm5, $0x17, v26;
	v29 =	vimm.s32 $0x0;
	vm13 =	vgt.f32 v16, v32  }
0x8b: {  	v33 =	vsel vm7, $0x18, v45;
	v1 =	vsel vm13, $0xFFFFFFFF, v29;
	vm7 =	vnez.u8 v47  }
0x8c: {  	vm10 =	vnez.u8 v30;
	v30 =	vsel vm13, v16, v32;
	v47 =	vsel vm7, $0x19, v33  }
0x8d: {  	[tilespmem:$0x1FF90] =	vst v1;
	v29 =	vsel vm10, $0xD, v0;
	v1 =	vsel vm14, $0x1A, v47;
	vm14 =	vnez.u8 v37  }
0x8e: {  	[tilespmem:$0x1FE60] =	vst v0;
	v0 =	vsel vm14, v48, v29;
	v48 =	vsel vm2, v28, v30;
	v30 =	vld [tilespmem:$0x1FEB0]  }
0x8f: {  	v37 =	vld [tilespmem:$0x1FCB0];
	_ =	sdelay $0x3  }
0x90: {  	v28 =	vsel vm8, $0x1B, v1;
	vm8 =	vnez.u8 v30  }
0x91: {  	[tilespmem:$0x1FDC0] =	vst v1;
	v29 =	vsel vm11, $0x1C, v28;
	vm11 =	vnez.u8 v37;
	v30 =	vsel vm8, $0xE, v0  }
0x92: {  	[tilespmem:$0x1FEA0] =	vst v0;
	vm14 =	vgt.f32 v14, v48;
	v37 =	vimm.s32 $0x0;
	v1 =	vsel vm11, v15, v30  }
0x93: {  	v0 =	vsel vm14, $0xFFFFFFFF, v37;
	[tilespmem:$0x1FEE0] =	vst v1;
	v37 =	vsel vm12, $0xF, v1;
	v1 =	vld [tilespmem:$0x1FCC0];
	_ =	sdelay $0x1  }
0x94: {  	v27 =	vsel vm3, v11, v63  }
0x95: {  	(xrf0) =	vmax.scan.msk.f32 $0xffff, v27;
	v30 =	vsel vm14, v14, v48  }
0x96: {  	v30 =	vsel vm1, v39, v30  }
0x97: {  	vm13 =	vgt.f32 v12, v30;
	vm12 =	vnez.u8 v1  }
0x98: {  	v51 =	vsel vm12, v51, v37;
	v37 =	vsel vm13, v12, v30  }
0x99: {  	v40 =	vsel vm15, v40, v37;
	v37 =	vld [tilespmem:$0x1FFF0]  }
0x9a: {  	v15 =	vsel vm6, $0x1D, v29  }
0x9b: {  	v2, _, _ =	vpop (xrf0);
	v39 =	vsel vm4, $0x1E, v15;
	v1 =	vimm.s32 $0x0  }
0x9c: {  	v2 =	vbroadcast v2, $0xF;
	[tilespmem:$0x1FE80] =	vst v0;
	v0 =	vsel vm3, $0x1F, v39;
	v1 =	vsel vm13, $0xFFFFFFFF, v1  }
0x9d: {  	[tilespmem:$0x1FEC0] =	vst v1;
	v1 =	vshll.u32 v0, $0x4  }
0x9e: {  	vm4 =	veq.f32 v27, v2;
	v1 =	vor.u32 v37, v1;
	v37 =	vld [tilespmem:$0x1FF10]  }
0x9f: {  	[tilespmem:$0x1FE90] =	vst v0;
	v0 =	vnsel vm4, $0x80000200, v1;
	v1 =	vld [tilespmem:$0x1FCD0];
	_ =	sdelay $0x3  }
0xa0: {  	vm4 =	vnez.u8 v37  }
0xa1: {  	v37 =	vsel vm4, $0x10, v51;
	vm6 =	vnez.u8 v1  }
0xa2: {  	vm11 =	vgt.f32 v4, v40;
	v37 =	vsel vm6, v53, v37;
	v53 =	vimm.s32 $0x0  }
0xa3: {  	v1 =	vsel vm11, $0xFFFFFFFF, v53  }
0xa4: {  	[tilespmem:$0x1FF00] =	vst v1;
	v1 =	vld [tilespmem:$0x1FCE0];
	_ =	sdelay $0x3  }
0xa5: {  	(xrf0) =	vmin.scan.msk.u32 $0xffff, v0;
	v0 =	vsel vm11, v4, v40  }
0xa6: {  	v0 =	vsel vm5, v41, v0;
	v41 =	vld [tilespmem:$0x1FF30];
	v53 =	vimm.s32 $0x0;
	vm12 =	vgt.f32 v25, v1  }
0xa7: {  	[tilespmem:$0x1FFE0] =	vst v2;
	v2 =	vsel vm12, $0xFFFFFFFF, v53;
	v53 =	vld [tilespmem:$0x1FCF0];
	_ =	sdelay $0x3  }
0xa8: {  	vm5 =	vnez.u8 v41  }
0xa9: {  	v41 =	vsel vm5, $0x11, v37;
	vm6 =	vnez.u8 v53  }
0xaa: {  	v41 =	vsel vm6, v55, v41;
	v55 =	vld [tilespmem:$0x1FE10];
	_ =	sdelay $0x4  }
0xab: {  	v25 =	vsel vm12, v25, v1;
	vm12 =	vnez.u8 v55  }
0xac: {  	v25 =	vsel vm12, v42, v25  }
0xad: {  	v53 =	vld [tilespmem:$0x1FF50];
	vm0 =	vgt.f32 v24, v25  }
0xae: {  	v24 =	vsel vm0, v24, v25;
	v25 =	vld [tilespmem:$0x1FD10]  }
0xaf: {  	v55 =	vimm.s32 $0x0;
	vm12 =	vgt.f32 v5, v0  }
0xb0: {  	v1 =	vsel vm12, $0xFFFFFFFF, v55;
	v55 =	vimm.s32 $0x0  }
0xb1: {  	[tilespmem:$0x1FF20] =	vst v1;
	v1 =	vsel vm0, $0xFFFFFFFF, v55;
	v55 =	vld [tilespmem:$0x1FD00]  }
0xb2: {  	v24 =	vsel vm9, v34, v24;
	v34 =	vld [tilespmem:$0x1FF70]  }
0xb3: {  	vm6 =	vnez.u8 v53;
	v53 =	vsel vm12, v5, v0;
	vm2 =	vnez.u8 v25  }
0xb4: {  	v25 =	vsel vm2, v43, v53;
	v53 =	vld [tilespmem:$0x1FD20];
	_ =	sdelay $0x1  }
0xb5: {  	v42 =	vsel vm6, $0x12, v41;
	vm6 =	vnez.u8 v55  }
0xb6: {  	v42 =	vsel vm6, v57, v42;
	vm9 =	vnez.u8 v34  }
0xb7: {  	v55 =	vimm.s32 $0x0;
	v43 =	vsel vm9, $0x13, v42;
	vm9 =	vgt.f32 v6, v25  }
0xb8: {  	[tilespmem:$0x1FE20] =	vst v1;
	v1 =	vsel vm9, $0xFFFFFFFF, v55;
	vm6 =	vnez.u8 v53  }
0xb9: {  	v55 =	vld [tilespmem:$0x1FF90];
	v34 =	vsel vm6, v59, v43;
	vm6 =	vgt.f32 v23, v24;
	v59 =	vimm.s32 $0x0  }
0xba: {  	[tilespmem:$0x1FF60] =	vst v1;
	v1 =	vsel vm6, $0xFFFFFFFF, v59;
	v59 =	vld [tilespmem:$0x1FD30];
	_ =	sdelay $0x1  }
0xbb: {  	v57, _, _ =	vpop (xrf0)  }
0xbc: {  	(v2sf) =	vpush v57, $0xF;
	v43 =	vsel vm9, v6, v25  }
0xbd: {  	v23 =	vsel vm6, v23, v24;
	v24 =	vsel vm7, v38, v43;
	vm7 =	vnez.u8 v55;
	v43 =	vld [tilespmem:$0x1FD40]  }
0xbe: {  	v23 =	vsel vm10, v35, v23;
	v57 =	vsel vm7, $0x14, v34;
	vm10 =	vnez.u8 v59  }
0xbf: {  	v55 =	vld [tilespmem:$0x1FD50];
	v35 =	vsel vm10, v61, v57;
	vm10 =	vgt.f32 v22, v23  }
0xc0: {  	v22 =	vsel vm10, v22, v23  }
0xc1: {  	vm6 =	vgt.f32 v7, v24;
	v22 =	vsel vm8, v36, v22;
	v36 =	vld [tilespmem:$0x1FD60]  }
0xc2: {  	v38 =	vsel vm6, v7, v24;
	vm1 =	vnez.u8 v43;
	v61 =	vimm.s32 $0x0  }
0xc3: {  	[tilespmem:$0x1FE50] =	vst v1;
	v1 =	vsel vm6, $0xFFFFFFFF, v61;
	v23 =	vsel vm1, v46, v38  }
0xc4: {  	v46 =	vsel vm14, $0x15, v35;
	vm14 =	vnez.u8 v55;
	v61 =	vimm.s32 $0x0  }
0xc5: {  	v38 =	vsel vm14, v62, v46;
	vm0 =	vgt.f32 v8, v23;
	v62 =	vimm.s32 $0x0;
	v46 =	vld [tilespmem:$0x1FEF0]  }
0xc6: {  	v59 =	vsel vm0, v8, v23;
	vm14 =	vgt.f32 v21, v22;
	vm8 =	vnez.u8 v36  }
0xc7: {  	[tilespmem:$0x1FF80] =	vst v1;
	v1 =	vsel vm0, $0xFFFFFFFF, v61;
	v21 =	vsel vm14, v21, v22;
	v22 =	vsel vm8, v50, v59;
	v50 =	vld [tilespmem:$0x1FD70]  }
0xc8: {  	v57 =	vsel vm13, $0x16, v38;
	[tilespmem:$0x1FFA0] =	vst v1;
	v1 =	vsel vm14, $0xFFFFFFFF, v62;
	v59 =	vld [tilespmem:$0x1FD80]  }
0xc9: {  	[tilespmem:$0x1FED0] =	vst v1;
	v1 =	vsel vm15, v3, v57;
	v57 =	vimm.s32 $0x0  }
0xca: {  	vm3 =	vnez.u8 v46;
	v36 =	vsel vm11, $0x17, v1;
	vm11 =	vgt.f32 v9, v22  }
0xcb: {  	[tilespmem:$0x1FDF0] =	vst v2;
	v21 =	vsel vm3, v44, v21;
	v2 =	vsel vm11, $0xFFFFFFFF, v57;
	v57 =	vld [tilespmem:$0x1FDB0]  }
0xcc: {  	vm13 =	vgt.f32 v20, v21;
	vm15 =	vnez.u8 v50  }
0xcd: {  	v55 =	vsel vm11, v9, v22;
	v50 =	vld [tilespmem:$0x1FD90];
	v46 =	vsel vm15, v26, v36;
	vm15 =	vnez.u8 v59  }
0xce: {  	v20 =	vsel vm13, v20, v21;
	v21 =	vsel vm15, v52, v55;
	v52 =	vld [tilespmem:$0x1FDA0]  }
0xcf: {  	v20 =	vsel vm4, v49, v20;
	v49 =	vimm.s32 $0x0;
	v61 =	vsel vm12, $0x18, v46  }
0xd0: {  	vm12 =	vgt.f32 v19, v20;
	v55 =	vimm.s32 $0x0;
	vm14 =	vnez.u8 v57  }
0xd1: {  	v57 =	vld [tilespmem:$0x1FE00];
	v36 =	vsel vm2, v45, v61;
	vm3 =	vgt.f32 v10, v21;
	v19 =	vsel vm12, v19, v20  }
0xd2: {  	v61 =	vld [tilespmem:$0x1FF50];
	v62 =	vsel vm9, $0x19, v36;
	v26 =	vsel vm3, v10, v21;
	vm4 =	vnez.u8 v50  }
0xd3: {  	[tilespmem:$0x1FFB0] =	vst v2;
	v2 =	vsel vm3, $0xFFFFFFFF, v49;
	v50 =	vld [tilespmem:$0x1FF70];
	v49 =	vsel vm4, v33, v62;
	vm4 =	vnez.u8 v52  }
0xd4: {  	v45 =	vld [tilespmem:$0x1FE70];
	v19 =	vsel vm5, v54, v19;
	v43 =	vsel vm6, $0x1A, v49;
	v20 =	vsel vm4, v56, v26  }
0xd5: {  	vm5 =	vgt.f32 v18, v19;
	v43 =	vsel vm1, v47, v43;
	v47 =	vld [tilespmem:$0x1FDD0];
	vm6 =	vgt.f32 v13, v20  }
0xd6: {  	v54 =	vld [tilespmem:$0x1FDE0];
	v18 =	vsel vm5, v18, v19;
	v56 =	vimm.s32 $0x0;
	v44 =	vsel vm6, v13, v20  }
0xd7: {  	vm9 =	vnez.u8 v61;
	v59 =	vsel vm0, $0x1B, v43;
	v19 =	vsel vm14, v60, v44;
	v60 =	vld [tilespmem:$0x1FDC0]  }
0xd8: {  	[tilespmem:$0x1FFC0] =	vst v2;
	v18 =	vsel vm9, v58, v18;
	v58 =	vld [tilespmem:$0x1FE10];
	v2 =	vsel vm6, $0xFFFFFFFF, v55;
	vm1 =	vnez.u8 v50  }
0xd9: {  	v55 =	vld [tilespmem:$0x1FDF0];
	[tilespmem:$0x1FFD0] =	vst v2;
	v2 =	vsel vm5, $0xFFFFFFFF, v56;
	vm5 =	vgt.f32 v17, v18;
	vm9 =	vgt.f32 v11, v19  }
0xda: {  	s4 =	spop (v2sf);
	v17 =	vsel vm5, v17, v18;
	v62 =	vsel vm9, v11, v19;
	vm0 =	vnez.u8 v47;
	v47 =	vld [tilespmem:$0x1FE80]  }
0xdb: {  	v53 =	vlaneseq.u32;
	s1 =	sand.u32 $0xF, s4;
	v17 =	vsel vm1, v31, v17;
	v18 =	vsel vm0, v63, v62;
	v62 =	vld [tilespmem:$0x1FE40]  }
0xdc: {  	v26 =	vmov s1;
	vm2 =	vgt.f32 v16, v17;
	v33 =	vsel vm8, v60, v59;
	v60 =	vld [tilespmem:$0x1FE20]  }
0xdd: {  	v61 =	vld [tilespmem:$0x1FE30];
	v16 =	vsel vm2, v16, v17;
	vm8 =	veq.s32 v26, v53;
	v52 =	vsel vm11, $0x1C, v33  }
0xde: {  	v16 =	vsel vm7, v32, v16;
	v32 =	vld [tilespmem:$0x1FE50];
	v26 =	vsel vm15, v28, v52;
	vm15 =	vnez.u8 v55  }
0xdf: {  	[tilespmem:$0x1FF40] =	vst v2;
	v2 =	vsel vm8, v18, v27;
	vm11 =	vnez.u8 v58;
	v56 =	vsel vm15, $0xB, v54  }
0xe0: {  	v44 =	vld [tilespmem:$0x1FE60];
	(xrf0) =	vmax.scan.msk.f32 $0xffff, v2;
	vm1 =	vnez.u8 v47;
	v59 =	vsel vm3, $0x1D, v26;
	v28 =	vsel vm11, v57, v56  }
0xe1: {  	v58 =	vld [tilespmem:$0x1FFF0];
	v17 =	vsel vm4, v29, v59;
	vm4 =	vnez.u8 v62;
	vm15 =	vnez.u8 v60  }
0xe2: {  	v52 =	vld [tilespmem:$0x1FE90];
	vm11 =	vnez.u8 v45;
	v63 =	vsel vm6, $0x1E, v17;
	v28 =	vsel vm15, $0xC, v28  }
0xe3: {  	v55 =	vld [tilespmem:$0x1FEB0];
	vm7 =	vnez.u8 v32;
	v27 =	vsel vm4, v61, v28;
	vm4 =	vgt.f32 v14, v16  }
0xe4: {  	v54 =	vld [tilespmem:$0x1FEA0];
	v15 =	vsel vm14, v15, v63;
	v27 =	vsel vm7, $0xD, v27;
	v14 =	vsel vm4, v14, v16  }
0xe5: {  	v56 =	vld [tilespmem:$0x1FEC0];
	v16 =	vsel vm11, v44, v27;
	v14 =	vsel vm1, v48, v14;
	v48 =	vsel vm9, $0x1F, v15  }
0xe6: {  	v59 =	vld [tilespmem:$0x1FED0];
	v50, _, _ =	vpop (xrf0);
	v16 =	vsel vm10, $0xE, v16;
	v27 =	vsel vm0, v39, v48;
	vm10 =	vgt.f32 v12, v14  }
0xe7: {  	v61 =	vld [tilespmem:$0x1FEF0];
	v28 =	vbroadcast v50, $0xF;
	v12 =	vsel vm10, v12, v14;
	v14 =	vsel vm8, v27, v52  }
0xe8: {  	v60 =	vld [tilespmem:$0x1FEE0];
	v57 =	vshll.u32 v14, $0x4  }
0xe9: {  	v63 =	vld [tilespmem:$0x1FF10];
	vm15 =	veq.f32 v2, v28;
	v29 =	vor.u32 v58, v57  }
0xea: {  	vm14 =	vnez.u8 v55;
	vm6 =	vnez.u8 v56;
	v29 =	vnsel vm15, $0x80000200, v29  }
0xeb: {  	vm7 =	vnez.u8 v59;
	v16 =	vsel vm14, v54, v16;
	v12 =	vsel vm6, v30, v12;
	(xrf0) =	vmin.scan.msk.u32 $0xffff, v29;
	v29 =	vld [tilespmem:$0x1FF30]  }
0xec: {  	v16 =	vsel vm7, $0xF, v16;
	vm11 =	vnez.u8 v61;
	vm14 =	vgt.f32 v4, v12  }
0xed: {  	v62 =	vld [tilespmem:$0x1FF00];
	v4 =	vsel vm14, v4, v12;
	v12 =	vsel vm11, v60, v16  }
0xee: {  	vm15 =	vnez.u8 v63;
	v12 =	vsel vm13, $0x10, v12  }
0xef: {  	v32 =	vld [tilespmem:$0x1FF40];
	v12 =	vsel vm15, v51, v12  }
0xf0: {  	v16 =	vld [tilespmem:$0x1FF20];
	v12 =	vsel vm12, $0x11, v12;
	vm7 =	vnez.u8 v29  }
0xf1: {  	v31 =	vsel vm7, v37, v12;
	v37 =	vld [tilespmem:$0x1FF50]  }
0xf2: {  	vm3 =	vnez.u8 v62  }
0xf3: {  	v4 =	vsel vm3, v40, v4  }
0xf4: {  	vm13 =	vgt.f32 v5, v4  }
0xf5: {  	vm11 =	vnez.u8 v32;
	v4 =	vsel vm13, v5, v4;
	vm12 =	vnez.u8 v16  }
0xf6: {  	v0 =	vsel vm12, v0, v4;
	v4 =	vsel vm11, $0x12, v31;
	vm15 =	vnez.u8 v37  }
0xf7: {  	v4 =	vsel vm15, v41, v4;
	v41 =	vld [tilespmem:$0x1FF70];
	_ =	sdelay $0x2  }
0xf8: {  	v39 =	vld [tilespmem:$0x1FF60];
	_ =	sdelay $0x1  }
0xf9: {  	v4 =	vsel vm5, $0x13, v4;
	vm11 =	vnez.u8 v41  }
0xfa: {  	v4 =	vsel vm11, v42, v4;
	v42 =	vld [tilespmem:$0x1FF80]  }
0xfb: {  	v44 =	vld [tilespmem:$0x1FF90];
	vm0 =	vgt.f32 v6, v0  }
0xfc: {  	v0 =	vsel vm0, v6, v0;
	vm15 =	vnez.u8 v39  }
0xfd: {  	v45 =	vld [tilespmem:$0x1FFA0];
	v40, _, _ =	vpop (xrf0);
	v0 =	vsel vm15, v25, v0  }
0xfe: {  	(v2sf) =	vpush v40, $0xF;
	vm5 =	vgt.f32 v7, v0  }
0xff: {  	v0 =	vsel vm5, v7, v0;
	vm11 =	vnez.u8 v42  }
0x100: {  	v47 =	vld [tilespmem:$0x1FFB0];
	vm7 =	vnez.u8 v44;
	v4 =	vsel vm2, $0x14, v4;
	v0 =	vsel vm11, v24, v0  }
0x101: {  	v4 =	vsel vm7, v34, v4;
	vm2 =	vgt.f32 v8, v0  }
0x102: {  	v4 =	vsel vm4, $0x15, v4;
	vm4 =	vnez.u8 v45;
	v0 =	vsel vm2, v8, v0  }
0x103: {  	v48 =	vld [tilespmem:$0x1FFC0];
	v4 =	vsel vm1, v35, v4;
	v0 =	vsel vm4, v23, v0  }
0x104: {  	v4 =	vsel vm10, $0x16, v4;
	vm1 =	vgt.f32 v9, v0  }
0x105: {  	vm10 =	vnez.u8 v47;
	v4 =	vsel vm6, v38, v4;
	v0 =	vsel vm1, v9, v0  }
0x106: {  	v50 =	vld [tilespmem:$0x1FFD0];
	v4 =	vsel vm14, $0x17, v4;
	v0 =	vsel vm10, v22, v0  }
0x107: {  	v1 =	vsel vm3, v1, v4;
	vm7 =	vgt.f32 v10, v0  }
0x108: {  	vm3 =	vnez.u8 v48;
	v1 =	vsel vm13, $0x18, v1;
	v0 =	vsel vm7, v10, v0  }
0x109: {  	v1 =	vsel vm12, v46, v1;
	v0 =	vsel vm3, v21, v0  }
0x10a: {  	v1 =	vsel vm0, $0x19, v1;
	vm14 =	vgt.f32 v13, v0  }
0x10b: {  	v1 =	vsel vm15, v36, v1;
	vm15 =	vnez.u8 v50;
	v0 =	vsel vm14, v13, v0  }
0x10c: {  	v1 =	vsel vm5, $0x1A, v1;
	v0 =	vsel vm15, v20, v0  }
0x10d: {  	s29 =	spop (v2sf);
	v1 =	vsel vm11, v49, v1;
	vm12 =	vgt.f32 v11, v0  }
0x10e: {  	s5 =	sand.u32 $0xF, s29;
	v1 =	vsel vm2, $0x1B, v1;
	v0 =	vsel vm12, v11, v0  }
0x10f: {  	v51 =	vmov s5;
	v1 =	vsel vm4, v43, v1;
	v0 =	vsel vm9, v19, v0  }
0x110: {  	vm13 =	veq.s32 v51, v53;
	v1 =	vsel vm1, $0x1C, v1;
	v0 =	vsel vm8, v0, v18  }
0x111: {  	v1 =	vsel vm10, v33, v1;
	v0 =	vsel vm13, v0, v2  }
0x112: {  	v1 =	vsel vm7, $0x1D, v1;
	(xrf0) =	vmax.scan.msk.f32 $0xffff, v0  }
0x113: {  	v1 =	vsel vm3, v26, v1  }
0x114: {  	v1 =	vsel vm14, $0x1E, v1  }
0x115: {  	v1 =	vsel vm15, v17, v1  }
0x116: {  	v1 =	vsel vm12, $0x1F, v1  }
0x117: {  	v1 =	vsel vm9, v15, v1  }
0x118: {  	v1 =	vsel vm8, v1, v27;
	v52, _, _ =	vpop (xrf0)  }
0x119: {  	v1 =	vsel vm13, v1, v14;
	v2 =	vbroadcast v52, $0xF  }
0x11a: {  	v1 =	vshll.u32 v1, $0x4  }
0x11b: {  	v54 =	vor.u32 v58, v1;
	vm14 =	veq.f32 v0, v2  }
0x11c: {  	v0 =	vnsel vm14, $0x80000200, v54  }
0x11d: {  	(xrf0) =	vmin.scan.msk.u32 $0xffff, v0;
	_ =	sdelay $0x5  }
0x11e: {  	v0, _, _ =	vpop (xrf0)  }
0x11f: {  	(v2sf) =	vpush v0, $0xF;
	_ =	sdelay $0x7  }
0x120: {  	s30 =	sand.u32 $0x10, s3  }
0x121: {  	v55 =	vld [tilespmem:s30+$0x1EC80]  }
0x122: {  	v57 =	vld [tilespmem:s30+$0x1ED80]  }
0x123: {  	v59 =	vld [tilespmem:s30+$0x1EE00]  }
0x124: {  	s6 =	sand.u32 $0xF, s3;
	v60 =	vld [tilespmem:$0x1FFE0]  }
0x125: {  	v56 =	vld [tilespmem:s30+$0x1ED00];
	v58 =	vmov s6  }
0x126: {  	p2 =	sne.s32 s3, $0x1F;
	s4 =	sxor.u32 $0x80000000, s4;
	vm15 =	veq.s32 v58, v53  }
.Ltmp2:
0x127: {  	s1 =	sshll.u32 s29, $0x9;
	v62 =	vsel vm15, v28, v57;
	s26 =	spop (v2sf);
	(pc) =	sbr.rel @p2 .LBB2_2-.Ltmp2, $4  }
0x128: {  	s1 =	sor.u32 s4, s1;
	[tilespmem:s30+$0x1ED80] =	vst v62;
	v63 =	vsel vm15, v2, v59;
	s31 =	sshll.u32 s26, $0x12  }
0x129: {  	[tilespmem:s30+$0x1EE00] =	vst v63;
	v0 =	vsel vm15, v60, v55;
	s1 =	sor.u32 s31, s1  }
0x12a: {  	[tilespmem:s30+$0x1EC80] =	vst v0;
	v61 =	vsel vm15, s1, v56  }
0x12b: {  	s3 =	sadd.s32 $0x1, s3;
	s0 =	sadd.s32 $0x200, s0;
	v20 =	vimm.s32 $0x0;
	[tilespmem:s30+$0x1ED00] =	vst v61  }
0x12c: {  	[spmem:s11] =	stream.linear.scatter [tilespmem:s19], [sflag:$0x4], $0x20, $0x38;
	[tilespmem:$0x1EF00] =	vst v63  }
0x12d: {  	_ =	swait.ge [sflag:s20], $0x20  }
0x12e: {  	[sflag:s20] =	ssyncset.done $0x0  }
0x12f: {  	[sflag:s20] =	ssyncadd.s32 $0xFFFFFFE0  }
0x130: {  	[spmem:s12] =	stream.linear.scatter [tilespmem:s21], [sflag:$0x4], $0x20, $0x38;
	[tilespmem:$0x1EF00] =	vst v63  }
0x131: {  	_ =	swait.ge [sflag:s20], $0x20  }
0x132: {  	[sflag:s20] =	ssyncset.done $0x0  }
0x133: {  	[sflag:s20] =	ssyncadd.s32 $0xFFFFFFE0  }
0x134: {  	[spmem:s13] =	stream.linear.scatter [tilespmem:s22], [sflag:$0x4], $0x20, $0x38;
	[tilespmem:$0x1EF00] =	vst v63  }
0x135: {  	_ =	swait.ge [sflag:s20], $0x20  }
0x136: {  	[sflag:s20] =	ssyncset.done $0x0  }
0x137: {  	[sflag:s20] =	ssyncadd.s32 $0xFFFFFFE0  }
0x138: {  	[spmem:s14] =	stream.linear.scatter [tilespmem:s23], [sflag:$0x4], $0x20, $0x38;
	[tilespmem:$0x1EF00] =	vst v63  }
0x139: {  	_ =	swait.ge [sflag:s20], $0x20  }
0x13a: {  	[sflag:s20] =	ssyncset.done $0x0  }
0x13b: {  	[sflag:s20] =	ssyncadd.s32 $0xFFFFFFE0  }
.Ltmp3:
0x13c: {  	_ =	swait.ge [sflag:s24], $0x800;
	(pc) =	sbr.rel @p0 .LBB2_18-.Ltmp3, $4  }
0x13d: {  	[sflag:s24] =	ssyncset.done $0x0  }
0x13e: {  	[sflag:s24] =	ssyncadd.s32 $0xFFFFF800  }
0x13f: {  	[bflag:$0x0] =	sbarrier.arrive $0xFFFF  }
0x140: {  	v46 =	vld [tilespmem:$0x1FFF0]  }
0x141: {  	_ =	swait.ge [sflag:s25], $0x16000  }
0x142: {  	[sflag:s25] =	ssyncset.done $0x0  }
0x143: {  	[sflag:s25] =	ssyncadd.s32 $0xFFFEA000  }
0x144: {  	s1 =	simm.s32 $0x1E080;
	s0 =	rddreg [dreg:$0x3]  }
0x145: {  	[tilespmem:s1], [sflag:$0x4] =	stream.linear.gather [spmem:s0], $0x200, $0x38;
	[tilespmem:$0x1EF00] =	vst v63  }
0x146: {  	_ =	swait.ge [sflag:s20], $0x200  }
0x147: {  	[sflag:s20] =	ssyncset.done $0x0  }
0x148: {  	[sflag:s20] =	ssyncadd.s32 $0xFFFFFE00  }
0x149: {  	s16 =	simm.s32 $0x1E280;
	s6 =	rddreg [dreg:$0x4]  }
0x14a: {  	[tilespmem:s16], [sflag:$0x4] =	stream.linear.gather [spmem:s6], $0x200, $0x38;
	[tilespmem:$0x1EF00] =	vst v63  }
0x14b: {  	_ =	swait.ge [sflag:s20], $0x200  }
0x14c: {  	[sflag:s20] =	ssyncset.done $0x0  }
0x14d: {  	[sflag:s20] =	ssyncadd.s32 $0xFFFFFE00  }
0x14e: {  	s28 =	simm.s32 $0x1E480;
	s26 =	rddreg [dreg:$0x5]  }
0x14f: {  	[tilespmem:s28], [sflag:$0x4] =	stream.linear.gather [spmem:s26], $0x200, $0x38;
	[tilespmem:$0x1EF00] =	vst v63  }
0x150: {  	_ =	swait.ge [sflag:s20], $0x200  }
0x151: {  	[sflag:s20] =	ssyncset.done $0x0  }
0x152: {  	[sflag:s20] =	ssyncadd.s32 $0xFFFFFE00  }
0x153: {  	s30 =	simm.s32 $0x1E680;
	s29 =	rddreg [dreg:$0x6]  }
0x154: {  	[tilespmem:s30], [sflag:$0x4] =	stream.linear.gather [spmem:s29], $0x200, $0x38;
	[tilespmem:$0x1EF00] =	vst v63  }
0x155: {  	_ =	swait.ge [sflag:s20], $0x200  }
0x156: {  	[sflag:s20] =	ssyncset.done $0x0  }
0x157: {  	s3 =	simm.s32 $0x0;
	[sflag:s20] =	ssyncadd.s32 $0xFFFFFE00  }
0x158: {  	v0 =	vld [tilespmem:s3+$0x1E280]  }
0x159: {  	v1 =	vld [tilespmem:s3+$0x1E480];
	_ =	sdelay $0x3  }
0x15a: {  	(v2sf) =	vpush v0, $0x0  }
0x15b: {  	(v2sf) =	vpush v1, $0x0;
	_ =	sdelay $0x1  }
0x15c: {  	(v2sf) =	vpush v0, $0x5  }
0x15d: {  	(v2sf) =	vpush v0, $0x1;
	_ =	sdelay $0x1  }
0x15e: {  	(v2sf) =	vpush v1, $0x1;
	_ =	sdelay $0x2  }
0x15f: {  	(v2sf) =	vpush v0, $0x2;
	_ =	sdelay $0x1  }
0x160: {  	(v2sf) =	vpush v1, $0x2;
	_ =	sdelay $0x2  }
0x161: {  	(v2sf) =	vpush v0, $0x3  }
0x162: {  	(v2sf) =	vpush v1, $0x3;
	s31 =	spop (v2sf)  }
0x163: {  	s1 =	simm.s32 $0x200;
	(v2sf) =	vpush v0, $0x4;
	[smem:s3] =	sst s31;
	s4 =	spop (v2sf)  }
0x164: {  	(v2sf) =	vpush v1, $0x4;
	[smem:s1] =	sst s4  }
0x165: {  	(v2sf) =	vpush v1, $0x5;
	s0 =	spop (v2sf);
	[smem:$0x400] =	sst s18  }
0x166: {  	s5 =	spop (v2sf)  }
0x167: {  	(v2sf) =	vpush v0, $0x6;
	[smem:$0x1] =	sst s5  }
0x168: {  	s6 =	simm.s32 $0x201;
	s4 =	spop (v2sf)  }
0x169: {  	[smem:s6] =	sst s4  }
0x16a: {  	(v2sf) =	vpush v1, $0x6;
	[smem:$0x401] =	sst s18  }
0x16b: {  	s16 =	spop (v2sf)  }
0x16c: {  	(v2sf) =	vpush v0, $0x7;
	[smem:$0x2] =	sst s16  }
0x16d: {  	s26 =	simm.s32 $0x202;
	s28 =	spop (v2sf)  }
0x16e: {  	[smem:s26] =	sst s28  }
0x16f: {  	(v2sf) =	vpush v1, $0x7;
	[smem:$0x402] =	sst s18  }
0x170: {  	s29 =	spop (v2sf)  }
0x171: {  	(v2sf) =	vpush v0, $0x8;
	[smem:$0x3] =	sst s29  }
0x172: {  	s30 =	simm.s32 $0x203;
	s31 =	spop (v2sf)  }
0x173: {  	[smem:s30] =	sst s31  }
0x174: {  	(v2sf) =	vpush v1, $0x8;
	[smem:$0x403] =	sst s18  }
0x175: {  	s5 =	spop (v2sf)  }
0x176: {  	(v2sf) =	vpush v0, $0x9;
	[smem:$0x4] =	sst s5  }
0x177: {  	s6 =	simm.s32 $0x204;
	s16 =	spop (v2sf)  }
0x178: {  	[smem:s6] =	sst s16  }
0x179: {  	(v2sf) =	vpush v1, $0x9;
	[smem:$0x404] =	sst s18  }
0x17a: {  	(v2sf) =	vpush v0, $0xA;
	[smem:$0x5] =	sst s0  }
0x17b: {  	s26 =	simm.s32 $0x205;
	s28 =	spop (v2sf)  }
0x17c: {  	[smem:s26] =	sst s28  }
0x17d: {  	(v2sf) =	vpush v1, $0xA;
	[smem:$0x405] =	sst s18  }
0x17e: {  	s29 =	spop (v2sf)  }
0x17f: {  	(v2sf) =	vpush v0, $0xB;
	[smem:$0x6] =	sst s29  }
0x180: {  	s30 =	simm.s32 $0x206;
	s31 =	spop (v2sf)  }
0x181: {  	[smem:s30] =	sst s31  }
0x182: {  	(v2sf) =	vpush v1, $0xB;
	[smem:$0x406] =	sst s18  }
0x183: {  	s4 =	spop (v2sf)  }
0x184: {  	(v2sf) =	vpush v0, $0xC;
	[smem:$0x7] =	sst s4  }
0x185: {  	s5 =	simm.s32 $0x207;
	s6 =	spop (v2sf)  }
0x186: {  	[smem:s5] =	sst s6  }
0x187: {  	(v2sf) =	vpush v1, $0xC;
	[smem:$0x407] =	sst s18  }
0x188: {  	s16 =	spop (v2sf)  }
0x189: {  	(v2sf) =	vpush v0, $0xD;
	[smem:$0x8] =	sst s16  }
0x18a: {  	s26 =	simm.s32 $0x208;
	s28 =	spop (v2sf)  }
0x18b: {  	(v2sf) =	vpush v1, $0xD;
	[smem:s26] =	sst s28  }
0x18c: {  	(v2sf) =	vpush v1, $0xE;
	[smem:$0x408] =	sst s18  }
0x18d: {  	s0 =	simm.s32 $0x10;
	s29 =	spop (v2sf)  }
0x18e: {  	(v2sf) =	vpush v0, $0xE;
	v7 =	vld [tilespmem:s0+$0x1E280];
	[smem:$0x9] =	sst s29  }
0x18f: {  	s30 =	simm.s32 $0x209;
	s31 =	spop (v2sf)  }
0x190: {  	[smem:s30] =	sst s31  }
0x191: {  	v6 =	vld [tilespmem:s0+$0x1E480];
	[smem:$0x409] =	sst s18  }
0x192: {  	s4 =	spop (v2sf)  }
0x193: {  	(v2sf) =	vpush v0, $0xF;
	[smem:$0xA] =	sst s4  }
0x194: {  	s5 =	simm.s32 $0x20A;
	s6 =	spop (v2sf)  }
0x195: {  	(v2sf) =	vpush v1, $0xF;
	[smem:s5] =	sst s6  }
0x196: {  	(v2sf) =	vpush v7, $0x0;
	[smem:$0x40A] =	sst s18  }
0x197: {  	s16 =	spop (v2sf)  }
0x198: {  	(v2sf) =	vpush v6, $0x0;
	[smem:$0xB] =	sst s16  }
0x199: {  	s26 =	simm.s32 $0x20B;
	s28 =	spop (v2sf)  }
0x19a: {  	(v2sf) =	vpush v7, $0x5;
	[smem:s26] =	sst s28  }
0x19b: {  	(v2sf) =	vpush v7, $0x1;
	[smem:$0x40B] =	sst s18  }
0x19c: {  	s29 =	spop (v2sf)  }
0x19d: {  	(v2sf) =	vpush v6, $0x1;
	[smem:$0xC] =	sst s29  }
0x19e: {  	s30 =	simm.s32 $0x20C;
	s31 =	spop (v2sf)  }
0x19f: {  	[smem:s30] =	sst s31  }
0x1a0: {  	(v2sf) =	vpush v7, $0x2;
	[smem:$0x40C] =	sst s18  }
0x1a1: {  	s4 =	spop (v2sf)  }
0x1a2: {  	(v2sf) =	vpush v6, $0x2;
	[smem:$0xD] =	sst s4  }
0x1a3: {  	s5 =	simm.s32 $0x20D;
	s6 =	spop (v2sf)  }
0x1a4: {  	[smem:s5] =	sst s6  }
0x1a5: {  	(v2sf) =	vpush v7, $0x3;
	s16 =	spop (v2sf);
	[smem:$0x40D] =	sst s18  }
0x1a6: {  	s26 =	spop (v2sf)  }
0x1a7: {  	s28 =	simm.s32 $0x20E;
	(v2sf) =	vpush v6, $0x3;
	[smem:$0xE] =	sst s26  }
0x1a8: {  	[smem:s28] =	sst s16  }
0x1a9: {  	(v2sf) =	vpush v7, $0x4;
	[smem:$0x40E] =	sst s18  }
0x1aa: {  	s29 =	spop (v2sf)  }
0x1ab: {  	(v2sf) =	vpush v6, $0x4;
	[smem:$0xF] =	sst s29  }
0x1ac: {  	s30 =	simm.s32 $0x20F;
	s31 =	spop (v2sf)  }
0x1ad: {  	s6 =	simm.s32 $0x80;
	[smem:s30] =	sst s31  }
.LBB2_5:
0x1ae: {  	s1 =	spop (v2sf);
	[smem:s3+$0x40F] =	sst s18  }
0x1af: {  	s5 =	smov.u32 s6;
	s4 =	sadd.s32 $0x40, s6;
	s3 =	smov.u32 s0  }
0x1b0: {  	[smem:s3] =	sst s1;
	s0 =	sadd.s32 $0x200, s3;
	s1 =	spop (v2sf);
	(v2sf) =	vpush v6, $0x5  }
0x1b1: {  	p2 =	sne.s32 s6, $0x7C0;
	[smem:s0] =	sst s1;
	s0 =	spop (v2sf)  }
0x1b2: {  	[smem:s3+$0x400] =	sst s18;
	s1 =	spop (v2sf);
	(v2sf) =	vpush v7, $0x6  }
0x1b3: {  	[smem:s3+$0x1] =	sst s1;
	s1 =	sadd.s32 $0x201, s3;
	s6 =	spop (v2sf);
	(v2sf) =	vpush v6, $0x6  }
0x1b4: {  	[smem:s1] =	sst s6  }
0x1b5: {  	[smem:s3+$0x401] =	sst s18;
	s1 =	spop (v2sf);
	(v2sf) =	vpush v7, $0x7  }
0x1b6: {  	[smem:s3+$0x2] =	sst s1;
	s1 =	sadd.s32 $0x202, s3;
	s6 =	spop (v2sf);
	(v2sf) =	vpush v6, $0x7  }
0x1b7: {  	[smem:s1] =	sst s6  }
0x1b8: {  	[smem:s3+$0x402] =	sst s18;
	s1 =	spop (v2sf);
	(v2sf) =	vpush v7, $0x8  }
0x1b9: {  	[smem:s3+$0x3] =	sst s1;
	s1 =	sadd.s32 $0x203, s3;
	s6 =	spop (v2sf);
	(v2sf) =	vpush v6, $0x8  }
0x1ba: {  	[smem:s1] =	sst s6  }
0x1bb: {  	[smem:s3+$0x403] =	sst s18;
	s1 =	spop (v2sf);
	(v2sf) =	vpush v7, $0x9  }
0x1bc: {  	[smem:s3+$0x4] =	sst s1;
	s1 =	sadd.s32 $0x204, s3;
	s6 =	spop (v2sf);
	(v2sf) =	vpush v6, $0x9  }
0x1bd: {  	[smem:s1] =	sst s6  }
0x1be: {  	[smem:s3+$0x404] =	sst s18;
	(v2sf) =	vpush v7, $0xA  }
0x1bf: {  	[smem:s3+$0x5] =	sst s0;
	s0 =	sadd.s32 $0x205, s3;
	s1 =	spop (v2sf);
	(v2sf) =	vpush v6, $0xA  }
0x1c0: {  	[smem:s0] =	sst s1  }
0x1c1: {  	[smem:s3+$0x405] =	sst s18;
	s0 =	spop (v2sf);
	(v2sf) =	vpush v7, $0xB  }
0x1c2: {  	[smem:s3+$0x6] =	sst s0;
	s0 =	sadd.s32 $0x206, s3;
	s1 =	spop (v2sf);
	(v2sf) =	vpush v6, $0xB  }
0x1c3: {  	[smem:s0] =	sst s1  }
0x1c4: {  	[smem:s3+$0x406] =	sst s18;
	s0 =	spop (v2sf);
	(v2sf) =	vpush v7, $0xC  }
0x1c5: {  	[smem:s3+$0x7] =	sst s0;
	s0 =	sadd.s32 $0x207, s3;
	s1 =	spop (v2sf);
	(v2sf) =	vpush v6, $0xC  }
0x1c6: {  	[smem:s0] =	sst s1  }
0x1c7: {  	[smem:s3+$0x407] =	sst s18;
	s0 =	spop (v2sf);
	(v2sf) =	vpush v7, $0xD  }
0x1c8: {  	s1 =	sadd.s32 $0x208, s3;
	[smem:s3+$0x8] =	sst s0;
	s0 =	spop (v2sf);
	(v2sf) =	vpush v6, $0xD  }
0x1c9: {  	[smem:s1] =	sst s0;
	(v2sf) =	vpush v6, $0xE  }
0x1ca: {  	s0 =	sshra.s32 s5, $0x2;
	[smem:s3+$0x408] =	sst s18;
	s1 =	spop (v2sf);
	(v2sf) =	vpush v7, $0xE  }
0x1cb: {  	v0 =	vld [tilespmem:s0+$0x1E280];
	[smem:s3+$0x9] =	sst s1;
	s1 =	sadd.s32 $0x209, s3;
	s5 =	spop (v2sf)  }
0x1cc: {  	v1 =	vld [tilespmem:s0+$0x1E480];
	[smem:s1] =	sst s5  }
0x1cd: {  	[smem:s3+$0x409] =	sst s18;
	s1 =	spop (v2sf);
	(v2sf) =	vpush v7, $0xF  }
0x1ce: {  	[smem:s3+$0xA] =	sst s1;
	s1 =	sadd.s32 $0x20A, s3;
	s5 =	spop (v2sf);
	(v2sf) =	vpush v6, $0xF  }
0x1cf: {  	[smem:s1] =	sst s5  }
0x1d0: {  	(v2sf) =	vpush v0, $0x0;
	[smem:s3+$0x40A] =	sst s18;
	s1 =	spop (v2sf);
	v7 =	vmov v0  }
0x1d1: {  	(v2sf) =	vpush v1, $0x0;
	[smem:s3+$0xB] =	sst s1;
	s1 =	sadd.s32 $0x20B, s3;
	s5 =	spop (v2sf);
	v6 =	vmov v1  }
0x1d2: {  	(v2sf) =	vpush v7, $0x5;
	[smem:s1] =	sst s5  }
0x1d3: {  	(v2sf) =	vpush v7, $0x1;
	[smem:s3+$0x40B] =	sst s18;
	s1 =	spop (v2sf)  }
0x1d4: {  	(v2sf) =	vpush v6, $0x1;
	[smem:s3+$0xC] =	sst s1;
	s1 =	sadd.s32 $0x20C, s3;
	s5 =	spop (v2sf)  }
0x1d5: {  	[smem:s1] =	sst s5  }
0x1d6: {  	(v2sf) =	vpush v7, $0x2;
	[smem:s3+$0x40C] =	sst s18;
	s1 =	spop (v2sf)  }
0x1d7: {  	(v2sf) =	vpush v6, $0x2;
	[smem:s3+$0xD] =	sst s1;
	s1 =	sadd.s32 $0x20D, s3;
	s5 =	spop (v2sf)  }
0x1d8: {  	[smem:s1] =	sst s5;
	s1 =	spop (v2sf)  }
0x1d9: {  	(v2sf) =	vpush v7, $0x3;
	[smem:s3+$0x40D] =	sst s18;
	s5 =	spop (v2sf)  }
.Ltmp4:
0x1da: {  	(v2sf) =	vpush v6, $0x3;
	[smem:s3+$0xE] =	sst s5;
	s5 =	sadd.s32 $0x20E, s3;
	(pc) =	sbr.rel @p2 .LBB2_5-.Ltmp4, $4  }
0x1db: {  	[smem:s5] =	sst s1  }
0x1dc: {  	(v2sf) =	vpush v7, $0x4;
	[smem:s3+$0x40E] =	sst s18;
	s1 =	spop (v2sf)  }
0x1dd: {  	(v2sf) =	vpush v6, $0x4;
	[smem:s3+$0xF] =	sst s1;
	s1 =	sadd.s32 $0x20F, s3;
	s5 =	spop (v2sf)  }
0x1de: {  	s6 =	smov.u32 s4;
	[smem:s1] =	sst s5  }
0x1df: {  	v0 =	vld [tilespmem:$0x1E080]  }
0x1e0: {  	v1 =	vld [tilespmem:$0x1E090]  }
0x1e1: {  	v2 =	vld [tilespmem:$0x1E0A0]  }
0x1e2: {  	v3 =	vld [tilespmem:$0x1E0B0]  }
0x1e3: {  	v4 =	vld [tilespmem:$0x1E0C0]  }
0x1e4: {  	v56 =	vld [tilespmem:$0x1E0D0];
	(xrf0) =	vmax.scan.msk.f32 $0xffff, v0  }
0x1e5: {  	v57 =	vld [tilespmem:$0x1E0E0];
	(xrf0) =	vmax.scan.msk.f32 $0xffff, v1  }
0x1e6: {  	v58 =	vld [tilespmem:$0x1E0F0];
	(xrf0) =	vmax.scan.msk.f32 $0xffff, v2  }
0x1e7: {  	(xrf0) =	vmax.scan.msk.f32 $0xffff, v3;
	v3 =	vld [tilespmem:$0x1E100]  }
0x1e8: {  	(xrf0) =	vmax.scan.msk.f32 $0xffff, v4;
	v4 =	vld [tilespmem:$0x1E110]  }
0x1e9: {  	v59 =	vld [tilespmem:$0x1E120];
	(xrf0) =	vmax.scan.msk.f32 $0xffff, v56  }
0x1ea: {  	v60 =	vld [tilespmem:$0x1E130];
	v5, _, _ =	vpop (xrf0);
	(xrf0) =	vmax.scan.msk.f32 $0xffff, v57  }
0x1eb: {  	v61 =	vld [tilespmem:$0x1E140];
	v8, _, _ =	vpop (xrf0);
	(xrf0) =	vmax.scan.msk.f32 $0xffff, v58  }
0x1ec: {  	v9, _, _ =	vpop (xrf0);
	(xrf0) =	vmax.scan.msk.f32 $0xffff, v3;
	v3 =	vld [tilespmem:$0x1E150]  }
0x1ed: {  	v10, _, _ =	vpop (xrf0);
	(xrf0) =	vmax.scan.msk.f32 $0xffff, v4;
	v4 =	vld [tilespmem:$0x1E160]  }
0x1ee: {  	v62 =	vld [tilespmem:$0x1E170];
	v11, _, _ =	vpop (xrf0);
	(xrf0) =	vmax.scan.msk.f32 $0xffff, v59  }
0x1ef: {  	v63 =	vld [tilespmem:$0x1E180];
	v12, _, _ =	vpop (xrf0);
	(xrf0) =	vmax.scan.msk.f32 $0xffff, v60  }
0x1f0: {  	v13, _, _ =	vpop (xrf0);
	(xrf0) =	vmax.scan.msk.f32 $0xffff, v61  }
0x1f1: {  	v14, _, _ =	vpop (xrf0);
	(xrf0) =	vmax.scan.msk.f32 $0xffff, v3  }
0x1f2: {  	v24 =	vld [tilespmem:$0x1E190];
	v3, _, _ =	vpop (xrf0);
	(xrf0) =	vmax.scan.msk.f32 $0xffff, v4  }
0x1f3: {  	v5 =	vbroadcast v5, $0xF;
	v8 =	vbroadcast v8, $0xF;
	v4 =	vld [tilespmem:$0x1E1A0];
	v15, _, _ =	vpop (xrf0);
	(xrf0) =	vmax.scan.msk.f32 $0xffff, v62  }
0x1f4: {  	v25 =	vld [tilespmem:$0x1E1B0];
	vm5 =	vmmov $0x1;
	v16, _, _ =	vpop (xrf0);
	(xrf0) =	vmax.scan.msk.f32 $0xffff, v63  }
0x1f5: {  	v28 =	vld [tilespmem:$0x1E1C0];
	v5 =	vsel vm5, v5, v8;
	v27, _, _ =	vpop (xrf0)  }
0x1f6: {  	v18 =	vld [tilespmem:$0x1E1D0];
	v26 =	vbroadcast v9, $0xF;
	v17, _, _ =	vpop (xrf0)  }
0x1f7: {  	vm6 =	vmmov $0x3;
	vm4 =	vmmov $0x7;
	v19 =	vld [tilespmem:$0x1E1E0];
	(xrf0) =	vmax.scan.msk.f32 $0xffff, v24;
	v29, _, _ =	vpop (xrf0)  }
0x1f8: {  	vm2 =	vmmov $0xf;
	vm3 =	vmmov $0x1f;
	v1 =	vsel vm6, v5, v26;
	(xrf0) =	vmax.scan.msk.f32 $0xffff, v4;
	v5, _, _ =	vpop (xrf0)  }
0x1f9: {  	vm1 =	vmmov $0x3f;
	s1 =	spop (v2sf);
	[smem:s3+$0x40F] =	sst s18;
	(v2sf) =	vpush v6, $0x5;
	v10 =	vbroadcast v10, $0xF;
	(xrf0) =	vmax.scan.msk.f32 $0xffff, v25;
	v4, _, _ =	vpop (xrf0)  }
0x1fa: {  	v34 =	vld [tilespmem:$0x1E1F0];
	s3 =	sadd.s32 $0x200, s0;
	vm0 =	vmmov $0x7f;
	vm8 =	vmmov $0xff;
	[smem:s0] =	sst s1;
	s4 =	spop (v2sf);
	v11 =	vbroadcast v11, $0xF;
	v33, _, _ =	vpop (xrf0);
	(xrf0) =	vmax.scan.msk.f32 $0xffff, v28  }
0x1fb: {  	v37 =	vld [tilespmem:$0x1E200];
	[smem:s3] =	sst s4;
	s3 =	spop (v2sf);
	(v2sf) =	vpush v7, $0x6;
	v1 =	vsel vm4, v1, v10;
	v30 =	vbroadcast v12, $0xF;
	(xrf0) =	vmax.scan.msk.f32 $0xffff, v18  }
0x1fc: {  	v39 =	vld [tilespmem:$0x1E210];
	s5 =	spop (v2sf);
	v31 =	vsel vm2, v1, v11;
	v32 =	vbroadcast v13, $0xF;
	v3 =	vbroadcast v3, $0xF;
	(xrf0) =	vmax.scan.msk.f32 $0xffff, v19  }
0x1fd: {  	v42 =	vld [tilespmem:$0x1E220];
	s4 =	spop (v2sf);
	(v2sf) =	vpush v6, $0x6;
	v0 =	vsel vm3, v31, v30;
	v35 =	vbroadcast v14, $0xF;
	v36, _, _ =	vpop (xrf0)  }
0x1fe: {  	v0 =	vsel vm1, v0, v32;
	v10 =	vbroadcast v33, $0xF;
	v11 =	vbroadcast v36, $0xF;
	v38, _, _ =	vpop (xrf0)  }
0x1ff: {  	v44 =	vld [tilespmem:$0x1E230];
	[smem:s0+$0x400] =	sst s18;
	s16 =	spop (v2sf);
	(v2sf) =	vpush v7, $0x7;
	v0 =	vsel vm0, v0, v35;
	(xrf0) =	vmax.scan.msk.f32 $0xffff, v34;
	v40 =	vbroadcast v38, $0xF;
	v41, _, _ =	vpop (xrf0)  }
0x200: {  	s6 =	sadd.s32 $0x201, s0;
	[smem:s0+$0x1] =	sst s5;
	v0 =	vsel vm8, v0, v3;
	v10 =	vsel vm5, v10, v11;
	v43 =	vbroadcast v41, $0xF;
	v3, _, _ =	vpop (xrf0);
	(xrf0) =	vmax.scan.msk.f32 $0xffff, v37  }
0x201: {  	[smem:s6] =	sst s4;
	v10 =	vsel vm6, v10, v40;
	v3 =	vbroadcast v3, $0xF;
	v45, _, _ =	vpop (xrf0);
	(xrf0) =	vmax.scan.msk.f32 $0xffff, v39  }
0x202: {  	v47 =	vld [tilespmem:$0x1E240];
	vm9 =	vmmov $0x1ff;
	[smem:s0+$0x401] =	sst s18;
	v2 =	vsel vm4, v10, v43;
	v49, _, _ =	vpop (xrf0);
	(xrf0) =	vmax.scan.msk.f32 $0xffff, v42  }
0x203: {  	s26 =	sadd.s32 $0x202, s0;
	[smem:s0+$0x2] =	sst s16;
	s28 =	spop (v2sf);
	(v2sf) =	vpush v6, $0x7;
	v10 =	vbroadcast v45, $0xF;
	v2 =	vsel vm2, v2, v3;
	v3 =	vld [tilespmem:$0x1E250]  }
0x204: {  	vm10 =	vmmov $0x3ff;
	vm11 =	vmmov $0x7ff;
	[smem:s26] =	sst s28;
	v1 =	vbroadcast v49, $0xF;
	(xrf0) =	vmax.scan.msk.f32 $0xffff, v44  }
0x205: {  	v52 =	vld [tilespmem:$0x1E260];
	vm12 =	vmmov $0xfff;
	(v2sf) =	vpush v7, $0x8;
	[smem:s0+$0x402] =	sst s18;
	s29 =	spop (v2sf);
	v51, _, _ =	vpop (xrf0);
	v2 =	vsel vm3, v2, v10  }
0x206: {  	s30 =	sadd.s32 $0x203, s0;
	(v2sf) =	vpush v6, $0x8;
	[smem:s0+$0x3] =	sst s29;
	s31 =	spop (v2sf);
	v1 =	vsel vm1, v2, v1;
	v2 =	vbroadcast v51, $0xF;
	v54, _, _ =	vpop (xrf0)  }
0x207: {  	vm13 =	vmmov $0x1fff;
	(v2sf) =	vpush v7, $0x9;
	[smem:s30] =	sst s31;
	s5 =	spop (v2sf);
	(xrf0) =	vmax.scan.msk.f32 $0xffff, v47;
	v55 =	vbroadcast v54, $0xF;
	v57, _, _ =	vpop (xrf0)  }
0x208: {  	v56 =	vld [tilespmem:$0x1E270];
	[smem:s0+$0x403] =	sst s18;
	s16 =	spop (v2sf);
	(v2sf) =	vpush v6, $0x9;
	v1 =	vsel vm0, v1, v2;
	v2 =	vbroadcast v57, $0xF;
	(xrf0) =	vmax.scan.msk.f32 $0xffff, v3;
	v3, _, _ =	vpop (xrf0)  }
0x209: {  	s6 =	sadd.s32 $0x204, s0;
	[smem:s0+$0x4] =	sst s5;
	(v2sf) =	vpush v7, $0xA;
	v1 =	vsel vm8, v1, v55;
	v3 =	vbroadcast v3, $0xF  }
0x20a: {  	[smem:s6] =	sst s16;
	(v2sf) =	vpush v6, $0xA;
	v61 =	vimm.f32 $0.0e+00;
	(xrf0) =	vmax.scan.msk.f32 $0xffff, v52;
	v59, _, _ =	vpop (xrf0);
	v1 =	vsel vm9, v1, v2  }
0x20b: {  	[smem:s0+$0x404] =	sst s18;
	s28 =	spop (v2sf);
	v48 =	vbroadcast v15, $0xF;
	v1 =	vsel vm10, v1, v3;
	v3 =	vbroadcast v59, $0xF  }
0x20c: {  	vm14 =	vmmov $0x3fff;
	s26 =	sadd.s32 $0x205, s0;
	[smem:s0+$0x5] =	sst s3;
	s29 =	spop (v2sf);
	(v2sf) =	vpush v7, $0xB;
	[tilespmem:$0x1E880] =	vst v61;
	v50 =	vbroadcast v16, $0xF  }
0x20d: {  	[smem:s26] =	sst s28;
	s31 =	spop (v2sf);
	(v2sf) =	vpush v6, $0xB;
	v0 =	vsel vm9, v0, v48;
	v9 =	vbroadcast v27, $0xF;
	v60, _, _ =	vpop (xrf0);
	(xrf0) =	vmax.scan.msk.f32 $0xffff, v56  }
0x20e: {  	[smem:s0+$0x405] =	sst s18;
	[tilespmem:$0x1E890] =	vst v61;
	s4 =	spop (v2sf);
	(v2sf) =	vpush v7, $0xC;
	v0 =	vsel vm10, v0, v50;
	v58 =	vbroadcast v17, $0xF  }
0x20f: {  	s30 =	sadd.s32 $0x206, s0;
	[tilespmem:$0x1E8A0] =	vst v61;
	[smem:s0+$0x6] =	sst s29;
	v0 =	vsel vm11, v0, v9;
	v2 =	vbroadcast v60, $0xF;
	v1 =	vsel vm11, v1, v3;
	v3, _, _ =	vpop (xrf0)  }
0x210: {  	[tilespmem:$0x1E8B0] =	vst v61;
	[smem:s30] =	sst s31;
	v8 =	vbroadcast v29, $0xF;
	v0 =	vsel vm12, v0, v58;
	v62, _, _ =	vpop (xrf0);
	v3 =	vbroadcast v3, $0xF  }
0x211: {  	[tilespmem:$0x1E8C0] =	vst v61;
	[smem:s0+$0x406] =	sst s18;
	v5 =	vbroadcast v5, $0xF;
	v1 =	vsel vm12, v1, v2;
	v2 =	vbroadcast v62, $0xF  }
0x212: {  	s5 =	sadd.s32 $0x207, s0;
	[tilespmem:$0x1E8D0] =	vst v61;
	[smem:s0+$0x7] =	sst s4;
	s6 =	spop (v2sf);
	(v2sf) =	vpush v6, $0xC;
	v0 =	vsel vm13, v0, v8;
	v1 =	vsel vm13, v1, v3  }
0x213: {  	vm15 =	vmmov $0x7fff;
	[tilespmem:$0x1E8E0] =	vst v61;
	[smem:s5] =	sst s6;
	v0 =	vsel vm14, v0, v5;
	v63, _, _ =	vpop (xrf0);
	v1 =	vsel vm14, v1, v2  }
0x214: {  	[tilespmem:$0x1E8F0] =	vst v61;
	s16 =	spop (v2sf);
	(v2sf) =	vpush v7, $0xD;
	[smem:s0+$0x407] =	sst s18;
	v4 =	vsel vm15, v0, v4;
	v5 =	vsel vm15, v1, v63  }
0x215: {  	s26 =	sadd.s32 $0x208, s0;
	[tilespmem:$0x1E900] =	vst v61;
	s28 =	spop (v2sf);
	(v2sf) =	vpush v6, $0xD;
	[smem:s0+$0x8] =	sst s16;
	v0 =	vmax.f32 v4, v5  }
0x216: {  	[tilespmem:$0x1E910] =	vst v61;
	(v2sf) =	vpush v6, $0xE;
	[smem:s26] =	sst s28;
	(xrf0) =	vmax.scan.msk.f32 $0xffff, v0  }
0x217: {  	[tilespmem:$0x1E920] =	vst v61;
	s29 =	spop (v2sf);
	(v2sf) =	vpush v7, $0xE;
	[smem:s0+$0x408] =	sst s18  }
0x218: {  	[tilespmem:$0x1E930] =	vst v61;
	s30 =	sadd.s32 $0x209, s0;
	[smem:s0+$0x9] =	sst s29;
	s31 =	spop (v2sf)  }
0x219: {  	[tilespmem:$0x1E940] =	vst v61;
	[smem:s30] =	sst s31  }
0x21a: {  	[tilespmem:$0x1E950] =	vst v61;
	(v2sf) =	vpush v7, $0xF;
	s4 =	spop (v2sf);
	[smem:s0+$0x409] =	sst s18  }
0x21b: {  	[tilespmem:$0x1E960] =	vst v61;
	s5 =	sadd.s32 $0x20A, s0;
	(v2sf) =	vpush v6, $0xF;
	s6 =	spop (v2sf);
	[smem:s0+$0xA] =	sst s4  }
0x21c: {  	[tilespmem:$0x1E970] =	vst v61;
	[smem:s5] =	sst s6;
	s16 =	spop (v2sf);
	v0, _, _ =	vpop (xrf0)  }
0x21d: {  	[tilespmem:$0x1E980] =	vst v61;
	[smem:s0+$0x40A] =	sst s18;
	s28 =	spop (v2sf);
	(v2sf) =	vpush v0, $0xF  }
0x21e: {  	[tilespmem:$0x1E990] =	vst v61;
	s26 =	sadd.s32 $0x20B, s0;
	[smem:s0+$0xB] =	sst s16  }
0x21f: {  	[tilespmem:$0x1E9A0] =	vst v61;
	[smem:s26] =	sst s28  }
0x220: {  	[tilespmem:$0x1E9B0] =	vst v61;
	[smem:s0+$0x40B] =	sst s18;
	s29 =	spop (v2sf)  }
0x221: {  	[tilespmem:$0x1E9C0] =	vst v61;
	s30 =	sadd.s32 $0x20C, s0;
	[smem:s0+$0xC] =	sst s29;
	s31 =	spop (v2sf)  }
0x222: {  	[tilespmem:$0x1E9D0] =	vst v61;
	[smem:s30] =	sst s31  }
0x223: {  	[tilespmem:$0x1E9E0] =	vst v61;
	s4 =	spop (v2sf);
	[smem:s0+$0x40C] =	sst s18  }
0x224: {  	[tilespmem:$0x1E9F0] =	vst v61;
	s5 =	sadd.s32 $0x20D, s0;
	s6 =	spop (v2sf);
	[smem:s0+$0xD] =	sst s4  }
0x225: {  	[tilespmem:$0x1EA00] =	vst v61;
	s16 =	spop (v2sf);
	[smem:s5] =	sst s6  }
0x226: {  	[tilespmem:$0x1EA10] =	vst v61;
	s26 =	spop (v2sf);
	[smem:s0+$0x40D] =	sst s18  }
0x227: {  	[tilespmem:$0x1EA20] =	vst v61;
	s28 =	sadd.s32 $0x20E, s0;
	[smem:s0+$0xE] =	sst s26  }
.Ltmp5:
0x228: {  	[tilespmem:$0x1EA30] =	vst v61;
	[smem:s28] =	sst s16;
	(pc) =	sbr.rel .LBB2_7-.Ltmp5, $4  }
0x229: {  	[tilespmem:$0x1EA40] =	vst v61;
	s29 =	spop (v2sf);
	[smem:s0+$0x40E] =	sst s18  }
0x22a: {  	[tilespmem:$0x1EA50] =	vst v61;
	s30 =	sadd.s32 $0x20F, s0;
	s31 =	spop (v2sf);
	[smem:s0+$0xF] =	sst s29  }
0x22b: {  	[tilespmem:$0x1EA60] =	vst v61;
	s26 =	simm.s32 $0x0;
	[smem:s30] =	sst s31  }
0x22c: {  	[tilespmem:$0x1EA70] =	vst v61;
	[smem:s0+$0x40F] =	sst s18;
	s0 =	simm.f32 $0.0e+00;
	s3 =	spop (v2sf)  }
.LBB2_8:
0x22d: {  	v0 =	vld [tilespmem:$0x1FC80];
	_ =	sdelay $0x4  }
0x22e: {  	vm0 =	vnez.u8 v0  }
0x22f: {  	v0 =	vsel vm0, $0xFF800000, v33  }
0x230: {  	s1 =	sand.u32 $0x1F0, s6;
	[tilespmem:s28+$0x1E080] =	vst v0  }
0x231: {  	v0 =	vld [tilespmem:s1+$0x1E880];
	_ =	sdelay $0x1  }
0x232: {  	s4 =	sand.u32 $0xF, s6  }
0x233: {  	v1 =	vmov s4  }
0x234: {  	vm2 =	veq.s32 v1, v53  }
0x235: {  	v0 =	vsel vm2, $0xFF800000, v0  }
0x236: {  	[smem:s5+$0x400] =	sst s7;
	[tilespmem:s1+$0x1E880] =	vst v0  }
.LBB2_16:
0x237: {  	v0 =	vld [tilespmem:s28+$0x1E080];
	_ =	sdelay $0x4  }
0x238: {  	(xrf0) =	vmax.scan.msk.f32 $0xffff, v0;
	_ =	sdelay $0x5  }
0x239: {  	v0, _, _ =	vpop (xrf0)  }
0x23a: {  	(v2sf) =	vpush v0, $0xF;
	_ =	sdelay $0x8  }
0x23b: {  	p2 =	seq.s32 s30, $0x1;
	s1 =	simm.s32 $0x1  }
0x23c: {  	v1 =	vld [tilespmem:$0x1FC70];
	s1 =	simm.s32 @!p2 $0x0  }
0x23d: {  	v63 =	vld [tilespmem:$0x1FC60];
	s26 =	sadd.s32 s1, s26  }
0x23e: {  	p2 =	slt.u32 s26, $0x200  }
.Ltmp6:
0x23f: {  	_ = 	snop;
	(pc) =	sbr.rel @!p2 .LBB2_17-.Ltmp6, $4  }
0x240: {  	_ = 	snop  }
0x241: {  	v0 =	vbroadcast v0, $0xF;
	s4 =	spop (v2sf)  }
0x242: {  	s0 =	sadd.f32 s3, s0;
	vm0 =	vnez.u8 v1;
	vm15 =	vnez.u8 v63;
	s31 =	smax.f32 s29, s4  }
0x243: {  	v4 =	vsel vm0, v0, v4;
	v5 =	vsel vm15, v0, v5;
	s3 =	smov.u32 s31  }
.LBB2_7:
0x244: {  	vm0 =	veq.f32 v5, s3;
	v0 =	vor.u32 $0x80000010, v53  }
0x245: {  	vm1 =	veq.f32 v4, s3;
	v0 =	vnsel vm0, $0x80000020, v0  }
0x246: {  	v0 =	vsel vm1, v46, v0  }
0x247: {  	(xrf0) =	vmin.scan.msk.u32 $0xffff, v0;
	_ =	sdelay $0x5  }
0x248: {  	v0, _, _ =	vpop (xrf0)  }
0x249: {  	(v2sf) =	vpush v0, $0xF;
	_ =	sdelay $0xe  }
0x24a: {  	s1 =	spop (v2sf)  }
0x24b: {  	s4 =	sxor.u32 $0x80000000, s1;
	s28 =	sshll.u32 s1, $0x4  }
0x24c: {  	v55 =	vmov s4;
	v33 =	vld [tilespmem:s28+$0x1E080]  }
0x24d: {  	v1 =	vand.u32 $0xF, v55  }
0x24e: {  	vm13 =	vgt.s32 v55, $0xF;
	vm12 =	veq.s32 v1, v53  }
0x24f: {  	v56 =	vmax.f32 v4, v5;
	vm2 =	vlt.s32 v55, $0x10;
	vm0 =	vmand vm13, vm12  }
0x250: {  	vm1 =	vmand vm2, vm12;
	v0 =	vsel vm0, v4, v56  }
0x251: {  	v0 =	vsel vm1, v5, v0;
	vm14 =	veq.f32 v33, s3  }
0x252: {  	(xrf0) =	vmax.scan.msk.f32 $0xffff, v0;
	v59 =	vnsel vm14, $0x80000010, v46  }
0x253: {  	(xrf0) =	vmin.scan.msk.u32 $0xffff, v59;
	_ =	sdelay $0x4  }
0x254: {  	v60, _, _ =	vpop (xrf0)  }
0x255: {  	(v2sf) =	vpush v60, $0xF;
	v61, _, _ =	vpop (xrf0)  }
0x256: {  	(v2sf) =	vpush v61, $0xF;
	_ =	sdelay $0xd  }
0x257: {  	s29 =	spop (v2sf)  }
0x258: {  	s4 =	spop (v2sf)  }
0x259: {  	s31 =	sxor.u32 $0x80000000, s4  }
0x25a: {  	s6 =	sld [smem:s31+s28];
	_ =	sdelay $0x2  }
0x25b: {  	s5 =	sand.u32 $0x1FF, s6  }
0x25c: {  	s16 =	sor.u32 $0x400, s5  }
0x25d: {  	s30 =	sld [smem:s16+$0x0];
	_ =	sdelay $0x2  }
0x25e: {  	p2 =	sne.s32 s30, $0x1  }
.Ltmp7:
0x25f: {  	v57 =	vimm.s32 $0x0;
	(pc) =	sbr.rel @!p2 .LBB2_8-.Ltmp7, $4  }
0x260: {  	v58 =	vimm.s32 $0x0;
	v1 =	vsel vm0, $0xFFFFFFFF, v57;
	v62 =	vmov s31  }
0x261: {  	v63 =	vimm.s32 $0x0;
	[tilespmem:$0x1FC60] =	vst v1;
	v1 =	vsel vm1, $0xFFFFFFFF, v58;
	vm15 =	veq.s32 v62, v53  }
0x262: {  	[tilespmem:$0x1FC70] =	vst v1;
	v0 =	vsel vm15, $0xFFFFFFFF, v63  }
0x263: {  	[tilespmem:$0x1FC80] =	vst v0  }
0x264: {  	v1 =	vld [tilespmem:$0x1FC80]  }
0x265: {  	v0 =	vld [tilespmem:s28+$0x1E680]  }
0x266: {  	s1 =	sshrl.u32 s6, $0x9  }
0x267: {  	s1 =	sand.u32 $0x1FF, s1  }
0x268: {  	s3 =	sor.u32 $0x400, s1  }
0x269: {  	s3 =	sld [smem:s3+$0x0];
	vm0 =	vnez.u8 v1  }
0x26a: {  	v0 =	vnsel vm0, $0xFF800000, v0  }
0x26b: {  	(xrf0) =	vmax.scan.msk.f32 $0xffff, v0  }
0x26c: {  	p2 =	sne.s32 s3, $0x1  }
.Ltmp8:
0x26d: {  	_ = 	snop;
	(pc) =	sbr.rel @p2 .LBB2_11-.Ltmp8, $2  }
0x26e: {  	_ =	sdelay $0x2  }
0x26f: {  	s6 =	sshra.s32 s6, $0x12;
	s3 =	sadd.s32 s28, s31;
	v7, _, _ =	vpop (xrf0)  }
0x270: {  	(v2sf) =	vpush v7, $0xF;
	_ =	sdelay $0x8  }
0x271: {  	v0 =	vld [tilespmem:$0x1FC80];
	_ =	sdelay $0x1  }
0x272: {  	s4 =	sld [smem:s3+$0x200]  }
.Ltmp9:
0x273: {  	s6 =	sshll.u32 s6, $0x9;
	s5 =	sshll.u32 s5, $0x12;
	(pc) =	sbr.rel .LBB2_16-.Ltmp9, $4  }
0x274: {  	s5 =	sor.u32 s5, s6  }
0x275: {  	s1 =	sor.u32 s1, s5;
	vm0 =	vnez.u8 v0  }
0x276: {  	s31 =	sadd.s32 $0x200, s3;
	[smem:s3] =	sst s1;
	v0 =	vsel vm0, s4, v33;
	s16 =	spop (v2sf)  }
0x277: {  	s3 =	simm.f32 $0.0e+00;
	[tilespmem:s28+$0x1E080] =	vst v0;
	[smem:s31] =	sst s16  }
.LBB2_11:
0x278: {  	s1 =	sld [smem:s6+$0x400];
	_ =	sdelay $0x2  }
0x279: {  	p2 =	sne.s32 s1, $0x1  }
.Ltmp10:
0x27a: {  	_ = 	snop;
	(pc) =	sbr.rel @p2 .LBB2_13-.Ltmp10, $1  }
0x27b: {  	_ =	sdelay $0x3  }
0x27c: {  	v1 =	vld [tilespmem:$0x1FC80];
	_ =	sdelay $0x2  }
.Ltmp11:
0x27d: {  	_ = 	snop;
	(pc) =	sbr.rel .LBB2_16-.Ltmp11, $4  }
0x27e: {  	v0 =	vbroadcast v7, $0xF;
	s1 =	smul.u32 $0x40200, s5  }
0x27f: {  	vm0 =	vnez.u8 v1  }
0x280: {  	s1 =	sor.u32 s6, s1;
	v0 =	vsel vm0, v0, v33  }
0x281: {  	[smem:s3] =	sst s1;
	s3 =	simm.f32 $0.0e+00;
	[tilespmem:s28+$0x1E080] =	vst v0  }
.LBB2_13:
0x282: {  	p2 =	sgt.s32 s3, $0xCF  }
.Ltmp12:
0x283: {  	_ = 	snop;
	(pc) =	sbr.rel @p2 .LBB2_15-.Ltmp12, $3  }
0x284: {  	_ =	sdelay $0x1  }
0x285: {  	s1 =	sshll.u32 s3, $0xB  }
0x286: {  	s5 =	sshra.s32 s1, $0x2  }
0x287: {  	v0 =	vld [tilespmem:s5+$0x4080]  }
0x288: {  	v1 =	vld [tilespmem:$0x1E880]  }
0x289: {  	v2 =	vld [tilespmem:s5+$0x4090]  }
0x28a: {  	v3 =	vld [tilespmem:$0x1E890]  }
0x28b: {  	v7 =	vld [tilespmem:s5+$0x40A0]  }
0x28c: {  	v45 =	vld [tilespmem:$0x1E8A0]  }
0x28d: {  	v57 =	vld [tilespmem:s5+$0x4140]  }
0x28e: {  	v17 =	vld [tilespmem:$0x1E940]  }
0x28f: {  	v58 =	vld [tilespmem:s5+$0x4150]  }
0x290: {  	v19 =	vld [tilespmem:$0x1E950]  }
0x291: {  	v61 =	vld [tilespmem:s5+$0x4170]  }
0x292: {  	v39 =	vld [tilespmem:$0x1E970]  }
0x293: {  	v43 =	vld [tilespmem:s5+$0x41B0]  }
0x294: {  	v44 =	vld [tilespmem:$0x1E9B0];
	_ =	sdelay $0x1  }
0x295: {  	v21 =	vld [tilespmem:$0x1E9C0];
	v0 =	vadd.f32 v1, v0  }
0x296: {  	v2 =	vadd.f32 v3, v2;
	v3 =	vld [tilespmem:s5+$0x40B0];
	v1 =	vadd.f32 v45, v7  }
0x297: {  	v7 =	vld [tilespmem:$0x1E8B0];
	v29 =	vadd.f32 v17, v57;
	v28 =	vadd.f32 v19, v58  }
0x298: {  	v6 =	vimm.s32 $0x0;
	v25 =	vadd.f32 v39, v61;
	v45 =	vld [tilespmem:s5+$0x41C0];
	v22 =	vadd.f32 v44, v43  }
0x299: {  	vm2 =	vgt.f32 v0, $-Inf;
	vm15 =	vlt.f32 v2, $-Inf;
	vm3 =	vgt.f32 v2, $-Inf  }
0x29a: {  	vm9 =	vlt.f32 v1, $-Inf;
	v0 =	vnsel vm2, $0xFF800000, v0;
	vm2 =	vmor vm3, vm15  }
0x29b: {  	vm5 =	vgt.f32 v1, $-Inf;
	vm4 =	vgt.f32 v2, v0;
	v8 =	vnsel vm2, $0xFF800000, v2  }
0x29c: {  	vm8 =	vmneg vm4;
	v46 =	vsel vm4, $0x1, v20;
	v3 =	vadd.f32 v7, v3  }
0x29d: {  	v11 =	vld [tilespmem:s5+$0x40C0];
	v17 =	vadd.f32 v21, v45;
	v8 =	vsel vm8, v8, v0;
	vm2 =	vmand vm8, vm2  }
0x29e: {  	v7 =	vld [tilespmem:$0x1E8C0];
	v0 =	vsel vm8, v0, v2;
	v9 =	vsel vm2, $0x1, v20;
	vm2 =	vmor vm5, vm9  }
0x29f: {  	v48 =	vld [tilespmem:s5+$0x40D0];
	vm3 =	vgt.f32 v1, v0;
	vm10 =	vgt.f32 v1, v8;
	v10 =	vnsel vm2, $0xFF800000, v1  }
0x2a0: {  	v49 =	vld [tilespmem:$0x1E8D0];
	v12 =	vsel vm2, $0x2, v20;
	v2 =	vsel vm3, $0x2, v46;
	v10 =	vsel vm10, v8, v10  }
0x2a1: {  	v12 =	vsel vm10, v9, v12;
	v8 =	vsel vm10, v1, v8;
	v9 =	vsel vm10, $0x2, v9  }
0x2a2: {  	v40 =	vld [tilespmem:s5+$0x4180];
	v8 =	vsel vm3, v0, v8;
	v9 =	vsel vm3, v46, v9;
	vm11 =	vgt.f32 v3, v10  }
0x2a3: {  	v20 =	vld [tilespmem:$0x1E980];
	v0 =	vsel vm3, v1, v0;
	v7 =	vadd.f32 v7, v11;
	vm12 =	vgt.f32 v3, v8  }
0x2a4: {  	v47 =	vsel vm11, v3, v10;
	vm13 =	vgt.f32 v3, v0;
	v12 =	vsel vm11, $0x3, v12  }
0x2a5: {  	v10 =	vadd.f32 v49, v48;
	v1 =	vsel vm12, v8, v47;
	v8 =	vsel vm12, v3, v8  }
0x2a6: {  	v12 =	vsel vm12, v9, v12;
	v9 =	vsel vm12, $0x3, v9;
	v8 =	vsel vm13, v0, v8  }
0x2a7: {  	v55 =	vld [tilespmem:s5+$0x4120];
	v9 =	vsel vm13, v2, v9;
	v0 =	vsel vm13, v3, v0;
	vm14 =	vgt.f32 v7, v1  }
0x2a8: {  	v15 =	vld [tilespmem:$0x1E920];
	v2 =	vsel vm13, $0x3, v2;
	v26 =	vadd.f32 v20, v40;
	vm15 =	vgt.f32 v7, v8  }
0x2a9: {  	v13 =	vld [tilespmem:$0x1E8E0];
	v1 =	vsel vm14, v7, v1;
	vm8 =	vgt.f32 v7, v0;
	v12 =	vsel vm14, $0x4, v12  }
0x2aa: {  	v3 =	vld [tilespmem:s5+$0x40E0];
	v1 =	vsel vm15, v8, v1;
	v8 =	vsel vm15, v7, v8;
	v14 =	vsel vm15, $0x4, v9  }
0x2ab: {  	v9 =	vsel vm15, v9, v12;
	v8 =	vsel vm8, v0, v8;
	v50 =	vsel vm8, v2, v14  }
0x2ac: {  	v0 =	vsel vm8, v7, v0;
	v2 =	vsel vm8, $0x4, v2;
	vm9 =	vgt.f32 v10, v1  }
0x2ad: {  	v51 =	vld [tilespmem:$0x1E8F0];
	v14 =	vadd.f32 v15, v55;
	vm11 =	vgt.f32 v10, v8;
	v1 =	vsel vm9, v10, v1  }
0x2ae: {  	v7 =	vld [tilespmem:s5+$0x40F0];
	vm10 =	vgt.f32 v10, v0;
	v9 =	vsel vm9, $0x5, v9;
	v1 =	vsel vm11, v8, v1  }
0x2af: {  	v52 =	vld [tilespmem:s5+$0x4100];
	v3 =	vadd.f32 v13, v3;
	v8 =	vsel vm11, v10, v8;
	v11 =	vsel vm11, $0x5, v50  }
0x2b0: {  	v53 =	vld [tilespmem:$0x1E900];
	v9 =	vsel vm11, v50, v9;
	v8 =	vsel vm10, v0, v8;
	v11 =	vsel vm10, v2, v11  }
0x2b1: {  	v0 =	vsel vm10, v10, v0;
	v2 =	vsel vm10, $0x5, v2;
	vm12 =	vgt.f32 v3, v1  }
0x2b2: {  	vm13 =	vgt.f32 v3, v8;
	vm14 =	vgt.f32 v3, v0;
	v1 =	vsel vm12, v3, v1  }
0x2b3: {  	v9 =	vsel vm12, $0x6, v9;
	v7 =	vadd.f32 v51, v7;
	v1 =	vsel vm13, v8, v1  }
0x2b4: {  	v8 =	vsel vm13, v3, v8;
	v9 =	vsel vm13, v11, v9;
	v11 =	vsel vm13, $0x6, v11  }
0x2b5: {  	v10 =	vadd.f32 v53, v52;
	v8 =	vsel vm14, v0, v8;
	v11 =	vsel vm14, v2, v11  }
0x2b6: {  	v54 =	vld [tilespmem:s5+$0x4110];
	v0 =	vsel vm14, v3, v0;
	vm15 =	vgt.f32 v7, v1;
	v2 =	vsel vm14, $0x6, v2  }
0x2b7: {  	v3 =	vld [tilespmem:$0x1E910];
	vm8 =	vgt.f32 v7, v8;
	v1 =	vsel vm15, v7, v1;
	vm9 =	vgt.f32 v7, v0  }
0x2b8: {  	v9 =	vsel vm15, $0x7, v9;
	v1 =	vsel vm8, v8, v1;
	v8 =	vsel vm8, v7, v8  }
0x2b9: {  	v9 =	vsel vm8, v11, v9;
	v11 =	vsel vm8, $0x7, v11;
	v8 =	vsel vm9, v0, v8  }
0x2ba: {  	v56 =	vld [tilespmem:s5+$0x4130];
	v0 =	vsel vm9, v7, v0;
	v11 =	vsel vm9, v2, v11;
	vm6 =	vgt.f32 v10, v1  }
0x2bb: {  	v7 =	vld [tilespmem:$0x1E930];
	v2 =	vsel vm9, $0x7, v2;
	vm10 =	vgt.f32 v10, v0;
	vm11 =	vgt.f32 v10, v8  }
0x2bc: {  	v1 =	vsel vm6, v10, v1;
	v9 =	vsel vm6, $0x8, v9;
	v3 =	vadd.f32 v3, v54  }
0x2bd: {  	v16 =	vsel vm10, v10, v0;
	v1 =	vsel vm11, v8, v1;
	v9 =	vsel vm11, v11, v9  }
0x2be: {  	v60 =	vld [tilespmem:$0x1E960];
	v8 =	vsel vm11, v10, v8;
	v11 =	vsel vm11, $0x8, v11;
	vm12 =	vgt.f32 v3, v16  }
0x2bf: {  	v41 =	vld [tilespmem:$0x1E990];
	v54 =	vimm.s32 $0x0;
	v0 =	vsel vm10, v0, v8;
	v18 =	vsel vm12, v3, v16  }
0x2c0: {  	v62 =	vsel vm10, v2, v11;
	v30 =	vadd.f32 v7, v56;
	v7 =	vld [tilespmem:s5+$0x4160];
	vm13 =	vgt.f32 v14, v18  }
0x2c1: {  	v42 =	vld [tilespmem:$0x1E9A0];
	v2 =	vsel vm10, $0x8, v2;
	vm15 =	vgt.f32 v3, v1;
	v59 =	vsel vm13, v14, v18  }
0x2c2: {  	v48 =	vld [tilespmem:s5+$0x41E0];
	vm14 =	vgt.f32 v3, v0;
	v1 =	vsel vm15, v3, v1;
	vm1 =	vgt.f32 v30, v59  }
0x2c3: {  	v47 =	vld [tilespmem:$0x1E9D0];
	v9 =	vsel vm15, $0x9, v9;
	v8 =	vsel vm14, $0x9, v62;
	v63 =	vsel vm1, v30, v59  }
0x2c4: {  	v1 =	vsel vm14, v0, v1;
	v0 =	vsel vm14, v3, v0;
	v3 =	vld [tilespmem:s5+$0x41A0];
	vm9 =	vgt.f32 v29, v63  }
0x2c5: {  	v9 =	vsel vm14, v62, v9;
	v27 =	vadd.f32 v60, v7;
	v7 =	vld [tilespmem:s5+$0x4190];
	v19 =	vsel vm9, v29, v63  }
0x2c6: {  	v55 =	vld [tilespmem:s5+$0x4200];
	v0 =	vsel vm12, v16, v0;
	vm8 =	vgt.f32 v14, v1;
	vm6 =	vgt.f32 v28, v19  }
0x2c7: {  	v50 =	vld [tilespmem:$0x1E9E0];
	vm10 =	vgt.f32 v14, v0;
	v1 =	vsel vm8, v14, v1;
	v35 =	vsel vm6, v28, v19  }
0x2c8: {  	v56 =	vld [tilespmem:$0x1EA00];
	v8 =	vsel vm12, v2, v8;
	v1 =	vsel vm10, v0, v1;
	vm11 =	vgt.f32 v27, v35  }
0x2c9: {  	v0 =	vsel vm10, v14, v0;
	v24 =	vadd.f32 v42, v3;
	v3 =	vld [tilespmem:s5+$0x41D0];
	v16 =	vsel vm11, v27, v35  }
0x2ca: {  	v57 =	vld [tilespmem:$0x1EA10];
	v23 =	vadd.f32 v41, v7;
	v7 =	vsel vm8, $0xA, v9;
	vm0 =	vgt.f32 v25, v16  }
0x2cb: {  	v46 =	vsel vm10, v8, v7;
	v7 =	vsel vm13, v18, v0;
	v18 =	vld [tilespmem:s5+$0x4210];
	v20 =	vsel vm0, v25, v16  }
0x2cc: {  	v53 =	vld [tilespmem:$0x1E9F0];
	v2 =	vsel vm12, $0x9, v2;
	v49 =	vsel vm10, $0xA, v8;
	vm3 =	vgt.f32 v26, v20  }
0x2cd: {  	v51 =	vld [tilespmem:s5+$0x41F0];
	v14 =	vadd.f32 v50, v48;
	v9 =	vadd.f32 v56, v55;
	v37 =	vsel vm3, v26, v20  }
0x2ce: {  	[tilespmem:$0x1F900] =	vst v1;
	v13 =	vadd.f32 v47, v3;
	vm12 =	vgt.f32 v30, v7;
	vm2 =	vgt.f32 v23, v37  }
0x2cf: {  	v62 =	vld [tilespmem:$0x1EA40];
	[tilespmem:$0x1F920] =	vst v7;
	v52 =	vsel vm12, v30, v7;
	v7 =	vimm.s32 $0x0;
	v1 =	vsel vm2, v23, v37  }
0x2d0: {  	v7 =	vsel vm12, $0xFFFFFFFF, v7;
	v12 =	vadd.f32 v57, v18;
	v18 =	vld [tilespmem:s5+$0x4240];
	vm7 =	vgt.f32 v24, v1  }
0x2d1: {  	v3 =	vimm.s32 $0x0;
	[tilespmem:$0x1FA60] =	vst v7;
	v7 =	vimm.s32 $0x0;
	v38 =	vsel vm7, v24, v1  }
0x2d2: {  	v8 =	vadd.f32 v53, v51;
	v7 =	vsel vm1, $0xFFFFFFFF, v7;
	vm8 =	vgt.f32 v22, v38  }
0x2d3: {  	[tilespmem:$0x1F8A0] =	vst v7;
	v7 =	vsel vm1, v59, v52;
	v6 =	vsel vm8, $0xFFFFFFFF, v6;
	v43 =	vsel vm8, v22, v38  }
0x2d4: {  	[tilespmem:$0x1F970] =	vst v6;
	v6 =	vsel vm13, v2, v49;
	v2 =	vsel vm13, $0xA, v2;
	vm13 =	vgt.f32 v29, v7  }
0x2d5: {  	vm8 =	vgt.f32 v17, v43;
	v18 =	vadd.f32 v62, v18;
	v3 =	vsel vm13, $0xFFFFFFFF, v3  }
0x2d6: {  	v58 =	vld [tilespmem:s5+$0x4220];
	[tilespmem:$0x1FA50] =	vst v6;
	v10 =	vsel vm13, v29, v7;
	v31 =	vsel vm12, $0xB, v6;
	v6 =	vimm.s32 $0x0  }
0x2d7: {  	v60 =	vld [tilespmem:$0x1EA20];
	[tilespmem:$0x1FAB0] =	vst v3;
	v3 =	vsel vm8, v17, v43;
	v6 =	vsel vm9, $0xFFFFFFFF, v6;
	v34 =	vsel vm9, v63, v10  }
0x2d8: {  	vm14 =	vgt.f32 v13, v3;
	[tilespmem:$0x1F8B0] =	vst v6;
	vm15 =	vgt.f32 v28, v34;
	v6 =	vimm.s32 $0x0  }
0x2d9: {  	[tilespmem:$0x1FA30] =	vst v46;
	v0 =	vsel vm8, $0xFFFFFFFF, v54;
	v44 =	vsel vm14, v13, v3;
	v6 =	vsel vm15, $0xFFFFFFFF, v6  }
0x2da: {  	v41 =	vsel vm1, $0xB, v2;
	[tilespmem:$0x1FAF0] =	vst v6;
	vm8 =	vgt.f32 v14, v44;
	v6 =	vimm.s32 $0x0  }
0x2db: {  	[tilespmem:$0x1F950] =	vst v7;
	v7 =	vimm.s32 $0x0;
	v46 =	vsel vm9, $0xC, v41;
	v6 =	vsel vm8, $0xFFFFFFFF, v6  }
0x2dc: {  	v10 =	vadd.f32 v60, v58;
	v59 =	vsel vm15, v28, v34;
	[tilespmem:$0x1F9C0] =	vst v6;
	v6 =	vimm.s32 $0x0  }
0x2dd: {  	v48 =	vsel vm6, $0xD, v46;
	v36 =	vsel vm6, v19, v59;
	v6 =	vsel vm6, $0xFFFFFFFF, v6  }
0x2de: {  	v7 =	vsel vm14, $0xFFFFFFFF, v7;
	vm15 =	vgt.f32 v27, v36;
	[tilespmem:$0x1F8C0] =	vst v6;
	v6 =	vimm.s32 $0x0  }
0x2df: {  	v50 =	vsel vm11, $0xE, v48;
	v45 =	vsel vm8, v14, v44;
	v6 =	vsel vm15, $0xFFFFFFFF, v6  }
0x2e0: {  	v61 =	vld [tilespmem:s5+$0x4230];
	vm12 =	vgt.f32 v8, v45;
	v40 =	vsel vm15, v27, v36;
	[tilespmem:$0x1FB40] =	vst v6;
	v6 =	vimm.s32 $0x0  }
0x2e1: {  	v19 =	vld [tilespmem:$0x1EA30];
	v47 =	vsel vm12, v8, v45;
	v40 =	vsel vm11, v35, v40;
	v6 =	vsel vm11, $0xFFFFFFFF, v6  }
0x2e2: {  	vm13 =	vgt.f32 v9, v47;
	vm10 =	vgt.f32 v25, v40;
	[tilespmem:$0x1F8D0] =	vst v6;
	v6 =	vimm.s32 $0x0  }
0x2e3: {  	v42 =	vld [tilespmem:$0x1EA60];
	v49 =	vsel vm13, v9, v47;
	v39 =	vsel vm10, v25, v40;
	v6 =	vsel vm10, $0xFFFFFFFF, v6  }
0x2e4: {  	v58 =	vld [tilespmem:$0x1EA70];
	vm14 =	vgt.f32 v12, v49;
	v39 =	vsel vm0, v16, v39;
	[tilespmem:$0x1FB80] =	vst v6;
	v6 =	vimm.s32 $0x0  }
0x2e5: {  	v53 =	vsel vm0, $0xF, v50;
	v35 =	vld [tilespmem:s5+$0x4270];
	vm4 =	vgt.f32 v26, v39;
	v6 =	vsel vm14, $0xFFFFFFFF, v6  }
0x2e6: {  	v52 =	vld [tilespmem:$0x1EA50];
	v15 =	vadd.f32 v19, v61;
	v19 =	vsel vm4, v26, v39;
	[tilespmem:$0x1F980] =	vst v6;
	v6 =	vimm.s32 $0x0  }
0x2e7: {  	[tilespmem:$0x1F990] =	vst v0;
	v63 =	vld [tilespmem:s5+$0x4250];
	v51 =	vsel vm14, v12, v49;
	v55 =	vsel vm3, v20, v19;
	v6 =	vsel vm0, $0xFFFFFFFF, v6  }
0x2e8: {  	v0 =	vld [tilespmem:s5+$0x4260];
	vm11 =	vgt.f32 v10, v51;
	vm5 =	vgt.f32 v23, v55;
	[tilespmem:$0x1F8E0] =	vst v6;
	v6 =	vimm.s32 $0x0  }
0x2e9: {  	[tilespmem:$0x1F9B0] =	vst v7;
	v56 =	vsel vm3, $0x10, v53;
	v32 =	vsel vm5, v23, v55;
	v6 =	vsel vm11, $0xFFFFFFFF, v6  }
0x2ea: {  	v16 =	vadd.f32 v58, v35;
	v7 =	vsel vm2, v37, v32;
	v37 =	vld [tilespmem:$0x1F970];
	[tilespmem:$0x1F9A0] =	vst v6;
	v6 =	vimm.s32 $0x0  }
0x2eb: {  	v58 =	vimm.s32 $0x0;
	v54 =	vsel vm11, v10, v51;
	v6 =	vsel vm4, $0xFFFFFFFF, v6  }
0x2ec: {  	v19 =	vadd.f32 v52, v63;
	v52 =	vsel vm2, $0x11, v56;
	[tilespmem:$0x1FBB0] =	vst v6;
	v6 =	vimm.s32 $0x0  }
0x2ed: {  	v20 =	vadd.f32 v42, v0;
	v63 =	vld [tilespmem:$0x1F990];
	vm9 =	vgt.f32 v15, v54;
	v6 =	vsel vm3, $0xFFFFFFFF, v6  }
0x2ee: {  	v42 =	vimm.s32 $0x0;
	v57 =	vsel vm9, v15, v54;
	[tilespmem:$0x1F8F0] =	vst v6;
	v6 =	vimm.s32 $0x0  }
0x2ef: {  	vm8 =	vgt.f32 v18, v57;
	vm1 =	vnez.u8 v37;
	v37 =	vld [tilespmem:$0x1F9C0];
	v6 =	vsel vm9, $0xFFFFFFFF, v6  }
0x2f0: {  	v60 =	vsel vm7, $0x12, v52;
	v59 =	vsel vm8, v18, v57;
	[tilespmem:$0x1F9D0] =	vst v6;
	v6 =	vimm.s32 $0x0  }
0x2f1: {  	v32 =	vimm.s32 $0x0;
	vm6 =	vgt.f32 v19, v59;
	v6 =	vsel vm5, $0xFFFFFFFF, v6  }
0x2f2: {  	vm10 =	vnez.u8 v63;
	v62 =	vsel vm6, v19, v59;
	[tilespmem:$0x1FBD0] =	vst v6;
	v6 =	vimm.s32 $0x0  }
0x2f3: {  	v35 =	vld [tilespmem:$0x1F9B0];
	v0 =	vsel vm6, $0xFFFFFFFF, v42;
	v42 =	vimm.s32 $0x0;
	v6 =	vsel vm2, $0xFFFFFFFF, v6  }
0x2f4: {  	v61 =	vsel vm1, $0x13, v60;
	vm3 =	vnez.u8 v37;
	[tilespmem:$0x1F910] =	vst v6;
	v6 =	vimm.s32 $0x0  }
0x2f5: {  	[tilespmem:$0x1FA00] =	vst v0;
	vm5 =	vgt.f32 v20, v62;
	vm2 =	vgt.f32 v24, v7;
	v6 =	vsel vm8, $0xFFFFFFFF, v6  }
0x2f6: {  	v37 =	vld [tilespmem:$0x1F8A0];
	v63 =	vsel vm5, v20, v62;
	v0 =	vsel vm2, $0xFFFFFFFF, v58;
	[tilespmem:$0x1F9E0] =	vst v6;
	v6 =	vimm.s32 $0x0  }
0x2f7: {  	vm4 =	vgt.f32 v16, v63;
	v11 =	vsel vm2, v24, v7;
	[tilespmem:$0x1FBF0] =	vst v0;
	v6 =	vsel vm7, $0xFFFFFFFF, v6  }
0x2f8: {  	v58 =	vsel vm10, $0x14, v61;
	vm2 =	vnez.u8 v35;
	v0 =	vsel vm5, $0xFFFFFFFF, v32;
	[tilespmem:$0x1F940] =	vst v6;
	v6 =	vld [tilespmem:$0x1FAB0]  }
0x2f9: {  	v21 =	vsel vm7, v1, v11;
	v11 =	vsel vm2, $0x15, v58;
	v32 =	vimm.s32 $0x0  }
0x2fa: {  	[tilespmem:$0x1FA10] =	vst v0;
	v35 =	vsel vm3, $0x16, v11;
	v0 =	vsel vm4, $0xFFFFFFFF, v42;
	vm0 =	vgt.f32 v22, v21  }
0x2fb: {  	[tilespmem:$0x1FA20] =	vst v0;
	v0 =	vsel vm0, $0xFFFFFFFF, v32;
	vm7 =	vnez.u8 v37;
	v42 =	vsel vm0, v22, v21  }
0x2fc: {  	[tilespmem:$0x1F960] =	vst v0;
	v0 =	vsel vm7, v2, v31;
	v31 =	vsel vm12, $0x17, v35;
	vm7 =	vmmov vm12  }
0x2fd: {  	v32 =	vsel vm1, v38, v42;
	v38 =	vimm.s32 $0x0;
	vm12 =	vnez.u8 v6  }
0x2fe: {  	[tilespmem:$0x1FAA0] =	vst v0;
	v37 =	vsel vm12, $0xC, v0;
	v0 =	vsel vm13, $0xFFFFFFFF, v38;
	v38 =	vld [tilespmem:$0x1F8B0];
	_ =	sdelay $0x4  }
0x2ff: {  	vm0 =	vnez.u8 v38  }
0x300: {  	[tilespmem:$0x1F9F0] =	vst v0;
	v0 =	vsel vm0, v41, v37;
	vm0 =	vgt.f32 v17, v32;
	v41 =	vimm.s32 $0x0  }
0x301: {  	v37 =	vld [tilespmem:$0x1FAF0];
	v2 =	vsel vm0, $0xFFFFFFFF, v41  }
0x302: {  	[tilespmem:$0x1FA90] =	vst v2;
	v2 =	vld [tilespmem:$0x1F8C0];
	_ =	sdelay $0x2  }
0x303: {  	v42 =	vsel vm13, $0x18, v31  }
0x304: {  	v38 =	vsel vm14, $0x19, v42;
	vm14 =	vnez.u8 v37  }
0x305: {  	v41 =	vsel vm11, $0x1A, v38;
	v37 =	vsel vm14, $0xD, v0;
	vm11 =	vnez.u8 v2  }
0x306: {  	v6 =	vsel vm11, v46, v37;
	v46 =	vld [tilespmem:$0x1F8D0];
	_ =	sdelay $0x1  }
0x307: {  	v1 =	vsel vm4, v16, v63  }
0x308: {  	(xrf0) =	vmax.scan.msk.f32 $0xffff, v1;
	[tilespmem:$0x1FAE0] =	vst v0;
	v0 =	vsel vm0, v17, v32  }
0x309: {  	v2 =	vsel vm10, v43, v0;
	v37 =	vsel vm9, $0x1B, v41  }
0x30a: {  	[tilespmem:$0x1FB30] =	vst v6;
	v43 =	vsel vm15, $0xE, v6;
	v6 =	vsel vm8, $0x1C, v37;
	vm8 =	vnez.u8 v46  }
0x30b: {  	v0 =	vsel vm8, v48, v43;
	v48 =	vimm.s32 $0x0  }
0x30c: {  	vm10 =	vgt.f32 v13, v2  }
0x30d: {  	[tilespmem:$0x1FA80] =	vst v6;
	v46 =	vsel vm10, $0xFFFFFFFF, v48  }
0x30e: {  	[tilespmem:$0x1FB00] =	vst v46;
	v46 =	vsel vm6, $0x1D, v6;
	v48, _, _ =	vpop (xrf0)  }
0x30f: {  	[tilespmem:$0x1FAD0] =	vst v46;
	v6 =	vbroadcast v48, $0xF;
	v48 =	vsel vm5, $0x1E, v46;
	v46 =	vld [tilespmem:$0x1FB80];
	_ =	sdelay $0x4  }
0x310: {  	vm11 =	vnez.u8 v46;
	v46 =	vld [tilespmem:$0x1F8E0];
	_ =	sdelay $0x1  }
0x311: {  	v43 =	vsel vm10, v13, v2  }
0x312: {  	v3 =	vsel vm2, v3, v43  }
0x313: {  	vm8 =	vgt.f32 v14, v3;
	v43 =	vsel vm11, $0xF, v0  }
0x314: {  	[tilespmem:$0x1FB70] =	vst v0;
	v0 =	vsel vm4, $0x1F, v48;
	vm9 =	vnez.u8 v46;
	v46 =	vimm.s32 $0x0  }
0x315: {  	[tilespmem:$0x1FB20] =	vst v0;
	v46 =	vsel vm8, $0xFFFFFFFF, v46  }
0x316: {  	v50 =	vsel vm9, v50, v43;
	v43 =	vsel vm8, v14, v3;
	[tilespmem:$0x1FB50] =	vst v46;
	v46 =	vld [tilespmem:$0x1FFF0]  }
0x317: {  	v44 =	vsel vm3, v44, v43;
	v43 =	vld [tilespmem:$0x1FBB0];
	[tilespmem:$0x1F930] =	vst v2  }
0x318: {  	v2 =	vld [tilespmem:$0x1F8F0];
	_ =	sdelay $0x1  }
0x319: {  	v0 =	vshll.u32 v0, $0x4  }
0x31a: {  	vm15 =	veq.f32 v1, v6;
	v0 =	vor.u32 v46, v0  }
0x31b: {  	v0 =	vnsel vm15, $0x80000200, v0;
	vm15 =	vnez.u8 v43  }
0x31c: {  	vm6 =	vnez.u8 v2;
	v43 =	vsel vm15, $0x10, v50  }
0x31d: {  	vm9 =	vgt.f32 v8, v44;
	v43 =	vsel vm6, v53, v43;
	v53 =	vimm.s32 $0x0  }
0x31e: {  	v2 =	vld [tilespmem:$0x1F930];
	v53 =	vsel vm9, $0xFFFFFFFF, v53  }
0x31f: {  	[tilespmem:$0x1FB90] =	vst v53;
	v53 =	vld [tilespmem:$0x1F900];
	_ =	sdelay $0x4  }
0x320: {  	(xrf0) =	vmin.scan.msk.u32 $0xffff, v0;
	[tilespmem:$0x1F930] =	vst v2;
	v2 =	vimm.s32 $0x0;
	vm4 =	vgt.f32 v30, v53  }
0x321: {  	v2 =	vsel vm4, $0xFFFFFFFF, v2  }
0x322: {  	[tilespmem:$0x1FA40] =	vst v2  }
0x323: {  	v2 =	vld [tilespmem:$0x1F930]  }
0x324: {  	v30 =	vsel vm4, v30, v53;
	v53 =	vld [tilespmem:$0x1FBD0];
	_ =	sdelay $0x4  }
0x325: {  	vm4 =	vnez.u8 v53;
	v53 =	vld [tilespmem:$0x1F910];
	_ =	sdelay $0x3  }
0x326: {  	v0 =	vsel vm9, v8, v44  }
0x327: {  	v0 =	vsel vm7, v45, v0;
	v45 =	vsel vm4, $0x11, v43;
	vm5 =	vnez.u8 v53  }
0x328: {  	v45 =	vsel vm5, v56, v45;
	v56 =	vld [tilespmem:$0x1FA60];
	_ =	sdelay $0x4  }
0x329: {  	vm6 =	vnez.u8 v56;
	v56 =	vld [tilespmem:$0x1F920];
	_ =	sdelay $0x4  }
0x32a: {  	vm3 =	vgt.f32 v9, v0;
	v30 =	vsel vm6, v56, v30;
	v56 =	vld [tilespmem:$0x1FBF0];
	[tilespmem:$0x1F930] =	vst v1;
	v1 =	vimm.s32 $0x0  }
0x32b: {  	v1 =	vsel vm3, $0xFFFFFFFF, v1  }
0x32c: {  	[tilespmem:$0x1FBC0] =	vst v1  }
0x32d: {  	v1 =	vld [tilespmem:$0x1F930];
	_ =	sdelay $0x4  }
0x32e: {  	vm0 =	vgt.f32 v29, v30;
	[tilespmem:$0x1F930] =	vst v1;
	v1 =	vimm.s32 $0x0  }
0x32f: {  	v1 =	vsel vm0, $0xFFFFFFFF, v1  }
0x330: {  	[tilespmem:$0x1FA70] =	vst v1  }
0x331: {  	v1 =	vld [tilespmem:$0x1F930];
	_ =	sdelay $0x4  }
0x332: {  	[tilespmem:$0x1F930] =	vst v1  }
0x333: {  	v1 =	vld [tilespmem:$0x1F940];
	_ =	sdelay $0x4  }
0x334: {  	vm6 =	vnez.u8 v56;
	v56 =	vsel vm3, v9, v0;
	vm5 =	vnez.u8 v1;
	v1 =	vld [tilespmem:$0x1F930]  }
0x335: {  	v29 =	vsel vm0, v29, v30;
	v30 =	vsel vm13, v47, v56;
	v56 =	vld [tilespmem:$0x1F950];
	_ =	sdelay $0x2  }
0x336: {  	v53 =	vsel vm6, $0x12, v45  }
0x337: {  	v52 =	vsel vm5, v52, v53;
	v53 =	vld [tilespmem:$0x1F960]  }
0x338: {  	v29 =	vsel vm12, v56, v29;
	v56 =	vld [tilespmem:$0x1F970];
	_ =	sdelay $0x3  }
0x339: {  	vm13 =	vnez.u8 v53  }
0x33a: {  	v47 =	vsel vm13, $0x13, v52;
	vm12 =	vnez.u8 v56  }
0x33b: {  	vm2 =	vgt.f32 v12, v30;
	v47 =	vsel vm12, v60, v47;
	v60 =	vimm.s32 $0x0  }
0x33c: {  	vm5 =	vgt.f32 v28, v29;
	v56 =	vsel vm2, $0xFFFFFFFF, v60;
	v60 =	vimm.s32 $0x0  }
0x33d: {  	v60 =	vsel vm5, $0xFFFFFFFF, v60  }
0x33e: {  	[tilespmem:$0x1FAC0] =	vst v60;
	v60 =	vld [tilespmem:$0x1F980];
	_ =	sdelay $0x4  }
0x33f: {  	v53 =	vsel vm2, v12, v30;
	vm0 =	vnez.u8 v60  }
0x340: {  	v28 =	vsel vm5, v28, v29;
	v29 =	vsel vm0, v49, v53;
	v49 =	vld [tilespmem:$0x1FA90]  }
0x341: {  	v53 =	vld [tilespmem:$0x1F990];
	_ =	sdelay $0x2  }
0x342: {  	v28 =	vsel vm14, v34, v28  }
0x343: {  	vm5 =	vgt.f32 v27, v28;
	v60 =	vimm.s32 $0x0;
	vm12 =	vnez.u8 v49  }
0x344: {  	vm14 =	vnez.u8 v53;
	v34 =	vsel vm12, $0x14, v47;
	vm12 =	vgt.f32 v10, v29  }
0x345: {  	v34 =	vsel vm14, v61, v34;
	v53 =	vsel vm12, $0xFFFFFFFF, v60;
	v61 =	vimm.s32 $0x0  }
0x346: {  	[tilespmem:$0x1FC10] =	vst v53;
	v53 =	vsel vm5, $0xFFFFFFFF, v61;
	v61 =	vld [tilespmem:$0x1FB40];
	_ =	sdelay $0x1  }
0x347: {  	[tilespmem:$0x1FB10] =	vst v53;
	v53 =	vld [tilespmem:$0x1F9A0]  }
0x348: {  	v60 =	vld [tilespmem:$0x1F9B0];
	_ =	sdelay $0x1  }
0x349: {  	vm14 =	vnez.u8 v61;
	v61 =	vld [tilespmem:$0x1F9C0]  }
0x34a: {  	[tilespmem:$0x1FC00] =	vst v56;
	v27 =	vsel vm5, v27, v28;
	v56, _, _ =	vpop (xrf0)  }
0x34b: {  	(v2sf) =	vpush v56, $0xF;
	v56 =	vsel vm12, v10, v29;
	vm1 =	vnez.u8 v53  }
0x34c: {  	v28 =	vsel vm1, v51, v56;
	v56 =	vsel vm10, $0x15, v34;
	vm10 =	vnez.u8 v60  }
0x34d: {  	v49 =	vsel vm10, v58, v56  }
0x34e: {  	v27 =	vsel vm14, v36, v27;
	v36 =	vsel vm8, $0x16, v49;
	vm8 =	vnez.u8 v61  }
0x34f: {  	v11 =	vsel vm8, v11, v36;
	v36 =	vld [tilespmem:$0x1F9D0];
	_ =	sdelay $0x3  }
0x350: {  	vm5 =	vgt.f32 v25, v27;
	vm14 =	vgt.f32 v15, v28;
	v58 =	vimm.s32 $0x0  }
0x351: {  	v56 =	vsel vm14, v15, v28;
	v53 =	vsel vm14, $0xFFFFFFFF, v58;
	v58 =	vld [tilespmem:$0x1F9F0];
	vm8 =	vnez.u8 v36  }
0x352: {  	v25 =	vsel vm5, v25, v27;
	v27 =	vsel vm8, v54, v56;
	v56 =	vld [tilespmem:$0x1F9E0];
	_ =	sdelay $0x1  }
0x353: {  	v60 =	vimm.s32 $0x0  }
0x354: {  	v25 =	vsel vm11, v40, v25;
	[tilespmem:$0x1FC20] =	vst v53;
	v53 =	vsel vm5, $0xFFFFFFFF, v60;
	v61 =	vimm.s32 $0x0  }
0x355: {  	vm10 =	vnez.u8 v58;
	v36 =	vsel vm9, $0x17, v11;
	vm5 =	vgt.f32 v18, v27  }
0x356: {  	vm9 =	vgt.f32 v26, v25;
	v51 =	vsel vm5, v18, v27;
	vm11 =	vnez.u8 v56  }
0x357: {  	v35 =	vsel vm7, v35, v36;
	v25 =	vsel vm9, v26, v25;
	v26 =	vsel vm11, v57, v51  }
0x358: {  	v25 =	vsel vm15, v39, v25;
	v57 =	vsel vm3, $0x18, v35;
	vm3 =	vgt.f32 v19, v26  }
0x359: {  	vm15 =	vgt.f32 v23, v25;
	v31 =	vsel vm10, v31, v57;
	v39 =	vsel vm3, $0xFFFFFFFF, v61  }
0x35a: {  	v23 =	vsel vm15, v23, v25;
	v36 =	vsel vm2, $0x19, v31;
	[tilespmem:$0x1FC40] =	vst v39;
	v39 =	vld [tilespmem:$0x1FA00]  }
0x35b: {  	v23 =	vsel vm4, v55, v23;
	v42 =	vsel vm0, v42, v36  }
0x35c: {  	[tilespmem:$0x1FB60] =	vst v53;
	v53 =	vimm.s32 $0x0;
	v36 =	vsel vm12, $0x1A, v42;
	vm12 =	vgt.f32 v24, v23  }
0x35d: {  	v54 =	vimm.s32 $0x0;
	v40 =	vsel vm5, $0xFFFFFFFF, v53;
	v55 =	vld [tilespmem:$0x1FA10];
	v23 =	vsel vm12, v24, v23  }
0x35e: {  	[tilespmem:$0x1FC30] =	vst v40;
	v40 =	vsel vm9, $0xFFFFFFFF, v54;
	v7 =	vsel vm6, v7, v23  }
0x35f: {  	v60 =	vsel vm3, v19, v26;
	vm2 =	vgt.f32 v22, v7;
	vm9 =	vnez.u8 v39  }
0x360: {  	v7 =	vsel vm2, v22, v7;
	v22 =	vld [tilespmem:$0x1FA20];
	v25 =	vsel vm9, v59, v60  }
0x361: {  	v58 =	vld [tilespmem:$0x1FA40];
	vm10 =	vgt.f32 v20, v25  }
0x362: {  	[tilespmem:$0x1FBA0] =	vst v40;
	v40 =	vld [tilespmem:$0x1FA90];
	v36 =	vsel vm1, v38, v36;
	vm1 =	vnez.u8 v55;
	v51 =	vsel vm10, v20, v25  }
0x363: {  	v55 =	vld [tilespmem:$0x1FAC0];
	v24 =	vsel vm1, v62, v51  }
0x364: {  	v56 =	vsel vm14, $0x1B, v36;
	v59 =	vld [tilespmem:$0x1FA50];
	vm14 =	vgt.f32 v16, v24  }
0x365: {  	s5 =	spop (v2sf);
	v60 =	vld [tilespmem:$0x1FA60];
	vm0 =	vnez.u8 v22;
	v23 =	vsel vm14, v16, v24  }
0x366: {  	s1 =	sand.u32 $0xF, s5;
	vm7 =	vmmov vm13;
	v53 =	vimm.s32 $0x0;
	v22 =	vsel vm0, v63, v23;
	v23 =	vld [tilespmem:$0x1FA30]  }
0x367: {  	v54 =	vimm.s32 $0x0;
	v57 =	vmov s1;
	v38 =	vsel vm8, v41, v56;
	v62 =	vld [tilespmem:$0x1FA70]  }
0x368: {  	v7 =	vsel vm13, v21, v7;
	v21 =	vsel vm5, $0x1C, v38;
	vm13 =	vnez.u8 v58;
	v51 =	vld [tilespmem:$0x1FAB0]  }
0x369: {  	v41 =	vld [tilespmem:$0x1FAA0];
	v21 =	vsel vm11, v37, v21;
	v39 =	vsel vm10, $0xFFFFFFFF, v53;
	v53 =	vlaneseq.u32  }
0x36a: {  	v58 =	vld [tilespmem:$0x1FAF0];
	v61 =	vsel vm3, $0x1D, v21;
	vm3 =	vnez.u8 v40;
	[tilespmem:$0x1FC50] =	vst v39;
	v39 =	vsel vm12, $0xFFFFFFFF, v54  }
0x36b: {  	vm6 =	veq.s32 v57, v53;
	v57 =	vld [tilespmem:$0x1FAE0];
	vm5 =	vnez.u8 v60;
	v23 =	vsel vm13, $0xB, v23  }
0x36c: {  	vm12 =	vgt.f32 v17, v7;
	vm8 =	vnez.u8 v62;
	v23 =	vsel vm5, v59, v23  }
0x36d: {  	v7 =	vsel vm12, v17, v7;
	vm11 =	vnez.u8 v51;
	v23 =	vsel vm8, $0xC, v23  }
0x36e: {  	v7 =	vsel vm3, v32, v7;
	v63 =	vld [tilespmem:$0x1FA80];
	vm13 =	vnez.u8 v55;
	v23 =	vsel vm11, v41, v23  }
0x36f: {  	v56 =	vld [tilespmem:$0x1FAD0];
	vm5 =	vnez.u8 v58;
	vm11 =	vgt.f32 v13, v7;
	v23 =	vsel vm13, $0xD, v23  }
0x370: {  	v7 =	vsel vm11, v13, v7;
	v13 =	vsel vm5, v57, v23;
	v23 =	vld [tilespmem:$0x1FB00];
	_ =	sdelay $0x2  }
0x371: {  	v1 =	vsel vm6, v22, v1;
	v17 =	vsel vm9, v63, v61  }
0x372: {  	(xrf0) =	vmax.scan.msk.f32 $0xffff, v1;
	v63 =	vld [tilespmem:$0x1FB50];
	v54 =	vsel vm10, $0x1E, v17  }
0x373: {  	v32 =	vsel vm1, v56, v54;
	vm1 =	vnez.u8 v23;
	v23 =	vld [tilespmem:$0x1FB10]  }
0x374: {  	v59 =	vld [tilespmem:$0x1FB20];
	_ =	sdelay $0x1  }
0x375: {  	v2 =	vsel vm1, v2, v7;
	v7 =	vsel vm14, $0x1F, v32  }
0x376: {  	v62 =	vld [tilespmem:$0x1FB40];
	v7 =	vsel vm0, v48, v7  }
0x377: {  	v51 =	vld [tilespmem:$0x1FB70];
	vm13 =	vgt.f32 v14, v2;
	vm0 =	vnez.u8 v63;
	vm8 =	vnez.u8 v23;
	v23, _, _ =	vpop (xrf0)  }
0x378: {  	v61 =	vld [tilespmem:$0x1FB30];
	v2 =	vsel vm13, v14, v2;
	v14 =	vsel vm6, v7, v59;
	v60 =	vbroadcast v23, $0xF  }
0x379: {  	v55 =	vld [tilespmem:$0x1FB90];
	v2 =	vsel vm0, v3, v2;
	v3 =	vshll.u32 v14, $0x4  }
0x37a: {  	v48 =	vld [tilespmem:$0x1FB60];
	v3 =	vor.u32 v46, v3;
	v13 =	vsel vm8, $0xE, v13;
	vm8 =	veq.f32 v1, v60  }
0x37b: {  	v54 =	vld [tilespmem:$0x1FB80];
	v3 =	vnsel vm8, $0x80000200, v3  }
0x37c: {  	(xrf0) =	vmin.scan.msk.u32 $0xffff, v3;
	v3 =	vld [tilespmem:$0x1FBA0]  }
0x37d: {  	v56 =	vld [tilespmem:$0x1FBB0]  }
0x37e: {  	vm9 =	vnez.u8 v62;
	v57 =	vld [tilespmem:$0x1FBC0]  }
0x37f: {  	v58 =	vld [tilespmem:$0x1FBD0];
	v13 =	vsel vm9, v61, v13;
	vm9 =	vgt.f32 v8, v2;
	vm10 =	vnez.u8 v48  }
0x380: {  	v13 =	vsel vm10, $0xF, v13;
	v2 =	vsel vm9, v8, v2;
	vm10 =	vnez.u8 v54  }
0x381: {  	v8 =	vsel vm10, v51, v13;
	vm10 =	vnez.u8 v55;
	vm8 =	vnez.u8 v3  }
0x382: {  	vm4 =	vnez.u8 v56;
	v2 =	vsel vm10, v44, v2;
	v3 =	vsel vm8, $0x10, v8  }
0x383: {  	vm5 =	vnez.u8 v57;
	vm8 =	vgt.f32 v9, v2;
	v3 =	vsel vm4, v50, v3  }
0x384: {  	[tilespmem:$0x1FBE0] =	vst v39;
	v2 =	vsel vm8, v9, v2;
	v3 =	vsel vm15, $0x11, v3;
	vm15 =	vnez.u8 v58  }
0x385: {  	v0 =	vsel vm5, v0, v2;
	v2 =	vsel vm15, v43, v3;
	v3 =	vld [tilespmem:$0x1FBE0];
	_ =	sdelay $0x4  }
0x386: {  	vm4 =	vnez.u8 v3;
	v3 =	vld [tilespmem:$0x1FBF0];
	_ =	sdelay $0x4  }
0x387: {  	v2 =	vsel vm4, $0x12, v2;
	vm4 =	vnez.u8 v3;
	v3 =	vld [tilespmem:$0x1FC00];
	_ =	sdelay $0x4  }
0x388: {  	(v2sf) =	vpush v23, $0xF;
	v2 =	vsel vm4, v45, v2;
	vm4 =	vnez.u8 v3;
	v3, _, _ =	vpop (xrf0)  }
0x389: {  	(v2sf) =	vpush v3, $0xF;
	v3 =	vld [tilespmem:$0x1FC10];
	_ =	sdelay $0x3  }
0x38a: {  	v2 =	vsel vm2, $0x13, v2  }
0x38b: {  	v2 =	vsel vm7, v52, v2;
	vm7 =	vnez.u8 v3;
	v3 =	vld [tilespmem:$0x1FC20];
	_ =	sdelay $0x1  }
0x38c: {  	v2 =	vsel vm12, $0x14, v2  }
0x38d: {  	v2 =	vsel vm3, v47, v2  }
0x38e: {  	vm15 =	vgt.f32 v12, v0;
	v2 =	vsel vm11, $0x15, v2  }
0x38f: {  	v0 =	vsel vm15, v12, v0;
	v2 =	vsel vm1, v34, v2;
	vm1 =	vnez.u8 v3;
	v3 =	vld [tilespmem:$0x1FC30]  }
0x390: {  	v0 =	vsel vm4, v30, v0  }
0x391: {  	vm2 =	vgt.f32 v10, v0  }
0x392: {  	v0 =	vsel vm2, v10, v0  }
0x393: {  	v2 =	vsel vm13, $0x16, v2;
	v0 =	vsel vm7, v29, v0  }
0x394: {  	v2 =	vsel vm0, v49, v2;
	vm3 =	vgt.f32 v15, v0;
	vm0 =	vnez.u8 v3;
	v3 =	vld [tilespmem:$0x1FC40]  }
0x395: {  	v0 =	vsel vm3, v15, v0  }
0x396: {  	v0 =	vsel vm1, v28, v0  }
0x397: {  	vm12 =	vgt.f32 v18, v0  }
0x398: {  	v2 =	vsel vm9, $0x17, v2;
	v0 =	vsel vm12, v18, v0  }
0x399: {  	v2 =	vsel vm10, v11, v2;
	v0 =	vsel vm0, v27, v0;
	vm10 =	vnez.u8 v3;
	v3 =	vld [tilespmem:$0x1FC50]  }
0x39a: {  	vm9 =	vgt.f32 v19, v0  }
0x39b: {  	v2 =	vsel vm8, $0x18, v2;
	v0 =	vsel vm9, v19, v0  }
0x39c: {  	v2 =	vsel vm5, v35, v2;
	v0 =	vsel vm10, v26, v0  }
0x39d: {  	v2 =	vsel vm15, $0x19, v2;
	vm13 =	vgt.f32 v20, v0  }
0x39e: {  	v2 =	vsel vm4, v31, v2;
	v0 =	vsel vm13, v20, v0;
	vm15 =	vnez.u8 v3  }
0x39f: {  	s1 =	spop (v2sf);
	v2 =	vsel vm2, $0x1A, v2;
	v0 =	vsel vm15, v25, v0  }
0x3a0: {  	v2 =	vsel vm7, v42, v2;
	s6 =	spop (v2sf);
	vm7 =	vgt.f32 v16, v0  }
0x3a1: {  	v2 =	vsel vm3, $0x1B, v2;
	s31 =	sand.u32 $0xF, s6;
	v0 =	vsel vm7, v16, v0  }
0x3a2: {  	v2 =	vsel vm1, v36, v2;
	v3 =	vmov s31;
	v0 =	vsel vm14, v24, v0  }
0x3a3: {  	v2 =	vsel vm12, $0x1C, v2;
	vm12 =	veq.s32 v3, v53;
	v0 =	vsel vm6, v0, v22  }
0x3a4: {  	v2 =	vsel vm0, v38, v2;
	v0 =	vsel vm12, v0, v1  }
0x3a5: {  	v59 =	vsel vm9, $0x1D, v2;
	(xrf0) =	vmax.scan.msk.f32 $0xffff, v0  }
0x3a6: {  	v1 =	vsel vm10, v21, v59  }
0x3a7: {  	v1 =	vsel vm13, $0x1E, v1  }
0x3a8: {  	v1 =	vsel vm15, v17, v1  }
0x3a9: {  	v1 =	vsel vm7, $0x1F, v1  }
0x3aa: {  	v1 =	vsel vm14, v32, v1  }
0x3ab: {  	v1 =	vsel vm6, v1, v7;
	v60, _, _ =	vpop (xrf0)  }
0x3ac: {  	v1 =	vsel vm12, v1, v14;
	v2 =	vbroadcast v60, $0xF  }
0x3ad: {  	v1 =	vshll.u32 v1, $0x4  }
0x3ae: {  	v61 =	vor.u32 v46, v1;
	vm13 =	veq.f32 v0, v2  }
0x3af: {  	v0 =	vnsel vm13, $0x80000200, v61  }
0x3b0: {  	(xrf0) =	vmin.scan.msk.u32 $0xffff, v0;
	_ =	sdelay $0x5  }
0x3b1: {  	v0, _, _ =	vpop (xrf0)  }
0x3b2: {  	(v2sf) =	vpush v0, $0xF;
	_ =	sdelay $0x4  }
0x3b3: {  	v62 =	vld [tilespmem:$0x1FC80]  }
0x3b4: {  	s4 =	sand.u32 $0xF, s4  }
0x3b5: {  	s16 =	sshra.s32 s3, $0x1F;
	p2 =	slt.s32 s3, $0x1;
	p3 =	sne.s32 s4, $0x0  }
0x3b6: {  	s16 =	sshrl.u32 s16, $0x1C;
	p2 =	por !p3, !p2  }
0x3b7: {  	s4 =	sadd.s32 s16, s3;
	p2 =	por !p2, !p2;
	s31 =	simm.s32 $0x1  }
0x3b8: {  	s4 =	sshrl.u32 s4, $0x4;
	s31 =	simm.s32 @!p2 $0x0;
	vm14 =	vnez.u8 v62  }
0x3b9: {  	s4 =	ssub.s32 s4, s31;
	v0 =	vsel vm14, v6, v33  }
0x3ba: {  	s4 =	sshll.u32 s4, $0x4;
	[tilespmem:s28+$0x1E080] =	vst v0  }
0x3bb: {  	v0 =	vld [tilespmem:s4+$0x1E680]  }
0x3bc: {  	s5 =	sxor.u32 $0x80000000, s5;
	s6 =	sshll.u32 s6, $0x9  }
.Ltmp13:
0x3bd: {  	s16 =	ssub.s32 s3, s4;
	s31 =	spop (v2sf);
	(pc) =	sbr.rel .LBB2_16-.Ltmp13, $4  }
0x3be: {  	s5 =	sor.u32 s5, s6;
	v63 =	vmov s16;
	s31 =	sshll.u32 s31, $0x12  }
0x3bf: {  	vm15 =	veq.s32 v63, v53;
	s5 =	sor.u32 s31, s5  }
0x3c0: {  	v0 =	vsel vm15, v2, v0;
	s31 =	sadd.s32 $0x200, s3;
	[smem:s3] =	sst s5  }
0x3c1: {  	v20 =	vimm.s32 $0x0;
	[tilespmem:s4+$0x1E680] =	vst v0;
	s3 =	simm.f32 $0.0e+00;
	[smem:s31] =	sst s1  }
.LBB2_15:
0x3c2: {  	s1 =	rddreg [dreg:$0x2]  }
0x3c3: {  	s16 =	simm.s32 $0x1EA80;
	s1 =	sadd.s32 s5, s1  }
0x3c4: {  	[tilespmem:s16], [sflag:$0x4] =	stream.linear.gather [spmem:s1], $0x200, $0x38;
	[tilespmem:$0x1EF00] =	vst v63  }
0x3c5: {  	_ =	swait.ge [sflag:s20], $0x200  }
0x3c6: {  	[sflag:s20] =	ssyncset.done $0x0  }
0x3c7: {  	[sflag:s20] =	ssyncadd.s32 $0xFFFFFE00  }
0x3c8: {  	v0 =	vld [tilespmem:$0x1EA80]  }
0x3c9: {  	v1 =	vld [tilespmem:$0x1E880]  }
0x3ca: {  	v2 =	vld [tilespmem:$0x1EA90]  }
0x3cb: {  	v3 =	vld [tilespmem:$0x1E890]  }
0x3cc: {  	v7 =	vld [tilespmem:$0x1EAA0]  }
0x3cd: {  	v41 =	vld [tilespmem:$0x1E8A0]  }
0x3ce: {  	v53 =	vld [tilespmem:$0x1EB40]  }
0x3cf: {  	v17 =	vld [tilespmem:$0x1E940]  }
0x3d0: {  	v54 =	vld [tilespmem:$0x1EB50]  }
0x3d1: {  	v19 =	vld [tilespmem:$0x1E950]  }
0x3d2: {  	v57 =	vld [tilespmem:$0x1EB70]  }
0x3d3: {  	v60 =	vld [tilespmem:$0x1E970];
	_ =	sdelay $0x1  }
0x3d4: {  	v0 =	vadd.f32 v1, v0  }
0x3d5: {  	v2 =	vadd.f32 v3, v2;
	v3 =	vld [tilespmem:$0x1EAB0];
	v1 =	vadd.f32 v41, v7  }
0x3d6: {  	v32 =	vimm.s32 $0x0;
	v7 =	vld [tilespmem:$0x1E8B0];
	v29 =	vadd.f32 v17, v53;
	v28 =	vadd.f32 v19, v54  }
0x3d7: {  	v25 =	vadd.f32 v60, v57;
	vm2 =	vgt.f32 v0, $-Inf;
	vm13 =	vlt.f32 v2, $-Inf  }
0x3d8: {  	vm3 =	vgt.f32 v2, $-Inf;
	vm15 =	vlt.f32 v1, $-Inf;
	v0 =	vnsel vm2, $0xFF800000, v0  }
0x3d9: {  	vm5 =	vgt.f32 v1, $-Inf;
	vm2 =	vmor vm3, vm13;
	vm4 =	vgt.f32 v2, v0  }
0x3da: {  	v8 =	vnsel vm2, $0xFF800000, v2;
	vm14 =	vmneg vm4;
	v42 =	vsel vm4, $0x1, v20  }
0x3db: {  	v11 =	vld [tilespmem:$0x1EAC0];
	v3 =	vadd.f32 v7, v3;
	v8 =	vsel vm14, v8, v0;
	vm2 =	vmand vm14, vm2  }
0x3dc: {  	v7 =	vld [tilespmem:$0x1E8C0];
	v0 =	vsel vm14, v0, v2;
	v9 =	vsel vm2, $0x1, v20;
	vm2 =	vmor vm5, vm15  }
0x3dd: {  	v44 =	vld [tilespmem:$0x1EAD0];
	vm3 =	vgt.f32 v1, v0;
	vm8 =	vgt.f32 v1, v8;
	v10 =	vnsel vm2, $0xFF800000, v1  }
0x3de: {  	v45 =	vld [tilespmem:$0x1E8D0];
	v12 =	vsel vm2, $0x2, v20;
	v2 =	vsel vm3, $0x2, v42;
	v10 =	vsel vm8, v8, v10  }
0x3df: {  	v12 =	vsel vm8, v9, v12;
	v8 =	vsel vm8, v1, v8;
	v9 =	vsel vm8, $0x2, v9  }
0x3e0: {  	v61 =	vld [tilespmem:$0x1EB80];
	v8 =	vsel vm3, v0, v8;
	v9 =	vsel vm3, v42, v9;
	vm9 =	vgt.f32 v3, v10  }
0x3e1: {  	v20 =	vld [tilespmem:$0x1E980];
	v0 =	vsel vm3, v1, v0;
	v7 =	vadd.f32 v7, v11;
	vm10 =	vgt.f32 v3, v8  }
0x3e2: {  	v43 =	vsel vm9, v3, v10;
	vm11 =	vgt.f32 v3, v0;
	v12 =	vsel vm9, $0x3, v12  }
0x3e3: {  	v13 =	vld [tilespmem:$0x1E8E0];
	v10 =	vadd.f32 v45, v44;
	v1 =	vsel vm10, v8, v43;
	v8 =	vsel vm10, v3, v8  }
0x3e4: {  	v51 =	vld [tilespmem:$0x1EB20];
	v12 =	vsel vm10, v9, v12;
	v9 =	vsel vm10, $0x3, v9;
	v8 =	vsel vm11, v0, v8  }
0x3e5: {  	v15 =	vld [tilespmem:$0x1E920];
	v9 =	vsel vm11, v2, v9;
	v0 =	vsel vm11, v3, v0;
	vm12 =	vgt.f32 v7, v1  }
0x3e6: {  	v42 =	vld [tilespmem:$0x1EBB0];
	v2 =	vsel vm11, $0x3, v2;
	v26 =	vadd.f32 v20, v61;
	vm13 =	vgt.f32 v7, v8  }
0x3e7: {  	v43 =	vld [tilespmem:$0x1E9B0];
	v1 =	vsel vm12, v7, v1;
	vm14 =	vgt.f32 v7, v0;
	v12 =	vsel vm12, $0x4, v12  }
0x3e8: {  	v3 =	vld [tilespmem:$0x1EAE0];
	v1 =	vsel vm13, v8, v1;
	v8 =	vsel vm13, v7, v8;
	v14 =	vsel vm13, $0x4, v9  }
0x3e9: {  	v9 =	vsel vm13, v9, v12;
	v8 =	vsel vm14, v0, v8;
	v46 =	vsel vm14, v2, v14  }
0x3ea: {  	v48 =	vld [tilespmem:$0x1EB00];
	v0 =	vsel vm14, v7, v0;
	v2 =	vsel vm14, $0x4, v2;
	vm15 =	vgt.f32 v10, v1  }
0x3eb: {  	v49 =	vld [tilespmem:$0x1E900];
	v14 =	vadd.f32 v15, v51;
	v15 =	vimm.s32 $0x0;
	vm8 =	vgt.f32 v10, v0  }
0x3ec: {  	v47 =	vld [tilespmem:$0x1E8F0];
	vm9 =	vgt.f32 v10, v8;
	v1 =	vsel vm15, v10, v1;
	v9 =	vsel vm15, $0x5, v9  }
0x3ed: {  	v7 =	vld [tilespmem:$0x1EAF0];
	v21 =	vadd.f32 v43, v42;
	v1 =	vsel vm9, v8, v1;
	v3 =	vadd.f32 v13, v3  }
0x3ee: {  	v9 =	vsel vm9, v46, v9;
	v8 =	vsel vm9, v10, v8;
	v11 =	vsel vm9, $0x5, v46  }
0x3ef: {  	v8 =	vsel vm8, v0, v8;
	v11 =	vsel vm8, v2, v11;
	v0 =	vsel vm8, v10, v0  }
0x3f0: {  	v2 =	vsel vm8, $0x5, v2;
	v10 =	vadd.f32 v49, v48;
	vm10 =	vgt.f32 v3, v1  }
0x3f1: {  	vm11 =	vgt.f32 v3, v8;
	vm12 =	vgt.f32 v3, v0;
	v1 =	vsel vm10, v3, v1  }
0x3f2: {  	v9 =	vsel vm10, $0x6, v9;
	v7 =	vadd.f32 v47, v7;
	v1 =	vsel vm11, v8, v1  }
0x3f3: {  	v50 =	vld [tilespmem:$0x1EB10];
	v8 =	vsel vm11, v3, v8;
	v9 =	vsel vm11, v11, v9;
	v11 =	vsel vm11, $0x6, v11  }
0x3f4: {  	v49 =	vld [tilespmem:$0x1E9E0];
	v8 =	vsel vm12, v0, v8;
	v11 =	vsel vm12, v2, v11;
	v0 =	vsel vm12, v3, v0  }
0x3f5: {  	v47 =	vld [tilespmem:$0x1EBE0];
	vm13 =	vgt.f32 v7, v1;
	v2 =	vsel vm12, $0x6, v2;
	vm14 =	vgt.f32 v7, v8  }
0x3f6: {  	v3 =	vld [tilespmem:$0x1E910];
	v1 =	vsel vm13, v7, v1;
	vm15 =	vgt.f32 v7, v0;
	v9 =	vsel vm13, $0x7, v9  }
0x3f7: {  	v1 =	vsel vm14, v8, v1;
	v9 =	vsel vm14, v11, v9;
	v8 =	vsel vm14, v7, v8  }
0x3f8: {  	v11 =	vsel vm14, $0x7, v11;
	v8 =	vsel vm15, v0, v8;
	v0 =	vsel vm15, v7, v0  }
0x3f9: {  	v11 =	vsel vm15, v2, v11;
	vm6 =	vgt.f32 v10, v1;
	v2 =	vsel vm15, $0x7, v2  }
0x3fa: {  	v52 =	vld [tilespmem:$0x1EB30];
	v13 =	vadd.f32 v49, v47;
	vm9 =	vgt.f32 v10, v0;
	vm10 =	vgt.f32 v10, v8  }
0x3fb: {  	v7 =	vld [tilespmem:$0x1E930];
	v1 =	vsel vm6, v10, v1;
	v9 =	vsel vm6, $0x8, v9;
	v3 =	vadd.f32 v3, v50  }
0x3fc: {  	v16 =	vsel vm9, v10, v0;
	v1 =	vsel vm10, v8, v1;
	v8 =	vsel vm10, v10, v8  }
0x3fd: {  	v56 =	vld [tilespmem:$0x1E960];
	v9 =	vsel vm10, v11, v9;
	v11 =	vsel vm10, $0x8, v11;
	v0 =	vsel vm9, v0, v8  }
0x3fe: {  	v62 =	vld [tilespmem:$0x1E990];
	v58 =	vsel vm9, v2, v11;
	v2 =	vsel vm9, $0x8, v2;
	vm2 =	vgt.f32 v3, v16  }
0x3ff: {  	v44 =	vld [tilespmem:$0x1EBC0];
	vm11 =	vgt.f32 v3, v0;
	vm15 =	vgt.f32 v3, v1;
	v18 =	vsel vm2, v3, v16  }
0x400: {  	v20 =	vld [tilespmem:$0x1E9C0];
	v30 =	vadd.f32 v7, v52;
	v1 =	vsel vm15, v3, v1;
	v9 =	vsel vm15, $0x9, v9  }
0x401: {  	v7 =	vld [tilespmem:$0x1EB60];
	v8 =	vsel vm11, $0x9, v58;
	vm4 =	vgt.f32 v14, v18;
	v1 =	vsel vm11, v0, v1  }
0x402: {  	v41 =	vld [tilespmem:$0x1E9A0];
	v0 =	vsel vm11, v3, v0;
	v9 =	vsel vm11, v58, v9;
	v55 =	vsel vm4, v14, v18  }
0x403: {  	v3 =	vld [tilespmem:$0x1EBA0];
	v8 =	vsel vm2, v2, v8;
	v2 =	vsel vm2, $0x9, v2;
	vm1 =	vgt.f32 v30, v55  }
0x404: {  	v53 =	vld [tilespmem:$0x1EC00];
	v0 =	vsel vm2, v16, v0;
	vm10 =	vgt.f32 v14, v1;
	v59 =	vsel vm1, v30, v55  }
0x405: {  	v54 =	vld [tilespmem:$0x1EA00];
	v16 =	vadd.f32 v20, v44;
	vm11 =	vgt.f32 v14, v0;
	vm9 =	vgt.f32 v29, v59  }
0x406: {  	v1 =	vsel vm10, v14, v1;
	v27 =	vadd.f32 v56, v7;
	v7 =	vld [tilespmem:$0x1EB90];
	v19 =	vsel vm9, v29, v59  }
0x407: {  	v46 =	vld [tilespmem:$0x1E9D0];
	v1 =	vsel vm11, v0, v1;
	v48 =	vsel vm11, $0xA, v8;
	vm6 =	vgt.f32 v28, v19  }
0x408: {  	vm8 =	vmmov vm1;
	v23 =	vadd.f32 v41, v3;
	v3 =	vld [tilespmem:$0x1EBD0];
	v24 =	vsel vm6, v28, v19  }
0x409: {  	v6 =	vsel vm4, v2, v48;
	v2 =	vsel vm4, $0xA, v2;
	vm14 =	vgt.f32 v27, v24  }
0x40a: {  	v50 =	vld [tilespmem:$0x1EBF0];
	v0 =	vsel vm11, v14, v0;
	v41 =	vsel vm8, $0xB, v2;
	v63 =	vsel vm14, v27, v24  }
0x40b: {  	v52 =	vld [tilespmem:$0x1E9F0];
	v22 =	vadd.f32 v62, v7;
	v7 =	vsel vm10, $0xA, v9;
	v9 =	vadd.f32 v54, v53  }
0x40c: {  	vm7 =	vgt.f32 v25, v63;
	v45 =	vsel vm11, v8, v7;
	v7 =	vsel vm4, v18, v0  }
0x40d: {  	v12 =	vadd.f32 v46, v3;
	v35 =	vsel vm7, v25, v63;
	vm5 =	vgt.f32 v30, v7  }
0x40e: {  	[tilespmem:$0x1F560] =	vst v7;
	vm0 =	vgt.f32 v26, v35;
	v51 =	vsel vm5, v30, v7;
	v7 =	vimm.s32 $0x0  }
0x40f: {  	v3 =	vimm.s32 $0x0;
	v37 =	vsel vm0, v26, v35;
	v7 =	vsel vm5, $0xFFFFFFFF, v7  }
0x410: {  	v8 =	vadd.f32 v52, v50;
	vm2 =	vgt.f32 v22, v37;
	[tilespmem:$0x1F690] =	vst v7;
	v7 =	vimm.s32 $0x0  }
0x411: {  	[tilespmem:$0x1F540] =	vst v1;
	v46 =	vsel vm9, $0xC, v41;
	v1 =	vsel vm2, v22, v37;
	v7 =	vsel vm1, $0xFFFFFFFF, v7  }
0x412: {  	v31 =	vsel vm5, $0xB, v6;
	vm12 =	vgt.f32 v23, v1;
	[tilespmem:$0x1F4E0] =	vst v7;
	v7 =	vsel vm1, v55, v51  }
0x413: {  	[tilespmem:$0x1F680] =	vst v6;
	v6 =	vimm.s32 $0x0;
	v38 =	vsel vm12, v23, v1;
	vm15 =	vgt.f32 v29, v7  }
0x414: {  	v6 =	vsel vm9, $0xFFFFFFFF, v6;
	vm11 =	vgt.f32 v21, v38;
	v10 =	vsel vm15, v29, v7  }
0x415: {  	[tilespmem:$0x1F4F0] =	vst v6;
	v6 =	vimm.s32 $0x0;
	v43 =	vsel vm11, v21, v38;
	v34 =	vsel vm9, v59, v10  }
0x416: {  	v3 =	vsel vm15, $0xFFFFFFFF, v3;
	vm10 =	vgt.f32 v16, v43;
	vm15 =	vgt.f32 v28, v34  }
0x417: {  	v57 =	vld [tilespmem:$0x1EA20];
	v48 =	vsel vm6, $0xD, v46;
	[tilespmem:$0x1F6E0] =	vst v3;
	v3 =	vsel vm10, v16, v43;
	v6 =	vsel vm15, $0xFFFFFFFF, v6  }
0x418: {  	v60 =	vld [tilespmem:$0x1EC50];
	v11 =	vsel vm15, v28, v34;
	vm13 =	vgt.f32 v12, v3;
	[tilespmem:$0x1F720] =	vst v6;
	v6 =	vimm.s32 $0x0  }
0x419: {  	v18 =	vld [tilespmem:$0x1EC10];
	[tilespmem:$0x1F660] =	vst v45;
	v36 =	vsel vm6, v19, v11;
	v44 =	vsel vm13, v12, v3;
	v6 =	vsel vm6, $0xFFFFFFFF, v6  }
0x41a: {  	v55 =	vld [tilespmem:$0x1EA10];
	vm1 =	vgt.f32 v27, v36;
	vm3 =	vgt.f32 v13, v44;
	[tilespmem:$0x1F500] =	vst v6;
	v6 =	vimm.s32 $0x0  }
0x41b: {  	v58 =	vld [tilespmem:$0x1EC30];
	[tilespmem:$0x1F590] =	vst v7;
	v7 =	vimm.s32 $0x0;
	v45 =	vsel vm3, v13, v44;
	v6 =	vsel vm1, $0xFFFFFFFF, v6  }
0x41c: {  	v56 =	vld [tilespmem:$0x1EC20];
	v7 =	vsel vm13, $0xFFFFFFFF, v7;
	vm13 =	vgt.f32 v8, v45;
	[tilespmem:$0x1F770] =	vst v6;
	v6 =	vimm.s32 $0x0  }
0x41d: {  	v50 =	vsel vm14, $0xE, v48;
	v59 =	vld [tilespmem:$0x1EA40];
	v47 =	vsel vm13, v8, v45;
	v6 =	vsel vm14, $0xFFFFFFFF, v6  }
0x41e: {  	v19 =	vld [tilespmem:$0x1EA30];
	v40 =	vsel vm1, v27, v36;
	vm15 =	vgt.f32 v9, v47;
	[tilespmem:$0x1F510] =	vst v6;
	v6 =	vimm.s32 $0x0  }
0x41f: {  	v11 =	vadd.f32 v55, v18;
	v18 =	vld [tilespmem:$0x1EC40];
	v40 =	vsel vm14, v24, v40;
	v6 =	vsel vm15, $0xFFFFFFFF, v6  }
0x420: {  	v52 =	vld [tilespmem:$0x1EA50];
	v53 =	vsel vm7, $0xF, v50;
	vm8 =	vgt.f32 v25, v40;
	[tilespmem:$0x1F580] =	vst v6;
	v6 =	vimm.s32 $0x0  }
0x421: {  	v10 =	vadd.f32 v57, v56;
	v49 =	vsel vm15, v9, v47;
	v6 =	vsel vm8, $0xFFFFFFFF, v6  }
0x422: {  	v56 =	vsel vm0, $0x10, v53;
	vm9 =	vgt.f32 v11, v49;
	[tilespmem:$0x1F7B0] =	vst v6;
	v6 =	vimm.s32 $0x0  }
0x423: {  	v0 =	vsel vm11, $0xFFFFFFFF, v15;
	v61 =	vsel vm8, v25, v40;
	v6 =	vsel vm9, $0xFFFFFFFF, v6  }
0x424: {  	v42 =	vld [tilespmem:$0x1EA70];
	v14 =	vadd.f32 v19, v58;
	v17 =	vadd.f32 v59, v18;
	[tilespmem:$0x1F5B0] =	vst v6;
	v6 =	vimm.s32 $0x0  }
0x425: {  	v24 =	vld [tilespmem:$0x1EC70];
	v18 =	vadd.f32 v52, v60;
	v51 =	vsel vm9, v11, v49;
	v6 =	vsel vm7, $0xFFFFFFFF, v6  }
0x426: {  	v62 =	vld [tilespmem:$0x1EC60];
	vm1 =	vmmov vm9;
	vm9 =	vgt.f32 v10, v51;
	[tilespmem:$0x1F520] =	vst v6;
	v6 =	vimm.s32 $0x0  }
0x427: {  	v19 =	vld [tilespmem:$0x1EA60];
	v52 =	vsel vm2, $0x11, v56;
	v39 =	vsel vm7, v63, v61;
	v6 =	vsel vm9, $0xFFFFFFFF, v6  }
0x428: {  	v59 =	vsel vm12, $0x12, v52;
	vm14 =	vgt.f32 v26, v39;
	[tilespmem:$0x1F5D0] =	vst v6;
	v6 =	vimm.s32 $0x0  }
0x429: {  	v60 =	vsel vm11, $0x13, v59;
	v55 =	vsel vm14, v26, v39;
	v6 =	vsel vm14, $0xFFFFFFFF, v6  }
0x42a: {  	v15 =	vadd.f32 v42, v24;
	v54 =	vsel vm9, v10, v51;
	[tilespmem:$0x1F7E0] =	vst v6;
	v6 =	vimm.s32 $0x0  }
0x42b: {  	v55 =	vsel vm0, v35, v55;
	vm8 =	vgt.f32 v14, v54;
	v6 =	vsel vm0, $0xFFFFFFFF, v6  }
0x42c: {  	v19 =	vadd.f32 v19, v62;
	v57 =	vsel vm8, v14, v54;
	[tilespmem:$0x1F530] =	vst v6;
	v6 =	vimm.s32 $0x0  }
0x42d: {  	[tilespmem:$0x1F5A0] =	vst v0;
	v62 =	vsel vm10, $0x14, v60;
	vm5 =	vgt.f32 v17, v57;
	v6 =	vsel vm8, $0xFFFFFFFF, v6  }
0x42e: {  	v58 =	vsel vm5, v17, v57;
	vm0 =	vgt.f32 v22, v55;
	[tilespmem:$0x1F600] =	vst v6;
	v6 =	vimm.s32 $0x0  }
0x42f: {  	[tilespmem:$0x1F5E0] =	vst v7;
	vm4 =	vgt.f32 v18, v58;
	v63 =	vsel vm0, v22, v55;
	v6 =	vsel vm0, $0xFFFFFFFF, v6  }
0x430: {  	v0 =	vsel vm4, $0xFFFFFFFF, v32;
	v7 =	vsel vm2, v37, v63;
	[tilespmem:$0x1F810] =	vst v6;
	v6 =	vimm.s32 $0x0  }
0x431: {  	[tilespmem:$0x1F630] =	vst v0;
	v37 =	vimm.s32 $0x0;
	v6 =	vsel vm2, $0xFFFFFFFF, v6;
	vm2 =	vgt.f32 v23, v7  }
0x432: {  	v61 =	vsel vm4, v18, v58;
	[tilespmem:$0x1F550] =	vst v6;
	v6 =	vimm.s32 $0x0;
	v0 =	vsel vm2, $0xFFFFFFFF, v37  }
0x433: {  	v32 =	vimm.s32 $0x0;
	v63 =	vimm.s32 $0x0;
	v6 =	vsel vm5, $0xFFFFFFFF, v6;
	[tilespmem:$0x1F820] =	vst v0  }
0x434: {  	vm14 =	vgt.f32 v19, v61;
	v42 =	vsel vm2, v23, v7;
	v0 =	vsel vm10, $0xFFFFFFFF, v63;
	[tilespmem:$0x1F620] =	vst v6  }
0x435: {  	v35 =	vld [tilespmem:$0x1F5E0];
	v37 =	vimm.s32 $0x0;
	v6 =	vimm.s32 $0x0;
	[tilespmem:$0x1F5C0] =	vst v0;
	v0 =	vsel vm14, $0xFFFFFFFF, v32  }
0x436: {  	v63 =	vsel vm14, v19, v61;
	v20 =	vsel vm12, v1, v42;
	v6 =	vsel vm12, $0xFFFFFFFF, v6;
	[tilespmem:$0x1F640] =	vst v0  }
0x437: {  	v42 =	vimm.s32 $0x0;
	v0 =	vsel vm3, $0xFFFFFFFF, v37;
	[tilespmem:$0x1F570] =	vst v6;
	v6 =	vimm.s32 $0x0  }
0x438: {  	vm6 =	vgt.f32 v15, v63;
	vm0 =	vgt.f32 v21, v20;
	v37 =	vld [tilespmem:$0x1F4E0];
	[tilespmem:$0x1F5F0] =	vst v0;
	v6 =	vsel vm13, $0xFFFFFFFF, v6  }
0x439: {  	v32 =	vimm.s32 $0x0;
	v0 =	vsel vm6, $0xFFFFFFFF, v42;
	v42 =	vsel vm0, v21, v20;
	[tilespmem:$0x1F610] =	vst v6;
	v6 =	vld [tilespmem:$0x1F6E0]  }
0x43a: {  	vm7 =	vnez.u8 v35;
	[tilespmem:$0x1F650] =	vst v0;
	v0 =	vsel vm0, $0xFFFFFFFF, v32;
	v32 =	vsel vm11, v38, v42;
	v42 =	vld [tilespmem:$0x1F4F0]  }
0x43b: {  	v24 =	vsel vm7, $0x15, v62  }
0x43c: {  	v35 =	vsel vm3, $0x16, v24;
	vm2 =	vmmov vm3;
	v1 =	vsel vm6, v15, v63  }
0x43d: {  	vm3 =	vmmov vm6;
	vm6 =	vmmov vm13;
	vm12 =	vnez.u8 v37  }
0x43e: {  	[tilespmem:$0x1F840] =	vst v0;
	v0 =	vsel vm12, v2, v31;
	v31 =	vsel vm13, $0x17, v35;
	vm13 =	vnez.u8 v6  }
0x43f: {  	v6 =	vsel vm15, $0x18, v31;
	vm15 =	vnez.u8 v42;
	v37 =	vsel vm13, $0xC, v0  }
0x440: {  	[tilespmem:$0x1F6D0] =	vst v0;
	v0 =	vsel vm15, v41, v37;
	v37 =	vld [tilespmem:$0x1F720]  }
0x441: {  	v42 =	vld [tilespmem:$0x1F500];
	_ =	sdelay $0x2  }
0x442: {  	vm11 =	vgt.f32 v16, v32;
	v41 =	vimm.s32 $0x0  }
0x443: {  	v38 =	vsel vm1, $0x19, v6;
	v2 =	vsel vm11, $0xFFFFFFFF, v41;
	vm12 =	vnez.u8 v37  }
0x444: {  	[tilespmem:$0x1F710] =	vst v0;
	v37 =	vsel vm12, $0xD, v0;
	v0 =	vsel vm11, v16, v32;
	vm11 =	vnez.u8 v42  }
0x445: {  	v41 =	vsel vm9, $0x1A, v38;
	[tilespmem:$0x1F6C0] =	vst v2;
	v42 =	vsel vm11, v46, v37;
	v2 =	vsel vm10, v43, v0;
	v43 =	vld [tilespmem:$0x1F770]  }
0x446: {  	v37 =	vsel vm8, $0x1B, v41;
	v46 =	vimm.s32 $0x0;
	vm8 =	vgt.f32 v12, v2  }
0x447: {  	v0 =	vsel vm8, $0xFFFFFFFF, v46;
	v46 =	vld [tilespmem:$0x1F510];
	_ =	sdelay $0x2  }
0x448: {  	vm15 =	vnez.u8 v43  }
0x449: {  	[tilespmem:$0x1F760] =	vst v42;
	v43 =	vsel vm15, $0xE, v42;
	v42 =	vsel vm5, $0x1C, v37  }
0x44a: {  	[tilespmem:$0x1F730] =	vst v0;
	vm9 =	vnez.u8 v46;
	v46 =	vsel vm4, $0x1D, v42  }
0x44b: {  	v0 =	vsel vm9, v48, v43;
	[tilespmem:$0x1F700] =	vst v46;
	v48 =	vsel vm14, $0x1E, v46;
	v46 =	vld [tilespmem:$0x1F7B0];
	_ =	sdelay $0x4  }
0x44c: {  	vm15 =	vnez.u8 v46;
	v46 =	vld [tilespmem:$0x1F520];
	_ =	sdelay $0x1  }
0x44d: {  	(xrf0) =	vmax.scan.msk.f32 $0xffff, v1;
	v43 =	vsel vm8, v12, v2  }
0x44e: {  	v3 =	vsel vm7, v3, v43  }
0x44f: {  	[tilespmem:$0x1F6B0] =	vst v42;
	vm11 =	vgt.f32 v13, v3;
	v43 =	vsel vm15, $0xF, v0  }
0x450: {  	[tilespmem:$0x1F7A0] =	vst v0;
	v0 =	vsel vm3, $0x1F, v48;
	vm10 =	vnez.u8 v46;
	v46 =	vimm.s32 $0x0  }
0x451: {  	[tilespmem:$0x1F750] =	vst v0;
	v46 =	vsel vm11, $0xFFFFFFFF, v46  }
0x452: {  	v50 =	vsel vm10, v50, v43;
	v43 =	vsel vm11, v13, v3;
	[tilespmem:$0x1F780] =	vst v46;
	v46 =	vld [tilespmem:$0x1FFF0]  }
0x453: {  	v42, _, _ =	vpop (xrf0);
	v44 =	vsel vm2, v44, v43;
	v43 =	vld [tilespmem:$0x1F7E0];
	[tilespmem:$0x1F930] =	vst v2  }
0x454: {  	v2 =	vld [tilespmem:$0x1F530]  }
0x455: {  	v42 =	vbroadcast v42, $0xF  }
0x456: {  	v0 =	vshll.u32 v0, $0x4  }
0x457: {  	vm14 =	veq.f32 v1, v42;
	v0 =	vor.u32 v46, v0  }
0x458: {  	v0 =	vnsel vm14, $0x80000200, v0;
	vm14 =	vnez.u8 v43  }
0x459: {  	vm5 =	vnez.u8 v2;
	v43 =	vsel vm14, $0x10, v50  }
0x45a: {  	vm10 =	vgt.f32 v8, v44;
	v43 =	vsel vm5, v53, v43;
	v53 =	vimm.s32 $0x0  }
0x45b: {  	v2 =	vld [tilespmem:$0x1F930];
	v53 =	vsel vm10, $0xFFFFFFFF, v53  }
0x45c: {  	[tilespmem:$0x1F7C0] =	vst v53;
	v53 =	vld [tilespmem:$0x1F540];
	_ =	sdelay $0x4  }
0x45d: {  	(xrf0) =	vmin.scan.msk.u32 $0xffff, v0;
	[tilespmem:$0x1F930] =	vst v2;
	v2 =	vimm.s32 $0x0;
	vm7 =	vgt.f32 v30, v53  }
0x45e: {  	v2 =	vsel vm7, $0xFFFFFFFF, v2  }
0x45f: {  	[tilespmem:$0x1F670] =	vst v2  }
0x460: {  	v2 =	vld [tilespmem:$0x1F930]  }
0x461: {  	v30 =	vsel vm7, v30, v53;
	v53 =	vld [tilespmem:$0x1F810];
	_ =	sdelay $0x4  }
0x462: {  	vm7 =	vnez.u8 v53;
	v53 =	vld [tilespmem:$0x1F550];
	_ =	sdelay $0x3  }
0x463: {  	v0 =	vsel vm10, v8, v44  }
0x464: {  	v0 =	vsel vm6, v45, v0;
	v45 =	vsel vm7, $0x11, v43;
	vm8 =	vnez.u8 v53  }
0x465: {  	v45 =	vsel vm8, v56, v45;
	v56 =	vld [tilespmem:$0x1F690];
	_ =	sdelay $0x4  }
0x466: {  	vm9 =	vnez.u8 v56;
	v56 =	vld [tilespmem:$0x1F560];
	_ =	sdelay $0x4  }
0x467: {  	vm8 =	vgt.f32 v9, v0;
	v30 =	vsel vm9, v56, v30;
	v56 =	vld [tilespmem:$0x1F820];
	[tilespmem:$0x1F930] =	vst v1;
	v1 =	vimm.s32 $0x0  }
0x468: {  	v1 =	vsel vm8, $0xFFFFFFFF, v1  }
0x469: {  	[tilespmem:$0x1F800] =	vst v1  }
0x46a: {  	v1 =	vld [tilespmem:$0x1F930];
	_ =	sdelay $0x4  }
0x46b: {  	vm4 =	vgt.f32 v29, v30;
	[tilespmem:$0x1F930] =	vst v1;
	v1 =	vimm.s32 $0x0  }
0x46c: {  	v1 =	vsel vm4, $0xFFFFFFFF, v1  }
0x46d: {  	[tilespmem:$0x1F6A0] =	vst v1  }
0x46e: {  	v1 =	vld [tilespmem:$0x1F930];
	_ =	sdelay $0x4  }
0x46f: {  	[tilespmem:$0x1F930] =	vst v1  }
0x470: {  	v1 =	vld [tilespmem:$0x1F570];
	_ =	sdelay $0x3  }
0x471: {  	vm9 =	vnez.u8 v56  }
0x472: {  	v53 =	vsel vm9, $0x12, v45;
	vm5 =	vnez.u8 v1;
	v1 =	vld [tilespmem:$0x1F930]  }
0x473: {  	v52 =	vsel vm5, v52, v53;
	v53 =	vld [tilespmem:$0x1F580];
	_ =	sdelay $0x4  }
0x474: {  	v56 =	vsel vm8, v9, v0;
	vm3 =	vnez.u8 v53  }
0x475: {  	v29 =	vsel vm4, v29, v30;
	v30 =	vsel vm3, v47, v56;
	v56 =	vld [tilespmem:$0x1F590];
	_ =	sdelay $0x3  }
0x476: {  	v53 =	vld [tilespmem:$0x1F840]  }
0x477: {  	v29 =	vsel vm13, v56, v29;
	v56 =	vld [tilespmem:$0x1F5A0];
	_ =	sdelay $0x3  }
0x478: {  	vm6 =	vnez.u8 v53  }
0x479: {  	v47 =	vsel vm6, $0x13, v52;
	vm13 =	vnez.u8 v56  }
0x47a: {  	vm4 =	vgt.f32 v28, v29;
	v47 =	vsel vm13, v59, v47;
	v59 =	vimm.s32 $0x0  }
0x47b: {  	v59 =	vsel vm4, $0xFFFFFFFF, v59  }
0x47c: {  	[tilespmem:$0x1F6F0] =	vst v59;
	v59 =	vld [tilespmem:$0x1F5B0];
	_ =	sdelay $0x3  }
0x47d: {  	vm6 =	vgt.f32 v11, v30  }
0x47e: {  	v53 =	vsel vm6, v11, v30;
	vm2 =	vnez.u8 v59  }
0x47f: {  	v28 =	vsel vm4, v28, v29;
	v56 =	vimm.s32 $0x0;
	v29 =	vsel vm2, v49, v53;
	v49 =	vld [tilespmem:$0x1F6C0]  }
0x480: {  	v56 =	vsel vm6, $0xFFFFFFFF, v56;
	v53 =	vld [tilespmem:$0x1F5C0];
	_ =	sdelay $0x2  }
0x481: {  	v28 =	vsel vm12, v34, v28;
	[tilespmem:$0x1F830] =	vst v56;
	v56, _, _ =	vpop (xrf0)  }
0x482: {  	(v2sf) =	vpush v56, $0xF;
	v56 =	vimm.s32 $0x0;
	v59 =	vimm.s32 $0x0  }
0x483: {  	vm12 =	vgt.f32 v10, v29;
	vm5 =	vnez.u8 v49;
	vm13 =	vnez.u8 v53  }
0x484: {  	v53 =	vsel vm12, $0xFFFFFFFF, v56;
	v34 =	vsel vm5, $0x14, v47;
	vm5 =	vgt.f32 v27, v28  }
0x485: {  	[tilespmem:$0x1F850] =	vst v53;
	v53 =	vsel vm5, $0xFFFFFFFF, v59;
	v59 =	vld [tilespmem:$0x1F770]  }
0x486: {  	v34 =	vsel vm13, v60, v34;
	v60 =	vld [tilespmem:$0x1F5D0]  }
0x487: {  	[tilespmem:$0x1F740] =	vst v53;
	v53 =	vld [tilespmem:$0x1F730]  }
0x488: {  	v56 =	vld [tilespmem:$0x1F5E0];
	_ =	sdelay $0x1  }
0x489: {  	vm4 =	vnez.u8 v59;
	v59 =	vld [tilespmem:$0x1F5F0]  }
0x48a: {  	vm0 =	vmmov vm12;
	v49 =	vsel vm12, v10, v29  }
0x48b: {  	v27 =	vsel vm5, v27, v28;
	vm5 =	vnez.u8 v60;
	vm12 =	vnez.u8 v53  }
0x48c: {  	vm13 =	vnez.u8 v56;
	v28 =	vsel vm5, v51, v49;
	v49 =	vsel vm12, $0x15, v34  }
0x48d: {  	vm12 =	vgt.f32 v14, v28;
	v49 =	vsel vm13, v62, v49;
	v62 =	vimm.s32 $0x0  }
0x48e: {  	v60 =	vsel vm11, $0x16, v49;
	v53 =	vsel vm12, $0xFFFFFFFF, v62;
	v62 =	vld [tilespmem:$0x1F610];
	vm13 =	vnez.u8 v59  }
0x48f: {  	v27 =	vsel vm4, v36, v27;
	v24 =	vsel vm13, v24, v60;
	v60 =	vld [tilespmem:$0x1F600]  }
0x490: {  	v56 =	vimm.s32 $0x0;
	vm1 =	vgt.f32 v25, v27  }
0x491: {  	v25 =	vsel vm1, v25, v27;
	[tilespmem:$0x1F860] =	vst v53;
	v53 =	vsel vm1, $0xFFFFFFFF, v56;
	v56 =	vld [tilespmem:$0x1F620]  }
0x492: {  	v51 =	vsel vm12, v14, v28;
	vm11 =	vmmov vm12;
	v25 =	vsel vm15, v40, v25  }
0x493: {  	[tilespmem:$0x1F790] =	vst v53;
	v53 =	vimm.s32 $0x0;
	v36 =	vsel vm10, $0x17, v24;
	vm10 =	vgt.f32 v26, v25  }
0x494: {  	v25 =	vsel vm10, v26, v25;
	vm15 =	vnez.u8 v62;
	vm13 =	vnez.u8 v60  }
0x495: {  	v25 =	vsel vm14, v39, v25;
	v62 =	vimm.s32 $0x0;
	v27 =	vsel vm13, v54, v51  }
0x496: {  	v35 =	vsel vm15, v35, v36;
	vm15 =	vnez.u8 v56;
	vm12 =	vgt.f32 v17, v27  }
0x497: {  	v59 =	vsel vm8, $0x18, v35;
	v51 =	vsel vm12, v17, v27;
	vm1 =	vmmov vm12  }
0x498: {  	v40 =	vsel vm12, $0xFFFFFFFF, v53;
	vm12 =	vgt.f32 v22, v25;
	v26 =	vsel vm15, v57, v51  }
0x499: {  	v31 =	vsel vm3, v31, v59;
	v53 =	vld [tilespmem:$0x1F630];
	v22 =	vsel vm12, v22, v25;
	vm3 =	vgt.f32 v18, v26  }
0x49a: {  	v51 =	vimm.s32 $0x0;
	v22 =	vsel vm7, v55, v22;
	v39 =	vsel vm3, $0xFFFFFFFF, v62  }
0x49b: {  	[tilespmem:$0x1F880] =	vst v39;
	v39 =	vsel vm12, $0xFFFFFFFF, v51;
	vm12 =	vgt.f32 v23, v22  }
0x49c: {  	v36 =	vsel vm6, $0x19, v31;
	v22 =	vsel vm12, v23, v22;
	v23 =	vld [tilespmem:$0x1F640]  }
0x49d: {  	v6 =	vsel vm2, v6, v36;
	v7 =	vsel vm9, v7, v22  }
0x49e: {  	v60 =	vsel vm3, v18, v26;
	vm4 =	vnez.u8 v53;
	vm2 =	vgt.f32 v21, v7  }
0x49f: {  	v25 =	vsel vm4, v58, v60;
	v7 =	vsel vm2, v21, v7;
	v21 =	vld [tilespmem:$0x1F650]  }
0x4a0: {  	v54 =	vimm.s32 $0x0;
	vm8 =	vgt.f32 v19, v25  }
0x4a1: {  	[tilespmem:$0x1F870] =	vst v40;
	v40 =	vsel vm10, $0xFFFFFFFF, v54;
	v54 =	vsel vm8, v19, v25;
	vm10 =	vnez.u8 v23  }
0x4a2: {  	v59 =	vld [tilespmem:$0x1F680];
	v23 =	vsel vm10, v61, v54  }
0x4a3: {  	[tilespmem:$0x1F7D0] =	vst v40;
	v40 =	vld [tilespmem:$0x1F6C0];
	vm6 =	vgt.f32 v15, v23  }
0x4a4: {  	v36 =	vsel vm0, $0x1A, v6;
	v62 =	vld [tilespmem:$0x1F6A0];
	v22 =	vsel vm6, v15, v23;
	vm0 =	vnez.u8 v21  }
0x4a5: {  	v21 =	vsel vm0, v63, v22;
	v22 =	vld [tilespmem:$0x1F840]  }
0x4a6: {  	v51 =	vld [tilespmem:$0x1F6E0]  }
0x4a7: {  	v36 =	vsel vm5, v38, v36;
	v58 =	vld [tilespmem:$0x1F670]  }
0x4a8: {  	s31 =	spop (v2sf);
	v56 =	vsel vm11, $0x1B, v36;
	v60 =	vld [tilespmem:$0x1F690]  }
0x4a9: {  	s16 =	sand.u32 $0xF, s31;
	v38 =	vsel vm13, v41, v56;
	v41 =	vld [tilespmem:$0x1F6D0]  }
0x4aa: {  	v57 =	vmov s16;
	v53 =	vlaneseq.u32;
	vm14 =	vnez.u8 v22;
	v22 =	vld [tilespmem:$0x1F660]  }
0x4ab: {  	v55 =	vimm.s32 $0x0;
	vm5 =	veq.s32 v57, v53;
	v63 =	vld [tilespmem:$0x1F6B0]  }
0x4ac: {  	v56 =	vld [tilespmem:$0x1F700];
	[tilespmem:$0x1F7F0] =	vst v39;
	v39 =	vsel vm8, $0xFFFFFFFF, v55;
	vm7 =	vnez.u8 v51;
	vm9 =	vnez.u8 v58  }
0x4ad: {  	v55 =	vld [tilespmem:$0x1F6F0];
	vm11 =	vnez.u8 v60;
	v7 =	vsel vm14, v20, v7;
	v20 =	vsel vm1, $0x1C, v38  }
0x4ae: {  	v58 =	vld [tilespmem:$0x1F720];
	v20 =	vsel vm15, v37, v20;
	vm14 =	vgt.f32 v16, v7;
	vm15 =	vnez.u8 v62  }
0x4af: {  	v57 =	vld [tilespmem:$0x1F710];
	v7 =	vsel vm14, v16, v7;
	v61 =	vsel vm3, $0x1D, v20;
	v22 =	vsel vm9, $0xB, v22  }
0x4b0: {  	vm3 =	vnez.u8 v40;
	v16 =	vsel vm4, v63, v61;
	v22 =	vsel vm11, v59, v22  }
0x4b1: {  	v7 =	vsel vm3, v32, v7;
	v54 =	vsel vm8, $0x1E, v16;
	v22 =	vsel vm15, $0xC, v22  }
0x4b2: {  	vm13 =	vgt.f32 v12, v7;
	vm9 =	vnez.u8 v55;
	v22 =	vsel vm7, v41, v22  }
0x4b3: {  	v32 =	vsel vm10, v56, v54;
	vm10 =	vnez.u8 v58;
	v22 =	vsel vm9, $0xD, v22  }
0x4b4: {  	v7 =	vsel vm13, v12, v7;
	v12 =	vsel vm10, v57, v22;
	v22 =	vld [tilespmem:$0x1F730];
	_ =	sdelay $0x3  }
0x4b5: {  	v1 =	vsel vm5, v21, v1;
	v63 =	vld [tilespmem:$0x1F780]  }
0x4b6: {  	(xrf0) =	vmax.scan.msk.f32 $0xffff, v1;
	vm4 =	vnez.u8 v22;
	v22 =	vld [tilespmem:$0x1F740];
	_ =	sdelay $0x1  }
0x4b7: {  	v59 =	vld [tilespmem:$0x1F750];
	_ =	sdelay $0x1  }
0x4b8: {  	v51 =	vld [tilespmem:$0x1F7B0];
	vm1 =	vnez.u8 v63  }
0x4b9: {  	v62 =	vld [tilespmem:$0x1F770];
	v2 =	vsel vm4, v2, v7;
	v7 =	vsel vm6, $0x1F, v32;
	vm11 =	vnez.u8 v22  }
0x4ba: {  	v61 =	vld [tilespmem:$0x1F760];
	v7 =	vsel vm0, v48, v7;
	v22, _, _ =	vpop (xrf0);
	v12 =	vsel vm11, $0xE, v12;
	vm11 =	vgt.f32 v13, v2  }
0x4bb: {  	v55 =	vld [tilespmem:$0x1F7E0];
	v60 =	vbroadcast v22, $0xF;
	v2 =	vsel vm11, v13, v2;
	v13 =	vsel vm5, v7, v59  }
0x4bc: {  	v54 =	vld [tilespmem:$0x1F7C0];
	v2 =	vsel vm1, v3, v2;
	v3 =	vshll.u32 v13, $0x4  }
0x4bd: {  	v41 =	vld [tilespmem:$0x1F790];
	vm7 =	veq.f32 v1, v60;
	v3 =	vor.u32 v46, v3  }
0x4be: {  	v48 =	vld [tilespmem:$0x1F7A0];
	v3 =	vnsel vm7, $0x80000200, v3  }
0x4bf: {  	(xrf0) =	vmin.scan.msk.u32 $0xffff, v3;
	v3 =	vld [tilespmem:$0x1F7D0]  }
0x4c0: {  	v58 =	vld [tilespmem:$0x1F810]  }
0x4c1: {  	v56 =	vld [tilespmem:$0x1F7F0];
	vm15 =	vnez.u8 v62;
	vm9 =	vnez.u8 v51  }
0x4c2: {  	v57 =	vld [tilespmem:$0x1F800];
	vm8 =	vnez.u8 v41;
	vm0 =	vnez.u8 v54;
	v12 =	vsel vm15, v61, v12  }
0x4c3: {  	v12 =	vsel vm8, $0xF, v12;
	vm8 =	vnez.u8 v55;
	vm10 =	vgt.f32 v8, v2  }
0x4c4: {  	v2 =	vsel vm10, v8, v2;
	v8 =	vsel vm9, v48, v12;
	vm15 =	vnez.u8 v3  }
0x4c5: {  	vm7 =	vnez.u8 v58;
	v2 =	vsel vm0, v44, v2;
	v3 =	vsel vm15, $0x10, v8  }
0x4c6: {  	vm15 =	vgt.f32 v9, v2;
	v3 =	vsel vm8, v50, v3;
	vm8 =	vnez.u8 v56  }
0x4c7: {  	v2 =	vsel vm15, v9, v2;
	v3 =	vsel vm8, $0x11, v3;
	vm8 =	vnez.u8 v57  }
0x4c8: {  	v0 =	vsel vm8, v0, v2;
	v2 =	vsel vm7, v43, v3;
	v3 =	vld [tilespmem:$0x1F820];
	_ =	sdelay $0x4  }
0x4c9: {  	vm7 =	vnez.u8 v3;
	v3 =	vld [tilespmem:$0x1F830];
	_ =	sdelay $0x4  }
0x4ca: {  	(v2sf) =	vpush v22, $0xF;
	v2 =	vsel vm12, $0x12, v2;
	vm12 =	vnez.u8 v3;
	v3, _, _ =	vpop (xrf0)  }
0x4cb: {  	(v2sf) =	vpush v3, $0xF;
	v3 =	vld [tilespmem:$0x1F840];
	_ =	sdelay $0x4  }
0x4cc: {  	v2 =	vsel vm7, v45, v2;
	vm7 =	vnez.u8 v3;
	v3 =	vld [tilespmem:$0x1F850];
	_ =	sdelay $0x2  }
0x4cd: {  	v2 =	vsel vm2, $0x13, v2  }
0x4ce: {  	v2 =	vsel vm7, v52, v2  }
0x4cf: {  	v2 =	vsel vm14, $0x14, v2;
	vm14 =	vnez.u8 v3;
	v3 =	vld [tilespmem:$0x1F860];
	_ =	sdelay $0x2  }
0x4d0: {  	v2 =	vsel vm3, v47, v2  }
0x4d1: {  	vm9 =	vgt.f32 v11, v0;
	v2 =	vsel vm13, $0x15, v2  }
0x4d2: {  	v0 =	vsel vm9, v11, v0;
	v2 =	vsel vm4, v34, v2;
	vm4 =	vnez.u8 v3;
	v3 =	vld [tilespmem:$0x1F870]  }
0x4d3: {  	v0 =	vsel vm12, v30, v0  }
0x4d4: {  	vm2 =	vgt.f32 v10, v0  }
0x4d5: {  	v0 =	vsel vm2, v10, v0  }
0x4d6: {  	v0 =	vsel vm14, v29, v0;
	v2 =	vsel vm11, $0x16, v2  }
0x4d7: {  	vm3 =	vgt.f32 v14, v0;
	v2 =	vsel vm1, v49, v2;
	vm1 =	vnez.u8 v3;
	v3 =	vld [tilespmem:$0x1F880]  }
0x4d8: {  	v0 =	vsel vm3, v14, v0  }
0x4d9: {  	v0 =	vsel vm4, v28, v0  }
0x4da: {  	vm11 =	vgt.f32 v17, v0  }
0x4db: {  	[tilespmem:$0x1F890] =	vst v39;
	v2 =	vsel vm10, $0x17, v2;
	v0 =	vsel vm11, v17, v0  }
0x4dc: {  	v2 =	vsel vm0, v24, v2;
	v0 =	vsel vm1, v27, v0;
	vm0 =	vnez.u8 v3;
	v3 =	vld [tilespmem:$0x1F890]  }
0x4dd: {  	vm10 =	vgt.f32 v18, v0  }
0x4de: {  	v2 =	vsel vm15, $0x18, v2;
	v0 =	vsel vm10, v18, v0  }
0x4df: {  	v2 =	vsel vm8, v35, v2;
	v0 =	vsel vm0, v26, v0  }
0x4e0: {  	v2 =	vsel vm9, $0x19, v2;
	vm13 =	vgt.f32 v19, v0  }
0x4e1: {  	v2 =	vsel vm12, v31, v2;
	v0 =	vsel vm13, v19, v0;
	vm15 =	vnez.u8 v3  }
0x4e2: {  	s1 =	spop (v2sf);
	v2 =	vsel vm2, $0x1A, v2;
	v0 =	vsel vm15, v25, v0  }
0x4e3: {  	s6 =	spop (v2sf);
	v2 =	vsel vm14, v6, v2;
	vm8 =	vgt.f32 v15, v0  }
0x4e4: {  	s16 =	sand.u32 $0xF, s6;
	v2 =	vsel vm3, $0x1B, v2;
	v0 =	vsel vm8, v15, v0  }
0x4e5: {  	v2 =	vsel vm4, v36, v2;
	v3 =	vmov s16;
	v0 =	vsel vm6, v23, v0  }
0x4e6: {  	v2 =	vsel vm11, $0x1C, v2;
	vm12 =	veq.s32 v3, v53;
	v0 =	vsel vm5, v0, v21  }
0x4e7: {  	v2 =	vsel vm1, v38, v2;
	v0 =	vsel vm12, v0, v1  }
0x4e8: {  	v59 =	vsel vm10, $0x1D, v2;
	(xrf0) =	vmax.scan.msk.f32 $0xffff, v0  }
0x4e9: {  	v1 =	vsel vm0, v20, v59  }
0x4ea: {  	v1 =	vsel vm13, $0x1E, v1  }
0x4eb: {  	v1 =	vsel vm15, v16, v1  }
0x4ec: {  	v1 =	vsel vm8, $0x1F, v1  }
0x4ed: {  	v1 =	vsel vm6, v32, v1  }
0x4ee: {  	v1 =	vsel vm5, v1, v7;
	v60, _, _ =	vpop (xrf0)  }
0x4ef: {  	v1 =	vsel vm12, v1, v13;
	v2 =	vbroadcast v60, $0xF  }
0x4f0: {  	v1 =	vshll.u32 v1, $0x4  }
0x4f1: {  	v61 =	vor.u32 v46, v1;
	vm13 =	veq.f32 v0, v2  }
0x4f2: {  	v0 =	vnsel vm13, $0x80000200, v61  }
0x4f3: {  	(xrf0) =	vmin.scan.msk.u32 $0xffff, v0;
	_ =	sdelay $0x5  }
0x4f4: {  	v0, _, _ =	vpop (xrf0)  }
0x4f5: {  	(v2sf) =	vpush v0, $0xF;
	_ =	sdelay $0x4  }
0x4f6: {  	v62 =	vld [tilespmem:$0x1FC80];
	_ =	sdelay $0x4  }
0x4f7: {  	vm14 =	vnez.u8 v62  }
0x4f8: {  	v0 =	vsel vm14, v42, v33  }
0x4f9: {  	s16 =	sand.u32 $0x7FFFFFF0, s3;
	[tilespmem:s28+$0x1E080] =	vst v0  }
0x4fa: {  	v0 =	vld [tilespmem:s16+$0x1E680]  }
0x4fb: {  	s4 =	sand.u32 $0xF, s4;
	s5 =	sxor.u32 $0x80000000, s31  }
.Ltmp14:
0x4fc: {  	s6 =	sshll.u32 s6, $0x9;
	s31 =	spop (v2sf);
	(pc) =	sbr.rel .LBB2_16-.Ltmp14, $4  }
0x4fd: {  	v63 =	vmov s4;
	s5 =	sor.u32 s5, s6;
	s31 =	sshll.u32 s31, $0x12  }
0x4fe: {  	vm15 =	veq.s32 v63, v53;
	s6 =	sor.u32 s31, s5  }
0x4ff: {  	v0 =	vsel vm15, v2, v0;
	s31 =	sadd.s32 $0x200, s3;
	[smem:s3] =	sst s6  }
0x500: {  	v20 =	vimm.s32 $0x0;
	[tilespmem:s16+$0x1E680] =	vst v0;
	s3 =	simm.f32 $0.0e+00;
	[smem:s31] =	sst s1  }
.LBB2_19:
0x501: {  	_ =	sfence.sel $0x180000  }
0x502: {  	[bflag:$0x0] =	sbarrier.arrive $0xFFFF  }
0x503: {  	_ =	strace $0x90000047  }
0x504: {  	[bflag:$0x2] =	sbarrier.arrive $0xFFFF  }
0x505: {  	s0 =	rddreg [dreg:$0x7]  }
0x506: {  	s0 =	sadd.s32 @!p0 $0x100000, s0  }
0x507: {  	[sflag:s0] =	ssyncadd.tile.s32 @!p0 $0x1;
	_ =	shalt  }
.Lfunc_end2:
_tile_overlayer_lowered:
.L_overlay_start_2:
0x508: {  	(tag) =	ssettag $0x2  }
0x509: {  	s0 =	rddreg [dreg:$0x0];
	s2 =	stileid.u32  }
0x50a: {  	s1 =	rddreg [dreg:$0x1];
	p0 =	sne.s32 s2, $0x0  }
0x50b: {  	s3 =	rddreg [dreg:$0x2];
	[bflag:$0x3] =	sbarrier.arrive $0xFFFF;
	s2 =	simm.s32 @!p0 $0x1C04  }
0x50c: {  	[timem:s3], [sflag:s2] =	dma.local @!p0 [hbm:s0], s1  }
0x50d: {  	s0 =	simm.s32 @!p0 $0x4  }
0x50e: {  	_ =	swait.ge @!p0 [sflag:s0], s1  }
0x50f: {  	s1 =	ssub.s32 @!p0 $0x0, s1;
	[sflag:s0] =	ssyncset.done @!p0 $0x0  }
0x510: {  	[sflag:s0] =	ssyncadd.s32 @!p0 s1  }
0x511: {  	[bflag:$0x3] =	sbarrier.arrive $0xFFFF  }
0x512: {  	_ =	shalt  }

</sc_bundles>
